<compile_context>
chip_gen: v7x
topology: tpu7x:2x2x1
jax: 0.10.2.dev20260603
libtpu: 0.0.44.dev20260713+nightly
codegen_flags: <defaults>
</compile_context>

<pallas_src>
import functools

import jax
import jax.numpy as jnp
from jax import lax
from jax.experimental import pallas as pl
from jax.experimental.pallas import tpu as pltpu
from jax.experimental.pallas import tpu_sc as plsc

N = 10000
E = 320000
D = 128

NC = 2
NS = 16
NW = NC * NS

CHUNK = 128
NCHUNKS = E // CHUNK
CHUNKS_PER_W = NCHUNKS // NW
REM = NCHUNKS - CHUNKS_PER_W * NW

RPS = 632
RPS_LAST = N - RPS * (NS - 1)


def _sc_segment_sum(feat, ei_flat):
    mesh = plsc.VectorSubcoreMesh(core_axis_name="c", subcore_axis_name="s")

    @functools.partial(
        pl.kernel,
        out_type=jax.ShapeDtypeStruct((NC * N, D), jnp.float32),
        mesh=mesh,
        scratch_types=(
            [pltpu.VMEM((CHUNK,), jnp.int32)] * 8 +
            [pltpu.VMEM((CHUNK, D), jnp.float32)] * 3 +
            [pltpu.VMEM_SHARED((N, D), jnp.float32)] +
            [pltpu.SemaphoreType.DMA] * 10
        ),
    )
    def k(feat_hbm, ei_hbm, out_hbm,
          sidx0, sidx1, sidx2, sidx3, didx0, didx1, didx2, didx3,
          rows0, rows1, rows2, acc,
          i0, i1, i2, i3, g0, g1, g2, s0, s1, s2):
        c = lax.axis_index("c")
        s = lax.axis_index("s")
        wid = c * NS + s

        base_r = s * RPS
        base_c = wid * CHUNKS_PER_W
        SIDX = (sidx0, sidx1, sidx2, sidx3)
        DIDX = (didx0, didx1, didx2, didx3)
        ISEM = (i0, i1, i2, i3)
        ROWS = (rows0, rows1, rows2)
        GSEM = (g0, g1, g2)
        SSEM = (s0, s1, s2)

        def idx_start(u, q):
            e0 = (base_c + u) * CHUNK
            pltpu.async_copy(ei_hbm.at[pl.ds(e0, CHUNK)], SIDX[q], ISEM[q])
            pltpu.async_copy(ei_hbm.at[pl.ds(E + e0, CHUNK)], DIDX[q], ISEM[q])

        def idx_wait(u, q):
            e0 = (base_c + u) * CHUNK
            pltpu.make_async_copy(ei_hbm.at[pl.ds(e0, CHUNK)], SIDX[q],
                                  ISEM[q]).wait()
            pltpu.make_async_copy(ei_hbm.at[pl.ds(E + e0, CHUNK)], DIDX[q],
                                  ISEM[q]).wait()

        def gather_start(q, r):
            pltpu.async_copy(feat_hbm.at[SIDX[q]], ROWS[r], GSEM[r])

        def gather_wait(q, r):
            pltpu.make_async_copy(feat_hbm.at[SIDX[q]], ROWS[r],
                                  GSEM[r]).wait()

        def scatter_start(q, r):
            pltpu.async_copy(ROWS[r], acc.at[DIDX[q]], SSEM[r], add=True)

        def scatter_wait(q, r):
            pltpu.make_async_copy(ROWS[r], acc.at[DIDX[q]], SSEM[r]).wait()

        def stage(u, uoff, first=False):
            if not first:
                scatter_wait((uoff - 2) % 4, (uoff - 2) % 3)
            idx_wait(u + 1, (uoff + 1) % 4)
            gather_start((uoff + 1) % 4, (uoff + 1) % 3)
            idx_start(u + 2, (uoff + 2) % 4)
            gather_wait(uoff % 4, uoff % 3)
            scatter_start(uoff % 4, uoff % 3)

        idx_start(0, 0)
        idx_start(1, 1)

        @pl.loop(0, CHUNK)
        def _(i):
            @pl.loop(0, D, step=16)
            def _(j):
                rows0.at[i, pl.ds(j, 16)][...] = jnp.zeros((16,), jnp.float32)

        def zero_rows(tail):
            @pl.loop(0, 4)
            def _(r):
                pltpu.async_copy(rows0, acc.at[pl.ds(base_r + r * CHUNK,
                                                     CHUNK)], s2)
            pltpu.async_copy(rows0.at[pl.ds(0, tail)],
                             acc.at[pl.ds(base_r + 4 * CHUNK, tail)], s1)

            @pl.loop(0, 4)
            def _(r):
                pltpu.make_async_copy(rows0, acc.at[pl.ds(base_r + r * CHUNK,
                                                          CHUNK)], s2).wait()
            pltpu.make_async_copy(rows0.at[pl.ds(0, tail)],
                                  acc.at[pl.ds(base_r + 4 * CHUNK, tail)],
                                  s1).wait()

        @pl.when(s < NS - 1)
        def _():
            zero_rows(RPS - 4 * CHUNK)

        @pl.when(s == NS - 1)
        def _():
            zero_rows(RPS_LAST - 4 * CHUNK)

        idx_wait(0, 0)
        gather_start(0, 0)
        plsc.subcore_barrier()
        stage(0, 0, first=True)
        stage(1, 1, first=True)

        @pl.loop(2, 74, step=12)
        def _(t):
            for st in range(12):
                stage(t + st, 2 + st)

        for u in range(74, 78):
            stage(u, u)

        scatter_wait(76 % 4, 76 % 3)
        scatter_wait(77 % 4, 77 % 3)
        gather_wait(78 % 4, 78 % 3)
        idx_wait(CHUNKS_PER_W + 1, 79 % 4)

        @pl.when(wid < REM)
        def _():
            e0 = (NW * CHUNKS_PER_W + wid) * CHUNK
            pltpu.sync_copy(ei_hbm.at[pl.ds(e0, CHUNK)], sidx0)
            pltpu.sync_copy(ei_hbm.at[pl.ds(E + e0, CHUNK)], didx0)
            pltpu.sync_copy(feat_hbm.at[sidx0], rows0)
            pltpu.sync_copy(rows0, acc.at[didx0], add=True)

        plsc.subcore_barrier()

        @pl.when(s < NS - 1)
        def _():
            pltpu.sync_copy(acc.at[pl.ds(base_r, RPS)],
                            out_hbm.at[pl.ds(c * N + base_r, RPS)])

        @pl.when(s == NS - 1)
        def _():
            pltpu.sync_copy(acc.at[pl.ds(base_r, RPS_LAST)],
                            out_hbm.at[pl.ds(c * N + base_r, RPS_LAST)])

    return k(feat, ei_flat)


BR = 2000


def _tc_matmul(x, W, b2d):

    def body(x_ref, w_ref, b_ref, o_ref):
        o_ref[...] = jnp.dot(
            x_ref[...], w_ref[...], preferred_element_type=jnp.float32,
            precision=lax.Precision.DEFAULT) + b_ref[...]

    return pl.pallas_call(
        body,
        grid=(N // BR,),
        in_specs=[
            pl.BlockSpec((BR, D), lambda i: (i, 0)),
            pl.BlockSpec((D, D), lambda i: (0, 0)),
            pl.BlockSpec((1, D), lambda i: (0, 0)),
        ],
        out_specs=pl.BlockSpec((BR, D), lambda i: (i, 0)),
        out_shape=jax.ShapeDtypeStruct((N, D), jnp.float32),
    )(x, W, b2d)


def _tc_combine(z, p, W, final):

    def body(z_ref, p0_ref, p1_ref, w_ref, o_ref):
        t = p0_ref[...] + p1_ref[...]
        acc = jnp.dot(t, w_ref[...], preferred_element_type=jnp.float32,
                      precision=lax.Precision.DEFAULT) + z_ref[...]
        if final:
            m = jnp.max(acc, axis=1, keepdims=True)
            e = acc - m
            lse = jnp.log(jnp.sum(jnp.exp(e), axis=1, keepdims=True))
            o_ref[...] = e - lse
        else:
            o_ref[...] = jnp.maximum(acc, 0.0)

    nb = N // BR
    return pl.pallas_call(
        body,
        grid=(nb,),
        in_specs=[
            pl.BlockSpec((BR, D), lambda i: (i, 0)),
            pl.BlockSpec((BR, D), lambda i: (i, 0)),
            pl.BlockSpec((BR, D), lambda i: (i + nb, 0)),
            pl.BlockSpec((D, D), lambda i: (0, 0)),
        ],
        out_specs=pl.BlockSpec((BR, D), lambda i: (i, 0)),
        out_shape=jax.ShapeDtypeStruct((N, D), jnp.float32),
    )(z, p, p, W)


def kernel(input_feature, edge_index, W1, b1, W2, b2):
    ei_flat = edge_index.reshape(2 * E)
    b1_2d = b1.reshape(1, D)
    b2_2d = b2.reshape(1, D)

    p = _sc_segment_sum(input_feature, ei_flat)
    z1 = _tc_matmul(input_feature, W1, b1_2d)
    h = _tc_combine(z1, p, W1, final=False)
    q = _sc_segment_sum(h, ei_flat)
    z2 = _tc_matmul(h, W2, b2_2d)
    return _tc_combine(z2, q, W2, final=True)

# --- scband reference (transcript-rebuilt; emitter-appended) ---
"""Pipeline reference for scband-pyg-gin-50697793962364 (READ-ONLY COPY).

The authoritative reference and input builder live on the scoring server;
editing this copy changes nothing except your own understanding.
"""

import jax, jax.numpy as jnp
import numpy as np

N = 10000
E = 320000
D_IN = 128
D_HID = 128
D_OUT = 128


def setup_inputs(seed: int = 0) -> dict:
    key = jax.random.key(seed)
    k1, k2, k3, k4, k5, k6 = jax.random.split(key, 6)
    x = jax.random.normal(k1, (N, D_IN), dtype=jnp.float32)
    edge_index = jax.random.randint(k2, (2, E), 0, N, dtype=jnp.int32)
    # Linear params (stored as [in, out] for y = x @ W + b; math identical to torch Linear)
    W1 = jax.random.normal(k3, (D_IN, D_HID), dtype=jnp.float32) * (1.0 / np.sqrt(D_IN))
    b1 = jax.random.normal(k4, (D_HID,), dtype=jnp.float32) * 0.01
    W2 = jax.random.normal(k5, (D_HID, D_OUT), dtype=jnp.float32) * (1.0 / np.sqrt(D_HID))
    b2 = jax.random.normal(k6, (D_OUT,), dtype=jnp.float32) * 0.01
    return {"input_feature": x, "edge_index": edge_index, "W1": W1, "b1": b1, "W2": W2, "b2": b2}


def reference(input_feature, edge_index, W1, b1, W2, b2):
    # GINConv (eps=0, train_eps=False): out = nn((1 + eps) * x + sum_{j in N(i)} x_j)
    src = edge_index[0]
    dst = edge_index[1]

    # Layer 1
    agg1 = jax.ops.segment_sum(input_feature[src], dst, num_segments=N)
    h = (input_feature + agg1) @ W1 + b1
    h = jax.nn.relu(h)

    # Layer 2
    agg2 = jax.ops.segment_sum(h[src], dst, num_segments=N)
    o = (h + agg2) @ W2 + b2

    return jax.nn.log_softmax(o, axis=1)

if __name__ == "__main__":
    import jax
    _d = setup_inputs()
    print(jax.jit(kernel)(*tuple(_d.values())))

</pallas_src>

<mosaic_0001>
#map = affine_map<(d0, d1) -> (0, 0)>
#map1 = affine_map<(d0, d1) -> (0)>
module attributes {stable_mosaic.version = 14 : i64} {
  func.func @k(%arg0: i32, %arg1: i32, %arg2: memref<10000x128xf32, #tpu.memory_space<hbm>>, %arg3: memref<640000xi32, #tpu.memory_space<hbm>>, %arg4: memref<20000x128xf32, #tpu.memory_space<hbm>>, %arg5: memref<128xi32, #tpu.memory_space<vmem>>, %arg6: memref<128xi32, #tpu.memory_space<vmem>>, %arg7: memref<128xi32, #tpu.memory_space<vmem>>, %arg8: memref<128xi32, #tpu.memory_space<vmem>>, %arg9: memref<128xi32, #tpu.memory_space<vmem>>, %arg10: memref<128xi32, #tpu.memory_space<vmem>>, %arg11: memref<128xi32, #tpu.memory_space<vmem>>, %arg12: memref<128xi32, #tpu.memory_space<vmem>>, %arg13: memref<128x128xf32, #tpu.memory_space<vmem>>, %arg14: memref<128x128xf32, #tpu.memory_space<vmem>>, %arg15: memref<128x128xf32, #tpu.memory_space<vmem>>, %arg16: memref<10000x128xf32, #tpu.memory_space<vmem_shared>>, %arg17: memref<!tpu.dma_semaphore, #tpu.memory_space<semaphore_mem>>, %arg18: memref<!tpu.dma_semaphore, #tpu.memory_space<semaphore_mem>>, %arg19: memref<!tpu.dma_semaphore, #tpu.memory_space<semaphore_mem>>, %arg20: memref<!tpu.dma_semaphore, #tpu.memory_space<semaphore_mem>>, %arg21: memref<!tpu.dma_semaphore, #tpu.memory_space<semaphore_mem>>, %arg22: memref<!tpu.dma_semaphore, #tpu.memory_space<semaphore_mem>>, %arg23: memref<!tpu.dma_semaphore, #tpu.memory_space<semaphore_mem>>, %arg24: memref<!tpu.dma_semaphore, #tpu.memory_space<semaphore_mem>>, %arg25: memref<!tpu.dma_semaphore, #tpu.memory_space<semaphore_mem>>, %arg26: memref<!tpu.dma_semaphore, #tpu.memory_space<semaphore_mem>>) attributes {dimension_semantics = [#tpu.dimension_semantics<core_parallel>, #tpu.dimension_semantics<subcore_parallel>], iteration_bounds = array<i64: 2, 16>, scalar_prefetch = 0 : i64, scratch_operands = 22 : i64, tpu.core_type = #tpu.core_type<sc_vector_subcore>, window_params = [{transform_indices = #map}, {transform_indices = #map1}, {transform_indices = #map}]} {
    %mul3A = arith.constant 16 : i32
    %mul3A_0 = arith.muli %arg0, %mul3A : i32
    %add3A = arith.addi %mul3A_0, %arg1 : i32
    %mul3A_1 = arith.constant 632 : i32
    %mul3A_2 = arith.muli %arg1, %mul3A_1 : i32
    %mul3A_3 = arith.constant 78 : i32
    %mul3A_4 = arith.muli %add3A, %mul3A_3 : i32
    %add3A_5 = arith.constant 0 : i32
    %add3A_6 = arith.addi %mul3A_4, %add3A_5 : i32
    %mul3A_7 = arith.constant 128 : i32
    %mul3A_8 = arith.muli %add3A_6, %mul3A_7 : i32
    %dma_start3A = tpu.memref_slice %arg3[%mul3A_8] : memref<640000xi32, #tpu.memory_space<hbm>> -> memref<128xi32, #tpu.memory_space<hbm>>
    %dma_start3A_9 = tpu.memref_slice %arg3[%mul3A_8] : memref<640000xi32, #tpu.memory_space<hbm>> -> memref<128xi32, #tpu.memory_space<hbm>>
    tpu.enqueue_dma source(%dma_start3A_9 : memref<128xi32, #tpu.memory_space<hbm>>) target(%arg5 : memref<128xi32, #tpu.memory_space<vmem>>) target_semaphore(%arg17 : memref<!tpu.dma_semaphore, #tpu.memory_space<semaphore_mem>>)
    %add3A_10 = arith.constant 320000 : i32
    %add3A_11 = arith.addi %add3A_10, %mul3A_8 : i32
    %dma_start3A_12 = tpu.memref_slice %arg3[%add3A_11] : memref<640000xi32, #tpu.memory_space<hbm>> -> memref<128xi32, #tpu.memory_space<hbm>>
    %dma_start3A_13 = tpu.memref_slice %arg3[%add3A_11] : memref<640000xi32, #tpu.memory_space<hbm>> -> memref<128xi32, #tpu.memory_space<hbm>>
    tpu.enqueue_dma source(%dma_start3A_13 : memref<128xi32, #tpu.memory_space<hbm>>) target(%arg9 : memref<128xi32, #tpu.memory_space<vmem>>) target_semaphore(%arg17 : memref<!tpu.dma_semaphore, #tpu.memory_space<semaphore_mem>>)
    %add3A_14 = arith.constant 1 : i32
    %add3A_15 = arith.addi %mul3A_4, %add3A_14 : i32
    %mul3A_16 = arith.constant 128 : i32
    %mul3A_17 = arith.muli %add3A_15, %mul3A_16 : i32
    %dma_start3A_18 = tpu.memref_slice %arg3[%mul3A_17] : memref<640000xi32, #tpu.memory_space<hbm>> -> memref<128xi32, #tpu.memory_space<hbm>>
    %dma_start3A_19 = tpu.memref_slice %arg3[%mul3A_17] : memref<640000xi32, #tpu.memory_space<hbm>> -> memref<128xi32, #tpu.memory_space<hbm>>
    tpu.enqueue_dma source(%dma_start3A_19 : memref<128xi32, #tpu.memory_space<hbm>>) target(%arg6 : memref<128xi32, #tpu.memory_space<vmem>>) target_semaphore(%arg18 : memref<!tpu.dma_semaphore, #tpu.memory_space<semaphore_mem>>)
    %add3A_20 = arith.constant 320000 : i32
    %add3A_21 = arith.addi %add3A_20, %mul3A_17 : i32
    %dma_start3A_22 = tpu.memref_slice %arg3[%add3A_21] : memref<640000xi32, #tpu.memory_space<hbm>> -> memref<128xi32, #tpu.memory_space<hbm>>
    %dma_start3A_23 = tpu.memref_slice %arg3[%add3A_21] : memref<640000xi32, #tpu.memory_space<hbm>> -> memref<128xi32, #tpu.memory_space<hbm>>
    tpu.enqueue_dma source(%dma_start3A_23 : memref<128xi32, #tpu.memory_space<hbm>>) target(%arg10 : memref<128xi32, #tpu.memory_space<vmem>>) target_semaphore(%arg18 : memref<!tpu.dma_semaphore, #tpu.memory_space<semaphore_mem>>)
    %scan3A = arith.constant 0 : i32
    %scan3A_24 = arith.constant 128 : i32
    %scan3A_25 = arith.addi %scan3A, %scan3A_24 : i32
    %scan3A_26 = arith.constant 1 : i32
    scf.for %scan3A_272 = %scan3A to %scan3A_25 step %scan3A_26  : i32 {
      %mul3A_273 = arith.constant 1 : i32
      %mul3A_274 = arith.muli %scan3A_272, %mul3A_273 : i32
      %add3A_275 = arith.constant 0 : i32
      %add3A_276 = arith.addi %add3A_275, %mul3A_274 : i32
      %scan3A_277 = arith.constant 0 : i32
      %scan3A_278 = arith.constant 8 : i32
      %scan3A_279 = arith.addi %scan3A_277, %scan3A_278 : i32
      %scan3A_280 = arith.constant 1 : i32
      scf.for %scan3A_282 = %scan3A_277 to %scan3A_279 step %scan3A_280  : i32 {
        %mul3A_283 = arith.constant 16 : i32
        %mul3A_284 = arith.muli %scan3A_282, %mul3A_283 : i32
        %add3A_285 = arith.constant 0 : i32
        %add3A_286 = arith.addi %add3A_285, %mul3A_284 : i32
        %broadcast_in_dim3A = arith.constant 0.000000e+00 : f32
        %broadcast_in_dim3A_287 = vector.broadcast %broadcast_in_dim3A : f32 to vector<16xf32>
        %swap3A = arith.index_cast %add3A_276 : i32 to index
        %swap3A_288 = arith.index_cast %add3A_286 : i32 to index
        %swap3A_289 = tpu.vector_load %arg13[%swap3A, %swap3A_288] {strides = array<i32>} : memref<128x128xf32, #tpu.memory_space<vmem>>, vector<1x16xf32>,
        %swap3A_290 = vector.shape_cast %swap3A_289 : vector<1x16xf32> to vector<16xf32>
        %swap3A_291 = vector.shape_cast %broadcast_in_dim3A_287 : vector<16xf32> to vector<1x16xf32>
        tpu.vector_store %arg13[%swap3A, %swap3A_288], %swap3A_291 {strides = array<i32>} : memref<128x128xf32, #tpu.memory_space<vmem>>, vector<1x16xf32>,
      }
      %scan3A_281 = arith.constant 8 : i32
    }
    %scan3A_27 = arith.constant 128 : i32
    %lt3A = arith.constant 15 : i32
    %lt3A_28 = arith.cmpi slt, %arg1, %lt3A : i32
    %convert_element_type3A = arith.extui %lt3A_28 : i1 to i32
    %cond3A = arith.constant 0 : i32
    %cond3A_29 = arith.cmpi ne, %convert_element_type3A, %cond3A : i32
    scf.if %cond3A_29 {
      %scan3A_272 = arith.constant 0 : i32
      %scan3A_273 = arith.constant 4 : i32
      %scan3A_274 = arith.addi %scan3A_272, %scan3A_273 : i32
      %scan3A_275 = arith.constant 1 : i32
      scf.for %scan3A_306 = %scan3A_272 to %scan3A_274 step %scan3A_275  : i32 {
        %mul3A_307 = arith.constant 1 : i32
        %mul3A_308 = arith.muli %scan3A_306, %mul3A_307 : i32
        %add3A_309 = arith.constant 0 : i32
        %add3A_310 = arith.addi %add3A_309, %mul3A_308 : i32
        %mul3A_311 = arith.constant 128 : i32
        %mul3A_312 = arith.muli %add3A_310, %mul3A_311 : i32
        %add3A_313 = arith.addi %mul3A_2, %mul3A_312 : i32
        %dma_start3A_314 = arith.constant 0 : i32
        %dma_start3A_315 = tpu.memref_slice %arg16[%add3A_313, %dma_start3A_314] : memref<10000x128xf32, #tpu.memory_space<vmem_shared>> -> memref<128x128xf32, #tpu.memory_space<vmem_shared>>
        %dma_start3A_316 = arith.constant 0 : i32
        %dma_start3A_317 = tpu.memref_slice %arg16[%add3A_313, %dma_start3A_316] : memref<10000x128xf32, #tpu.memory_space<vmem_shared>> -> memref<128x128xf32, #tpu.memory_space<vmem_shared>>
        tpu.enqueue_dma source(%arg13 : memref<128x128xf32, #tpu.memory_space<vmem>>) target(%dma_start3A_317 : memref<128x128xf32, #tpu.memory_space<vmem_shared>>) target_semaphore(%arg26 : memref<!tpu.dma_semaphore, #tpu.memory_space<semaphore_mem>>)
      }
      %scan3A_276 = arith.constant 4 : i32
      %add3A_277 = arith.constant 512 : i32
      %add3A_278 = arith.addi %mul3A_2, %add3A_277 : i32
      %dma_start3A_279 = arith.constant 0 : i32
      %dma_start3A_280 = arith.constant 0 : i32
      %dma_start3A_281 = tpu.memref_slice %arg13[%dma_start3A_279, %dma_start3A_280] : memref<128x128xf32, #tpu.memory_space<vmem>> -> memref<120x128xf32, #tpu.memory_space<vmem>>
      %dma_start3A_282 = arith.constant 0 : i32
      %dma_start3A_283 = tpu.memref_slice %arg16[%add3A_278, %dma_start3A_282] : memref<10000x128xf32, #tpu.memory_space<vmem_shared>> -> memref<120x128xf32, #tpu.memory_space<vmem_shared>>
      %dma_start3A_284 = arith.constant 0 : i32
      %dma_start3A_285 = tpu.memref_slice %arg16[%add3A_278, %dma_start3A_284] : memref<10000x128xf32, #tpu.memory_space<vmem_shared>> -> memref<120x128xf32, #tpu.memory_space<vmem_shared>>
      %dma_start3A_286 = arith.constant 0 : i32
      %dma_start3A_287 = arith.constant 0 : i32
      %dma_start3A_288 = tpu.memref_slice %arg13[%dma_start3A_286, %dma_start3A_287] : memref<128x128xf32, #tpu.memory_space<vmem>> -> memref<120x128xf32, #tpu.memory_space<vmem>>
      tpu.enqueue_dma source(%dma_start3A_288 : memref<120x128xf32, #tpu.memory_space<vmem>>) target(%dma_start3A_285 : memref<120x128xf32, #tpu.memory_space<vmem_shared>>) target_semaphore(%arg25 : memref<!tpu.dma_semaphore, #tpu.memory_space<semaphore_mem>>)
      %scan3A_289 = arith.constant 0 : i32
      %scan3A_290 = arith.constant 4 : i32
      %scan3A_291 = arith.addi %scan3A_289, %scan3A_290 : i32
      %scan3A_292 = arith.constant 1 : i32
      scf.for %scan3A_306 = %scan3A_289 to %scan3A_291 step %scan3A_292  : i32 {
        %mul3A_307 = arith.constant 1 : i32
        %mul3A_308 = arith.muli %scan3A_306, %mul3A_307 : i32
        %add3A_309 = arith.constant 0 : i32
        %add3A_310 = arith.addi %add3A_309, %mul3A_308 : i32
        %mul3A_311 = arith.constant 128 : i32
        %mul3A_312 = arith.muli %add3A_310, %mul3A_311 : i32
        %add3A_313 = arith.addi %mul3A_2, %mul3A_312 : i32
        %dma_wait3A_314 = arith.constant 0 : i32
        %dma_wait3A_315 = tpu.memref_slice %arg16[%add3A_313, %dma_wait3A_314] : memref<10000x128xf32, #tpu.memory_space<vmem_shared>> -> memref<128x128xf32, #tpu.memory_space<vmem_shared>>
        %dma_wait3A_316 = arith.constant 0 : i32
        %dma_wait3A_317 = tpu.memref_slice %arg16[%add3A_313, %dma_wait3A_316] : memref<10000x128xf32, #tpu.memory_space<vmem_shared>> -> memref<128x128xf32, #tpu.memory_space<vmem_shared>>
        tpu.wait_dma2 semaphore(%arg26 : memref<!tpu.dma_semaphore, #tpu.memory_space<semaphore_mem>>) src(%arg13 : memref<128x128xf32, #tpu.memory_space<vmem>>) dst(%dma_wait3A_317 : memref<128x128xf32, #tpu.memory_space<vmem_shared>>)
      }
      %scan3A_293 = arith.constant 4 : i32
      %add3A_294 = arith.constant 512 : i32
      %add3A_295 = arith.addi %mul3A_2, %add3A_294 : i32
      %dma_wait3A_296 = arith.constant 0 : i32
      %dma_wait3A_297 = arith.constant 0 : i32
      %dma_wait3A_298 = tpu.memref_slice %arg13[%dma_wait3A_296, %dma_wait3A_297] : memref<128x128xf32, #tpu.memory_space<vmem>> -> memref<120x128xf32, #tpu.memory_space<vmem>>
      %dma_wait3A_299 = arith.constant 0 : i32
      %dma_wait3A_300 = tpu.memref_slice %arg16[%add3A_295, %dma_wait3A_299] : memref<10000x128xf32, #tpu.memory_space<vmem_shared>> -> memref<120x128xf32, #tpu.memory_space<vmem_shared>>
      %dma_wait3A_301 = arith.constant 0 : i32
      %dma_wait3A_302 = tpu.memref_slice %arg16[%add3A_295, %dma_wait3A_301] : memref<10000x128xf32, #tpu.memory_space<vmem_shared>> -> memref<120x128xf32, #tpu.memory_space<vmem_shared>>
      %dma_wait3A_303 = arith.constant 0 : i32
      %dma_wait3A_304 = arith.constant 0 : i32
      %dma_wait3A_305 = tpu.memref_slice %arg13[%dma_wait3A_303, %dma_wait3A_304] : memref<128x128xf32, #tpu.memory_space<vmem>> -> memref<120x128xf32, #tpu.memory_space<vmem>>
      tpu.wait_dma2 semaphore(%arg25 : memref<!tpu.dma_semaphore, #tpu.memory_space<semaphore_mem>>) src(%dma_wait3A_305 : memref<120x128xf32, #tpu.memory_space<vmem>>) dst(%dma_wait3A_302 : memref<120x128xf32, #tpu.memory_space<vmem_shared>>)
    } else {
    }
    %eq3A = arith.constant 15 : i32
    %eq3A_30 = arith.cmpi eq, %arg1, %eq3A : i32
    %convert_element_type3A_31 = arith.extui %eq3A_30 : i1 to i32
    %cond3A_32 = arith.constant 0 : i32
    %cond3A_33 = arith.cmpi ne, %convert_element_type3A_31, %cond3A_32 : i32
    scf.if %cond3A_33 {
      %scan3A_272 = arith.constant 0 : i32
      %scan3A_273 = arith.constant 4 : i32
      %scan3A_274 = arith.addi %scan3A_272, %scan3A_273 : i32
      %scan3A_275 = arith.constant 1 : i32
      scf.for %scan3A_306 = %scan3A_272 to %scan3A_274 step %scan3A_275  : i32 {
        %mul3A_307 = arith.constant 1 : i32
        %mul3A_308 = arith.muli %scan3A_306, %mul3A_307 : i32
        %add3A_309 = arith.constant 0 : i32
        %add3A_310 = arith.addi %add3A_309, %mul3A_308 : i32
        %mul3A_311 = arith.constant 128 : i32
        %mul3A_312 = arith.muli %add3A_310, %mul3A_311 : i32
        %add3A_313 = arith.addi %mul3A_2, %mul3A_312 : i32
        %dma_start3A_314 = arith.constant 0 : i32
        %dma_start3A_315 = tpu.memref_slice %arg16[%add3A_313, %dma_start3A_314] : memref<10000x128xf32, #tpu.memory_space<vmem_shared>> -> memref<128x128xf32, #tpu.memory_space<vmem_shared>>
        %dma_start3A_316 = arith.constant 0 : i32
        %dma_start3A_317 = tpu.memref_slice %arg16[%add3A_313, %dma_start3A_316] : memref<10000x128xf32, #tpu.memory_space<vmem_shared>> -> memref<128x128xf32, #tpu.memory_space<vmem_shared>>
        tpu.enqueue_dma source(%arg13 : memref<128x128xf32, #tpu.memory_space<vmem>>) target(%dma_start3A_317 : memref<128x128xf32, #tpu.memory_space<vmem_shared>>) target_semaphore(%arg26 : memref<!tpu.dma_semaphore, #tpu.memory_space<semaphore_mem>>)
      }
      %scan3A_276 = arith.constant 4 : i32
      %add3A_277 = arith.constant 512 : i32
      %add3A_278 = arith.addi %mul3A_2, %add3A_277 : i32
      %dma_start3A_279 = arith.constant 0 : i32
      %dma_start3A_280 = arith.constant 0 : i32
      %dma_start3A_281 = tpu.memref_slice %arg13[%dma_start3A_279, %dma_start3A_280] : memref<128x128xf32, #tpu.memory_space<vmem>> -> memref<8x128xf32, #tpu.memory_space<vmem>>
      %dma_start3A_282 = arith.constant 0 : i32
      %dma_start3A_283 = tpu.memref_slice %arg16[%add3A_278, %dma_start3A_282] : memref<10000x128xf32, #tpu.memory_space<vmem_shared>> -> memref<8x128xf32, #tpu.memory_space<vmem_shared>>
      %dma_start3A_284 = arith.constant 0 : i32
      %dma_start3A_285 = tpu.memref_slice %arg16[%add3A_278, %dma_start3A_284] : memref<10000x128xf32, #tpu.memory_space<vmem_shared>> -> memref<8x128xf32, #tpu.memory_space<vmem_shared>>
      %dma_start3A_286 = arith.constant 0 : i32
      %dma_start3A_287 = arith.constant 0 : i32
      %dma_start3A_288 = tpu.memref_slice %arg13[%dma_start3A_286, %dma_start3A_287] : memref<128x128xf32, #tpu.memory_space<vmem>> -> memref<8x128xf32, #tpu.memory_space<vmem>>
      tpu.enqueue_dma source(%dma_start3A_288 : memref<8x128xf32, #tpu.memory_space<vmem>>) target(%dma_start3A_285 : memref<8x128xf32, #tpu.memory_space<vmem_shared>>) target_semaphore(%arg25 : memref<!tpu.dma_semaphore, #tpu.memory_space<semaphore_mem>>)
      %scan3A_289 = arith.constant 0 : i32
      %scan3A_290 = arith.constant 4 : i32
      %scan3A_291 = arith.addi %scan3A_289, %scan3A_290 : i32
      %scan3A_292 = arith.constant 1 : i32
      scf.for %scan3A_306 = %scan3A_289 to %scan3A_291 step %scan3A_292  : i32 {
        %mul3A_307 = arith.constant 1 : i32
        %mul3A_308 = arith.muli %scan3A_306, %mul3A_307 : i32
        %add3A_309 = arith.constant 0 : i32
        %add3A_310 = arith.addi %add3A_309, %mul3A_308 : i32
        %mul3A_311 = arith.constant 128 : i32
        %mul3A_312 = arith.muli %add3A_310, %mul3A_311 : i32
        %add3A_313 = arith.addi %mul3A_2, %mul3A_312 : i32
        %dma_wait3A_314 = arith.constant 0 : i32
        %dma_wait3A_315 = tpu.memref_slice %arg16[%add3A_313, %dma_wait3A_314] : memref<10000x128xf32, #tpu.memory_space<vmem_shared>> -> memref<128x128xf32, #tpu.memory_space<vmem_shared>>
        %dma_wait3A_316 = arith.constant 0 : i32
        %dma_wait3A_317 = tpu.memref_slice %arg16[%add3A_313, %dma_wait3A_316] : memref<10000x128xf32, #tpu.memory_space<vmem_shared>> -> memref<128x128xf32, #tpu.memory_space<vmem_shared>>
        tpu.wait_dma2 semaphore(%arg26 : memref<!tpu.dma_semaphore, #tpu.memory_space<semaphore_mem>>) src(%arg13 : memref<128x128xf32, #tpu.memory_space<vmem>>) dst(%dma_wait3A_317 : memref<128x128xf32, #tpu.memory_space<vmem_shared>>)
      }
      %scan3A_293 = arith.constant 4 : i32
      %add3A_294 = arith.constant 512 : i32
      %add3A_295 = arith.addi %mul3A_2, %add3A_294 : i32
      %dma_wait3A_296 = arith.constant 0 : i32
      %dma_wait3A_297 = arith.constant 0 : i32
      %dma_wait3A_298 = tpu.memref_slice %arg13[%dma_wait3A_296, %dma_wait3A_297] : memref<128x128xf32, #tpu.memory_space<vmem>> -> memref<8x128xf32, #tpu.memory_space<vmem>>
      %dma_wait3A_299 = arith.constant 0 : i32
      %dma_wait3A_300 = tpu.memref_slice %arg16[%add3A_295, %dma_wait3A_299] : memref<10000x128xf32, #tpu.memory_space<vmem_shared>> -> memref<8x128xf32, #tpu.memory_space<vmem_shared>>
      %dma_wait3A_301 = arith.constant 0 : i32
      %dma_wait3A_302 = tpu.memref_slice %arg16[%add3A_295, %dma_wait3A_301] : memref<10000x128xf32, #tpu.memory_space<vmem_shared>> -> memref<8x128xf32, #tpu.memory_space<vmem_shared>>
      %dma_wait3A_303 = arith.constant 0 : i32
      %dma_wait3A_304 = arith.constant 0 : i32
      %dma_wait3A_305 = tpu.memref_slice %arg13[%dma_wait3A_303, %dma_wait3A_304] : memref<128x128xf32, #tpu.memory_space<vmem>> -> memref<8x128xf32, #tpu.memory_space<vmem>>
      tpu.wait_dma2 semaphore(%arg25 : memref<!tpu.dma_semaphore, #tpu.memory_space<semaphore_mem>>) src(%dma_wait3A_305 : memref<8x128xf32, #tpu.memory_space<vmem>>) dst(%dma_wait3A_302 : memref<8x128xf32, #tpu.memory_space<vmem_shared>>)
    } else {
    }
    %add3A_34 = arith.constant 0 : i32
    %add3A_35 = arith.addi %mul3A_4, %add3A_34 : i32
    %mul3A_36 = arith.constant 128 : i32
    %mul3A_37 = arith.muli %add3A_35, %mul3A_36 : i32
    %dma_wait3A = tpu.memref_slice %arg3[%mul3A_37] : memref<640000xi32, #tpu.memory_space<hbm>> -> memref<128xi32, #tpu.memory_space<hbm>>
    %dma_wait3A_38 = tpu.memref_slice %arg3[%mul3A_37] : memref<640000xi32, #tpu.memory_space<hbm>> -> memref<128xi32, #tpu.memory_space<hbm>>
    tpu.wait_dma2 semaphore(%arg17 : memref<!tpu.dma_semaphore, #tpu.memory_space<semaphore_mem>>) src(%dma_wait3A_38 : memref<128xi32, #tpu.memory_space<hbm>>) dst(%arg5 : memref<128xi32, #tpu.memory_space<vmem>>)
    %add3A_39 = arith.constant 320000 : i32
    %add3A_40 = arith.addi %add3A_39, %mul3A_37 : i32
    %dma_wait3A_41 = tpu.memref_slice %arg3[%add3A_40] : memref<640000xi32, #tpu.memory_space<hbm>> -> memref<128xi32, #tpu.memory_space<hbm>>
    %dma_wait3A_42 = tpu.memref_slice %arg3[%add3A_40] : memref<640000xi32, #tpu.memory_space<hbm>> -> memref<128xi32, #tpu.memory_space<hbm>>
    tpu.wait_dma2 semaphore(%arg17 : memref<!tpu.dma_semaphore, #tpu.memory_space<semaphore_mem>>) src(%dma_wait3A_42 : memref<128xi32, #tpu.memory_space<hbm>>) dst(%arg9 : memref<128xi32, #tpu.memory_space<vmem>>)
    %dma_start3A_43 = arith.constant 0 : i32
    %dma_start3A_44 = arith.constant 0 : i32
    %dma_start3A_45 = tpu.memref_slice %arg2[%dma_start3A_43, %dma_start3A_44] : memref<10000x128xf32, #tpu.memory_space<hbm>> -> memref<10000x128xf32, #tpu.memory_space<hbm>>
    tpu.enqueue_indirect_dma source(%dma_start3A_45 : memref<10000x128xf32, #tpu.memory_space<hbm>>) target(%arg13 : memref<128x128xf32, #tpu.memory_space<vmem>>) offsets(%arg5 : memref<128xi32, #tpu.memory_space<vmem>>) semaphore(%arg21 : memref<!tpu.dma_semaphore, #tpu.memory_space<semaphore_mem>>)
    %barrier3A = arith.constant 0 : index
    tpu.barrier barrier_id(%barrier3A)
    %add3A_46 = arith.constant 1 : i32
    %add3A_47 = arith.addi %mul3A_4, %add3A_46 : i32
    %mul3A_48 = arith.constant 128 : i32
    %mul3A_49 = arith.muli %add3A_47, %mul3A_48 : i32
    %dma_wait3A_50 = tpu.memref_slice %arg3[%mul3A_49] : memref<640000xi32, #tpu.memory_space<hbm>> -> memref<128xi32, #tpu.memory_space<hbm>>
    %dma_wait3A_51 = tpu.memref_slice %arg3[%mul3A_49] : memref<640000xi32, #tpu.memory_space<hbm>> -> memref<128xi32, #tpu.memory_space<hbm>>
    tpu.wait_dma2 semaphore(%arg18 : memref<!tpu.dma_semaphore, #tpu.memory_space<semaphore_mem>>) src(%dma_wait3A_51 : memref<128xi32, #tpu.memory_space<hbm>>) dst(%arg6 : memref<128xi32, #tpu.memory_space<vmem>>)
    %add3A_52 = arith.constant 320000 : i32
    %add3A_53 = arith.addi %add3A_52, %mul3A_49 : i32
    %dma_wait3A_54 = tpu.memref_slice %arg3[%add3A_53] : memref<640000xi32, #tpu.memory_space<hbm>> -> memref<128xi32, #tpu.memory_space<hbm>>
    %dma_wait3A_55 = tpu.memref_slice %arg3[%add3A_53] : memref<640000xi32, #tpu.memory_space<hbm>> -> memref<128xi32, #tpu.memory_space<hbm>>
    tpu.wait_dma2 semaphore(%arg18 : memref<!tpu.dma_semaphore, #tpu.memory_space<semaphore_mem>>) src(%dma_wait3A_55 : memref<128xi32, #tpu.memory_space<hbm>>) dst(%arg10 : memref<128xi32, #tpu.memory_space<vmem>>)
    %dma_start3A_56 = arith.constant 0 : i32
    %dma_start3A_57 = arith.constant 0 : i32
    %dma_start3A_58 = tpu.memref_slice %arg2[%dma_start3A_56, %dma_start3A_57] : memref<10000x128xf32, #tpu.memory_space<hbm>> -> memref<10000x128xf32, #tpu.memory_space<hbm>>
    tpu.enqueue_indirect_dma source(%dma_start3A_58 : memref<10000x128xf32, #tpu.memory_space<hbm>>) target(%arg14 : memref<128x128xf32, #tpu.memory_space<vmem>>) offsets(%arg6 : memref<128xi32, #tpu.memory_space<vmem>>) semaphore(%arg22 : memref<!tpu.dma_semaphore, #tpu.memory_space<semaphore_mem>>)
    %add3A_59 = arith.constant 2 : i32
    %add3A_60 = arith.addi %mul3A_4, %add3A_59 : i32
    %mul3A_61 = arith.constant 128 : i32
    %mul3A_62 = arith.muli %add3A_60, %mul3A_61 : i32
    %dma_start3A_63 = tpu.memref_slice %arg3[%mul3A_62] : memref<640000xi32, #tpu.memory_space<hbm>> -> memref<128xi32, #tpu.memory_space<hbm>>
    %dma_start3A_64 = tpu.memref_slice %arg3[%mul3A_62] : memref<640000xi32, #tpu.memory_space<hbm>> -> memref<128xi32, #tpu.memory_space<hbm>>
    tpu.enqueue_dma source(%dma_start3A_64 : memref<128xi32, #tpu.memory_space<hbm>>) target(%arg7 : memref<128xi32, #tpu.memory_space<vmem>>) target_semaphore(%arg19 : memref<!tpu.dma_semaphore, #tpu.memory_space<semaphore_mem>>)
    %add3A_65 = arith.constant 320000 : i32
    %add3A_66 = arith.addi %add3A_65, %mul3A_62 : i32
    %dma_start3A_67 = tpu.memref_slice %arg3[%add3A_66] : memref<640000xi32, #tpu.memory_space<hbm>> -> memref<128xi32, #tpu.memory_space<hbm>>
    %dma_start3A_68 = tpu.memref_slice %arg3[%add3A_66] : memref<640000xi32, #tpu.memory_space<hbm>> -> memref<128xi32, #tpu.memory_space<hbm>>
    tpu.enqueue_dma source(%dma_start3A_68 : memref<128xi32, #tpu.memory_space<hbm>>) target(%arg11 : memref<128xi32, #tpu.memory_space<vmem>>) target_semaphore(%arg19 : memref<!tpu.dma_semaphore, #tpu.memory_space<semaphore_mem>>)
    %dma_wait3A_69 = arith.constant 0 : i32
    %dma_wait3A_70 = arith.constant 0 : i32
    %dma_wait3A_71 = tpu.memref_slice %arg2[%dma_wait3A_69, %dma_wait3A_70] : memref<10000x128xf32, #tpu.memory_space<hbm>> -> memref<10000x128xf32, #tpu.memory_space<hbm>>
    tpu.wait_indirect_dma semaphore(%arg21 : memref<!tpu.dma_semaphore, #tpu.memory_space<semaphore_mem>>) src(%dma_wait3A_71 : memref<10000x128xf32, #tpu.memory_space<hbm>>) dst(%arg13 : memref<128x128xf32, #tpu.memory_space<vmem>>)
    %dma_start3A_72 = arith.constant 0 : i32
    %dma_start3A_73 = arith.constant 0 : i32
    %dma_start3A_74 = tpu.memref_slice %arg16[%dma_start3A_72, %dma_start3A_73] : memref<10000x128xf32, #tpu.memory_space<vmem_shared>> -> memref<10000x128xf32, #tpu.memory_space<vmem_shared>>
    tpu.enqueue_indirect_dma source(%arg13 : memref<128x128xf32, #tpu.memory_space<vmem>>) target(%dma_start3A_74 : memref<10000x128xf32, #tpu.memory_space<vmem_shared>>) offsets(%arg9 : memref<128xi32, #tpu.memory_space<vmem>>) semaphore(%arg24 : memref<!tpu.dma_semaphore, #tpu.memory_space<semaphore_mem>>) {add = true}
    %add3A_75 = arith.constant 2 : i32
    %add3A_76 = arith.addi %mul3A_4, %add3A_75 : i32
    %mul3A_77 = arith.constant 128 : i32
    %mul3A_78 = arith.muli %add3A_76, %mul3A_77 : i32
    %dma_wait3A_79 = tpu.memref_slice %arg3[%mul3A_78] : memref<640000xi32, #tpu.memory_space<hbm>> -> memref<128xi32, #tpu.memory_space<hbm>>
    %dma_wait3A_80 = tpu.memref_slice %arg3[%mul3A_78] : memref<640000xi32, #tpu.memory_space<hbm>> -> memref<128xi32, #tpu.memory_space<hbm>>
    tpu.wait_dma2 semaphore(%arg19 : memref<!tpu.dma_semaphore, #tpu.memory_space<semaphore_mem>>) src(%dma_wait3A_80 : memref<128xi32, #tpu.memory_space<hbm>>) dst(%arg7 : memref<128xi32, #tpu.memory_space<vmem>>)
    %add3A_81 = arith.constant 320000 : i32
    %add3A_82 = arith.addi %add3A_81, %mul3A_78 : i32
    %dma_wait3A_83 = tpu.memref_slice %arg3[%add3A_82] : memref<640000xi32, #tpu.memory_space<hbm>> -> memref<128xi32, #tpu.memory_space<hbm>>
    %dma_wait3A_84 = tpu.memref_slice %arg3[%add3A_82] : memref<640000xi32, #tpu.memory_space<hbm>> -> memref<128xi32, #tpu.memory_space<hbm>>
    tpu.wait_dma2 semaphore(%arg19 : memref<!tpu.dma_semaphore, #tpu.memory_space<semaphore_mem>>) src(%dma_wait3A_84 : memref<128xi32, #tpu.memory_space<hbm>>) dst(%arg11 : memref<128xi32, #tpu.memory_space<vmem>>)
    %dma_start3A_85 = arith.constant 0 : i32
    %dma_start3A_86 = arith.constant 0 : i32
    %dma_start3A_87 = tpu.memref_slice %arg2[%dma_start3A_85, %dma_start3A_86] : memref<10000x128xf32, #tpu.memory_space<hbm>> -> memref<10000x128xf32, #tpu.memory_space<hbm>>
    tpu.enqueue_indirect_dma source(%dma_start3A_87 : memref<10000x128xf32, #tpu.memory_space<hbm>>) target(%arg15 : memref<128x128xf32, #tpu.memory_space<vmem>>) offsets(%arg7 : memref<128xi32, #tpu.memory_space<vmem>>) semaphore(%arg23 : memref<!tpu.dma_semaphore, #tpu.memory_space<semaphore_mem>>)
    %add3A_88 = arith.constant 3 : i32
    %add3A_89 = arith.addi %mul3A_4, %add3A_88 : i32
    %mul3A_90 = arith.constant 128 : i32
    %mul3A_91 = arith.muli %add3A_89, %mul3A_90 : i32
    %dma_start3A_92 = tpu.memref_slice %arg3[%mul3A_91] : memref<640000xi32, #tpu.memory_space<hbm>> -> memref<128xi32, #tpu.memory_space<hbm>>
    %dma_start3A_93 = tpu.memref_slice %arg3[%mul3A_91] : memref<640000xi32, #tpu.memory_space<hbm>> -> memref<128xi32, #tpu.memory_space<hbm>>
    tpu.enqueue_dma source(%dma_start3A_93 : memref<128xi32, #tpu.memory_space<hbm>>) target(%arg8 : memref<128xi32, #tpu.memory_space<vmem>>) target_semaphore(%arg20 : memref<!tpu.dma_semaphore, #tpu.memory_space<semaphore_mem>>)
    %add3A_94 = arith.constant 320000 : i32
    %add3A_95 = arith.addi %add3A_94, %mul3A_91 : i32
    %dma_start3A_96 = tpu.memref_slice %arg3[%add3A_95] : memref<640000xi32, #tpu.memory_space<hbm>> -> memref<128xi32, #tpu.memory_space<hbm>>
    %dma_start3A_97 = tpu.memref_slice %arg3[%add3A_95] : memref<640000xi32, #tpu.memory_space<hbm>> -> memref<128xi32, #tpu.memory_space<hbm>>
    tpu.enqueue_dma source(%dma_start3A_97 : memref<128xi32, #tpu.memory_space<hbm>>) target(%arg12 : memref<128xi32, #tpu.memory_space<vmem>>) target_semaphore(%arg20 : memref<!tpu.dma_semaphore, #tpu.memory_space<semaphore_mem>>)
    %dma_wait3A_98 = arith.constant 0 : i32
    %dma_wait3A_99 = arith.constant 0 : i32
    %dma_wait3A_100 = tpu.memref_slice %arg2[%dma_wait3A_98, %dma_wait3A_99] : memref<10000x128xf32, #tpu.memory_space<hbm>> -> memref<10000x128xf32, #tpu.memory_space<hbm>>
    tpu.wait_indirect_dma semaphore(%arg22 : memref<!tpu.dma_semaphore, #tpu.memory_space<semaphore_mem>>) src(%dma_wait3A_100 : memref<10000x128xf32, #tpu.memory_space<hbm>>) dst(%arg14 : memref<128x128xf32, #tpu.memory_space<vmem>>)
    %dma_start3A_101 = arith.constant 0 : i32
    %dma_start3A_102 = arith.constant 0 : i32
    %dma_start3A_103 = tpu.memref_slice %arg16[%dma_start3A_101, %dma_start3A_102] : memref<10000x128xf32, #tpu.memory_space<vmem_shared>> -> memref<10000x128xf32, #tpu.memory_space<vmem_shared>>
    tpu.enqueue_indirect_dma source(%arg14 : memref<128x128xf32, #tpu.memory_space<vmem>>) target(%dma_start3A_103 : memref<10000x128xf32, #tpu.memory_space<vmem_shared>>) offsets(%arg10 : memref<128xi32, #tpu.memory_space<vmem>>) semaphore(%arg25 : memref<!tpu.dma_semaphore, #tpu.memory_space<semaphore_mem>>) {add = true}
    %scan3A_104 = arith.constant 0 : i32
    %scan3A_105 = arith.constant 6 : i32
    %scan3A_106 = arith.addi %scan3A_104, %scan3A_105 : i32
    %scan3A_107 = arith.constant 1 : i32
    scf.for %scan3A_272 = %scan3A_104 to %scan3A_106 step %scan3A_107  : i32 {
      %mul3A_273 = arith.constant 12 : i32
      %mul3A_274 = arith.muli %scan3A_272, %mul3A_273 : i32
      %add3A_275 = arith.constant 2 : i32
      %add3A_276 = arith.addi %add3A_275, %mul3A_274 : i32
      %add3A_277 = arith.constant 0 : i32
      %add3A_278 = arith.addi %add3A_276, %add3A_277 : i32
      %dma_wait3A_279 = arith.constant 0 : i32
      %dma_wait3A_280 = arith.constant 0 : i32
      %dma_wait3A_281 = tpu.memref_slice %arg16[%dma_wait3A_279, %dma_wait3A_280] : memref<10000x128xf32, #tpu.memory_space<vmem_shared>> -> memref<10000x128xf32, #tpu.memory_space<vmem_shared>>
      tpu.wait_indirect_dma semaphore(%arg24 : memref<!tpu.dma_semaphore, #tpu.memory_space<semaphore_mem>>) src(%arg13 : memref<128x128xf32, #tpu.memory_space<vmem>>) dst(%dma_wait3A_281 : memref<10000x128xf32, #tpu.memory_space<vmem_shared>>)
      %add3A_282 = arith.constant 1 : i32
      %add3A_283 = arith.addi %add3A_278, %add3A_282 : i32
      %add3A_284 = arith.addi %mul3A_4, %add3A_283 : i32
      %mul3A_285 = arith.constant 128 : i32
      %mul3A_286 = arith.muli %add3A_284, %mul3A_285 : i32
      %dma_wait3A_287 = tpu.memref_slice %arg3[%mul3A_286] : memref<640000xi32, #tpu.memory_space<hbm>> -> memref<128xi32, #tpu.memory_space<hbm>>
      %dma_wait3A_288 = tpu.memref_slice %arg3[%mul3A_286] : memref<640000xi32, #tpu.memory_space<hbm>> -> memref<128xi32, #tpu.memory_space<hbm>>
      tpu.wait_dma2 semaphore(%arg20 : memref<!tpu.dma_semaphore, #tpu.memory_space<semaphore_mem>>) src(%dma_wait3A_288 : memref<128xi32, #tpu.memory_space<hbm>>) dst(%arg8 : memref<128xi32, #tpu.memory_space<vmem>>)
      %add3A_289 = arith.constant 320000 : i32
      %add3A_290 = arith.addi %add3A_289, %mul3A_286 : i32
      %dma_wait3A_291 = tpu.memref_slice %arg3[%add3A_290] : memref<640000xi32, #tpu.memory_space<hbm>> -> memref<128xi32, #tpu.memory_space<hbm>>
      %dma_wait3A_292 = tpu.memref_slice %arg3[%add3A_290] : memref<640000xi32, #tpu.memory_space<hbm>> -> memref<128xi32, #tpu.memory_space<hbm>>
      tpu.wait_dma2 semaphore(%arg20 : memref<!tpu.dma_semaphore, #tpu.memory_space<semaphore_mem>>) src(%dma_wait3A_292 : memref<128xi32, #tpu.memory_space<hbm>>) dst(%arg12 : memref<128xi32, #tpu.memory_space<vmem>>)
      %dma_start3A_293 = arith.constant 0 : i32
      %dma_start3A_294 = arith.constant 0 : i32
      %dma_start3A_295 = tpu.memref_slice %arg2[%dma_start3A_293, %dma_start3A_294] : memref<10000x128xf32, #tpu.memory_space<hbm>> -> memref<10000x128xf32, #tpu.memory_space<hbm>>
      tpu.enqueue_indirect_dma source(%dma_start3A_295 : memref<10000x128xf32, #tpu.memory_space<hbm>>) target(%arg13 : memref<128x128xf32, #tpu.memory_space<vmem>>) offsets(%arg8 : memref<128xi32, #tpu.memory_space<vmem>>) semaphore(%arg21 : memref<!tpu.dma_semaphore, #tpu.memory_space<semaphore_mem>>)
      %add3A_296 = arith.constant 2 : i32
      %add3A_297 = arith.addi %add3A_278, %add3A_296 : i32
      %add3A_298 = arith.addi %mul3A_4, %add3A_297 : i32
      %mul3A_299 = arith.constant 128 : i32
      %mul3A_300 = arith.muli %add3A_298, %mul3A_299 : i32
      %dma_start3A_301 = tpu.memref_slice %arg3[%mul3A_300] : memref<640000xi32, #tpu.memory_space<hbm>> -> memref<128xi32, #tpu.memory_space<hbm>>
      %dma_start3A_302 = tpu.memref_slice %arg3[%mul3A_300] : memref<640000xi32, #tpu.memory_space<hbm>> -> memref<128xi32, #tpu.memory_space<hbm>>
      tpu.enqueue_dma source(%dma_start3A_302 : memref<128xi32, #tpu.memory_space<hbm>>) target(%arg5 : memref<128xi32, #tpu.memory_space<vmem>>) target_semaphore(%arg17 : memref<!tpu.dma_semaphore, #tpu.memory_space<semaphore_mem>>)
      %add3A_303 = arith.constant 320000 : i32
      %add3A_304 = arith.addi %add3A_303, %mul3A_300 : i32
      %dma_start3A_305 = tpu.memref_slice %arg3[%add3A_304] : memref<640000xi32, #tpu.memory_space<hbm>> -> memref<128xi32, #tpu.memory_space<hbm>>
      %dma_start3A_306 = tpu.memref_slice %arg3[%add3A_304] : memref<640000xi32, #tpu.memory_space<hbm>> -> memref<128xi32, #tpu.memory_space<hbm>>
      tpu.enqueue_dma source(%dma_start3A_306 : memref<128xi32, #tpu.memory_space<hbm>>) target(%arg9 : memref<128xi32, #tpu.memory_space<vmem>>) target_semaphore(%arg17 : memref<!tpu.dma_semaphore, #tpu.memory_space<semaphore_mem>>)
      %dma_wait3A_307 = arith.constant 0 : i32
      %dma_wait3A_308 = arith.constant 0 : i32
      %dma_wait3A_309 = tpu.memref_slice %arg2[%dma_wait3A_307, %dma_wait3A_308] : memref<10000x128xf32, #tpu.memory_space<hbm>> -> memref<10000x128xf32, #tpu.memory_space<hbm>>
      tpu.wait_indirect_dma semaphore(%arg23 : memref<!tpu.dma_semaphore, #tpu.memory_space<semaphore_mem>>) src(%dma_wait3A_309 : memref<10000x128xf32, #tpu.memory_space<hbm>>) dst(%arg15 : memref<128x128xf32, #tpu.memory_space<vmem>>)
      %dma_start3A_310 = arith.constant 0 : i32
      %dma_start3A_311 = arith.constant 0 : i32
      %dma_start3A_312 = tpu.memref_slice %arg16[%dma_start3A_310, %dma_start3A_311] : memref<10000x128xf32, #tpu.memory_space<vmem_shared>> -> memref<10000x128xf32, #tpu.memory_space<vmem_shared>>
      tpu.enqueue_indirect_dma source(%arg15 : memref<128x128xf32, #tpu.memory_space<vmem>>) target(%dma_start3A_312 : memref<10000x128xf32, #tpu.memory_space<vmem_shared>>) offsets(%arg11 : memref<128xi32, #tpu.memory_space<vmem>>) semaphore(%arg26 : memref<!tpu.dma_semaphore, #tpu.memory_space<semaphore_mem>>) {add = true}
      %add3A_313 = arith.constant 1 : i32
      %add3A_314 = arith.addi %add3A_276, %add3A_313 : i32
      %dma_wait3A_315 = arith.constant 0 : i32
      %dma_wait3A_316 = arith.constant 0 : i32
      %dma_wait3A_317 = tpu.memref_slice %arg16[%dma_wait3A_315, %dma_wait3A_316] : memref<10000x128xf32, #tpu.memory_space<vmem_shared>> -> memref<10000x128xf32, #tpu.memory_space<vmem_shared>>
      tpu.wait_indirect_dma semaphore(%arg25 : memref<!tpu.dma_semaphore, #tpu.memory_space<semaphore_mem>>) src(%arg14 : memref<128x128xf32, #tpu.memory_space<vmem>>) dst(%dma_wait3A_317 : memref<10000x128xf32, #tpu.memory_space<vmem_shared>>)
      %add3A_318 = arith.constant 1 : i32
      %add3A_319 = arith.addi %add3A_314, %add3A_318 : i32
      %add3A_320 = arith.addi %mul3A_4, %add3A_319 : i32
      %mul3A_321 = arith.constant 128 : i32
      %mul3A_322 = arith.muli %add3A_320, %mul3A_321 : i32
      %dma_wait3A_323 = tpu.memref_slice %arg3[%mul3A_322] : memref<640000xi32, #tpu.memory_space<hbm>> -> memref<128xi32, #tpu.memory_space<hbm>>
      %dma_wait3A_324 = tpu.memref_slice %arg3[%mul3A_322] : memref<640000xi32, #tpu.memory_space<hbm>> -> memref<128xi32, #tpu.memory_space<hbm>>
      tpu.wait_dma2 semaphore(%arg17 : memref<!tpu.dma_semaphore, #tpu.memory_space<semaphore_mem>>) src(%dma_wait3A_324 : memref<128xi32, #tpu.memory_space<hbm>>) dst(%arg5 : memref<128xi32, #tpu.memory_space<vmem>>)
      %add3A_325 = arith.constant 320000 : i32
      %add3A_326 = arith.addi %add3A_325, %mul3A_322 : i32
      %dma_wait3A_327 = tpu.memref_slice %arg3[%add3A_326] : memref<640000xi32, #tpu.memory_space<hbm>> -> memref<128xi32, #tpu.memory_space<hbm>>
      %dma_wait3A_328 = tpu.memref_slice %arg3[%add3A_326] : memref<640000xi32, #tpu.memory_space<hbm>> -> memref<128xi32, #tpu.memory_space<hbm>>
      tpu.wait_dma2 semaphore(%arg17 : memref<!tpu.dma_semaphore, #tpu.memory_space<semaphore_mem>>) src(%dma_wait3A_328 : memref<128xi32, #tpu.memory_space<hbm>>) dst(%arg9 : memref<128xi32, #tpu.memory_space<vmem>>)
      %dma_start3A_329 = arith.constant 0 : i32
      %dma_start3A_330 = arith.constant 0 : i32
      %dma_start3A_331 = tpu.memref_slice %arg2[%dma_start3A_329, %dma_start3A_330] : memref<10000x128xf32, #tpu.memory_space<hbm>> -> memref<10000x128xf32, #tpu.memory_space<hbm>>
      tpu.enqueue_indirect_dma source(%dma_start3A_331 : memref<10000x128xf32, #tpu.memory_space<hbm>>) target(%arg14 : memref<128x128xf32, #tpu.memory_space<vmem>>) offsets(%arg5 : memref<128xi32, #tpu.memory_space<vmem>>) semaphore(%arg22 : memref<!tpu.dma_semaphore, #tpu.memory_space<semaphore_mem>>)
      %add3A_332 = arith.constant 2 : i32
      %add3A_333 = arith.addi %add3A_314, %add3A_332 : i32
      %add3A_334 = arith.addi %mul3A_4, %add3A_333 : i32
      %mul3A_335 = arith.constant 128 : i32
      %mul3A_336 = arith.muli %add3A_334, %mul3A_335 : i32
      %dma_start3A_337 = tpu.memref_slice %arg3[%mul3A_336] : memref<640000xi32, #tpu.memory_space<hbm>> -> memref<128xi32, #tpu.memory_space<hbm>>
      %dma_start3A_338 = tpu.memref_slice %arg3[%mul3A_336] : memref<640000xi32, #tpu.memory_space<hbm>> -> memref<128xi32, #tpu.memory_space<hbm>>
      tpu.enqueue_dma source(%dma_start3A_338 : memref<128xi32, #tpu.memory_space<hbm>>) target(%arg6 : memref<128xi32, #tpu.memory_space<vmem>>) target_semaphore(%arg18 : memref<!tpu.dma_semaphore, #tpu.memory_space<semaphore_mem>>)
      %add3A_339 = arith.constant 320000 : i32
      %add3A_340 = arith.addi %add3A_339, %mul3A_336 : i32
      %dma_start3A_341 = tpu.memref_slice %arg3[%add3A_340] : memref<640000xi32, #tpu.memory_space<hbm>> -> memref<128xi32, #tpu.memory_space<hbm>>
      %dma_start3A_342 = tpu.memref_slice %arg3[%add3A_340] : memref<640000xi32, #tpu.memory_space<hbm>> -> memref<128xi32, #tpu.memory_space<hbm>>
      tpu.enqueue_dma source(%dma_start3A_342 : memref<128xi32, #tpu.memory_space<hbm>>) target(%arg10 : memref<128xi32, #tpu.memory_space<vmem>>) target_semaphore(%arg18 : memref<!tpu.dma_semaphore, #tpu.memory_space<semaphore_mem>>)
      %dma_wait3A_343 = arith.constant 0 : i32
      %dma_wait3A_344 = arith.constant 0 : i32
      %dma_wait3A_345 = tpu.memref_slice %arg2[%dma_wait3A_343, %dma_wait3A_344] : memref<10000x128xf32, #tpu.memory_space<hbm>> -> memref<10000x128xf32, #tpu.memory_space<hbm>>
      tpu.wait_indirect_dma semaphore(%arg21 : memref<!tpu.dma_semaphore, #tpu.memory_space<semaphore_mem>>) src(%dma_wait3A_345 : memref<10000x128xf32, #tpu.memory_space<hbm>>) dst(%arg13 : memref<128x128xf32, #tpu.memory_space<vmem>>)
      %dma_start3A_346 = arith.constant 0 : i32
      %dma_start3A_347 = arith.constant 0 : i32
      %dma_start3A_348 = tpu.memref_slice %arg16[%dma_start3A_346, %dma_start3A_347] : memref<10000x128xf32, #tpu.memory_space<vmem_shared>> -> memref<10000x128xf32, #tpu.memory_space<vmem_shared>>
      tpu.enqueue_indirect_dma source(%arg13 : memref<128x128xf32, #tpu.memory_space<vmem>>) target(%dma_start3A_348 : memref<10000x128xf32, #tpu.memory_space<vmem_shared>>) offsets(%arg12 : memref<128xi32, #tpu.memory_space<vmem>>) semaphore(%arg24 : memref<!tpu.dma_semaphore, #tpu.memory_space<semaphore_mem>>) {add = true}
      %add3A_349 = arith.constant 2 : i32
      %add3A_350 = arith.addi %add3A_276, %add3A_349 : i32
      %dma_wait3A_351 = arith.constant 0 : i32
      %dma_wait3A_352 = arith.constant 0 : i32
      %dma_wait3A_353 = tpu.memref_slice %arg16[%dma_wait3A_351, %dma_wait3A_352] : memref<10000x128xf32, #tpu.memory_space<vmem_shared>> -> memref<10000x128xf32, #tpu.memory_space<vmem_shared>>
      tpu.wait_indirect_dma semaphore(%arg26 : memref<!tpu.dma_semaphore, #tpu.memory_space<semaphore_mem>>) src(%arg15 : memref<128x128xf32, #tpu.memory_space<vmem>>) dst(%dma_wait3A_353 : memref<10000x128xf32, #tpu.memory_space<vmem_shared>>)
      %add3A_354 = arith.constant 1 : i32
      %add3A_355 = arith.addi %add3A_350, %add3A_354 : i32
      %add3A_356 = arith.addi %mul3A_4, %add3A_355 : i32
      %mul3A_357 = arith.constant 128 : i32
      %mul3A_358 = arith.muli %add3A_356, %mul3A_357 : i32
      %dma_wait3A_359 = tpu.memref_slice %arg3[%mul3A_358] : memref<640000xi32, #tpu.memory_space<hbm>> -> memref<128xi32, #tpu.memory_space<hbm>>
      %dma_wait3A_360 = tpu.memref_slice %arg3[%mul3A_358] : memref<640000xi32, #tpu.memory_space<hbm>> -> memref<128xi32, #tpu.memory_space<hbm>>
      tpu.wait_dma2 semaphore(%arg18 : memref<!tpu.dma_semaphore, #tpu.memory_space<semaphore_mem>>) src(%dma_wait3A_360 : memref<128xi32, #tpu.memory_space<hbm>>) dst(%arg6 : memref<128xi32, #tpu.memory_space<vmem>>)
      %add3A_361 = arith.constant 320000 : i32
      %add3A_362 = arith.addi %add3A_361, %mul3A_358 : i32
      %dma_wait3A_363 = tpu.memref_slice %arg3[%add3A_362] : memref<640000xi32, #tpu.memory_space<hbm>> -> memref<128xi32, #tpu.memory_space<hbm>>
      %dma_wait3A_364 = tpu.memref_slice %arg3[%add3A_362] : memref<640000xi32, #tpu.memory_space<hbm>> -> memref<128xi32, #tpu.memory_space<hbm>>
      tpu.wait_dma2 semaphore(%arg18 : memref<!tpu.dma_semaphore, #tpu.memory_space<semaphore_mem>>) src(%dma_wait3A_364 : memref<128xi32, #tpu.memory_space<hbm>>) dst(%arg10 : memref<128xi32, #tpu.memory_space<vmem>>)
      %dma_start3A_365 = arith.constant 0 : i32
      %dma_start3A_366 = arith.constant 0 : i32
      %dma_start3A_367 = tpu.memref_slice %arg2[%dma_start3A_365, %dma_start3A_366] : memref<10000x128xf32, #tpu.memory_space<hbm>> -> memref<10000x128xf32, #tpu.memory_space<hbm>>
      tpu.enqueue_indirect_dma source(%dma_start3A_367 : memref<10000x128xf32, #tpu.memory_space<hbm>>) target(%arg15 : memref<128x128xf32, #tpu.memory_space<vmem>>) offsets(%arg6 : memref<128xi32, #tpu.memory_space<vmem>>) semaphore(%arg23 : memref<!tpu.dma_semaphore, #tpu.memory_space<semaphore_mem>>)
      %add3A_368 = arith.constant 2 : i32
      %add3A_369 = arith.addi %add3A_350, %add3A_368 : i32
      %add3A_370 = arith.addi %mul3A_4, %add3A_369 : i32
      %mul3A_371 = arith.constant 128 : i32
      %mul3A_372 = arith.muli %add3A_370, %mul3A_371 : i32
      %dma_start3A_373 = tpu.memref_slice %arg3[%mul3A_372] : memref<640000xi32, #tpu.memory_space<hbm>> -> memref<128xi32, #tpu.memory_space<hbm>>
      %dma_start3A_374 = tpu.memref_slice %arg3[%mul3A_372] : memref<640000xi32, #tpu.memory_space<hbm>> -> memref<128xi32, #tpu.memory_space<hbm>>
      tpu.enqueue_dma source(%dma_start3A_374 : memref<128xi32, #tpu.memory_space<hbm>>) target(%arg7 : memref<128xi32, #tpu.memory_space<vmem>>) target_semaphore(%arg19 : memref<!tpu.dma_semaphore, #tpu.memory_space<semaphore_mem>>)
      %add3A_375 = arith.constant 320000 : i32
      %add3A_376 = arith.addi %add3A_375, %mul3A_372 : i32
      %dma_start3A_377 = tpu.memref_slice %arg3[%add3A_376] : memref<640000xi32, #tpu.memory_space<hbm>> -> memref<128xi32, #tpu.memory_space<hbm>>
      %dma_start3A_378 = tpu.memref_slice %arg3[%add3A_376] : memref<640000xi32, #tpu.memory_space<hbm>> -> memref<128xi32, #tpu.memory_space<hbm>>
      tpu.enqueue_dma source(%dma_start3A_378 : memref<128xi32, #tpu.memory_space<hbm>>) target(%arg11 : memref<128xi32, #tpu.memory_space<vmem>>) target_semaphore(%arg19 : memref<!tpu.dma_semaphore, #tpu.memory_space<semaphore_mem>>)
      %dma_wait3A_379 = arith.constant 0 : i32
      %dma_wait3A_380 = arith.constant 0 : i32
      %dma_wait3A_381 = tpu.memref_slice %arg2[%dma_wait3A_379, %dma_wait3A_380] : memref<10000x128xf32, #tpu.memory_space<hbm>> -> memref<10000x128xf32, #tpu.memory_space<hbm>>
      tpu.wait_indirect_dma semaphore(%arg22 : memref<!tpu.dma_semaphore, #tpu.memory_space<semaphore_mem>>) src(%dma_wait3A_381 : memref<10000x128xf32, #tpu.memory_space<hbm>>) dst(%arg14 : memref<128x128xf32, #tpu.memory_space<vmem>>)
      %dma_start3A_382 = arith.constant 0 : i32
      %dma_start3A_383 = arith.constant 0 : i32
      %dma_start3A_384 = tpu.memref_slice %arg16[%dma_start3A_382, %dma_start3A_383] : memref<10000x128xf32, #tpu.memory_space<vmem_shared>> -> memref<10000x128xf32, #tpu.memory_space<vmem_shared>>
      tpu.enqueue_indirect_dma source(%arg14 : memref<128x128xf32, #tpu.memory_space<vmem>>) target(%dma_start3A_384 : memref<10000x128xf32, #tpu.memory_space<vmem_shared>>) offsets(%arg9 : memref<128xi32, #tpu.memory_space<vmem>>) semaphore(%arg25 : memref<!tpu.dma_semaphore, #tpu.memory_space<semaphore_mem>>) {add = true}
      %add3A_385 = arith.constant 3 : i32
      %add3A_386 = arith.addi %add3A_276, %add3A_385 : i32
      %dma_wait3A_387 = arith.constant 0 : i32
      %dma_wait3A_388 = arith.constant 0 : i32
      %dma_wait3A_389 = tpu.memref_slice %arg16[%dma_wait3A_387, %dma_wait3A_388] : memref<10000x128xf32, #tpu.memory_space<vmem_shared>> -> memref<10000x128xf32, #tpu.memory_space<vmem_shared>>
      tpu.wait_indirect_dma semaphore(%arg24 : memref<!tpu.dma_semaphore, #tpu.memory_space<semaphore_mem>>) src(%arg13 : memref<128x128xf32, #tpu.memory_space<vmem>>) dst(%dma_wait3A_389 : memref<10000x128xf32, #tpu.memory_space<vmem_shared>>)
      %add3A_390 = arith.constant 1 : i32
      %add3A_391 = arith.addi %add3A_386, %add3A_390 : i32
      %add3A_392 = arith.addi %mul3A_4, %add3A_391 : i32
      %mul3A_393 = arith.constant 128 : i32
      %mul3A_394 = arith.muli %add3A_392, %mul3A_393 : i32
      %dma_wait3A_395 = tpu.memref_slice %arg3[%mul3A_394] : memref<640000xi32, #tpu.memory_space<hbm>> -> memref<128xi32, #tpu.memory_space<hbm>>
      %dma_wait3A_396 = tpu.memref_slice %arg3[%mul3A_394] : memref<640000xi32, #tpu.memory_space<hbm>> -> memref<128xi32, #tpu.memory_space<hbm>>
      tpu.wait_dma2 semaphore(%arg19 : memref<!tpu.dma_semaphore, #tpu.memory_space<semaphore_mem>>) src(%dma_wait3A_396 : memref<128xi32, #tpu.memory_space<hbm>>) dst(%arg7 : memref<128xi32, #tpu.memory_space<vmem>>)
      %add3A_397 = arith.constant 320000 : i32
      %add3A_398 = arith.addi %add3A_397, %mul3A_394 : i32
      %dma_wait3A_399 = tpu.memref_slice %arg3[%add3A_398] : memref<640000xi32, #tpu.memory_space<hbm>> -> memref<128xi32, #tpu.memory_space<hbm>>
      %dma_wait3A_400 = tpu.memref_slice %arg3[%add3A_398] : memref<640000xi32, #tpu.memory_space<hbm>> -> memref<128xi32, #tpu.memory_space<hbm>>
      tpu.wait_dma2 semaphore(%arg19 : memref<!tpu.dma_semaphore, #tpu.memory_space<semaphore_mem>>) src(%dma_wait3A_400 : memref<128xi32, #tpu.memory_space<hbm>>) dst(%arg11 : memref<128xi32, #tpu.memory_space<vmem>>)
      %dma_start3A_401 = arith.constant 0 : i32
      %dma_start3A_402 = arith.constant 0 : i32
      %dma_start3A_403 = tpu.memref_slice %arg2[%dma_start3A_401, %dma_start3A_402] : memref<10000x128xf32, #tpu.memory_space<hbm>> -> memref<10000x128xf32, #tpu.memory_space<hbm>>
      tpu.enqueue_indirect_dma source(%dma_start3A_403 : memref<10000x128xf32, #tpu.memory_space<hbm>>) target(%arg13 : memref<128x128xf32, #tpu.memory_space<vmem>>) offsets(%arg7 : memref<128xi32, #tpu.memory_space<vmem>>) semaphore(%arg21 : memref<!tpu.dma_semaphore, #tpu.memory_space<semaphore_mem>>)
      %add3A_404 = arith.constant 2 : i32
      %add3A_405 = arith.addi %add3A_386, %add3A_404 : i32
      %add3A_406 = arith.addi %mul3A_4, %add3A_405 : i32
      %mul3A_407 = arith.constant 128 : i32
      %mul3A_408 = arith.muli %add3A_406, %mul3A_407 : i32
      %dma_start3A_409 = tpu.memref_slice %arg3[%mul3A_408] : memref<640000xi32, #tpu.memory_space<hbm>> -> memref<128xi32, #tpu.memory_space<hbm>>
      %dma_start3A_410 = tpu.memref_slice %arg3[%mul3A_408] : memref<640000xi32, #tpu.memory_space<hbm>> -> memref<128xi32, #tpu.memory_space<hbm>>
      tpu.enqueue_dma source(%dma_start3A_410 : memref<128xi32, #tpu.memory_space<hbm>>) target(%arg8 : memref<128xi32, #tpu.memory_space<vmem>>) target_semaphore(%arg20 : memref<!tpu.dma_semaphore, #tpu.memory_space<semaphore_mem>>)
      %add3A_411 = arith.constant 320000 : i32
      %add3A_412 = arith.addi %add3A_411, %mul3A_408 : i32
      %dma_start3A_413 = tpu.memref_slice %arg3[%add3A_412] : memref<640000xi32, #tpu.memory_space<hbm>> -> memref<128xi32, #tpu.memory_space<hbm>>
      %dma_start3A_414 = tpu.memref_slice %arg3[%add3A_412] : memref<640000xi32, #tpu.memory_space<hbm>> -> memref<128xi32, #tpu.memory_space<hbm>>
      tpu.enqueue_dma source(%dma_start3A_414 : memref<128xi32, #tpu.memory_space<hbm>>) target(%arg12 : memref<128xi32, #tpu.memory_space<vmem>>) target_semaphore(%arg20 : memref<!tpu.dma_semaphore, #tpu.memory_space<semaphore_mem>>)
      %dma_wait3A_415 = arith.constant 0 : i32
      %dma_wait3A_416 = arith.constant 0 : i32
      %dma_wait3A_417 = tpu.memref_slice %arg2[%dma_wait3A_415, %dma_wait3A_416] : memref<10000x128xf32, #tpu.memory_space<hbm>> -> memref<10000x128xf32, #tpu.memory_space<hbm>>
      tpu.wait_indirect_dma semaphore(%arg23 : memref<!tpu.dma_semaphore, #tpu.memory_space<semaphore_mem>>) src(%dma_wait3A_417 : memref<10000x128xf32, #tpu.memory_space<hbm>>) dst(%arg15 : memref<128x128xf32, #tpu.memory_space<vmem>>)
      %dma_start3A_418 = arith.constant 0 : i32
      %dma_start3A_419 = arith.constant 0 : i32
      %dma_start3A_420 = tpu.memref_slice %arg16[%dma_start3A_418, %dma_start3A_419] : memref<10000x128xf32, #tpu.memory_space<vmem_shared>> -> memref<10000x128xf32, #tpu.memory_space<vmem_shared>>
      tpu.enqueue_indirect_dma source(%arg15 : memref<128x128xf32, #tpu.memory_space<vmem>>) target(%dma_start3A_420 : memref<10000x128xf32, #tpu.memory_space<vmem_shared>>) offsets(%arg10 : memref<128xi32, #tpu.memory_space<vmem>>) semaphore(%arg26 : memref<!tpu.dma_semaphore, #tpu.memory_space<semaphore_mem>>) {add = true}
      %add3A_421 = arith.constant 4 : i32
      %add3A_422 = arith.addi %add3A_276, %add3A_421 : i32
      %dma_wait3A_423 = arith.constant 0 : i32
      %dma_wait3A_424 = arith.constant 0 : i32
      %dma_wait3A_425 = tpu.memref_slice %arg16[%dma_wait3A_423, %dma_wait3A_424] : memref<10000x128xf32, #tpu.memory_space<vmem_shared>> -> memref<10000x128xf32, #tpu.memory_space<vmem_shared>>
      tpu.wait_indirect_dma semaphore(%arg25 : memref<!tpu.dma_semaphore, #tpu.memory_space<semaphore_mem>>) src(%arg14 : memref<128x128xf32, #tpu.memory_space<vmem>>) dst(%dma_wait3A_425 : memref<10000x128xf32, #tpu.memory_space<vmem_shared>>)
      %add3A_426 = arith.constant 1 : i32
      %add3A_427 = arith.addi %add3A_422, %add3A_426 : i32
      %add3A_428 = arith.addi %mul3A_4, %add3A_427 : i32
      %mul3A_429 = arith.constant 128 : i32
      %mul3A_430 = arith.muli %add3A_428, %mul3A_429 : i32
      %dma_wait3A_431 = tpu.memref_slice %arg3[%mul3A_430] : memref<640000xi32, #tpu.memory_space<hbm>> -> memref<128xi32, #tpu.memory_space<hbm>>
      %dma_wait3A_432 = tpu.memref_slice %arg3[%mul3A_430] : memref<640000xi32, #tpu.memory_space<hbm>> -> memref<128xi32, #tpu.memory_space<hbm>>
      tpu.wait_dma2 semaphore(%arg20 : memref<!tpu.dma_semaphore, #tpu.memory_space<semaphore_mem>>) src(%dma_wait3A_432 : memref<128xi32, #tpu.memory_space<hbm>>) dst(%arg8 : memref<128xi32, #tpu.memory_space<vmem>>)
      %add3A_433 = arith.constant 320000 : i32
      %add3A_434 = arith.addi %add3A_433, %mul3A_430 : i32
      %dma_wait3A_435 = tpu.memref_slice %arg3[%add3A_434] : memref<640000xi32, #tpu.memory_space<hbm>> -> memref<128xi32, #tpu.memory_space<hbm>>
      %dma_wait3A_436 = tpu.memref_slice %arg3[%add3A_434] : memref<640000xi32, #tpu.memory_space<hbm>> -> memref<128xi32, #tpu.memory_space<hbm>>
      tpu.wait_dma2 semaphore(%arg20 : memref<!tpu.dma_semaphore, #tpu.memory_space<semaphore_mem>>) src(%dma_wait3A_436 : memref<128xi32, #tpu.memory_space<hbm>>) dst(%arg12 : memref<128xi32, #tpu.memory_space<vmem>>)
      %dma_start3A_437 = arith.constant 0 : i32
      %dma_start3A_438 = arith.constant 0 : i32
      %dma_start3A_439 = tpu.memref_slice %arg2[%dma_start3A_437, %dma_start3A_438] : memref<10000x128xf32, #tpu.memory_space<hbm>> -> memref<10000x128xf32, #tpu.memory_space<hbm>>
      tpu.enqueue_indirect_dma source(%dma_start3A_439 : memref<10000x128xf32, #tpu.memory_space<hbm>>) target(%arg14 : memref<128x128xf32, #tpu.memory_space<vmem>>) offsets(%arg8 : memref<128xi32, #tpu.memory_space<vmem>>) semaphore(%arg22 : memref<!tpu.dma_semaphore, #tpu.memory_space<semaphore_mem>>)
      %add3A_440 = arith.constant 2 : i32
      %add3A_441 = arith.addi %add3A_422, %add3A_440 : i32
      %add3A_442 = arith.addi %mul3A_4, %add3A_441 : i32
      %mul3A_443 = arith.constant 128 : i32
      %mul3A_444 = arith.muli %add3A_442, %mul3A_443 : i32
      %dma_start3A_445 = tpu.memref_slice %arg3[%mul3A_444] : memref<640000xi32, #tpu.memory_space<hbm>> -> memref<128xi32, #tpu.memory_space<hbm>>
      %dma_start3A_446 = tpu.memref_slice %arg3[%mul3A_444] : memref<640000xi32, #tpu.memory_space<hbm>> -> memref<128xi32, #tpu.memory_space<hbm>>
      tpu.enqueue_dma source(%dma_start3A_446 : memref<128xi32, #tpu.memory_space<hbm>>) target(%arg5 : memref<128xi32, #tpu.memory_space<vmem>>) target_semaphore(%arg17 : memref<!tpu.dma_semaphore, #tpu.memory_space<semaphore_mem>>)
      %add3A_447 = arith.constant 320000 : i32
      %add3A_448 = arith.addi %add3A_447, %mul3A_444 : i32
      %dma_start3A_449 = tpu.memref_slice %arg3[%add3A_448] : memref<640000xi32, #tpu.memory_space<hbm>> -> memref<128xi32, #tpu.memory_space<hbm>>
      %dma_start3A_450 = tpu.memref_slice %arg3[%add3A_448] : memref<640000xi32, #tpu.memory_space<hbm>> -> memref<128xi32, #tpu.memory_space<hbm>>
      tpu.enqueue_dma source(%dma_start3A_450 : memref<128xi32, #tpu.memory_space<hbm>>) target(%arg9 : memref<128xi32, #tpu.memory_space<vmem>>) target_semaphore(%arg17 : memref<!tpu.dma_semaphore, #tpu.memory_space<semaphore_mem>>)
      %dma_wait3A_451 = arith.constant 0 : i32
      %dma_wait3A_452 = arith.constant 0 : i32
      %dma_wait3A_453 = tpu.memref_slice %arg2[%dma_wait3A_451, %dma_wait3A_452] : memref<10000x128xf32, #tpu.memory_space<hbm>> -> memref<10000x128xf32, #tpu.memory_space<hbm>>
      tpu.wait_indirect_dma semaphore(%arg21 : memref<!tpu.dma_semaphore, #tpu.memory_space<semaphore_mem>>) src(%dma_wait3A_453 : memref<10000x128xf32, #tpu.memory_space<hbm>>) dst(%arg13 : memref<128x128xf32, #tpu.memory_space<vmem>>)
      %dma_start3A_454 = arith.constant 0 : i32
      %dma_start3A_455 = arith.constant 0 : i32
      %dma_start3A_456 = tpu.memref_slice %arg16[%dma_start3A_454, %dma_start3A_455] : memref<10000x128xf32, #tpu.memory_space<vmem_shared>> -> memref<10000x128xf32, #tpu.memory_space<vmem_shared>>
      tpu.enqueue_indirect_dma source(%arg13 : memref<128x128xf32, #tpu.memory_space<vmem>>) target(%dma_start3A_456 : memref<10000x128xf32, #tpu.memory_space<vmem_shared>>) offsets(%arg11 : memref<128xi32, #tpu.memory_space<vmem>>) semaphore(%arg24 : memref<!tpu.dma_semaphore, #tpu.memory_space<semaphore_mem>>) {add = true}
      %add3A_457 = arith.constant 5 : i32
      %add3A_458 = arith.addi %add3A_276, %add3A_457 : i32
      %dma_wait3A_459 = arith.constant 0 : i32
      %dma_wait3A_460 = arith.constant 0 : i32
      %dma_wait3A_461 = tpu.memref_slice %arg16[%dma_wait3A_459, %dma_wait3A_460] : memref<10000x128xf32, #tpu.memory_space<vmem_shared>> -> memref<10000x128xf32, #tpu.memory_space<vmem_shared>>
      tpu.wait_indirect_dma semaphore(%arg26 : memref<!tpu.dma_semaphore, #tpu.memory_space<semaphore_mem>>) src(%arg15 : memref<128x128xf32, #tpu.memory_space<vmem>>) dst(%dma_wait3A_461 : memref<10000x128xf32, #tpu.memory_space<vmem_shared>>)
      %add3A_462 = arith.constant 1 : i32
      %add3A_463 = arith.addi %add3A_458, %add3A_462 : i32
      %add3A_464 = arith.addi %mul3A_4, %add3A_463 : i32
      %mul3A_465 = arith.constant 128 : i32
      %mul3A_466 = arith.muli %add3A_464, %mul3A_465 : i32
      %dma_wait3A_467 = tpu.memref_slice %arg3[%mul3A_466] : memref<640000xi32, #tpu.memory_space<hbm>> -> memref<128xi32, #tpu.memory_space<hbm>>
      %dma_wait3A_468 = tpu.memref_slice %arg3[%mul3A_466] : memref<640000xi32, #tpu.memory_space<hbm>> -> memref<128xi32, #tpu.memory_space<hbm>>
      tpu.wait_dma2 semaphore(%arg17 : memref<!tpu.dma_semaphore, #tpu.memory_space<semaphore_mem>>) src(%dma_wait3A_468 : memref<128xi32, #tpu.memory_space<hbm>>) dst(%arg5 : memref<128xi32, #tpu.memory_space<vmem>>)
      %add3A_469 = arith.constant 320000 : i32
      %add3A_470 = arith.addi %add3A_469, %mul3A_466 : i32
      %dma_wait3A_471 = tpu.memref_slice %arg3[%add3A_470] : memref<640000xi32, #tpu.memory_space<hbm>> -> memref<128xi32, #tpu.memory_space<hbm>>
      %dma_wait3A_472 = tpu.memref_slice %arg3[%add3A_470] : memref<640000xi32, #tpu.memory_space<hbm>> -> memref<128xi32, #tpu.memory_space<hbm>>
      tpu.wait_dma2 semaphore(%arg17 : memref<!tpu.dma_semaphore, #tpu.memory_space<semaphore_mem>>) src(%dma_wait3A_472 : memref<128xi32, #tpu.memory_space<hbm>>) dst(%arg9 : memref<128xi32, #tpu.memory_space<vmem>>)
      %dma_start3A_473 = arith.constant 0 : i32
      %dma_start3A_474 = arith.constant 0 : i32
      %dma_start3A_475 = tpu.memref_slice %arg2[%dma_start3A_473, %dma_start3A_474] : memref<10000x128xf32, #tpu.memory_space<hbm>> -> memref<10000x128xf32, #tpu.memory_space<hbm>>
      tpu.enqueue_indirect_dma source(%dma_start3A_475 : memref<10000x128xf32, #tpu.memory_space<hbm>>) target(%arg15 : memref<128x128xf32, #tpu.memory_space<vmem>>) offsets(%arg5 : memref<128xi32, #tpu.memory_space<vmem>>) semaphore(%arg23 : memref<!tpu.dma_semaphore, #tpu.memory_space<semaphore_mem>>)
      %add3A_476 = arith.constant 2 : i32
      %add3A_477 = arith.addi %add3A_458, %add3A_476 : i32
      %add3A_478 = arith.addi %mul3A_4, %add3A_477 : i32
      %mul3A_479 = arith.constant 128 : i32
      %mul3A_480 = arith.muli %add3A_478, %mul3A_479 : i32
      %dma_start3A_481 = tpu.memref_slice %arg3[%mul3A_480] : memref<640000xi32, #tpu.memory_space<hbm>> -> memref<128xi32, #tpu.memory_space<hbm>>
      %dma_start3A_482 = tpu.memref_slice %arg3[%mul3A_480] : memref<640000xi32, #tpu.memory_space<hbm>> -> memref<128xi32, #tpu.memory_space<hbm>>
      tpu.enqueue_dma source(%dma_start3A_482 : memref<128xi32, #tpu.memory_space<hbm>>) target(%arg6 : memref<128xi32, #tpu.memory_space<vmem>>) target_semaphore(%arg18 : memref<!tpu.dma_semaphore, #tpu.memory_space<semaphore_mem>>)
      %add3A_483 = arith.constant 320000 : i32
      %add3A_484 = arith.addi %add3A_483, %mul3A_480 : i32
      %dma_start3A_485 = tpu.memref_slice %arg3[%add3A_484] : memref<640000xi32, #tpu.memory_space<hbm>> -> memref<128xi32, #tpu.memory_space<hbm>>
      %dma_start3A_486 = tpu.memref_slice %arg3[%add3A_484] : memref<640000xi32, #tpu.memory_space<hbm>> -> memref<128xi32, #tpu.memory_space<hbm>>
      tpu.enqueue_dma source(%dma_start3A_486 : memref<128xi32, #tpu.memory_space<hbm>>) target(%arg10 : memref<128xi32, #tpu.memory_space<vmem>>) target_semaphore(%arg18 : memref<!tpu.dma_semaphore, #tpu.memory_space<semaphore_mem>>)
      %dma_wait3A_487 = arith.constant 0 : i32
      %dma_wait3A_488 = arith.constant 0 : i32
      %dma_wait3A_489 = tpu.memref_slice %arg2[%dma_wait3A_487, %dma_wait3A_488] : memref<10000x128xf32, #tpu.memory_space<hbm>> -> memref<10000x128xf32, #tpu.memory_space<hbm>>
      tpu.wait_indirect_dma semaphore(%arg22 : memref<!tpu.dma_semaphore, #tpu.memory_space<semaphore_mem>>) src(%dma_wait3A_489 : memref<10000x128xf32, #tpu.memory_space<hbm>>) dst(%arg14 : memref<128x128xf32, #tpu.memory_space<vmem>>)
      %dma_start3A_490 = arith.constant 0 : i32
      %dma_start3A_491 = arith.constant 0 : i32
      %dma_start3A_492 = tpu.memref_slice %arg16[%dma_start3A_490, %dma_start3A_491] : memref<10000x128xf32, #tpu.memory_space<vmem_shared>> -> memref<10000x128xf32, #tpu.memory_space<vmem_shared>>
      tpu.enqueue_indirect_dma source(%arg14 : memref<128x128xf32, #tpu.memory_space<vmem>>) target(%dma_start3A_492 : memref<10000x128xf32, #tpu.memory_space<vmem_shared>>) offsets(%arg12 : memref<128xi32, #tpu.memory_space<vmem>>) semaphore(%arg25 : memref<!tpu.dma_semaphore, #tpu.memory_space<semaphore_mem>>) {add = true}
      %add3A_493 = arith.constant 6 : i32
      %add3A_494 = arith.addi %add3A_276, %add3A_493 : i32
      %dma_wait3A_495 = arith.constant 0 : i32
      %dma_wait3A_496 = arith.constant 0 : i32
      %dma_wait3A_497 = tpu.memref_slice %arg16[%dma_wait3A_495, %dma_wait3A_496] : memref<10000x128xf32, #tpu.memory_space<vmem_shared>> -> memref<10000x128xf32, #tpu.memory_space<vmem_shared>>
      tpu.wait_indirect_dma semaphore(%arg24 : memref<!tpu.dma_semaphore, #tpu.memory_space<semaphore_mem>>) src(%arg13 : memref<128x128xf32, #tpu.memory_space<vmem>>) dst(%dma_wait3A_497 : memref<10000x128xf32, #tpu.memory_space<vmem_shared>>)
      %add3A_498 = arith.constant 1 : i32
      %add3A_499 = arith.addi %add3A_494, %add3A_498 : i32
      %add3A_500 = arith.addi %mul3A_4, %add3A_499 : i32
      %mul3A_501 = arith.constant 128 : i32
      %mul3A_502 = arith.muli %add3A_500, %mul3A_501 : i32
      %dma_wait3A_503 = tpu.memref_slice %arg3[%mul3A_502] : memref<640000xi32, #tpu.memory_space<hbm>> -> memref<128xi32, #tpu.memory_space<hbm>>
      %dma_wait3A_504 = tpu.memref_slice %arg3[%mul3A_502] : memref<640000xi32, #tpu.memory_space<hbm>> -> memref<128xi32, #tpu.memory_space<hbm>>
      tpu.wait_dma2 semaphore(%arg18 : memref<!tpu.dma_semaphore, #tpu.memory_space<semaphore_mem>>) src(%dma_wait3A_504 : memref<128xi32, #tpu.memory_space<hbm>>) dst(%arg6 : memref<128xi32, #tpu.memory_space<vmem>>)
      %add3A_505 = arith.constant 320000 : i32
      %add3A_506 = arith.addi %add3A_505, %mul3A_502 : i32
      %dma_wait3A_507 = tpu.memref_slice %arg3[%add3A_506] : memref<640000xi32, #tpu.memory_space<hbm>> -> memref<128xi32, #tpu.memory_space<hbm>>
      %dma_wait3A_508 = tpu.memref_slice %arg3[%add3A_506] : memref<640000xi32, #tpu.memory_space<hbm>> -> memref<128xi32, #tpu.memory_space<hbm>>
      tpu.wait_dma2 semaphore(%arg18 : memref<!tpu.dma_semaphore, #tpu.memory_space<semaphore_mem>>) src(%dma_wait3A_508 : memref<128xi32, #tpu.memory_space<hbm>>) dst(%arg10 : memref<128xi32, #tpu.memory_space<vmem>>)
      %dma_start3A_509 = arith.constant 0 : i32
      %dma_start3A_510 = arith.constant 0 : i32
      %dma_start3A_511 = tpu.memref_slice %arg2[%dma_start3A_509, %dma_start3A_510] : memref<10000x128xf32, #tpu.memory_space<hbm>> -> memref<10000x128xf32, #tpu.memory_space<hbm>>
      tpu.enqueue_indirect_dma source(%dma_start3A_511 : memref<10000x128xf32, #tpu.memory_space<hbm>>) target(%arg13 : memref<128x128xf32, #tpu.memory_space<vmem>>) offsets(%arg6 : memref<128xi32, #tpu.memory_space<vmem>>) semaphore(%arg21 : memref<!tpu.dma_semaphore, #tpu.memory_space<semaphore_mem>>)
      %add3A_512 = arith.constant 2 : i32
      %add3A_513 = arith.addi %add3A_494, %add3A_512 : i32
      %add3A_514 = arith.addi %mul3A_4, %add3A_513 : i32
      %mul3A_515 = arith.constant 128 : i32
      %mul3A_516 = arith.muli %add3A_514, %mul3A_515 : i32
      %dma_start3A_517 = tpu.memref_slice %arg3[%mul3A_516] : memref<640000xi32, #tpu.memory_space<hbm>> -> memref<128xi32, #tpu.memory_space<hbm>>
      %dma_start3A_518 = tpu.memref_slice %arg3[%mul3A_516] : memref<640000xi32, #tpu.memory_space<hbm>> -> memref<128xi32, #tpu.memory_space<hbm>>
      tpu.enqueue_dma source(%dma_start3A_518 : memref<128xi32, #tpu.memory_space<hbm>>) target(%arg7 : memref<128xi32, #tpu.memory_space<vmem>>) target_semaphore(%arg19 : memref<!tpu.dma_semaphore, #tpu.memory_space<semaphore_mem>>)
      %add3A_519 = arith.constant 320000 : i32
      %add3A_520 = arith.addi %add3A_519, %mul3A_516 : i32
      %dma_start3A_521 = tpu.memref_slice %arg3[%add3A_520] : memref<640000xi32, #tpu.memory_space<hbm>> -> memref<128xi32, #tpu.memory_space<hbm>>
      %dma_start3A_522 = tpu.memref_slice %arg3[%add3A_520] : memref<640000xi32, #tpu.memory_space<hbm>> -> memref<128xi32, #tpu.memory_space<hbm>>
      tpu.enqueue_dma source(%dma_start3A_522 : memref<128xi32, #tpu.memory_space<hbm>>) target(%arg11 : memref<128xi32, #tpu.memory_space<vmem>>) target_semaphore(%arg19 : memref<!tpu.dma_semaphore, #tpu.memory_space<semaphore_mem>>)
      %dma_wait3A_523 = arith.constant 0 : i32
      %dma_wait3A_524 = arith.constant 0 : i32
      %dma_wait3A_525 = tpu.memref_slice %arg2[%dma_wait3A_523, %dma_wait3A_524] : memref<10000x128xf32, #tpu.memory_space<hbm>> -> memref<10000x128xf32, #tpu.memory_space<hbm>>
      tpu.wait_indirect_dma semaphore(%arg23 : memref<!tpu.dma_semaphore, #tpu.memory_space<semaphore_mem>>) src(%dma_wait3A_525 : memref<10000x128xf32, #tpu.memory_space<hbm>>) dst(%arg15 : memref<128x128xf32, #tpu.memory_space<vmem>>)
      %dma_start3A_526 = arith.constant 0 : i32
      %dma_start3A_527 = arith.constant 0 : i32
      %dma_start3A_528 = tpu.memref_slice %arg16[%dma_start3A_526, %dma_start3A_527] : memref<10000x128xf32, #tpu.memory_space<vmem_shared>> -> memref<10000x128xf32, #tpu.memory_space<vmem_shared>>
      tpu.enqueue_indirect_dma source(%arg15 : memref<128x128xf32, #tpu.memory_space<vmem>>) target(%dma_start3A_528 : memref<10000x128xf32, #tpu.memory_space<vmem_shared>>) offsets(%arg9 : memref<128xi32, #tpu.memory_space<vmem>>) semaphore(%arg26 : memref<!tpu.dma_semaphore, #tpu.memory_space<semaphore_mem>>) {add = true}
      %add3A_529 = arith.constant 7 : i32
      %add3A_530 = arith.addi %add3A_276, %add3A_529 : i32
      %dma_wait3A_531 = arith.constant 0 : i32
      %dma_wait3A_532 = arith.constant 0 : i32
      %dma_wait3A_533 = tpu.memref_slice %arg16[%dma_wait3A_531, %dma_wait3A_532] : memref<10000x128xf32, #tpu.memory_space<vmem_shared>> -> memref<10000x128xf32, #tpu.memory_space<vmem_shared>>
      tpu.wait_indirect_dma semaphore(%arg25 : memref<!tpu.dma_semaphore, #tpu.memory_space<semaphore_mem>>) src(%arg14 : memref<128x128xf32, #tpu.memory_space<vmem>>) dst(%dma_wait3A_533 : memref<10000x128xf32, #tpu.memory_space<vmem_shared>>)
      %add3A_534 = arith.constant 1 : i32
      %add3A_535 = arith.addi %add3A_530, %add3A_534 : i32
      %add3A_536 = arith.addi %mul3A_4, %add3A_535 : i32
      %mul3A_537 = arith.constant 128 : i32
      %mul3A_538 = arith.muli %add3A_536, %mul3A_537 : i32
      %dma_wait3A_539 = tpu.memref_slice %arg3[%mul3A_538] : memref<640000xi32, #tpu.memory_space<hbm>> -> memref<128xi32, #tpu.memory_space<hbm>>
      %dma_wait3A_540 = tpu.memref_slice %arg3[%mul3A_538] : memref<640000xi32, #tpu.memory_space<hbm>> -> memref<128xi32, #tpu.memory_space<hbm>>
      tpu.wait_dma2 semaphore(%arg19 : memref<!tpu.dma_semaphore, #tpu.memory_space<semaphore_mem>>) src(%dma_wait3A_540 : memref<128xi32, #tpu.memory_space<hbm>>) dst(%arg7 : memref<128xi32, #tpu.memory_space<vmem>>)
      %add3A_541 = arith.constant 320000 : i32
      %add3A_542 = arith.addi %add3A_541, %mul3A_538 : i32
      %dma_wait3A_543 = tpu.memref_slice %arg3[%add3A_542] : memref<640000xi32, #tpu.memory_space<hbm>> -> memref<128xi32, #tpu.memory_space<hbm>>
      %dma_wait3A_544 = tpu.memref_slice %arg3[%add3A_542] : memref<640000xi32, #tpu.memory_space<hbm>> -> memref<128xi32, #tpu.memory_space<hbm>>
      tpu.wait_dma2 semaphore(%arg19 : memref<!tpu.dma_semaphore, #tpu.memory_space<semaphore_mem>>) src(%dma_wait3A_544 : memref<128xi32, #tpu.memory_space<hbm>>) dst(%arg11 : memref<128xi32, #tpu.memory_space<vmem>>)
      %dma_start3A_545 = arith.constant 0 : i32
      %dma_start3A_546 = arith.constant 0 : i32
      %dma_start3A_547 = tpu.memref_slice %arg2[%dma_start3A_545, %dma_start3A_546] : memref<10000x128xf32, #tpu.memory_space<hbm>> -> memref<10000x128xf32, #tpu.memory_space<hbm>>
      tpu.enqueue_indirect_dma source(%dma_start3A_547 : memref<10000x128xf32, #tpu.memory_space<hbm>>) target(%arg14 : memref<128x128xf32, #tpu.memory_space<vmem>>) offsets(%arg7 : memref<128xi32, #tpu.memory_space<vmem>>) semaphore(%arg22 : memref<!tpu.dma_semaphore, #tpu.memory_space<semaphore_mem>>)
      %add3A_548 = arith.constant 2 : i32
      %add3A_549 = arith.addi %add3A_530, %add3A_548 : i32
      %add3A_550 = arith.addi %mul3A_4, %add3A_549 : i32
      %mul3A_551 = arith.constant 128 : i32
      %mul3A_552 = arith.muli %add3A_550, %mul3A_551 : i32
      %dma_start3A_553 = tpu.memref_slice %arg3[%mul3A_552] : memref<640000xi32, #tpu.memory_space<hbm>> -> memref<128xi32, #tpu.memory_space<hbm>>
      %dma_start3A_554 = tpu.memref_slice %arg3[%mul3A_552] : memref<640000xi32, #tpu.memory_space<hbm>> -> memref<128xi32, #tpu.memory_space<hbm>>
      tpu.enqueue_dma source(%dma_start3A_554 : memref<128xi32, #tpu.memory_space<hbm>>) target(%arg8 : memref<128xi32, #tpu.memory_space<vmem>>) target_semaphore(%arg20 : memref<!tpu.dma_semaphore, #tpu.memory_space<semaphore_mem>>)
      %add3A_555 = arith.constant 320000 : i32
      %add3A_556 = arith.addi %add3A_555, %mul3A_552 : i32
      %dma_start3A_557 = tpu.memref_slice %arg3[%add3A_556] : memref<640000xi32, #tpu.memory_space<hbm>> -> memref<128xi32, #tpu.memory_space<hbm>>
      %dma_start3A_558 = tpu.memref_slice %arg3[%add3A_556] : memref<640000xi32, #tpu.memory_space<hbm>> -> memref<128xi32, #tpu.memory_space<hbm>>
      tpu.enqueue_dma source(%dma_start3A_558 : memref<128xi32, #tpu.memory_space<hbm>>) target(%arg12 : memref<128xi32, #tpu.memory_space<vmem>>) target_semaphore(%arg20 : memref<!tpu.dma_semaphore, #tpu.memory_space<semaphore_mem>>)
      %dma_wait3A_559 = arith.constant 0 : i32
      %dma_wait3A_560 = arith.constant 0 : i32
      %dma_wait3A_561 = tpu.memref_slice %arg2[%dma_wait3A_559, %dma_wait3A_560] : memref<10000x128xf32, #tpu.memory_space<hbm>> -> memref<10000x128xf32, #tpu.memory_space<hbm>>
      tpu.wait_indirect_dma semaphore(%arg21 : memref<!tpu.dma_semaphore, #tpu.memory_space<semaphore_mem>>) src(%dma_wait3A_561 : memref<10000x128xf32, #tpu.memory_space<hbm>>) dst(%arg13 : memref<128x128xf32, #tpu.memory_space<vmem>>)
      %dma_start3A_562 = arith.constant 0 : i32
      %dma_start3A_563 = arith.constant 0 : i32
      %dma_start3A_564 = tpu.memref_slice %arg16[%dma_start3A_562, %dma_start3A_563] : memref<10000x128xf32, #tpu.memory_space<vmem_shared>> -> memref<10000x128xf32, #tpu.memory_space<vmem_shared>>
      tpu.enqueue_indirect_dma source(%arg13 : memref<128x128xf32, #tpu.memory_space<vmem>>) target(%dma_start3A_564 : memref<10000x128xf32, #tpu.memory_space<vmem_shared>>) offsets(%arg10 : memref<128xi32, #tpu.memory_space<vmem>>) semaphore(%arg24 : memref<!tpu.dma_semaphore, #tpu.memory_space<semaphore_mem>>) {add = true}
      %add3A_565 = arith.constant 8 : i32
      %add3A_566 = arith.addi %add3A_276, %add3A_565 : i32
      %dma_wait3A_567 = arith.constant 0 : i32
      %dma_wait3A_568 = arith.constant 0 : i32
      %dma_wait3A_569 = tpu.memref_slice %arg16[%dma_wait3A_567, %dma_wait3A_568] : memref<10000x128xf32, #tpu.memory_space<vmem_shared>> -> memref<10000x128xf32, #tpu.memory_space<vmem_shared>>
      tpu.wait_indirect_dma semaphore(%arg26 : memref<!tpu.dma_semaphore, #tpu.memory_space<semaphore_mem>>) src(%arg15 : memref<128x128xf32, #tpu.memory_space<vmem>>) dst(%dma_wait3A_569 : memref<10000x128xf32, #tpu.memory_space<vmem_shared>>)
      %add3A_570 = arith.constant 1 : i32
      %add3A_571 = arith.addi %add3A_566, %add3A_570 : i32
      %add3A_572 = arith.addi %mul3A_4, %add3A_571 : i32
      %mul3A_573 = arith.constant 128 : i32
      %mul3A_574 = arith.muli %add3A_572, %mul3A_573 : i32
      %dma_wait3A_575 = tpu.memref_slice %arg3[%mul3A_574] : memref<640000xi32, #tpu.memory_space<hbm>> -> memref<128xi32, #tpu.memory_space<hbm>>
      %dma_wait3A_576 = tpu.memref_slice %arg3[%mul3A_574] : memref<640000xi32, #tpu.memory_space<hbm>> -> memref<128xi32, #tpu.memory_space<hbm>>
      tpu.wait_dma2 semaphore(%arg20 : memref<!tpu.dma_semaphore, #tpu.memory_space<semaphore_mem>>) src(%dma_wait3A_576 : memref<128xi32, #tpu.memory_space<hbm>>) dst(%arg8 : memref<128xi32, #tpu.memory_space<vmem>>)
      %add3A_577 = arith.constant 320000 : i32
      %add3A_578 = arith.addi %add3A_577, %mul3A_574 : i32
      %dma_wait3A_579 = tpu.memref_slice %arg3[%add3A_578] : memref<640000xi32, #tpu.memory_space<hbm>> -> memref<128xi32, #tpu.memory_space<hbm>>
      %dma_wait3A_580 = tpu.memref_slice %arg3[%add3A_578] : memref<640000xi32, #tpu.memory_space<hbm>> -> memref<128xi32, #tpu.memory_space<hbm>>
      tpu.wait_dma2 semaphore(%arg20 : memref<!tpu.dma_semaphore, #tpu.memory_space<semaphore_mem>>) src(%dma_wait3A_580 : memref<128xi32, #tpu.memory_space<hbm>>) dst(%arg12 : memref<128xi32, #tpu.memory_space<vmem>>)
      %dma_start3A_581 = arith.constant 0 : i32
      %dma_start3A_582 = arith.constant 0 : i32
      %dma_start3A_583 = tpu.memref_slice %arg2[%dma_start3A_581, %dma_start3A_582] : memref<10000x128xf32, #tpu.memory_space<hbm>> -> memref<10000x128xf32, #tpu.memory_space<hbm>>
      tpu.enqueue_indirect_dma source(%dma_start3A_583 : memref<10000x128xf32, #tpu.memory_space<hbm>>) target(%arg15 : memref<128x128xf32, #tpu.memory_space<vmem>>) offsets(%arg8 : memref<128xi32, #tpu.memory_space<vmem>>) semaphore(%arg23 : memref<!tpu.dma_semaphore, #tpu.memory_space<semaphore_mem>>)
      %add3A_584 = arith.constant 2 : i32
      %add3A_585 = arith.addi %add3A_566, %add3A_584 : i32
      %add3A_586 = arith.addi %mul3A_4, %add3A_585 : i32
      %mul3A_587 = arith.constant 128 : i32
      %mul3A_588 = arith.muli %add3A_586, %mul3A_587 : i32
      %dma_start3A_589 = tpu.memref_slice %arg3[%mul3A_588] : memref<640000xi32, #tpu.memory_space<hbm>> -> memref<128xi32, #tpu.memory_space<hbm>>
      %dma_start3A_590 = tpu.memref_slice %arg3[%mul3A_588] : memref<640000xi32, #tpu.memory_space<hbm>> -> memref<128xi32, #tpu.memory_space<hbm>>
      tpu.enqueue_dma source(%dma_start3A_590 : memref<128xi32, #tpu.memory_space<hbm>>) target(%arg5 : memref<128xi32, #tpu.memory_space<vmem>>) target_semaphore(%arg17 : memref<!tpu.dma_semaphore, #tpu.memory_space<semaphore_mem>>)
      %add3A_591 = arith.constant 320000 : i32
      %add3A_592 = arith.addi %add3A_591, %mul3A_588 : i32
      %dma_start3A_593 = tpu.memref_slice %arg3[%add3A_592] : memref<640000xi32, #tpu.memory_space<hbm>> -> memref<128xi32, #tpu.memory_space<hbm>>
      %dma_start3A_594 = tpu.memref_slice %arg3[%add3A_592] : memref<640000xi32, #tpu.memory_space<hbm>> -> memref<128xi32, #tpu.memory_space<hbm>>
      tpu.enqueue_dma source(%dma_start3A_594 : memref<128xi32, #tpu.memory_space<hbm>>) target(%arg9 : memref<128xi32, #tpu.memory_space<vmem>>) target_semaphore(%arg17 : memref<!tpu.dma_semaphore, #tpu.memory_space<semaphore_mem>>)
      %dma_wait3A_595 = arith.constant 0 : i32
      %dma_wait3A_596 = arith.constant 0 : i32
      %dma_wait3A_597 = tpu.memref_slice %arg2[%dma_wait3A_595, %dma_wait3A_596] : memref<10000x128xf32, #tpu.memory_space<hbm>> -> memref<10000x128xf32, #tpu.memory_space<hbm>>
      tpu.wait_indirect_dma semaphore(%arg22 : memref<!tpu.dma_semaphore, #tpu.memory_space<semaphore_mem>>) src(%dma_wait3A_597 : memref<10000x128xf32, #tpu.memory_space<hbm>>) dst(%arg14 : memref<128x128xf32, #tpu.memory_space<vmem>>)
      %dma_start3A_598 = arith.constant 0 : i32
      %dma_start3A_599 = arith.constant 0 : i32
      %dma_start3A_600 = tpu.memref_slice %arg16[%dma_start3A_598, %dma_start3A_599] : memref<10000x128xf32, #tpu.memory_space<vmem_shared>> -> memref<10000x128xf32, #tpu.memory_space<vmem_shared>>
      tpu.enqueue_indirect_dma source(%arg14 : memref<128x128xf32, #tpu.memory_space<vmem>>) target(%dma_start3A_600 : memref<10000x128xf32, #tpu.memory_space<vmem_shared>>) offsets(%arg11 : memref<128xi32, #tpu.memory_space<vmem>>) semaphore(%arg25 : memref<!tpu.dma_semaphore, #tpu.memory_space<semaphore_mem>>) {add = true}
      %add3A_601 = arith.constant 9 : i32
      %add3A_602 = arith.addi %add3A_276, %add3A_601 : i32
      %dma_wait3A_603 = arith.constant 0 : i32
      %dma_wait3A_604 = arith.constant 0 : i32
      %dma_wait3A_605 = tpu.memref_slice %arg16[%dma_wait3A_603, %dma_wait3A_604] : memref<10000x128xf32, #tpu.memory_space<vmem_shared>> -> memref<10000x128xf32, #tpu.memory_space<vmem_shared>>
      tpu.wait_indirect_dma semaphore(%arg24 : memref<!tpu.dma_semaphore, #tpu.memory_space<semaphore_mem>>) src(%arg13 : memref<128x128xf32, #tpu.memory_space<vmem>>) dst(%dma_wait3A_605 : memref<10000x128xf32, #tpu.memory_space<vmem_shared>>)
      %add3A_606 = arith.constant 1 : i32
      %add3A_607 = arith.addi %add3A_602, %add3A_606 : i32
      %add3A_608 = arith.addi %mul3A_4, %add3A_607 : i32
      %mul3A_609 = arith.constant 128 : i32
      %mul3A_610 = arith.muli %add3A_608, %mul3A_609 : i32
      %dma_wait3A_611 = tpu.memref_slice %arg3[%mul3A_610] : memref<640000xi32, #tpu.memory_space<hbm>> -> memref<128xi32, #tpu.memory_space<hbm>>
      %dma_wait3A_612 = tpu.memref_slice %arg3[%mul3A_610] : memref<640000xi32, #tpu.memory_space<hbm>> -> memref<128xi32, #tpu.memory_space<hbm>>
      tpu.wait_dma2 semaphore(%arg17 : memref<!tpu.dma_semaphore, #tpu.memory_space<semaphore_mem>>) src(%dma_wait3A_612 : memref<128xi32, #tpu.memory_space<hbm>>) dst(%arg5 : memref<128xi32, #tpu.memory_space<vmem>>)
      %add3A_613 = arith.constant 320000 : i32
      %add3A_614 = arith.addi %add3A_613, %mul3A_610 : i32
      %dma_wait3A_615 = tpu.memref_slice %arg3[%add3A_614] : memref<640000xi32, #tpu.memory_space<hbm>> -> memref<128xi32, #tpu.memory_space<hbm>>
      %dma_wait3A_616 = tpu.memref_slice %arg3[%add3A_614] : memref<640000xi32, #tpu.memory_space<hbm>> -> memref<128xi32, #tpu.memory_space<hbm>>
      tpu.wait_dma2 semaphore(%arg17 : memref<!tpu.dma_semaphore, #tpu.memory_space<semaphore_mem>>) src(%dma_wait3A_616 : memref<128xi32, #tpu.memory_space<hbm>>) dst(%arg9 : memref<128xi32, #tpu.memory_space<vmem>>)
      %dma_start3A_617 = arith.constant 0 : i32
      %dma_start3A_618 = arith.constant 0 : i32
      %dma_start3A_619 = tpu.memref_slice %arg2[%dma_start3A_617, %dma_start3A_618] : memref<10000x128xf32, #tpu.memory_space<hbm>> -> memref<10000x128xf32, #tpu.memory_space<hbm>>
      tpu.enqueue_indirect_dma source(%dma_start3A_619 : memref<10000x128xf32, #tpu.memory_space<hbm>>) target(%arg13 : memref<128x128xf32, #tpu.memory_space<vmem>>) offsets(%arg5 : memref<128xi32, #tpu.memory_space<vmem>>) semaphore(%arg21 : memref<!tpu.dma_semaphore, #tpu.memory_space<semaphore_mem>>)
      %add3A_620 = arith.constant 2 : i32
      %add3A_621 = arith.addi %add3A_602, %add3A_620 : i32
      %add3A_622 = arith.addi %mul3A_4, %add3A_621 : i32
      %mul3A_623 = arith.constant 128 : i32
      %mul3A_624 = arith.muli %add3A_622, %mul3A_623 : i32
      %dma_start3A_625 = tpu.memref_slice %arg3[%mul3A_624] : memref<640000xi32, #tpu.memory_space<hbm>> -> memref<128xi32, #tpu.memory_space<hbm>>
      %dma_start3A_626 = tpu.memref_slice %arg3[%mul3A_624] : memref<640000xi32, #tpu.memory_space<hbm>> -> memref<128xi32, #tpu.memory_space<hbm>>
      tpu.enqueue_dma source(%dma_start3A_626 : memref<128xi32, #tpu.memory_space<hbm>>) target(%arg6 : memref<128xi32, #tpu.memory_space<vmem>>) target_semaphore(%arg18 : memref<!tpu.dma_semaphore, #tpu.memory_space<semaphore_mem>>)
      %add3A_627 = arith.constant 320000 : i32
      %add3A_628 = arith.addi %add3A_627, %mul3A_624 : i32
      %dma_start3A_629 = tpu.memref_slice %arg3[%add3A_628] : memref<640000xi32, #tpu.memory_space<hbm>> -> memref<128xi32, #tpu.memory_space<hbm>>
      %dma_start3A_630 = tpu.memref_slice %arg3[%add3A_628] : memref<640000xi32, #tpu.memory_space<hbm>> -> memref<128xi32, #tpu.memory_space<hbm>>
      tpu.enqueue_dma source(%dma_start3A_630 : memref<128xi32, #tpu.memory_space<hbm>>) target(%arg10 : memref<128xi32, #tpu.memory_space<vmem>>) target_semaphore(%arg18 : memref<!tpu.dma_semaphore, #tpu.memory_space<semaphore_mem>>)
      %dma_wait3A_631 = arith.constant 0 : i32
      %dma_wait3A_632 = arith.constant 0 : i32
      %dma_wait3A_633 = tpu.memref_slice %arg2[%dma_wait3A_631, %dma_wait3A_632] : memref<10000x128xf32, #tpu.memory_space<hbm>> -> memref<10000x128xf32, #tpu.memory_space<hbm>>
      tpu.wait_indirect_dma semaphore(%arg23 : memref<!tpu.dma_semaphore, #tpu.memory_space<semaphore_mem>>) src(%dma_wait3A_633 : memref<10000x128xf32, #tpu.memory_space<hbm>>) dst(%arg15 : memref<128x128xf32, #tpu.memory_space<vmem>>)
      %dma_start3A_634 = arith.constant 0 : i32
      %dma_start3A_635 = arith.constant 0 : i32
      %dma_start3A_636 = tpu.memref_slice %arg16[%dma_start3A_634, %dma_start3A_635] : memref<10000x128xf32, #tpu.memory_space<vmem_shared>> -> memref<10000x128xf32, #tpu.memory_space<vmem_shared>>
      tpu.enqueue_indirect_dma source(%arg15 : memref<128x128xf32, #tpu.memory_space<vmem>>) target(%dma_start3A_636 : memref<10000x128xf32, #tpu.memory_space<vmem_shared>>) offsets(%arg12 : memref<128xi32, #tpu.memory_space<vmem>>) semaphore(%arg26 : memref<!tpu.dma_semaphore, #tpu.memory_space<semaphore_mem>>) {add = true}
      %add3A_637 = arith.constant 10 : i32
      %add3A_638 = arith.addi %add3A_276, %add3A_637 : i32
      %dma_wait3A_639 = arith.constant 0 : i32
      %dma_wait3A_640 = arith.constant 0 : i32
      %dma_wait3A_641 = tpu.memref_slice %arg16[%dma_wait3A_639, %dma_wait3A_640] : memref<10000x128xf32, #tpu.memory_space<vmem_shared>> -> memref<10000x128xf32, #tpu.memory_space<vmem_shared>>
      tpu.wait_indirect_dma semaphore(%arg25 : memref<!tpu.dma_semaphore, #tpu.memory_space<semaphore_mem>>) src(%arg14 : memref<128x128xf32, #tpu.memory_space<vmem>>) dst(%dma_wait3A_641 : memref<10000x128xf32, #tpu.memory_space<vmem_shared>>)
      %add3A_642 = arith.constant 1 : i32
      %add3A_643 = arith.addi %add3A_638, %add3A_642 : i32
      %add3A_644 = arith.addi %mul3A_4, %add3A_643 : i32
      %mul3A_645 = arith.constant 128 : i32
      %mul3A_646 = arith.muli %add3A_644, %mul3A_645 : i32
      %dma_wait3A_647 = tpu.memref_slice %arg3[%mul3A_646] : memref<640000xi32, #tpu.memory_space<hbm>> -> memref<128xi32, #tpu.memory_space<hbm>>
      %dma_wait3A_648 = tpu.memref_slice %arg3[%mul3A_646] : memref<640000xi32, #tpu.memory_space<hbm>> -> memref<128xi32, #tpu.memory_space<hbm>>
      tpu.wait_dma2 semaphore(%arg18 : memref<!tpu.dma_semaphore, #tpu.memory_space<semaphore_mem>>) src(%dma_wait3A_648 : memref<128xi32, #tpu.memory_space<hbm>>) dst(%arg6 : memref<128xi32, #tpu.memory_space<vmem>>)
      %add3A_649 = arith.constant 320000 : i32
      %add3A_650 = arith.addi %add3A_649, %mul3A_646 : i32
      %dma_wait3A_651 = tpu.memref_slice %arg3[%add3A_650] : memref<640000xi32, #tpu.memory_space<hbm>> -> memref<128xi32, #tpu.memory_space<hbm>>
      %dma_wait3A_652 = tpu.memref_slice %arg3[%add3A_650] : memref<640000xi32, #tpu.memory_space<hbm>> -> memref<128xi32, #tpu.memory_space<hbm>>
      tpu.wait_dma2 semaphore(%arg18 : memref<!tpu.dma_semaphore, #tpu.memory_space<semaphore_mem>>) src(%dma_wait3A_652 : memref<128xi32, #tpu.memory_space<hbm>>) dst(%arg10 : memref<128xi32, #tpu.memory_space<vmem>>)
      %dma_start3A_653 = arith.constant 0 : i32
      %dma_start3A_654 = arith.constant 0 : i32
      %dma_start3A_655 = tpu.memref_slice %arg2[%dma_start3A_653, %dma_start3A_654] : memref<10000x128xf32, #tpu.memory_space<hbm>> -> memref<10000x128xf32, #tpu.memory_space<hbm>>
      tpu.enqueue_indirect_dma source(%dma_start3A_655 : memref<10000x128xf32, #tpu.memory_space<hbm>>) target(%arg14 : memref<128x128xf32, #tpu.memory_space<vmem>>) offsets(%arg6 : memref<128xi32, #tpu.memory_space<vmem>>) semaphore(%arg22 : memref<!tpu.dma_semaphore, #tpu.memory_space<semaphore_mem>>)
      %add3A_656 = arith.constant 2 : i32
      %add3A_657 = arith.addi %add3A_638, %add3A_656 : i32
      %add3A_658 = arith.addi %mul3A_4, %add3A_657 : i32
      %mul3A_659 = arith.constant 128 : i32
      %mul3A_660 = arith.muli %add3A_658, %mul3A_659 : i32
      %dma_start3A_661 = tpu.memref_slice %arg3[%mul3A_660] : memref<640000xi32, #tpu.memory_space<hbm>> -> memref<128xi32, #tpu.memory_space<hbm>>
      %dma_start3A_662 = tpu.memref_slice %arg3[%mul3A_660] : memref<640000xi32, #tpu.memory_space<hbm>> -> memref<128xi32, #tpu.memory_space<hbm>>
      tpu.enqueue_dma source(%dma_start3A_662 : memref<128xi32, #tpu.memory_space<hbm>>) target(%arg7 : memref<128xi32, #tpu.memory_space<vmem>>) target_semaphore(%arg19 : memref<!tpu.dma_semaphore, #tpu.memory_space<semaphore_mem>>)
      %add3A_663 = arith.constant 320000 : i32
      %add3A_664 = arith.addi %add3A_663, %mul3A_660 : i32
      %dma_start3A_665 = tpu.memref_slice %arg3[%add3A_664] : memref<640000xi32, #tpu.memory_space<hbm>> -> memref<128xi32, #tpu.memory_space<hbm>>
      %dma_start3A_666 = tpu.memref_slice %arg3[%add3A_664] : memref<640000xi32, #tpu.memory_space<hbm>> -> memref<128xi32, #tpu.memory_space<hbm>>
      tpu.enqueue_dma source(%dma_start3A_666 : memref<128xi32, #tpu.memory_space<hbm>>) target(%arg11 : memref<128xi32, #tpu.memory_space<vmem>>) target_semaphore(%arg19 : memref<!tpu.dma_semaphore, #tpu.memory_space<semaphore_mem>>)
      %dma_wait3A_667 = arith.constant 0 : i32
      %dma_wait3A_668 = arith.constant 0 : i32
      %dma_wait3A_669 = tpu.memref_slice %arg2[%dma_wait3A_667, %dma_wait3A_668] : memref<10000x128xf32, #tpu.memory_space<hbm>> -> memref<10000x128xf32, #tpu.memory_space<hbm>>
      tpu.wait_indirect_dma semaphore(%arg21 : memref<!tpu.dma_semaphore, #tpu.memory_space<semaphore_mem>>) src(%dma_wait3A_669 : memref<10000x128xf32, #tpu.memory_space<hbm>>) dst(%arg13 : memref<128x128xf32, #tpu.memory_space<vmem>>)
      %dma_start3A_670 = arith.constant 0 : i32
      %dma_start3A_671 = arith.constant 0 : i32
      %dma_start3A_672 = tpu.memref_slice %arg16[%dma_start3A_670, %dma_start3A_671] : memref<10000x128xf32, #tpu.memory_space<vmem_shared>> -> memref<10000x128xf32, #tpu.memory_space<vmem_shared>>
      tpu.enqueue_indirect_dma source(%arg13 : memref<128x128xf32, #tpu.memory_space<vmem>>) target(%dma_start3A_672 : memref<10000x128xf32, #tpu.memory_space<vmem_shared>>) offsets(%arg9 : memref<128xi32, #tpu.memory_space<vmem>>) semaphore(%arg24 : memref<!tpu.dma_semaphore, #tpu.memory_space<semaphore_mem>>) {add = true}
      %add3A_673 = arith.constant 11 : i32
      %add3A_674 = arith.addi %add3A_276, %add3A_673 : i32
      %dma_wait3A_675 = arith.constant 0 : i32
      %dma_wait3A_676 = arith.constant 0 : i32
      %dma_wait3A_677 = tpu.memref_slice %arg16[%dma_wait3A_675, %dma_wait3A_676] : memref<10000x128xf32, #tpu.memory_space<vmem_shared>> -> memref<10000x128xf32, #tpu.memory_space<vmem_shared>>
      tpu.wait_indirect_dma semaphore(%arg26 : memref<!tpu.dma_semaphore, #tpu.memory_space<semaphore_mem>>) src(%arg15 : memref<128x128xf32, #tpu.memory_space<vmem>>) dst(%dma_wait3A_677 : memref<10000x128xf32, #tpu.memory_space<vmem_shared>>)
      %add3A_678 = arith.constant 1 : i32
      %add3A_679 = arith.addi %add3A_674, %add3A_678 : i32
      %add3A_680 = arith.addi %mul3A_4, %add3A_679 : i32
      %mul3A_681 = arith.constant 128 : i32
      %mul3A_682 = arith.muli %add3A_680, %mul3A_681 : i32
      %dma_wait3A_683 = tpu.memref_slice %arg3[%mul3A_682] : memref<640000xi32, #tpu.memory_space<hbm>> -> memref<128xi32, #tpu.memory_space<hbm>>
      %dma_wait3A_684 = tpu.memref_slice %arg3[%mul3A_682] : memref<640000xi32, #tpu.memory_space<hbm>> -> memref<128xi32, #tpu.memory_space<hbm>>
      tpu.wait_dma2 semaphore(%arg19 : memref<!tpu.dma_semaphore, #tpu.memory_space<semaphore_mem>>) src(%dma_wait3A_684 : memref<128xi32, #tpu.memory_space<hbm>>) dst(%arg7 : memref<128xi32, #tpu.memory_space<vmem>>)
      %add3A_685 = arith.constant 320000 : i32
      %add3A_686 = arith.addi %add3A_685, %mul3A_682 : i32
      %dma_wait3A_687 = tpu.memref_slice %arg3[%add3A_686] : memref<640000xi32, #tpu.memory_space<hbm>> -> memref<128xi32, #tpu.memory_space<hbm>>
      %dma_wait3A_688 = tpu.memref_slice %arg3[%add3A_686] : memref<640000xi32, #tpu.memory_space<hbm>> -> memref<128xi32, #tpu.memory_space<hbm>>
      tpu.wait_dma2 semaphore(%arg19 : memref<!tpu.dma_semaphore, #tpu.memory_space<semaphore_mem>>) src(%dma_wait3A_688 : memref<128xi32, #tpu.memory_space<hbm>>) dst(%arg11 : memref<128xi32, #tpu.memory_space<vmem>>)
      %dma_start3A_689 = arith.constant 0 : i32
      %dma_start3A_690 = arith.constant 0 : i32
      %dma_start3A_691 = tpu.memref_slice %arg2[%dma_start3A_689, %dma_start3A_690] : memref<10000x128xf32, #tpu.memory_space<hbm>> -> memref<10000x128xf32, #tpu.memory_space<hbm>>
      tpu.enqueue_indirect_dma source(%dma_start3A_691 : memref<10000x128xf32, #tpu.memory_space<hbm>>) target(%arg15 : memref<128x128xf32, #tpu.memory_space<vmem>>) offsets(%arg7 : memref<128xi32, #tpu.memory_space<vmem>>) semaphore(%arg23 : memref<!tpu.dma_semaphore, #tpu.memory_space<semaphore_mem>>)
      %add3A_692 = arith.constant 2 : i32
      %add3A_693 = arith.addi %add3A_674, %add3A_692 : i32
      %add3A_694 = arith.addi %mul3A_4, %add3A_693 : i32
      %mul3A_695 = arith.constant 128 : i32
      %mul3A_696 = arith.muli %add3A_694, %mul3A_695 : i32
      %dma_start3A_697 = tpu.memref_slice %arg3[%mul3A_696] : memref<640000xi32, #tpu.memory_space<hbm>> -> memref<128xi32, #tpu.memory_space<hbm>>
      %dma_start3A_698 = tpu.memref_slice %arg3[%mul3A_696] : memref<640000xi32, #tpu.memory_space<hbm>> -> memref<128xi32, #tpu.memory_space<hbm>>
      tpu.enqueue_dma source(%dma_start3A_698 : memref<128xi32, #tpu.memory_space<hbm>>) target(%arg8 : memref<128xi32, #tpu.memory_space<vmem>>) target_semaphore(%arg20 : memref<!tpu.dma_semaphore, #tpu.memory_space<semaphore_mem>>)
      %add3A_699 = arith.constant 320000 : i32
      %add3A_700 = arith.addi %add3A_699, %mul3A_696 : i32
      %dma_start3A_701 = tpu.memref_slice %arg3[%add3A_700] : memref<640000xi32, #tpu.memory_space<hbm>> -> memref<128xi32, #tpu.memory_space<hbm>>
      %dma_start3A_702 = tpu.memref_slice %arg3[%add3A_700] : memref<640000xi32, #tpu.memory_space<hbm>> -> memref<128xi32, #tpu.memory_space<hbm>>
      tpu.enqueue_dma source(%dma_start3A_702 : memref<128xi32, #tpu.memory_space<hbm>>) target(%arg12 : memref<128xi32, #tpu.memory_space<vmem>>) target_semaphore(%arg20 : memref<!tpu.dma_semaphore, #tpu.memory_space<semaphore_mem>>)
      %dma_wait3A_703 = arith.constant 0 : i32
      %dma_wait3A_704 = arith.constant 0 : i32
      %dma_wait3A_705 = tpu.memref_slice %arg2[%dma_wait3A_703, %dma_wait3A_704] : memref<10000x128xf32, #tpu.memory_space<hbm>> -> memref<10000x128xf32, #tpu.memory_space<hbm>>
      tpu.wait_indirect_dma semaphore(%arg22 : memref<!tpu.dma_semaphore, #tpu.memory_space<semaphore_mem>>) src(%dma_wait3A_705 : memref<10000x128xf32, #tpu.memory_space<hbm>>) dst(%arg14 : memref<128x128xf32, #tpu.memory_space<vmem>>)
      %dma_start3A_706 = arith.constant 0 : i32
      %dma_start3A_707 = arith.constant 0 : i32
      %dma_start3A_708 = tpu.memref_slice %arg16[%dma_start3A_706, %dma_start3A_707] : memref<10000x128xf32, #tpu.memory_space<vmem_shared>> -> memref<10000x128xf32, #tpu.memory_space<vmem_shared>>
      tpu.enqueue_indirect_dma source(%arg14 : memref<128x128xf32, #tpu.memory_space<vmem>>) target(%dma_start3A_708 : memref<10000x128xf32, #tpu.memory_space<vmem_shared>>) offsets(%arg10 : memref<128xi32, #tpu.memory_space<vmem>>) semaphore(%arg25 : memref<!tpu.dma_semaphore, #tpu.memory_space<semaphore_mem>>) {add = true}
    }
    %scan3A_108 = arith.constant 6 : i32
    %dma_wait3A_109 = arith.constant 0 : i32
    %dma_wait3A_110 = arith.constant 0 : i32
    %dma_wait3A_111 = tpu.memref_slice %arg16[%dma_wait3A_109, %dma_wait3A_110] : memref<10000x128xf32, #tpu.memory_space<vmem_shared>> -> memref<10000x128xf32, #tpu.memory_space<vmem_shared>>
    tpu.wait_indirect_dma semaphore(%arg24 : memref<!tpu.dma_semaphore, #tpu.memory_space<semaphore_mem>>) src(%arg13 : memref<128x128xf32, #tpu.memory_space<vmem>>) dst(%dma_wait3A_111 : memref<10000x128xf32, #tpu.memory_space<vmem_shared>>)
    %add3A_112 = arith.constant 75 : i32
    %add3A_113 = arith.addi %mul3A_4, %add3A_112 : i32
    %mul3A_114 = arith.constant 128 : i32
    %mul3A_115 = arith.muli %add3A_113, %mul3A_114 : i32
    %dma_wait3A_116 = tpu.memref_slice %arg3[%mul3A_115] : memref<640000xi32, #tpu.memory_space<hbm>> -> memref<128xi32, #tpu.memory_space<hbm>>
    %dma_wait3A_117 = tpu.memref_slice %arg3[%mul3A_115] : memref<640000xi32, #tpu.memory_space<hbm>> -> memref<128xi32, #tpu.memory_space<hbm>>
    tpu.wait_dma2 semaphore(%arg20 : memref<!tpu.dma_semaphore, #tpu.memory_space<semaphore_mem>>) src(%dma_wait3A_117 : memref<128xi32, #tpu.memory_space<hbm>>) dst(%arg8 : memref<128xi32, #tpu.memory_space<vmem>>)
    %add3A_118 = arith.constant 320000 : i32
    %add3A_119 = arith.addi %add3A_118, %mul3A_115 : i32
    %dma_wait3A_120 = tpu.memref_slice %arg3[%add3A_119] : memref<640000xi32, #tpu.memory_space<hbm>> -> memref<128xi32, #tpu.memory_space<hbm>>
    %dma_wait3A_121 = tpu.memref_slice %arg3[%add3A_119] : memref<640000xi32, #tpu.memory_space<hbm>> -> memref<128xi32, #tpu.memory_space<hbm>>
    tpu.wait_dma2 semaphore(%arg20 : memref<!tpu.dma_semaphore, #tpu.memory_space<semaphore_mem>>) src(%dma_wait3A_121 : memref<128xi32, #tpu.memory_space<hbm>>) dst(%arg12 : memref<128xi32, #tpu.memory_space<vmem>>)
    %dma_start3A_122 = arith.constant 0 : i32
    %dma_start3A_123 = arith.constant 0 : i32
    %dma_start3A_124 = tpu.memref_slice %arg2[%dma_start3A_122, %dma_start3A_123] : memref<10000x128xf32, #tpu.memory_space<hbm>> -> memref<10000x128xf32, #tpu.memory_space<hbm>>
    tpu.enqueue_indirect_dma source(%dma_start3A_124 : memref<10000x128xf32, #tpu.memory_space<hbm>>) target(%arg13 : memref<128x128xf32, #tpu.memory_space<vmem>>) offsets(%arg8 : memref<128xi32, #tpu.memory_space<vmem>>) semaphore(%arg21 : memref<!tpu.dma_semaphore, #tpu.memory_space<semaphore_mem>>)
    %add3A_125 = arith.constant 76 : i32
    %add3A_126 = arith.addi %mul3A_4, %add3A_125 : i32
    %mul3A_127 = arith.constant 128 : i32
    %mul3A_128 = arith.muli %add3A_126, %mul3A_127 : i32
    %dma_start3A_129 = tpu.memref_slice %arg3[%mul3A_128] : memref<640000xi32, #tpu.memory_space<hbm>> -> memref<128xi32, #tpu.memory_space<hbm>>
    %dma_start3A_130 = tpu.memref_slice %arg3[%mul3A_128] : memref<640000xi32, #tpu.memory_space<hbm>> -> memref<128xi32, #tpu.memory_space<hbm>>
    tpu.enqueue_dma source(%dma_start3A_130 : memref<128xi32, #tpu.memory_space<hbm>>) target(%arg5 : memref<128xi32, #tpu.memory_space<vmem>>) target_semaphore(%arg17 : memref<!tpu.dma_semaphore, #tpu.memory_space<semaphore_mem>>)
    %add3A_131 = arith.constant 320000 : i32
    %add3A_132 = arith.addi %add3A_131, %mul3A_128 : i32
    %dma_start3A_133 = tpu.memref_slice %arg3[%add3A_132] : memref<640000xi32, #tpu.memory_space<hbm>> -> memref<128xi32, #tpu.memory_space<hbm>>
    %dma_start3A_134 = tpu.memref_slice %arg3[%add3A_132] : memref<640000xi32, #tpu.memory_space<hbm>> -> memref<128xi32, #tpu.memory_space<hbm>>
    tpu.enqueue_dma source(%dma_start3A_134 : memref<128xi32, #tpu.memory_space<hbm>>) target(%arg9 : memref<128xi32, #tpu.memory_space<vmem>>) target_semaphore(%arg17 : memref<!tpu.dma_semaphore, #tpu.memory_space<semaphore_mem>>)
    %dma_wait3A_135 = arith.constant 0 : i32
    %dma_wait3A_136 = arith.constant 0 : i32
    %dma_wait3A_137 = tpu.memref_slice %arg2[%dma_wait3A_135, %dma_wait3A_136] : memref<10000x128xf32, #tpu.memory_space<hbm>> -> memref<10000x128xf32, #tpu.memory_space<hbm>>
    tpu.wait_indirect_dma semaphore(%arg23 : memref<!tpu.dma_semaphore, #tpu.memory_space<semaphore_mem>>) src(%dma_wait3A_137 : memref<10000x128xf32, #tpu.memory_space<hbm>>) dst(%arg15 : memref<128x128xf32, #tpu.memory_space<vmem>>)
    %dma_start3A_138 = arith.constant 0 : i32
    %dma_start3A_139 = arith.constant 0 : i32
    %dma_start3A_140 = tpu.memref_slice %arg16[%dma_start3A_138, %dma_start3A_139] : memref<10000x128xf32, #tpu.memory_space<vmem_shared>> -> memref<10000x128xf32, #tpu.memory_space<vmem_shared>>
    tpu.enqueue_indirect_dma source(%arg15 : memref<128x128xf32, #tpu.memory_space<vmem>>) target(%dma_start3A_140 : memref<10000x128xf32, #tpu.memory_space<vmem_shared>>) offsets(%arg11 : memref<128xi32, #tpu.memory_space<vmem>>) semaphore(%arg26 : memref<!tpu.dma_semaphore, #tpu.memory_space<semaphore_mem>>) {add = true}
    %dma_wait3A_141 = arith.constant 0 : i32
    %dma_wait3A_142 = arith.constant 0 : i32
    %dma_wait3A_143 = tpu.memref_slice %arg16[%dma_wait3A_141, %dma_wait3A_142] : memref<10000x128xf32, #tpu.memory_space<vmem_shared>> -> memref<10000x128xf32, #tpu.memory_space<vmem_shared>>
    tpu.wait_indirect_dma semaphore(%arg25 : memref<!tpu.dma_semaphore, #tpu.memory_space<semaphore_mem>>) src(%arg14 : memref<128x128xf32, #tpu.memory_space<vmem>>) dst(%dma_wait3A_143 : memref<10000x128xf32, #tpu.memory_space<vmem_shared>>)
    %add3A_144 = arith.constant 76 : i32
    %add3A_145 = arith.addi %mul3A_4, %add3A_144 : i32
    %mul3A_146 = arith.constant 128 : i32
    %mul3A_147 = arith.muli %add3A_145, %mul3A_146 : i32
    %dma_wait3A_148 = tpu.memref_slice %arg3[%mul3A_147] : memref<640000xi32, #tpu.memory_space<hbm>> -> memref<128xi32, #tpu.memory_space<hbm>>
    %dma_wait3A_149 = tpu.memref_slice %arg3[%mul3A_147] : memref<640000xi32, #tpu.memory_space<hbm>> -> memref<128xi32, #tpu.memory_space<hbm>>
    tpu.wait_dma2 semaphore(%arg17 : memref<!tpu.dma_semaphore, #tpu.memory_space<semaphore_mem>>) src(%dma_wait3A_149 : memref<128xi32, #tpu.memory_space<hbm>>) dst(%arg5 : memref<128xi32, #tpu.memory_space<vmem>>)
    %add3A_150 = arith.constant 320000 : i32
    %add3A_151 = arith.addi %add3A_150, %mul3A_147 : i32
    %dma_wait3A_152 = tpu.memref_slice %arg3[%add3A_151] : memref<640000xi32, #tpu.memory_space<hbm>> -> memref<128xi32, #tpu.memory_space<hbm>>
    %dma_wait3A_153 = tpu.memref_slice %arg3[%add3A_151] : memref<640000xi32, #tpu.memory_space<hbm>> -> memref<128xi32, #tpu.memory_space<hbm>>
    tpu.wait_dma2 semaphore(%arg17 : memref<!tpu.dma_semaphore, #tpu.memory_space<semaphore_mem>>) src(%dma_wait3A_153 : memref<128xi32, #tpu.memory_space<hbm>>) dst(%arg9 : memref<128xi32, #tpu.memory_space<vmem>>)
    %dma_start3A_154 = arith.constant 0 : i32
    %dma_start3A_155 = arith.constant 0 : i32
    %dma_start3A_156 = tpu.memref_slice %arg2[%dma_start3A_154, %dma_start3A_155] : memref<10000x128xf32, #tpu.memory_space<hbm>> -> memref<10000x128xf32, #tpu.memory_space<hbm>>
    tpu.enqueue_indirect_dma source(%dma_start3A_156 : memref<10000x128xf32, #tpu.memory_space<hbm>>) target(%arg14 : memref<128x128xf32, #tpu.memory_space<vmem>>) offsets(%arg5 : memref<128xi32, #tpu.memory_space<vmem>>) semaphore(%arg22 : memref<!tpu.dma_semaphore, #tpu.memory_space<semaphore_mem>>)
    %add3A_157 = arith.constant 77 : i32
    %add3A_158 = arith.addi %mul3A_4, %add3A_157 : i32
    %mul3A_159 = arith.constant 128 : i32
    %mul3A_160 = arith.muli %add3A_158, %mul3A_159 : i32
    %dma_start3A_161 = tpu.memref_slice %arg3[%mul3A_160] : memref<640000xi32, #tpu.memory_space<hbm>> -> memref<128xi32, #tpu.memory_space<hbm>>
    %dma_start3A_162 = tpu.memref_slice %arg3[%mul3A_160] : memref<640000xi32, #tpu.memory_space<hbm>> -> memref<128xi32, #tpu.memory_space<hbm>>
    tpu.enqueue_dma source(%dma_start3A_162 : memref<128xi32, #tpu.memory_space<hbm>>) target(%arg6 : memref<128xi32, #tpu.memory_space<vmem>>) target_semaphore(%arg18 : memref<!tpu.dma_semaphore, #tpu.memory_space<semaphore_mem>>)
    %add3A_163 = arith.constant 320000 : i32
    %add3A_164 = arith.addi %add3A_163, %mul3A_160 : i32
    %dma_start3A_165 = tpu.memref_slice %arg3[%add3A_164] : memref<640000xi32, #tpu.memory_space<hbm>> -> memref<128xi32, #tpu.memory_space<hbm>>
    %dma_start3A_166 = tpu.memref_slice %arg3[%add3A_164] : memref<640000xi32, #tpu.memory_space<hbm>> -> memref<128xi32, #tpu.memory_space<hbm>>
    tpu.enqueue_dma source(%dma_start3A_166 : memref<128xi32, #tpu.memory_space<hbm>>) target(%arg10 : memref<128xi32, #tpu.memory_space<vmem>>) target_semaphore(%arg18 : memref<!tpu.dma_semaphore, #tpu.memory_space<semaphore_mem>>)
    %dma_wait3A_167 = arith.constant 0 : i32
    %dma_wait3A_168 = arith.constant 0 : i32
    %dma_wait3A_169 = tpu.memref_slice %arg2[%dma_wait3A_167, %dma_wait3A_168] : memref<10000x128xf32, #tpu.memory_space<hbm>> -> memref<10000x128xf32, #tpu.memory_space<hbm>>
    tpu.wait_indirect_dma semaphore(%arg21 : memref<!tpu.dma_semaphore, #tpu.memory_space<semaphore_mem>>) src(%dma_wait3A_169 : memref<10000x128xf32, #tpu.memory_space<hbm>>) dst(%arg13 : memref<128x128xf32, #tpu.memory_space<vmem>>)
    %dma_start3A_170 = arith.constant 0 : i32
    %dma_start3A_171 = arith.constant 0 : i32
    %dma_start3A_172 = tpu.memref_slice %arg16[%dma_start3A_170, %dma_start3A_171] : memref<10000x128xf32, #tpu.memory_space<vmem_shared>> -> memref<10000x128xf32, #tpu.memory_space<vmem_shared>>
    tpu.enqueue_indirect_dma source(%arg13 : memref<128x128xf32, #tpu.memory_space<vmem>>) target(%dma_start3A_172 : memref<10000x128xf32, #tpu.memory_space<vmem_shared>>) offsets(%arg12 : memref<128xi32, #tpu.memory_space<vmem>>) semaphore(%arg24 : memref<!tpu.dma_semaphore, #tpu.memory_space<semaphore_mem>>) {add = true}
    %dma_wait3A_173 = arith.constant 0 : i32
    %dma_wait3A_174 = arith.constant 0 : i32
    %dma_wait3A_175 = tpu.memref_slice %arg16[%dma_wait3A_173, %dma_wait3A_174] : memref<10000x128xf32, #tpu.memory_space<vmem_shared>> -> memref<10000x128xf32, #tpu.memory_space<vmem_shared>>
    tpu.wait_indirect_dma semaphore(%arg26 : memref<!tpu.dma_semaphore, #tpu.memory_space<semaphore_mem>>) src(%arg15 : memref<128x128xf32, #tpu.memory_space<vmem>>) dst(%dma_wait3A_175 : memref<10000x128xf32, #tpu.memory_space<vmem_shared>>)
    %add3A_176 = arith.constant 77 : i32
    %add3A_177 = arith.addi %mul3A_4, %add3A_176 : i32
    %mul3A_178 = arith.constant 128 : i32
    %mul3A_179 = arith.muli %add3A_177, %mul3A_178 : i32
    %dma_wait3A_180 = tpu.memref_slice %arg3[%mul3A_179] : memref<640000xi32, #tpu.memory_space<hbm>> -> memref<128xi32, #tpu.memory_space<hbm>>
    %dma_wait3A_181 = tpu.memref_slice %arg3[%mul3A_179] : memref<640000xi32, #tpu.memory_space<hbm>> -> memref<128xi32, #tpu.memory_space<hbm>>
    tpu.wait_dma2 semaphore(%arg18 : memref<!tpu.dma_semaphore, #tpu.memory_space<semaphore_mem>>) src(%dma_wait3A_181 : memref<128xi32, #tpu.memory_space<hbm>>) dst(%arg6 : memref<128xi32, #tpu.memory_space<vmem>>)
    %add3A_182 = arith.constant 320000 : i32
    %add3A_183 = arith.addi %add3A_182, %mul3A_179 : i32
    %dma_wait3A_184 = tpu.memref_slice %arg3[%add3A_183] : memref<640000xi32, #tpu.memory_space<hbm>> -> memref<128xi32, #tpu.memory_space<hbm>>
    %dma_wait3A_185 = tpu.memref_slice %arg3[%add3A_183] : memref<640000xi32, #tpu.memory_space<hbm>> -> memref<128xi32, #tpu.memory_space<hbm>>
    tpu.wait_dma2 semaphore(%arg18 : memref<!tpu.dma_semaphore, #tpu.memory_space<semaphore_mem>>) src(%dma_wait3A_185 : memref<128xi32, #tpu.memory_space<hbm>>) dst(%arg10 : memref<128xi32, #tpu.memory_space<vmem>>)
    %dma_start3A_186 = arith.constant 0 : i32
    %dma_start3A_187 = arith.constant 0 : i32
    %dma_start3A_188 = tpu.memref_slice %arg2[%dma_start3A_186, %dma_start3A_187] : memref<10000x128xf32, #tpu.memory_space<hbm>> -> memref<10000x128xf32, #tpu.memory_space<hbm>>
    tpu.enqueue_indirect_dma source(%dma_start3A_188 : memref<10000x128xf32, #tpu.memory_space<hbm>>) target(%arg15 : memref<128x128xf32, #tpu.memory_space<vmem>>) offsets(%arg6 : memref<128xi32, #tpu.memory_space<vmem>>) semaphore(%arg23 : memref<!tpu.dma_semaphore, #tpu.memory_space<semaphore_mem>>)
    %add3A_189 = arith.constant 78 : i32
    %add3A_190 = arith.addi %mul3A_4, %add3A_189 : i32
    %mul3A_191 = arith.constant 128 : i32
    %mul3A_192 = arith.muli %add3A_190, %mul3A_191 : i32
    %dma_start3A_193 = tpu.memref_slice %arg3[%mul3A_192] : memref<640000xi32, #tpu.memory_space<hbm>> -> memref<128xi32, #tpu.memory_space<hbm>>
    %dma_start3A_194 = tpu.memref_slice %arg3[%mul3A_192] : memref<640000xi32, #tpu.memory_space<hbm>> -> memref<128xi32, #tpu.memory_space<hbm>>
    tpu.enqueue_dma source(%dma_start3A_194 : memref<128xi32, #tpu.memory_space<hbm>>) target(%arg7 : memref<128xi32, #tpu.memory_space<vmem>>) target_semaphore(%arg19 : memref<!tpu.dma_semaphore, #tpu.memory_space<semaphore_mem>>)
    %add3A_195 = arith.constant 320000 : i32
    %add3A_196 = arith.addi %add3A_195, %mul3A_192 : i32
    %dma_start3A_197 = tpu.memref_slice %arg3[%add3A_196] : memref<640000xi32, #tpu.memory_space<hbm>> -> memref<128xi32, #tpu.memory_space<hbm>>
    %dma_start3A_198 = tpu.memref_slice %arg3[%add3A_196] : memref<640000xi32, #tpu.memory_space<hbm>> -> memref<128xi32, #tpu.memory_space<hbm>>
    tpu.enqueue_dma source(%dma_start3A_198 : memref<128xi32, #tpu.memory_space<hbm>>) target(%arg11 : memref<128xi32, #tpu.memory_space<vmem>>) target_semaphore(%arg19 : memref<!tpu.dma_semaphore, #tpu.memory_space<semaphore_mem>>)
    %dma_wait3A_199 = arith.constant 0 : i32
    %dma_wait3A_200 = arith.constant 0 : i32
    %dma_wait3A_201 = tpu.memref_slice %arg2[%dma_wait3A_199, %dma_wait3A_200] : memref<10000x128xf32, #tpu.memory_space<hbm>> -> memref<10000x128xf32, #tpu.memory_space<hbm>>
    tpu.wait_indirect_dma semaphore(%arg22 : memref<!tpu.dma_semaphore, #tpu.memory_space<semaphore_mem>>) src(%dma_wait3A_201 : memref<10000x128xf32, #tpu.memory_space<hbm>>) dst(%arg14 : memref<128x128xf32, #tpu.memory_space<vmem>>)
    %dma_start3A_202 = arith.constant 0 : i32
    %dma_start3A_203 = arith.constant 0 : i32
    %dma_start3A_204 = tpu.memref_slice %arg16[%dma_start3A_202, %dma_start3A_203] : memref<10000x128xf32, #tpu.memory_space<vmem_shared>> -> memref<10000x128xf32, #tpu.memory_space<vmem_shared>>
    tpu.enqueue_indirect_dma source(%arg14 : memref<128x128xf32, #tpu.memory_space<vmem>>) target(%dma_start3A_204 : memref<10000x128xf32, #tpu.memory_space<vmem_shared>>) offsets(%arg9 : memref<128xi32, #tpu.memory_space<vmem>>) semaphore(%arg25 : memref<!tpu.dma_semaphore, #tpu.memory_space<semaphore_mem>>) {add = true}
    %dma_wait3A_205 = arith.constant 0 : i32
    %dma_wait3A_206 = arith.constant 0 : i32
    %dma_wait3A_207 = tpu.memref_slice %arg16[%dma_wait3A_205, %dma_wait3A_206] : memref<10000x128xf32, #tpu.memory_space<vmem_shared>> -> memref<10000x128xf32, #tpu.memory_space<vmem_shared>>
    tpu.wait_indirect_dma semaphore(%arg24 : memref<!tpu.dma_semaphore, #tpu.memory_space<semaphore_mem>>) src(%arg13 : memref<128x128xf32, #tpu.memory_space<vmem>>) dst(%dma_wait3A_207 : memref<10000x128xf32, #tpu.memory_space<vmem_shared>>)
    %add3A_208 = arith.constant 78 : i32
    %add3A_209 = arith.addi %mul3A_4, %add3A_208 : i32
    %mul3A_210 = arith.constant 128 : i32
    %mul3A_211 = arith.muli %add3A_209, %mul3A_210 : i32
    %dma_wait3A_212 = tpu.memref_slice %arg3[%mul3A_211] : memref<640000xi32, #tpu.memory_space<hbm>> -> memref<128xi32, #tpu.memory_space<hbm>>
    %dma_wait3A_213 = tpu.memref_slice %arg3[%mul3A_211] : memref<640000xi32, #tpu.memory_space<hbm>> -> memref<128xi32, #tpu.memory_space<hbm>>
    tpu.wait_dma2 semaphore(%arg19 : memref<!tpu.dma_semaphore, #tpu.memory_space<semaphore_mem>>) src(%dma_wait3A_213 : memref<128xi32, #tpu.memory_space<hbm>>) dst(%arg7 : memref<128xi32, #tpu.memory_space<vmem>>)
    %add3A_214 = arith.constant 320000 : i32
    %add3A_215 = arith.addi %add3A_214, %mul3A_211 : i32
    %dma_wait3A_216 = tpu.memref_slice %arg3[%add3A_215] : memref<640000xi32, #tpu.memory_space<hbm>> -> memref<128xi32, #tpu.memory_space<hbm>>
    %dma_wait3A_217 = tpu.memref_slice %arg3[%add3A_215] : memref<640000xi32, #tpu.memory_space<hbm>> -> memref<128xi32, #tpu.memory_space<hbm>>
    tpu.wait_dma2 semaphore(%arg19 : memref<!tpu.dma_semaphore, #tpu.memory_space<semaphore_mem>>) src(%dma_wait3A_217 : memref<128xi32, #tpu.memory_space<hbm>>) dst(%arg11 : memref<128xi32, #tpu.memory_space<vmem>>)
    %dma_start3A_218 = arith.constant 0 : i32
    %dma_start3A_219 = arith.constant 0 : i32
    %dma_start3A_220 = tpu.memref_slice %arg2[%dma_start3A_218, %dma_start3A_219] : memref<10000x128xf32, #tpu.memory_space<hbm>> -> memref<10000x128xf32, #tpu.memory_space<hbm>>
    tpu.enqueue_indirect_dma source(%dma_start3A_220 : memref<10000x128xf32, #tpu.memory_space<hbm>>) target(%arg13 : memref<128x128xf32, #tpu.memory_space<vmem>>) offsets(%arg7 : memref<128xi32, #tpu.memory_space<vmem>>) semaphore(%arg21 : memref<!tpu.dma_semaphore, #tpu.memory_space<semaphore_mem>>)
    %add3A_221 = arith.constant 79 : i32
    %add3A_222 = arith.addi %mul3A_4, %add3A_221 : i32
    %mul3A_223 = arith.constant 128 : i32
    %mul3A_224 = arith.muli %add3A_222, %mul3A_223 : i32
    %dma_start3A_225 = tpu.memref_slice %arg3[%mul3A_224] : memref<640000xi32, #tpu.memory_space<hbm>> -> memref<128xi32, #tpu.memory_space<hbm>>
    %dma_start3A_226 = tpu.memref_slice %arg3[%mul3A_224] : memref<640000xi32, #tpu.memory_space<hbm>> -> memref<128xi32, #tpu.memory_space<hbm>>
    tpu.enqueue_dma source(%dma_start3A_226 : memref<128xi32, #tpu.memory_space<hbm>>) target(%arg8 : memref<128xi32, #tpu.memory_space<vmem>>) target_semaphore(%arg20 : memref<!tpu.dma_semaphore, #tpu.memory_space<semaphore_mem>>)
    %add3A_227 = arith.constant 320000 : i32
    %add3A_228 = arith.addi %add3A_227, %mul3A_224 : i32
    %dma_start3A_229 = tpu.memref_slice %arg3[%add3A_228] : memref<640000xi32, #tpu.memory_space<hbm>> -> memref<128xi32, #tpu.memory_space<hbm>>
    %dma_start3A_230 = tpu.memref_slice %arg3[%add3A_228] : memref<640000xi32, #tpu.memory_space<hbm>> -> memref<128xi32, #tpu.memory_space<hbm>>
    tpu.enqueue_dma source(%dma_start3A_230 : memref<128xi32, #tpu.memory_space<hbm>>) target(%arg12 : memref<128xi32, #tpu.memory_space<vmem>>) target_semaphore(%arg20 : memref<!tpu.dma_semaphore, #tpu.memory_space<semaphore_mem>>)
    %dma_wait3A_231 = arith.constant 0 : i32
    %dma_wait3A_232 = arith.constant 0 : i32
    %dma_wait3A_233 = tpu.memref_slice %arg2[%dma_wait3A_231, %dma_wait3A_232] : memref<10000x128xf32, #tpu.memory_space<hbm>> -> memref<10000x128xf32, #tpu.memory_space<hbm>>
    tpu.wait_indirect_dma semaphore(%arg23 : memref<!tpu.dma_semaphore, #tpu.memory_space<semaphore_mem>>) src(%dma_wait3A_233 : memref<10000x128xf32, #tpu.memory_space<hbm>>) dst(%arg15 : memref<128x128xf32, #tpu.memory_space<vmem>>)
    %dma_start3A_234 = arith.constant 0 : i32
    %dma_start3A_235 = arith.constant 0 : i32
    %dma_start3A_236 = tpu.memref_slice %arg16[%dma_start3A_234, %dma_start3A_235] : memref<10000x128xf32, #tpu.memory_space<vmem_shared>> -> memref<10000x128xf32, #tpu.memory_space<vmem_shared>>
    tpu.enqueue_indirect_dma source(%arg15 : memref<128x128xf32, #tpu.memory_space<vmem>>) target(%dma_start3A_236 : memref<10000x128xf32, #tpu.memory_space<vmem_shared>>) offsets(%arg10 : memref<128xi32, #tpu.memory_space<vmem>>) semaphore(%arg26 : memref<!tpu.dma_semaphore, #tpu.memory_space<semaphore_mem>>) {add = true}
    %dma_wait3A_237 = arith.constant 0 : i32
    %dma_wait3A_238 = arith.constant 0 : i32
    %dma_wait3A_239 = tpu.memref_slice %arg16[%dma_wait3A_237, %dma_wait3A_238] : memref<10000x128xf32, #tpu.memory_space<vmem_shared>> -> memref<10000x128xf32, #tpu.memory_space<vmem_shared>>
    tpu.wait_indirect_dma semaphore(%arg25 : memref<!tpu.dma_semaphore, #tpu.memory_space<semaphore_mem>>) src(%arg14 : memref<128x128xf32, #tpu.memory_space<vmem>>) dst(%dma_wait3A_239 : memref<10000x128xf32, #tpu.memory_space<vmem_shared>>)
    %dma_wait3A_240 = arith.constant 0 : i32
    %dma_wait3A_241 = arith.constant 0 : i32
    %dma_wait3A_242 = tpu.memref_slice %arg16[%dma_wait3A_240, %dma_wait3A_241] : memref<10000x128xf32, #tpu.memory_space<vmem_shared>> -> memref<10000x128xf32, #tpu.memory_space<vmem_shared>>
    tpu.wait_indirect_dma semaphore(%arg26 : memref<!tpu.dma_semaphore, #tpu.memory_space<semaphore_mem>>) src(%arg15 : memref<128x128xf32, #tpu.memory_space<vmem>>) dst(%dma_wait3A_242 : memref<10000x128xf32, #tpu.memory_space<vmem_shared>>)
    %dma_wait3A_243 = arith.constant 0 : i32
    %dma_wait3A_244 = arith.constant 0 : i32
    %dma_wait3A_245 = tpu.memref_slice %arg2[%dma_wait3A_243, %dma_wait3A_244] : memref<10000x128xf32, #tpu.memory_space<hbm>> -> memref<10000x128xf32, #tpu.memory_space<hbm>>
    tpu.wait_indirect_dma semaphore(%arg21 : memref<!tpu.dma_semaphore, #tpu.memory_space<semaphore_mem>>) src(%dma_wait3A_245 : memref<10000x128xf32, #tpu.memory_space<hbm>>) dst(%arg13 : memref<128x128xf32, #tpu.memory_space<vmem>>)
    %add3A_246 = arith.constant 79 : i32
    %add3A_247 = arith.addi %mul3A_4, %add3A_246 : i32
    %mul3A_248 = arith.constant 128 : i32
    %mul3A_249 = arith.muli %add3A_247, %mul3A_248 : i32
    %dma_wait3A_250 = tpu.memref_slice %arg3[%mul3A_249] : memref<640000xi32, #tpu.memory_space<hbm>> -> memref<128xi32, #tpu.memory_space<hbm>>
    %dma_wait3A_251 = tpu.memref_slice %arg3[%mul3A_249] : memref<640000xi32, #tpu.memory_space<hbm>> -> memref<128xi32, #tpu.memory_space<hbm>>
    tpu.wait_dma2 semaphore(%arg20 : memref<!tpu.dma_semaphore, #tpu.memory_space<semaphore_mem>>) src(%dma_wait3A_251 : memref<128xi32, #tpu.memory_space<hbm>>) dst(%arg8 : memref<128xi32, #tpu.memory_space<vmem>>)
    %add3A_252 = arith.constant 320000 : i32
    %add3A_253 = arith.addi %add3A_252, %mul3A_249 : i32
    %dma_wait3A_254 = tpu.memref_slice %arg3[%add3A_253] : memref<640000xi32, #tpu.memory_space<hbm>> -> memref<128xi32, #tpu.memory_space<hbm>>
    %dma_wait3A_255 = tpu.memref_slice %arg3[%add3A_253] : memref<640000xi32, #tpu.memory_space<hbm>> -> memref<128xi32, #tpu.memory_space<hbm>>
    tpu.wait_dma2 semaphore(%arg20 : memref<!tpu.dma_semaphore, #tpu.memory_space<semaphore_mem>>) src(%dma_wait3A_255 : memref<128xi32, #tpu.memory_space<hbm>>) dst(%arg12 : memref<128xi32, #tpu.memory_space<vmem>>)
    %lt3A_256 = arith.constant 4 : i32
    %lt3A_257 = arith.cmpi slt, %add3A, %lt3A_256 : i32
    %convert_element_type3A_258 = arith.extui %lt3A_257 : i1 to i32
    %cond3A_259 = arith.constant 0 : i32
    %cond3A_260 = arith.cmpi ne, %convert_element_type3A_258, %cond3A_259 : i32
    scf.if %cond3A_260 {
      %add3A_272 = arith.constant 2496 : i32
      %add3A_273 = arith.addi %add3A_272, %add3A : i32
      %mul3A_274 = arith.constant 128 : i32
      %mul3A_275 = arith.muli %add3A_273, %mul3A_274 : i32
      "tpu.region"() ({
        %run_scoped3A = tpu.sem_alloc : memref<!tpu.dma_semaphore, #tpu.memory_space<semaphore_mem>>
        %dma_start3A_278 = tpu.memref_slice %arg3[%mul3A_275] : memref<640000xi32, #tpu.memory_space<hbm>> -> memref<128xi32, #tpu.memory_space<hbm>>
        %dma_start3A_279 = tpu.memref_slice %arg3[%mul3A_275] : memref<640000xi32, #tpu.memory_space<hbm>> -> memref<128xi32, #tpu.memory_space<hbm>>
        tpu.enqueue_dma source(%dma_start3A_279 : memref<128xi32, #tpu.memory_space<hbm>>) target(%arg5 : memref<128xi32, #tpu.memory_space<vmem>>) target_semaphore(%run_scoped3A : memref<!tpu.dma_semaphore, #tpu.memory_space<semaphore_mem>>)
        %dma_wait3A_280 = tpu.memref_slice %arg3[%mul3A_275] : memref<640000xi32, #tpu.memory_space<hbm>> -> memref<128xi32, #tpu.memory_space<hbm>>
        %dma_wait3A_281 = tpu.memref_slice %arg3[%mul3A_275] : memref<640000xi32, #tpu.memory_space<hbm>> -> memref<128xi32, #tpu.memory_space<hbm>>
        tpu.wait_dma2 semaphore(%run_scoped3A : memref<!tpu.dma_semaphore, #tpu.memory_space<semaphore_mem>>) src(%dma_wait3A_281 : memref<128xi32, #tpu.memory_space<hbm>>) dst(%arg5 : memref<128xi32, #tpu.memory_space<vmem>>)
        tpu.yield
      }) : () -> ()
      %add3A_276 = arith.constant 320000 : i32
      %add3A_277 = arith.addi %add3A_276, %mul3A_275 : i32
      "tpu.region"() ({
        %run_scoped3A = tpu.sem_alloc : memref<!tpu.dma_semaphore, #tpu.memory_space<semaphore_mem>>
        %dma_start3A_278 = tpu.memref_slice %arg3[%add3A_277] : memref<640000xi32, #tpu.memory_space<hbm>> -> memref<128xi32, #tpu.memory_space<hbm>>
        %dma_start3A_279 = tpu.memref_slice %arg3[%add3A_277] : memref<640000xi32, #tpu.memory_space<hbm>> -> memref<128xi32, #tpu.memory_space<hbm>>
        tpu.enqueue_dma source(%dma_start3A_279 : memref<128xi32, #tpu.memory_space<hbm>>) target(%arg9 : memref<128xi32, #tpu.memory_space<vmem>>) target_semaphore(%run_scoped3A : memref<!tpu.dma_semaphore, #tpu.memory_space<semaphore_mem>>)
        %dma_wait3A_280 = tpu.memref_slice %arg3[%add3A_277] : memref<640000xi32, #tpu.memory_space<hbm>> -> memref<128xi32, #tpu.memory_space<hbm>>
        %dma_wait3A_281 = tpu.memref_slice %arg3[%add3A_277] : memref<640000xi32, #tpu.memory_space<hbm>> -> memref<128xi32, #tpu.memory_space<hbm>>
        tpu.wait_dma2 semaphore(%run_scoped3A : memref<!tpu.dma_semaphore, #tpu.memory_space<semaphore_mem>>) src(%dma_wait3A_281 : memref<128xi32, #tpu.memory_space<hbm>>) dst(%arg9 : memref<128xi32, #tpu.memory_space<vmem>>)
        tpu.yield
      }) : () -> ()
      "tpu.region"() ({
        %run_scoped3A = tpu.sem_alloc : memref<!tpu.dma_semaphore, #tpu.memory_space<semaphore_mem>>
        %dma_start3A_278 = arith.constant 0 : i32
        %dma_start3A_279 = arith.constant 0 : i32
        %dma_start3A_280 = tpu.memref_slice %arg2[%dma_start3A_278, %dma_start3A_279] : memref<10000x128xf32, #tpu.memory_space<hbm>> -> memref<10000x128xf32, #tpu.memory_space<hbm>>
        tpu.enqueue_indirect_dma source(%dma_start3A_280 : memref<10000x128xf32, #tpu.memory_space<hbm>>) target(%arg13 : memref<128x128xf32, #tpu.memory_space<vmem>>) offsets(%arg5 : memref<128xi32, #tpu.memory_space<vmem>>) semaphore(%run_scoped3A : memref<!tpu.dma_semaphore, #tpu.memory_space<semaphore_mem>>)
        %dma_wait3A_281 = arith.constant 0 : i32
        %dma_wait3A_282 = arith.constant 0 : i32
        %dma_wait3A_283 = tpu.memref_slice %arg2[%dma_wait3A_281, %dma_wait3A_282] : memref<10000x128xf32, #tpu.memory_space<hbm>> -> memref<10000x128xf32, #tpu.memory_space<hbm>>
        tpu.wait_indirect_dma semaphore(%run_scoped3A : memref<!tpu.dma_semaphore, #tpu.memory_space<semaphore_mem>>) src(%dma_wait3A_283 : memref<10000x128xf32, #tpu.memory_space<hbm>>) dst(%arg13 : memref<128x128xf32, #tpu.memory_space<vmem>>)
        tpu.yield
      }) : () -> ()
      "tpu.region"() ({
        %run_scoped3A = tpu.sem_alloc : memref<!tpu.dma_semaphore, #tpu.memory_space<semaphore_mem>>
        %dma_start3A_278 = arith.constant 0 : i32
        %dma_start3A_279 = arith.constant 0 : i32
        %dma_start3A_280 = tpu.memref_slice %arg16[%dma_start3A_278, %dma_start3A_279] : memref<10000x128xf32, #tpu.memory_space<vmem_shared>> -> memref<10000x128xf32, #tpu.memory_space<vmem_shared>>
        tpu.enqueue_indirect_dma source(%arg13 : memref<128x128xf32, #tpu.memory_space<vmem>>) target(%dma_start3A_280 : memref<10000x128xf32, #tpu.memory_space<vmem_shared>>) offsets(%arg9 : memref<128xi32, #tpu.memory_space<vmem>>) semaphore(%run_scoped3A : memref<!tpu.dma_semaphore, #tpu.memory_space<semaphore_mem>>) {add = true}
        %dma_wait3A_281 = arith.constant 0 : i32
        %dma_wait3A_282 = arith.constant 0 : i32
        %dma_wait3A_283 = tpu.memref_slice %arg16[%dma_wait3A_281, %dma_wait3A_282] : memref<10000x128xf32, #tpu.memory_space<vmem_shared>> -> memref<10000x128xf32, #tpu.memory_space<vmem_shared>>
        tpu.wait_indirect_dma semaphore(%run_scoped3A : memref<!tpu.dma_semaphore, #tpu.memory_space<semaphore_mem>>) src(%arg13 : memref<128x128xf32, #tpu.memory_space<vmem>>) dst(%dma_wait3A_283 : memref<10000x128xf32, #tpu.memory_space<vmem_shared>>)
        tpu.yield
      }) : () -> ()
    } else {
    }
    %barrier3A_261 = arith.constant 0 : index
    tpu.barrier barrier_id(%barrier3A_261)
    %lt3A_262 = arith.constant 15 : i32
    %lt3A_263 = arith.cmpi slt, %arg1, %lt3A_262 : i32
    %convert_element_type3A_264 = arith.extui %lt3A_263 : i1 to i32
    %cond3A_265 = arith.constant 0 : i32
    %cond3A_266 = arith.cmpi ne, %convert_element_type3A_264, %cond3A_265 : i32
    scf.if %cond3A_266 {
      %mul3A_272 = arith.constant 10000 : i32
      %mul3A_273 = arith.muli %arg0, %mul3A_272 : i32
      %add3A_274 = arith.addi %mul3A_273, %mul3A_2 : i32
      "tpu.region"() ({
        %run_scoped3A = tpu.sem_alloc : memref<!tpu.dma_semaphore, #tpu.memory_space<semaphore_mem>>
        %dma_start3A_275 = arith.constant 0 : i32
        %dma_start3A_276 = tpu.memref_slice %arg4[%add3A_274, %dma_start3A_275] : memref<20000x128xf32, #tpu.memory_space<hbm>> -> memref<632x128xf32, #tpu.memory_space<hbm>>
        %dma_start3A_277 = arith.constant 0 : i32
        %dma_start3A_278 = tpu.memref_slice %arg16[%mul3A_2, %dma_start3A_277] : memref<10000x128xf32, #tpu.memory_space<vmem_shared>> -> memref<632x128xf32, #tpu.memory_space<vmem_shared>>
        tpu.enqueue_dma source(%dma_start3A_278 : memref<632x128xf32, #tpu.memory_space<vmem_shared>>) target(%dma_start3A_276 : memref<632x128xf32, #tpu.memory_space<hbm>>) target_semaphore(%run_scoped3A : memref<!tpu.dma_semaphore, #tpu.memory_space<semaphore_mem>>)
        %dma_wait3A_279 = arith.constant 0 : i32
        %dma_wait3A_280 = tpu.memref_slice %arg4[%add3A_274, %dma_wait3A_279] : memref<20000x128xf32, #tpu.memory_space<hbm>> -> memref<632x128xf32, #tpu.memory_space<hbm>>
        %dma_wait3A_281 = arith.constant 0 : i32
        %dma_wait3A_282 = tpu.memref_slice %arg16[%mul3A_2, %dma_wait3A_281] : memref<10000x128xf32, #tpu.memory_space<vmem_shared>> -> memref<632x128xf32, #tpu.memory_space<vmem_shared>>
        tpu.wait_dma2 semaphore(%run_scoped3A : memref<!tpu.dma_semaphore, #tpu.memory_space<semaphore_mem>>) src(%dma_wait3A_282 : memref<632x128xf32, #tpu.memory_space<vmem_shared>>) dst(%dma_wait3A_280 : memref<632x128xf32, #tpu.memory_space<hbm>>)
        tpu.yield
      }) : () -> ()
    } else {
    }
    %eq3A_267 = arith.constant 15 : i32
    %eq3A_268 = arith.cmpi eq, %arg1, %eq3A_267 : i32
    %convert_element_type3A_269 = arith.extui %eq3A_268 : i1 to i32
    %cond3A_270 = arith.constant 0 : i32
    %cond3A_271 = arith.cmpi ne, %convert_element_type3A_269, %cond3A_270 : i32
    scf.if %cond3A_271 {
      %mul3A_272 = arith.constant 10000 : i32
      %mul3A_273 = arith.muli %arg0, %mul3A_272 : i32
      %add3A_274 = arith.addi %mul3A_273, %mul3A_2 : i32
      "tpu.region"() ({
        %run_scoped3A = tpu.sem_alloc : memref<!tpu.dma_semaphore, #tpu.memory_space<semaphore_mem>>
        %dma_start3A_275 = arith.constant 0 : i32
        %dma_start3A_276 = tpu.memref_slice %arg4[%add3A_274, %dma_start3A_275] : memref<20000x128xf32, #tpu.memory_space<hbm>> -> memref<520x128xf32, #tpu.memory_space<hbm>>
        %dma_start3A_277 = arith.constant 0 : i32
        %dma_start3A_278 = tpu.memref_slice %arg16[%mul3A_2, %dma_start3A_277] : memref<10000x128xf32, #tpu.memory_space<vmem_shared>> -> memref<520x128xf32, #tpu.memory_space<vmem_shared>>
        tpu.enqueue_dma source(%dma_start3A_278 : memref<520x128xf32, #tpu.memory_space<vmem_shared>>) target(%dma_start3A_276 : memref<520x128xf32, #tpu.memory_space<hbm>>) target_semaphore(%run_scoped3A : memref<!tpu.dma_semaphore, #tpu.memory_space<semaphore_mem>>)
        %dma_wait3A_279 = arith.constant 0 : i32
        %dma_wait3A_280 = tpu.memref_slice %arg4[%add3A_274, %dma_wait3A_279] : memref<20000x128xf32, #tpu.memory_space<hbm>> -> memref<520x128xf32, #tpu.memory_space<hbm>>
        %dma_wait3A_281 = arith.constant 0 : i32
        %dma_wait3A_282 = tpu.memref_slice %arg16[%mul3A_2, %dma_wait3A_281] : memref<10000x128xf32, #tpu.memory_space<vmem_shared>> -> memref<520x128xf32, #tpu.memory_space<vmem_shared>>
        tpu.wait_dma2 semaphore(%run_scoped3A : memref<!tpu.dma_semaphore, #tpu.memory_space<semaphore_mem>>) src(%dma_wait3A_282 : memref<520x128xf32, #tpu.memory_space<vmem_shared>>) dst(%dma_wait3A_280 : memref<520x128xf32, #tpu.memory_space<hbm>>)
        tpu.yield
      }) : () -> ()
    } else {
    }
    return
  }
}

#map = affine_map<(d0, d1) -> (0, 0)>
#map1 = affine_map<(d0, d1) -> (0)>
module attributes {stable_mosaic.version = 14 : i64} {
  func.func @k(%arg0: i32, %arg1: i32, %arg2: memref<10000x128xf32, #tpu.memory_space<hbm>>, %arg3: memref<640000xi32, #tpu.memory_space<hbm>>, %arg4: memref<20000x128xf32, #tpu.memory_space<hbm>>, %arg5: memref<128xi32, #tpu.memory_space<vmem>>, %arg6: memref<128xi32, #tpu.memory_space<vmem>>, %arg7: memref<128xi32, #tpu.memory_space<vmem>>, %arg8: memref<128xi32, #tpu.memory_space<vmem>>, %arg9: memref<128xi32, #tpu.memory_space<vmem>>, %arg10: memref<128xi32, #tpu.memory_space<vmem>>, %arg11: memref<128xi32, #tpu.memory_space<vmem>>, %arg12: memref<128xi32, #tpu.memory_space<vmem>>, %arg13: memref<128x128xf32, #tpu.memory_space<vmem>>, %arg14: memref<128x128xf32, #tpu.memory_space<vmem>>, %arg15: memref<128x128xf32, #tpu.memory_space<vmem>>, %arg16: memref<10000x128xf32, #tpu.memory_space<vmem_shared>>, %arg17: memref<!tpu.dma_semaphore, #tpu.memory_space<semaphore_mem>>, %arg18: memref<!tpu.dma_semaphore, #tpu.memory_space<semaphore_mem>>, %arg19: memref<!tpu.dma_semaphore, #tpu.memory_space<semaphore_mem>>, %arg20: memref<!tpu.dma_semaphore, #tpu.memory_space<semaphore_mem>>, %arg21: memref<!tpu.dma_semaphore, #tpu.memory_space<semaphore_mem>>, %arg22: memref<!tpu.dma_semaphore, #tpu.memory_space<semaphore_mem>>, %arg23: memref<!tpu.dma_semaphore, #tpu.memory_space<semaphore_mem>>, %arg24: memref<!tpu.dma_semaphore, #tpu.memory_space<semaphore_mem>>, %arg25: memref<!tpu.dma_semaphore, #tpu.memory_space<semaphore_mem>>, %arg26: memref<!tpu.dma_semaphore, #tpu.memory_space<semaphore_mem>>) attributes {dimension_semantics = [#tpu.dimension_semantics<core_parallel>, #tpu.dimension_semantics<subcore_parallel>], iteration_bounds = array<i64: 2, 16>, scalar_prefetch = 0 : i64, scratch_operands = 22 : i64, tpu.core_type = #tpu.core_type<sc_vector_subcore>, window_params = [{transform_indices = #map}, {transform_indices = #map1}, {transform_indices = #map}]} {
    %mul3A = arith.constant 16 : i32
    %mul3A_0 = arith.muli %arg0, %mul3A : i32
    %add3A = arith.addi %mul3A_0, %arg1 : i32
    %mul3A_1 = arith.constant 632 : i32
    %mul3A_2 = arith.muli %arg1, %mul3A_1 : i32
    %mul3A_3 = arith.constant 78 : i32
    %mul3A_4 = arith.muli %add3A, %mul3A_3 : i32
    %add3A_5 = arith.constant 0 : i32
    %add3A_6 = arith.addi %mul3A_4, %add3A_5 : i32
    %mul3A_7 = arith.constant 128 : i32
    %mul3A_8 = arith.muli %add3A_6, %mul3A_7 : i32
    %dma_start3A = tpu.memref_slice %arg3[%mul3A_8] : memref<640000xi32, #tpu.memory_space<hbm>> -> memref<128xi32, #tpu.memory_space<hbm>>
    %dma_start3A_9 = tpu.memref_slice %arg3[%mul3A_8] : memref<640000xi32, #tpu.memory_space<hbm>> -> memref<128xi32, #tpu.memory_space<hbm>>
    tpu.enqueue_dma source(%dma_start3A_9 : memref<128xi32, #tpu.memory_space<hbm>>) target(%arg5 : memref<128xi32, #tpu.memory_space<vmem>>) target_semaphore(%arg17 : memref<!tpu.dma_semaphore, #tpu.memory_space<semaphore_mem>>)
    %add3A_10 = arith.constant 320000 : i32
    %add3A_11 = arith.addi %add3A_10, %mul3A_8 : i32
    %dma_start3A_12 = tpu.memref_slice %arg3[%add3A_11] : memref<640000xi32, #tpu.memory_space<hbm>> -> memref<128xi32, #tpu.memory_space<hbm>>
    %dma_start3A_13 = tpu.memref_slice %arg3[%add3A_11] : memref<640000xi32, #tpu.memory_space<hbm>> -> memref<128xi32, #tpu.memory_space<hbm>>
    tpu.enqueue_dma source(%dma_start3A_13 : memref<128xi32, #tpu.memory_space<hbm>>) target(%arg9 : memref<128xi32, #tpu.memory_space<vmem>>) target_semaphore(%arg17 : memref<!tpu.dma_semaphore, #tpu.memory_space<semaphore_mem>>)
    %add3A_14 = arith.constant 1 : i32
    %add3A_15 = arith.addi %mul3A_4, %add3A_14 : i32
    %mul3A_16 = arith.constant 128 : i32
    %mul3A_17 = arith.muli %add3A_15, %mul3A_16 : i32
    %dma_start3A_18 = tpu.memref_slice %arg3[%mul3A_17] : memref<640000xi32, #tpu.memory_space<hbm>> -> memref<128xi32, #tpu.memory_space<hbm>>
    %dma_start3A_19 = tpu.memref_slice %arg3[%mul3A_17] : memref<640000xi32, #tpu.memory_space<hbm>> -> memref<128xi32, #tpu.memory_space<hbm>>
    tpu.enqueue_dma source(%dma_start3A_19 : memref<128xi32, #tpu.memory_space<hbm>>) target(%arg6 : memref<128xi32, #tpu.memory_space<vmem>>) target_semaphore(%arg18 : memref<!tpu.dma_semaphore, #tpu.memory_space<semaphore_mem>>)
    %add3A_20 = arith.constant 320000 : i32
    %add3A_21 = arith.addi %add3A_20, %mul3A_17 : i32
    %dma_start3A_22 = tpu.memref_slice %arg3[%add3A_21] : memref<640000xi32, #tpu.memory_space<hbm>> -> memref<128xi32, #tpu.memory_space<hbm>>
    %dma_start3A_23 = tpu.memref_slice %arg3[%add3A_21] : memref<640000xi32, #tpu.memory_space<hbm>> -> memref<128xi32, #tpu.memory_space<hbm>>
    tpu.enqueue_dma source(%dma_start3A_23 : memref<128xi32, #tpu.memory_space<hbm>>) target(%arg10 : memref<128xi32, #tpu.memory_space<vmem>>) target_semaphore(%arg18 : memref<!tpu.dma_semaphore, #tpu.memory_space<semaphore_mem>>)
    %scan3A = arith.constant 0 : i32
    %scan3A_24 = arith.constant 128 : i32
    %scan3A_25 = arith.addi %scan3A, %scan3A_24 : i32
    %scan3A_26 = arith.constant 1 : i32
    scf.for %scan3A_272 = %scan3A to %scan3A_25 step %scan3A_26  : i32 {
      %mul3A_273 = arith.constant 1 : i32
      %mul3A_274 = arith.muli %scan3A_272, %mul3A_273 : i32
      %add3A_275 = arith.constant 0 : i32
      %add3A_276 = arith.addi %add3A_275, %mul3A_274 : i32
      %scan3A_277 = arith.constant 0 : i32
      %scan3A_278 = arith.constant 8 : i32
      %scan3A_279 = arith.addi %scan3A_277, %scan3A_278 : i32
      %scan3A_280 = arith.constant 1 : i32
      scf.for %scan3A_282 = %scan3A_277 to %scan3A_279 step %scan3A_280  : i32 {
        %mul3A_283 = arith.constant 16 : i32
        %mul3A_284 = arith.muli %scan3A_282, %mul3A_283 : i32
        %add3A_285 = arith.constant 0 : i32
        %add3A_286 = arith.addi %add3A_285, %mul3A_284 : i32
        %broadcast_in_dim3A = arith.constant 0.000000e+00 : f32
        %broadcast_in_dim3A_287 = vector.broadcast %broadcast_in_dim3A : f32 to vector<16xf32>
        %swap3A = arith.index_cast %add3A_276 : i32 to index
        %swap3A_288 = arith.index_cast %add3A_286 : i32 to index
        %swap3A_289 = tpu.vector_load %arg13[%swap3A, %swap3A_288] {strides = array<i32>} : memref<128x128xf32, #tpu.memory_space<vmem>>, vector<1x16xf32>,
        %swap3A_290 = vector.shape_cast %swap3A_289 : vector<1x16xf32> to vector<16xf32>
        %swap3A_291 = vector.shape_cast %broadcast_in_dim3A_287 : vector<16xf32> to vector<1x16xf32>
        tpu.vector_store %arg13[%swap3A, %swap3A_288], %swap3A_291 {strides = array<i32>} : memref<128x128xf32, #tpu.memory_space<vmem>>, vector<1x16xf32>,
      }
      %scan3A_281 = arith.constant 8 : i32
    }
    %scan3A_27 = arith.constant 128 : i32
    %lt3A = arith.constant 15 : i32
    %lt3A_28 = arith.cmpi slt, %arg1, %lt3A : i32
    %convert_element_type3A = arith.extui %lt3A_28 : i1 to i32
    %cond3A = arith.constant 0 : i32
    %cond3A_29 = arith.cmpi ne, %convert_element_type3A, %cond3A : i32
    scf.if %cond3A_29 {
      %scan3A_272 = arith.constant 0 : i32
      %scan3A_273 = arith.constant 4 : i32
      %scan3A_274 = arith.addi %scan3A_272, %scan3A_273 : i32
      %scan3A_275 = arith.constant 1 : i32
      scf.for %scan3A_306 = %scan3A_272 to %scan3A_274 step %scan3A_275  : i32 {
        %mul3A_307 = arith.constant 1 : i32
        %mul3A_308 = arith.muli %scan3A_306, %mul3A_307 : i32
        %add3A_309 = arith.constant 0 : i32
        %add3A_310 = arith.addi %add3A_309, %mul3A_308 : i32
        %mul3A_311 = arith.constant 128 : i32
        %mul3A_312 = arith.muli %add3A_310, %mul3A_311 : i32
        %add3A_313 = arith.addi %mul3A_2, %mul3A_312 : i32
        %dma_start3A_314 = arith.constant 0 : i32
        %dma_start3A_315 = tpu.memref_slice %arg16[%add3A_313, %dma_start3A_314] : memref<10000x128xf32, #tpu.memory_space<vmem_shared>> -> memref<128x128xf32, #tpu.memory_space<vmem_shared>>
        %dma_start3A_316 = arith.constant 0 : i32
        %dma_start3A_317 = tpu.memref_slice %arg16[%add3A_313, %dma_start3A_316] : memref<10000x128xf32, #tpu.memory_space<vmem_shared>> -> memref<128x128xf32, #tpu.memory_space<vmem_shared>>
        tpu.enqueue_dma source(%arg13 : memref<128x128xf32, #tpu.memory_space<vmem>>) target(%dma_start3A_317 : memref<128x128xf32, #tpu.memory_space<vmem_shared>>) target_semaphore(%arg26 : memref<!tpu.dma_semaphore, #tpu.memory_space<semaphore_mem>>)
      }
      %scan3A_276 = arith.constant 4 : i32
      %add3A_277 = arith.constant 512 : i32
      %add3A_278 = arith.addi %mul3A_2, %add3A_277 : i32
      %dma_start3A_279 = arith.constant 0 : i32
      %dma_start3A_280 = arith.constant 0 : i32
      %dma_start3A_281 = tpu.memref_slice %arg13[%dma_start3A_279, %dma_start3A_280] : memref<128x128xf32, #tpu.memory_space<vmem>> -> memref<120x128xf32, #tpu.memory_space<vmem>>
      %dma_start3A_282 = arith.constant 0 : i32
      %dma_start3A_283 = tpu.memref_slice %arg16[%add3A_278, %dma_start3A_282] : memref<10000x128xf32, #tpu.memory_space<vmem_shared>> -> memref<120x128xf32, #tpu.memory_space<vmem_shared>>
      %dma_start3A_284 = arith.constant 0 : i32
      %dma_start3A_285 = tpu.memref_slice %arg16[%add3A_278, %dma_start3A_284] : memref<10000x128xf32, #tpu.memory_space<vmem_shared>> -> memref<120x128xf32, #tpu.memory_space<vmem_shared>>
      %dma_start3A_286 = arith.constant 0 : i32
      %dma_start3A_287 = arith.constant 0 : i32
      %dma_start3A_288 = tpu.memref_slice %arg13[%dma_start3A_286, %dma_start3A_287] : memref<128x128xf32, #tpu.memory_space<vmem>> -> memref<120x128xf32, #tpu.memory_space<vmem>>
      tpu.enqueue_dma source(%dma_start3A_288 : memref<120x128xf32, #tpu.memory_space<vmem>>) target(%dma_start3A_285 : memref<120x128xf32, #tpu.memory_space<vmem_shared>>) target_semaphore(%arg25 : memref<!tpu.dma_semaphore, #tpu.memory_space<semaphore_mem>>)
      %scan3A_289 = arith.constant 0 : i32
      %scan3A_290 = arith.constant 4 : i32
      %scan3A_291 = arith.addi %scan3A_289, %scan3A_290 : i32
      %scan3A_292 = arith.constant 1 : i32
      scf.for %scan3A_306 = %scan3A_289 to %scan3A_291 step %scan3A_292  : i32 {
        %mul3A_307 = arith.constant 1 : i32
        %mul3A_308 = arith.muli %scan3A_306, %mul3A_307 : i32
        %add3A_309 = arith.constant 0 : i32
        %add3A_310 = arith.addi %add3A_309, %mul3A_308 : i32
        %mul3A_311 = arith.constant 128 : i32
        %mul3A_312 = arith.muli %add3A_310, %mul3A_311 : i32
        %add3A_313 = arith.addi %mul3A_2, %mul3A_312 : i32
        %dma_wait3A_314 = arith.constant 0 : i32
        %dma_wait3A_315 = tpu.memref_slice %arg16[%add3A_313, %dma_wait3A_314] : memref<10000x128xf32, #tpu.memory_space<vmem_shared>> -> memref<128x128xf32, #tpu.memory_space<vmem_shared>>
        %dma_wait3A_316 = arith.constant 0 : i32
        %dma_wait3A_317 = tpu.memref_slice %arg16[%add3A_313, %dma_wait3A_316] : memref<10000x128xf32, #tpu.memory_space<vmem_shared>> -> memref<128x128xf32, #tpu.memory_space<vmem_shared>>
        tpu.wait_dma2 semaphore(%arg26 : memref<!tpu.dma_semaphore, #tpu.memory_space<semaphore_mem>>) src(%arg13 : memref<128x128xf32, #tpu.memory_space<vmem>>) dst(%dma_wait3A_317 : memref<128x128xf32, #tpu.memory_space<vmem_shared>>)
      }
      %scan3A_293 = arith.constant 4 : i32
      %add3A_294 = arith.constant 512 : i32
      %add3A_295 = arith.addi %mul3A_2, %add3A_294 : i32
      %dma_wait3A_296 = arith.constant 0 : i32
      %dma_wait3A_297 = arith.constant 0 : i32
      %dma_wait3A_298 = tpu.memref_slice %arg13[%dma_wait3A_296, %dma_wait3A_297] : memref<128x128xf32, #tpu.memory_space<vmem>> -> memref<120x128xf32, #tpu.memory_space<vmem>>
      %dma_wait3A_299 = arith.constant 0 : i32
      %dma_wait3A_300 = tpu.memref_slice %arg16[%add3A_295, %dma_wait3A_299] : memref<10000x128xf32, #tpu.memory_space<vmem_shared>> -> memref<120x128xf32, #tpu.memory_space<vmem_shared>>
      %dma_wait3A_301 = arith.constant 0 : i32
      %dma_wait3A_302 = tpu.memref_slice %arg16[%add3A_295, %dma_wait3A_301] : memref<10000x128xf32, #tpu.memory_space<vmem_shared>> -> memref<120x128xf32, #tpu.memory_space<vmem_shared>>
      %dma_wait3A_303 = arith.constant 0 : i32
      %dma_wait3A_304 = arith.constant 0 : i32
      %dma_wait3A_305 = tpu.memref_slice %arg13[%dma_wait3A_303, %dma_wait3A_304] : memref<128x128xf32, #tpu.memory_space<vmem>> -> memref<120x128xf32, #tpu.memory_space<vmem>>
      tpu.wait_dma2 semaphore(%arg25 : memref<!tpu.dma_semaphore, #tpu.memory_space<semaphore_mem>>) src(%dma_wait3A_305 : memref<120x128xf32, #tpu.memory_space<vmem>>) dst(%dma_wait3A_302 : memref<120x128xf32, #tpu.memory_space<vmem_shared>>)
    } else {
    }
    %eq3A = arith.constant 15 : i32
    %eq3A_30 = arith.cmpi eq, %arg1, %eq3A : i32
    %convert_element_type3A_31 = arith.extui %eq3A_30 : i1 to i32
    %cond3A_32 = arith.constant 0 : i32
    %cond3A_33 = arith.cmpi ne, %convert_element_type3A_31, %cond3A_32 : i32
    scf.if %cond3A_33 {
      %scan3A_272 = arith.constant 0 : i32
      %scan3A_273 = arith.constant 4 : i32
      %scan3A_274 = arith.addi %scan3A_272, %scan3A_273 : i32
      %scan3A_275 = arith.constant 1 : i32
      scf.for %scan3A_306 = %scan3A_272 to %scan3A_274 step %scan3A_275  : i32 {
        %mul3A_307 = arith.constant 1 : i32
        %mul3A_308 = arith.muli %scan3A_306, %mul3A_307 : i32
        %add3A_309 = arith.constant 0 : i32
        %add3A_310 = arith.addi %add3A_309, %mul3A_308 : i32
        %mul3A_311 = arith.constant 128 : i32
        %mul3A_312 = arith.muli %add3A_310, %mul3A_311 : i32
        %add3A_313 = arith.addi %mul3A_2, %mul3A_312 : i32
        %dma_start3A_314 = arith.constant 0 : i32
        %dma_start3A_315 = tpu.memref_slice %arg16[%add3A_313, %dma_start3A_314] : memref<10000x128xf32, #tpu.memory_space<vmem_shared>> -> memref<128x128xf32, #tpu.memory_space<vmem_shared>>
        %dma_start3A_316 = arith.constant 0 : i32
        %dma_start3A_317 = tpu.memref_slice %arg16[%add3A_313, %dma_start3A_316] : memref<10000x128xf32, #tpu.memory_space<vmem_shared>> -> memref<128x128xf32, #tpu.memory_space<vmem_shared>>
        tpu.enqueue_dma source(%arg13 : memref<128x128xf32, #tpu.memory_space<vmem>>) target(%dma_start3A_317 : memref<128x128xf32, #tpu.memory_space<vmem_shared>>) target_semaphore(%arg26 : memref<!tpu.dma_semaphore, #tpu.memory_space<semaphore_mem>>)
      }
      %scan3A_276 = arith.constant 4 : i32
      %add3A_277 = arith.constant 512 : i32
      %add3A_278 = arith.addi %mul3A_2, %add3A_277 : i32
      %dma_start3A_279 = arith.constant 0 : i32
      %dma_start3A_280 = arith.constant 0 : i32
      %dma_start3A_281 = tpu.memref_slice %arg13[%dma_start3A_279, %dma_start3A_280] : memref<128x128xf32, #tpu.memory_space<vmem>> -> memref<8x128xf32, #tpu.memory_space<vmem>>
      %dma_start3A_282 = arith.constant 0 : i32
      %dma_start3A_283 = tpu.memref_slice %arg16[%add3A_278, %dma_start3A_282] : memref<10000x128xf32, #tpu.memory_space<vmem_shared>> -> memref<8x128xf32, #tpu.memory_space<vmem_shared>>
      %dma_start3A_284 = arith.constant 0 : i32
      %dma_start3A_285 = tpu.memref_slice %arg16[%add3A_278, %dma_start3A_284] : memref<10000x128xf32, #tpu.memory_space<vmem_shared>> -> memref<8x128xf32, #tpu.memory_space<vmem_shared>>
      %dma_start3A_286 = arith.constant 0 : i32
      %dma_start3A_287 = arith.constant 0 : i32
      %dma_start3A_288 = tpu.memref_slice %arg13[%dma_start3A_286, %dma_start3A_287] : memref<128x128xf32, #tpu.memory_space<vmem>> -> memref<8x128xf32, #tpu.memory_space<vmem>>
      tpu.enqueue_dma source(%dma_start3A_288 : memref<8x128xf32, #tpu.memory_space<vmem>>) target(%dma_start3A_285 : memref<8x128xf32, #tpu.memory_space<vmem_shared>>) target_semaphore(%arg25 : memref<!tpu.dma_semaphore, #tpu.memory_space<semaphore_mem>>)
      %scan3A_289 = arith.constant 0 : i32
      %scan3A_290 = arith.constant 4 : i32
      %scan3A_291 = arith.addi %scan3A_289, %scan3A_290 : i32
      %scan3A_292 = arith.constant 1 : i32
      scf.for %scan3A_306 = %scan3A_289 to %scan3A_291 step %scan3A_292  : i32 {
        %mul3A_307 = arith.constant 1 : i32
        %mul3A_308 = arith.muli %scan3A_306, %mul3A_307 : i32
        %add3A_309 = arith.constant 0 : i32
        %add3A_310 = arith.addi %add3A_309, %mul3A_308 : i32
        %mul3A_311 = arith.constant 128 : i32
        %mul3A_312 = arith.muli %add3A_310, %mul3A_311 : i32
        %add3A_313 = arith.addi %mul3A_2, %mul3A_312 : i32
        %dma_wait3A_314 = arith.constant 0 : i32
        %dma_wait3A_315 = tpu.memref_slice %arg16[%add3A_313, %dma_wait3A_314] : memref<10000x128xf32, #tpu.memory_space<vmem_shared>> -> memref<128x128xf32, #tpu.memory_space<vmem_shared>>
        %dma_wait3A_316 = arith.constant 0 : i32
        %dma_wait3A_317 = tpu.memref_slice %arg16[%add3A_313, %dma_wait3A_316] : memref<10000x128xf32, #tpu.memory_space<vmem_shared>> -> memref<128x128xf32, #tpu.memory_space<vmem_shared>>
        tpu.wait_dma2 semaphore(%arg26 : memref<!tpu.dma_semaphore, #tpu.memory_space<semaphore_mem>>) src(%arg13 : memref<128x128xf32, #tpu.memory_space<vmem>>) dst(%dma_wait3A_317 : memref<128x128xf32, #tpu.memory_space<vmem_shared>>)
      }
      %scan3A_293 = arith.constant 4 : i32
      %add3A_294 = arith.constant 512 : i32
      %add3A_295 = arith.addi %mul3A_2, %add3A_294 : i32
      %dma_wait3A_296 = arith.constant 0 : i32
      %dma_wait3A_297 = arith.constant 0 : i32
      %dma_wait3A_298 = tpu.memref_slice %arg13[%dma_wait3A_296, %dma_wait3A_297] : memref<128x128xf32, #tpu.memory_space<vmem>> -> memref<8x128xf32, #tpu.memory_space<vmem>>
      %dma_wait3A_299 = arith.constant 0 : i32
      %dma_wait3A_300 = tpu.memref_slice %arg16[%add3A_295, %dma_wait3A_299] : memref<10000x128xf32, #tpu.memory_space<vmem_shared>> -> memref<8x128xf32, #tpu.memory_space<vmem_shared>>
      %dma_wait3A_301 = arith.constant 0 : i32
      %dma_wait3A_302 = tpu.memref_slice %arg16[%add3A_295, %dma_wait3A_301] : memref<10000x128xf32, #tpu.memory_space<vmem_shared>> -> memref<8x128xf32, #tpu.memory_space<vmem_shared>>
      %dma_wait3A_303 = arith.constant 0 : i32
      %dma_wait3A_304 = arith.constant 0 : i32
      %dma_wait3A_305 = tpu.memref_slice %arg13[%dma_wait3A_303, %dma_wait3A_304] : memref<128x128xf32, #tpu.memory_space<vmem>> -> memref<8x128xf32, #tpu.memory_space<vmem>>
      tpu.wait_dma2 semaphore(%arg25 : memref<!tpu.dma_semaphore, #tpu.memory_space<semaphore_mem>>) src(%dma_wait3A_305 : memref<8x128xf32, #tpu.memory_space<vmem>>) dst(%dma_wait3A_302 : memref<8x128xf32, #tpu.memory_space<vmem_shared>>)
    } else {
    }
    %add3A_34 = arith.constant 0 : i32
    %add3A_35 = arith.addi %mul3A_4, %add3A_34 : i32
    %mul3A_36 = arith.constant 128 : i32
    %mul3A_37 = arith.muli %add3A_35, %mul3A_36 : i32
    %dma_wait3A = tpu.memref_slice %arg3[%mul3A_37] : memref<640000xi32, #tpu.memory_space<hbm>> -> memref<128xi32, #tpu.memory_space<hbm>>
    %dma_wait3A_38 = tpu.memref_slice %arg3[%mul3A_37] : memref<640000xi32, #tpu.memory_space<hbm>> -> memref<128xi32, #tpu.memory_space<hbm>>
    tpu.wait_dma2 semaphore(%arg17 : memref<!tpu.dma_semaphore, #tpu.memory_space<semaphore_mem>>) src(%dma_wait3A_38 : memref<128xi32, #tpu.memory_space<hbm>>) dst(%arg5 : memref<128xi32, #tpu.memory_space<vmem>>)
    %add3A_39 = arith.constant 320000 : i32
    %add3A_40 = arith.addi %add3A_39, %mul3A_37 : i32
    %dma_wait3A_41 = tpu.memref_slice %arg3[%add3A_40] : memref<640000xi32, #tpu.memory_space<hbm>> -> memref<128xi32, #tpu.memory_space<hbm>>
    %dma_wait3A_42 = tpu.memref_slice %arg3[%add3A_40] : memref<640000xi32, #tpu.memory_space<hbm>> -> memref<128xi32, #tpu.memory_space<hbm>>
    tpu.wait_dma2 semaphore(%arg17 : memref<!tpu.dma_semaphore, #tpu.memory_space<semaphore_mem>>) src(%dma_wait3A_42 : memref<128xi32, #tpu.memory_space<hbm>>) dst(%arg9 : memref<128xi32, #tpu.memory_space<vmem>>)
    %dma_start3A_43 = arith.constant 0 : i32
    %dma_start3A_44 = arith.constant 0 : i32
    %dma_start3A_45 = tpu.memref_slice %arg2[%dma_start3A_43, %dma_start3A_44] : memref<10000x128xf32, #tpu.memory_space<hbm>> -> memref<10000x128xf32, #tpu.memory_space<hbm>>
    tpu.enqueue_indirect_dma source(%dma_start3A_45 : memref<10000x128xf32, #tpu.memory_space<hbm>>) target(%arg13 : memref<128x128xf32, #tpu.memory_space<vmem>>) offsets(%arg5 : memref<128xi32, #tpu.memory_space<vmem>>) semaphore(%arg21 : memref<!tpu.dma_semaphore, #tpu.memory_space<semaphore_mem>>)
    %barrier3A = arith.constant 0 : index
    tpu.barrier barrier_id(%barrier3A)
    %add3A_46 = arith.constant 1 : i32
    %add3A_47 = arith.addi %mul3A_4, %add3A_46 : i32
    %mul3A_48 = arith.constant 128 : i32
    %mul3A_49 = arith.muli %add3A_47, %mul3A_48 : i32
    %dma_wait3A_50 = tpu.memref_slice %arg3[%mul3A_49] : memref<640000xi32, #tpu.memory_space<hbm>> -> memref<128xi32, #tpu.memory_space<hbm>>
    %dma_wait3A_51 = tpu.memref_slice %arg3[%mul3A_49] : memref<640000xi32, #tpu.memory_space<hbm>> -> memref<128xi32, #tpu.memory_space<hbm>>
    tpu.wait_dma2 semaphore(%arg18 : memref<!tpu.dma_semaphore, #tpu.memory_space<semaphore_mem>>) src(%dma_wait3A_51 : memref<128xi32, #tpu.memory_space<hbm>>) dst(%arg6 : memref<128xi32, #tpu.memory_space<vmem>>)
    %add3A_52 = arith.constant 320000 : i32
    %add3A_53 = arith.addi %add3A_52, %mul3A_49 : i32
    %dma_wait3A_54 = tpu.memref_slice %arg3[%add3A_53] : memref<640000xi32, #tpu.memory_space<hbm>> -> memref<128xi32, #tpu.memory_space<hbm>>
    %dma_wait3A_55 = tpu.memref_slice %arg3[%add3A_53] : memref<640000xi32, #tpu.memory_space<hbm>> -> memref<128xi32, #tpu.memory_space<hbm>>
    tpu.wait_dma2 semaphore(%arg18 : memref<!tpu.dma_semaphore, #tpu.memory_space<semaphore_mem>>) src(%dma_wait3A_55 : memref<128xi32, #tpu.memory_space<hbm>>) dst(%arg10 : memref<128xi32, #tpu.memory_space<vmem>>)
    %dma_start3A_56 = arith.constant 0 : i32
    %dma_start3A_57 = arith.constant 0 : i32
    %dma_start3A_58 = tpu.memref_slice %arg2[%dma_start3A_56, %dma_start3A_57] : memref<10000x128xf32, #tpu.memory_space<hbm>> -> memref<10000x128xf32, #tpu.memory_space<hbm>>
    tpu.enqueue_indirect_dma source(%dma_start3A_58 : memref<10000x128xf32, #tpu.memory_space<hbm>>) target(%arg14 : memref<128x128xf32, #tpu.memory_space<vmem>>) offsets(%arg6 : memref<128xi32, #tpu.memory_space<vmem>>) semaphore(%arg22 : memref<!tpu.dma_semaphore, #tpu.memory_space<semaphore_mem>>)
    %add3A_59 = arith.constant 2 : i32
    %add3A_60 = arith.addi %mul3A_4, %add3A_59 : i32
    %mul3A_61 = arith.constant 128 : i32
    %mul3A_62 = arith.muli %add3A_60, %mul3A_61 : i32
    %dma_start3A_63 = tpu.memref_slice %arg3[%mul3A_62] : memref<640000xi32, #tpu.memory_space<hbm>> -> memref<128xi32, #tpu.memory_space<hbm>>
    %dma_start3A_64 = tpu.memref_slice %arg3[%mul3A_62] : memref<640000xi32, #tpu.memory_space<hbm>> -> memref<128xi32, #tpu.memory_space<hbm>>
    tpu.enqueue_dma source(%dma_start3A_64 : memref<128xi32, #tpu.memory_space<hbm>>) target(%arg7 : memref<128xi32, #tpu.memory_space<vmem>>) target_semaphore(%arg19 : memref<!tpu.dma_semaphore, #tpu.memory_space<semaphore_mem>>)
    %add3A_65 = arith.constant 320000 : i32
    %add3A_66 = arith.addi %add3A_65, %mul3A_62 : i32
    %dma_start3A_67 = tpu.memref_slice %arg3[%add3A_66] : memref<640000xi32, #tpu.memory_space<hbm>> -> memref<128xi32, #tpu.memory_space<hbm>>
    %dma_start3A_68 = tpu.memref_slice %arg3[%add3A_66] : memref<640000xi32, #tpu.memory_space<hbm>> -> memref<128xi32, #tpu.memory_space<hbm>>
    tpu.enqueue_dma source(%dma_start3A_68 : memref<128xi32, #tpu.memory_space<hbm>>) target(%arg11 : memref<128xi32, #tpu.memory_space<vmem>>) target_semaphore(%arg19 : memref<!tpu.dma_semaphore, #tpu.memory_space<semaphore_mem>>)
    %dma_wait3A_69 = arith.constant 0 : i32
    %dma_wait3A_70 = arith.constant 0 : i32
    %dma_wait3A_71 = tpu.memref_slice %arg2[%dma_wait3A_69, %dma_wait3A_70] : memref<10000x128xf32, #tpu.memory_space<hbm>> -> memref<10000x128xf32, #tpu.memory_space<hbm>>
    tpu.wait_indirect_dma semaphore(%arg21 : memref<!tpu.dma_semaphore, #tpu.memory_space<semaphore_mem>>) src(%dma_wait3A_71 : memref<10000x128xf32, #tpu.memory_space<hbm>>) dst(%arg13 : memref<128x128xf32, #tpu.memory_space<vmem>>)
    %dma_start3A_72 = arith.constant 0 : i32
    %dma_start3A_73 = arith.constant 0 : i32
    %dma_start3A_74 = tpu.memref_slice %arg16[%dma_start3A_72, %dma_start3A_73] : memref<10000x128xf32, #tpu.memory_space<vmem_shared>> -> memref<10000x128xf32, #tpu.memory_space<vmem_shared>>
    tpu.enqueue_indirect_dma source(%arg13 : memref<128x128xf32, #tpu.memory_space<vmem>>) target(%dma_start3A_74 : memref<10000x128xf32, #tpu.memory_space<vmem_shared>>) offsets(%arg9 : memref<128xi32, #tpu.memory_space<vmem>>) semaphore(%arg24 : memref<!tpu.dma_semaphore, #tpu.memory_space<semaphore_mem>>) {add = true}
    %add3A_75 = arith.constant 2 : i32
    %add3A_76 = arith.addi %mul3A_4, %add3A_75 : i32
    %mul3A_77 = arith.constant 128 : i32
    %mul3A_78 = arith.muli %add3A_76, %mul3A_77 : i32
    %dma_wait3A_79 = tpu.memref_slice %arg3[%mul3A_78] : memref<640000xi32, #tpu.memory_space<hbm>> -> memref<128xi32, #tpu.memory_space<hbm>>
    %dma_wait3A_80 = tpu.memref_slice %arg3[%mul3A_78] : memref<640000xi32, #tpu.memory_space<hbm>> -> memref<128xi32, #tpu.memory_space<hbm>>
    tpu.wait_dma2 semaphore(%arg19 : memref<!tpu.dma_semaphore, #tpu.memory_space<semaphore_mem>>) src(%dma_wait3A_80 : memref<128xi32, #tpu.memory_space<hbm>>) dst(%arg7 : memref<128xi32, #tpu.memory_space<vmem>>)
    %add3A_81 = arith.constant 320000 : i32
    %add3A_82 = arith.addi %add3A_81, %mul3A_78 : i32
    %dma_wait3A_83 = tpu.memref_slice %arg3[%add3A_82] : memref<640000xi32, #tpu.memory_space<hbm>> -> memref<128xi32, #tpu.memory_space<hbm>>
    %dma_wait3A_84 = tpu.memref_slice %arg3[%add3A_82] : memref<640000xi32, #tpu.memory_space<hbm>> -> memref<128xi32, #tpu.memory_space<hbm>>
    tpu.wait_dma2 semaphore(%arg19 : memref<!tpu.dma_semaphore, #tpu.memory_space<semaphore_mem>>) src(%dma_wait3A_84 : memref<128xi32, #tpu.memory_space<hbm>>) dst(%arg11 : memref<128xi32, #tpu.memory_space<vmem>>)
    %dma_start3A_85 = arith.constant 0 : i32
    %dma_start3A_86 = arith.constant 0 : i32
    %dma_start3A_87 = tpu.memref_slice %arg2[%dma_start3A_85, %dma_start3A_86] : memref<10000x128xf32, #tpu.memory_space<hbm>> -> memref<10000x128xf32, #tpu.memory_space<hbm>>
    tpu.enqueue_indirect_dma source(%dma_start3A_87 : memref<10000x128xf32, #tpu.memory_space<hbm>>) target(%arg15 : memref<128x128xf32, #tpu.memory_space<vmem>>) offsets(%arg7 : memref<128xi32, #tpu.memory_space<vmem>>) semaphore(%arg23 : memref<!tpu.dma_semaphore, #tpu.memory_space<semaphore_mem>>)
    %add3A_88 = arith.constant 3 : i32
    %add3A_89 = arith.addi %mul3A_4, %add3A_88 : i32
    %mul3A_90 = arith.constant 128 : i32
    %mul3A_91 = arith.muli %add3A_89, %mul3A_90 : i32
    %dma_start3A_92 = tpu.memref_slice %arg3[%mul3A_91] : memref<640000xi32, #tpu.memory_space<hbm>> -> memref<128xi32, #tpu.memory_space<hbm>>
    %dma_start3A_93 = tpu.memref_slice %arg3[%mul3A_91] : memref<640000xi32, #tpu.memory_space<hbm>> -> memref<128xi32, #tpu.memory_space<hbm>>
    tpu.enqueue_dma source(%dma_start3A_93 : memref<128xi32, #tpu.memory_space<hbm>>) target(%arg8 : memref<128xi32, #tpu.memory_space<vmem>>) target_semaphore(%arg20 : memref<!tpu.dma_semaphore, #tpu.memory_space<semaphore_mem>>)
    %add3A_94 = arith.constant 320000 : i32
    %add3A_95 = arith.addi %add3A_94, %mul3A_91 : i32
    %dma_start3A_96 = tpu.memref_slice %arg3[%add3A_95] : memref<640000xi32, #tpu.memory_space<hbm>> -> memref<128xi32, #tpu.memory_space<hbm>>
    %dma_start3A_97 = tpu.memref_slice %arg3[%add3A_95] : memref<640000xi32, #tpu.memory_space<hbm>> -> memref<128xi32, #tpu.memory_space<hbm>>
    tpu.enqueue_dma source(%dma_start3A_97 : memref<128xi32, #tpu.memory_space<hbm>>) target(%arg12 : memref<128xi32, #tpu.memory_space<vmem>>) target_semaphore(%arg20 : memref<!tpu.dma_semaphore, #tpu.memory_space<semaphore_mem>>)
    %dma_wait3A_98 = arith.constant 0 : i32
    %dma_wait3A_99 = arith.constant 0 : i32
    %dma_wait3A_100 = tpu.memref_slice %arg2[%dma_wait3A_98, %dma_wait3A_99] : memref<10000x128xf32, #tpu.memory_space<hbm>> -> memref<10000x128xf32, #tpu.memory_space<hbm>>
    tpu.wait_indirect_dma semaphore(%arg22 : memref<!tpu.dma_semaphore, #tpu.memory_space<semaphore_mem>>) src(%dma_wait3A_100 : memref<10000x128xf32, #tpu.memory_space<hbm>>) dst(%arg14 : memref<128x128xf32, #tpu.memory_space<vmem>>)
    %dma_start3A_101 = arith.constant 0 : i32
    %dma_start3A_102 = arith.constant 0 : i32
    %dma_start3A_103 = tpu.memref_slice %arg16[%dma_start3A_101, %dma_start3A_102] : memref<10000x128xf32, #tpu.memory_space<vmem_shared>> -> memref<10000x128xf32, #tpu.memory_space<vmem_shared>>
    tpu.enqueue_indirect_dma source(%arg14 : memref<128x128xf32, #tpu.memory_space<vmem>>) target(%dma_start3A_103 : memref<10000x128xf32, #tpu.memory_space<vmem_shared>>) offsets(%arg10 : memref<128xi32, #tpu.memory_space<vmem>>) semaphore(%arg25 : memref<!tpu.dma_semaphore, #tpu.memory_space<semaphore_mem>>) {add = true}
    %scan3A_104 = arith.constant 0 : i32
    %scan3A_105 = arith.constant 6 : i32
    %scan3A_106 = arith.addi %scan3A_104, %scan3A_105 : i32
    %scan3A_107 = arith.constant 1 : i32
    scf.for %scan3A_272 = %scan3A_104 to %scan3A_106 step %scan3A_107  : i32 {
      %mul3A_273 = arith.constant 12 : i32
      %mul3A_274 = arith.muli %scan3A_272, %mul3A_273 : i32
      %add3A_275 = arith.constant 2 : i32
      %add3A_276 = arith.addi %add3A_275, %mul3A_274 : i32
      %add3A_277 = arith.constant 0 : i32
      %add3A_278 = arith.addi %add3A_276, %add3A_277 : i32
      %dma_wait3A_279 = arith.constant 0 : i32
      %dma_wait3A_280 = arith.constant 0 : i32
      %dma_wait3A_281 = tpu.memref_slice %arg16[%dma_wait3A_279, %dma_wait3A_280] : memref<10000x128xf32, #tpu.memory_space<vmem_shared>> -> memref<10000x128xf32, #tpu.memory_space<vmem_shared>>
      tpu.wait_indirect_dma semaphore(%arg24 : memref<!tpu.dma_semaphore, #tpu.memory_space<semaphore_mem>>) src(%arg13 : memref<128x128xf32, #tpu.memory_space<vmem>>) dst(%dma_wait3A_281 : memref<10000x128xf32, #tpu.memory_space<vmem_shared>>)
      %add3A_282 = arith.constant 1 : i32
      %add3A_283 = arith.addi %add3A_278, %add3A_282 : i32
      %add3A_284 = arith.addi %mul3A_4, %add3A_283 : i32
      %mul3A_285 = arith.constant 128 : i32
      %mul3A_286 = arith.muli %add3A_284, %mul3A_285 : i32
      %dma_wait3A_287 = tpu.memref_slice %arg3[%mul3A_286] : memref<640000xi32, #tpu.memory_space<hbm>> -> memref<128xi32, #tpu.memory_space<hbm>>
      %dma_wait3A_288 = tpu.memref_slice %arg3[%mul3A_286] : memref<640000xi32, #tpu.memory_space<hbm>> -> memref<128xi32, #tpu.memory_space<hbm>>
      tpu.wait_dma2 semaphore(%arg20 : memref<!tpu.dma_semaphore, #tpu.memory_space<semaphore_mem>>) src(%dma_wait3A_288 : memref<128xi32, #tpu.memory_space<hbm>>) dst(%arg8 : memref<128xi32, #tpu.memory_space<vmem>>)
      %add3A_289 = arith.constant 320000 : i32
      %add3A_290 = arith.addi %add3A_289, %mul3A_286 : i32
      %dma_wait3A_291 = tpu.memref_slice %arg3[%add3A_290] : memref<640000xi32, #tpu.memory_space<hbm>> -> memref<128xi32, #tpu.memory_space<hbm>>
      %dma_wait3A_292 = tpu.memref_slice %arg3[%add3A_290] : memref<640000xi32, #tpu.memory_space<hbm>> -> memref<128xi32, #tpu.memory_space<hbm>>
      tpu.wait_dma2 semaphore(%arg20 : memref<!tpu.dma_semaphore, #tpu.memory_space<semaphore_mem>>) src(%dma_wait3A_292 : memref<128xi32, #tpu.memory_space<hbm>>) dst(%arg12 : memref<128xi32, #tpu.memory_space<vmem>>)
      %dma_start3A_293 = arith.constant 0 : i32
      %dma_start3A_294 = arith.constant 0 : i32
      %dma_start3A_295 = tpu.memref_slice %arg2[%dma_start3A_293, %dma_start3A_294] : memref<10000x128xf32, #tpu.memory_space<hbm>> -> memref<10000x128xf32, #tpu.memory_space<hbm>>
      tpu.enqueue_indirect_dma source(%dma_start3A_295 : memref<10000x128xf32, #tpu.memory_space<hbm>>) target(%arg13 : memref<128x128xf32, #tpu.memory_space<vmem>>) offsets(%arg8 : memref<128xi32, #tpu.memory_space<vmem>>) semaphore(%arg21 : memref<!tpu.dma_semaphore, #tpu.memory_space<semaphore_mem>>)
      %add3A_296 = arith.constant 2 : i32
      %add3A_297 = arith.addi %add3A_278, %add3A_296 : i32
      %add3A_298 = arith.addi %mul3A_4, %add3A_297 : i32
      %mul3A_299 = arith.constant 128 : i32
      %mul3A_300 = arith.muli %add3A_298, %mul3A_299 : i32
      %dma_start3A_301 = tpu.memref_slice %arg3[%mul3A_300] : memref<640000xi32, #tpu.memory_space<hbm>> -> memref<128xi32, #tpu.memory_space<hbm>>
      %dma_start3A_302 = tpu.memref_slice %arg3[%mul3A_300] : memref<640000xi32, #tpu.memory_space<hbm>> -> memref<128xi32, #tpu.memory_space<hbm>>
      tpu.enqueue_dma source(%dma_start3A_302 : memref<128xi32, #tpu.memory_space<hbm>>) target(%arg5 : memref<128xi32, #tpu.memory_space<vmem>>) target_semaphore(%arg17 : memref<!tpu.dma_semaphore, #tpu.memory_space<semaphore_mem>>)
      %add3A_303 = arith.constant 320000 : i32
      %add3A_304 = arith.addi %add3A_303, %mul3A_300 : i32
      %dma_start3A_305 = tpu.memref_slice %arg3[%add3A_304] : memref<640000xi32, #tpu.memory_space<hbm>> -> memref<128xi32, #tpu.memory_space<hbm>>
      %dma_start3A_306 = tpu.memref_slice %arg3[%add3A_304] : memref<640000xi32, #tpu.memory_space<hbm>> -> memref<128xi32, #tpu.memory_space<hbm>>
      tpu.enqueue_dma source(%dma_start3A_306 : memref<128xi32, #tpu.memory_space<hbm>>) target(%arg9 : memref<128xi32, #tpu.memory_space<vmem>>) target_semaphore(%arg17 : memref<!tpu.dma_semaphore, #tpu.memory_space<semaphore_mem>>)
      %dma_wait3A_307 = arith.constant 0 : i32
      %dma_wait3A_308 = arith.constant 0 : i32
      %dma_wait3A_309 = tpu.memref_slice %arg2[%dma_wait3A_307, %dma_wait3A_308] : memref<10000x128xf32, #tpu.memory_space<hbm>> -> memref<10000x128xf32, #tpu.memory_space<hbm>>
      tpu.wait_indirect_dma semaphore(%arg23 : memref<!tpu.dma_semaphore, #tpu.memory_space<semaphore_mem>>) src(%dma_wait3A_309 : memref<10000x128xf32, #tpu.memory_space<hbm>>) dst(%arg15 : memref<128x128xf32, #tpu.memory_space<vmem>>)
      %dma_start3A_310 = arith.constant 0 : i32
      %dma_start3A_311 = arith.constant 0 : i32
      %dma_start3A_312 = tpu.memref_slice %arg16[%dma_start3A_310, %dma_start3A_311] : memref<10000x128xf32, #tpu.memory_space<vmem_shared>> -> memref<10000x128xf32, #tpu.memory_space<vmem_shared>>
      tpu.enqueue_indirect_dma source(%arg15 : memref<128x128xf32, #tpu.memory_space<vmem>>) target(%dma_start3A_312 : memref<10000x128xf32, #tpu.memory_space<vmem_shared>>) offsets(%arg11 : memref<128xi32, #tpu.memory_space<vmem>>) semaphore(%arg26 : memref<!tpu.dma_semaphore, #tpu.memory_space<semaphore_mem>>) {add = true}
      %add3A_313 = arith.constant 1 : i32
      %add3A_314 = arith.addi %add3A_276, %add3A_313 : i32
      %dma_wait3A_315 = arith.constant 0 : i32
      %dma_wait3A_316 = arith.constant 0 : i32
      %dma_wait3A_317 = tpu.memref_slice %arg16[%dma_wait3A_315, %dma_wait3A_316] : memref<10000x128xf32, #tpu.memory_space<vmem_shared>> -> memref<10000x128xf32, #tpu.memory_space<vmem_shared>>
      tpu.wait_indirect_dma semaphore(%arg25 : memref<!tpu.dma_semaphore, #tpu.memory_space<semaphore_mem>>) src(%arg14 : memref<128x128xf32, #tpu.memory_space<vmem>>) dst(%dma_wait3A_317 : memref<10000x128xf32, #tpu.memory_space<vmem_shared>>)
      %add3A_318 = arith.constant 1 : i32
      %add3A_319 = arith.addi %add3A_314, %add3A_318 : i32
      %add3A_320 = arith.addi %mul3A_4, %add3A_319 : i32
      %mul3A_321 = arith.constant 128 : i32
      %mul3A_322 = arith.muli %add3A_320, %mul3A_321 : i32
      %dma_wait3A_323 = tpu.memref_slice %arg3[%mul3A_322] : memref<640000xi32, #tpu.memory_space<hbm>> -> memref<128xi32, #tpu.memory_space<hbm>>
      %dma_wait3A_324 = tpu.memref_slice %arg3[%mul3A_322] : memref<640000xi32, #tpu.memory_space<hbm>> -> memref<128xi32, #tpu.memory_space<hbm>>
      tpu.wait_dma2 semaphore(%arg17 : memref<!tpu.dma_semaphore, #tpu.memory_space<semaphore_mem>>) src(%dma_wait3A_324 : memref<128xi32, #tpu.memory_space<hbm>>) dst(%arg5 : memref<128xi32, #tpu.memory_space<vmem>>)
      %add3A_325 = arith.constant 320000 : i32
      %add3A_326 = arith.addi %add3A_325, %mul3A_322 : i32
      %dma_wait3A_327 = tpu.memref_slice %arg3[%add3A_326] : memref<640000xi32, #tpu.memory_space<hbm>> -> memref<128xi32, #tpu.memory_space<hbm>>
      %dma_wait3A_328 = tpu.memref_slice %arg3[%add3A_326] : memref<640000xi32, #tpu.memory_space<hbm>> -> memref<128xi32, #tpu.memory_space<hbm>>
      tpu.wait_dma2 semaphore(%arg17 : memref<!tpu.dma_semaphore, #tpu.memory_space<semaphore_mem>>) src(%dma_wait3A_328 : memref<128xi32, #tpu.memory_space<hbm>>) dst(%arg9 : memref<128xi32, #tpu.memory_space<vmem>>)
      %dma_start3A_329 = arith.constant 0 : i32
      %dma_start3A_330 = arith.constant 0 : i32
      %dma_start3A_331 = tpu.memref_slice %arg2[%dma_start3A_329, %dma_start3A_330] : memref<10000x128xf32, #tpu.memory_space<hbm>> -> memref<10000x128xf32, #tpu.memory_space<hbm>>
      tpu.enqueue_indirect_dma source(%dma_start3A_331 : memref<10000x128xf32, #tpu.memory_space<hbm>>) target(%arg14 : memref<128x128xf32, #tpu.memory_space<vmem>>) offsets(%arg5 : memref<128xi32, #tpu.memory_space<vmem>>) semaphore(%arg22 : memref<!tpu.dma_semaphore, #tpu.memory_space<semaphore_mem>>)
      %add3A_332 = arith.constant 2 : i32
      %add3A_333 = arith.addi %add3A_314, %add3A_332 : i32
      %add3A_334 = arith.addi %mul3A_4, %add3A_333 : i32
      %mul3A_335 = arith.constant 128 : i32
      %mul3A_336 = arith.muli %add3A_334, %mul3A_335 : i32
      %dma_start3A_337 = tpu.memref_slice %arg3[%mul3A_336] : memref<640000xi32, #tpu.memory_space<hbm>> -> memref<128xi32, #tpu.memory_space<hbm>>
      %dma_start3A_338 = tpu.memref_slice %arg3[%mul3A_336] : memref<640000xi32, #tpu.memory_space<hbm>> -> memref<128xi32, #tpu.memory_space<hbm>>
      tpu.enqueue_dma source(%dma_start3A_338 : memref<128xi32, #tpu.memory_space<hbm>>) target(%arg6 : memref<128xi32, #tpu.memory_space<vmem>>) target_semaphore(%arg18 : memref<!tpu.dma_semaphore, #tpu.memory_space<semaphore_mem>>)
      %add3A_339 = arith.constant 320000 : i32
      %add3A_340 = arith.addi %add3A_339, %mul3A_336 : i32
      %dma_start3A_341 = tpu.memref_slice %arg3[%add3A_340] : memref<640000xi32, #tpu.memory_space<hbm>> -> memref<128xi32, #tpu.memory_space<hbm>>
      %dma_start3A_342 = tpu.memref_slice %arg3[%add3A_340] : memref<640000xi32, #tpu.memory_space<hbm>> -> memref<128xi32, #tpu.memory_space<hbm>>
      tpu.enqueue_dma source(%dma_start3A_342 : memref<128xi32, #tpu.memory_space<hbm>>) target(%arg10 : memref<128xi32, #tpu.memory_space<vmem>>) target_semaphore(%arg18 : memref<!tpu.dma_semaphore, #tpu.memory_space<semaphore_mem>>)
      %dma_wait3A_343 = arith.constant 0 : i32
      %dma_wait3A_344 = arith.constant 0 : i32
      %dma_wait3A_345 = tpu.memref_slice %arg2[%dma_wait3A_343, %dma_wait3A_344] : memref<10000x128xf32, #tpu.memory_space<hbm>> -> memref<10000x128xf32, #tpu.memory_space<hbm>>
      tpu.wait_indirect_dma semaphore(%arg21 : memref<!tpu.dma_semaphore, #tpu.memory_space<semaphore_mem>>) src(%dma_wait3A_345 : memref<10000x128xf32, #tpu.memory_space<hbm>>) dst(%arg13 : memref<128x128xf32, #tpu.memory_space<vmem>>)
      %dma_start3A_346 = arith.constant 0 : i32
      %dma_start3A_347 = arith.constant 0 : i32
      %dma_start3A_348 = tpu.memref_slice %arg16[%dma_start3A_346, %dma_start3A_347] : memref<10000x128xf32, #tpu.memory_space<vmem_shared>> -> memref<10000x128xf32, #tpu.memory_space<vmem_shared>>
      tpu.enqueue_indirect_dma source(%arg13 : memref<128x128xf32, #tpu.memory_space<vmem>>) target(%dma_start3A_348 : memref<10000x128xf32, #tpu.memory_space<vmem_shared>>) offsets(%arg12 : memref<128xi32, #tpu.memory_space<vmem>>) semaphore(%arg24 : memref<!tpu.dma_semaphore, #tpu.memory_space<semaphore_mem>>) {add = true}
      %add3A_349 = arith.constant 2 : i32
      %add3A_350 = arith.addi %add3A_276, %add3A_349 : i32
      %dma_wait3A_351 = arith.constant 0 : i32
      %dma_wait3A_352 = arith.constant 0 : i32
      %dma_wait3A_353 = tpu.memref_slice %arg16[%dma_wait3A_351, %dma_wait3A_352] : memref<10000x128xf32, #tpu.memory_space<vmem_shared>> -> memref<10000x128xf32, #tpu.memory_space<vmem_shared>>
      tpu.wait_indirect_dma semaphore(%arg26 : memref<!tpu.dma_semaphore, #tpu.memory_space<semaphore_mem>>) src(%arg15 : memref<128x128xf32, #tpu.memory_space<vmem>>) dst(%dma_wait3A_353 : memref<10000x128xf32, #tpu.memory_space<vmem_shared>>)
      %add3A_354 = arith.constant 1 : i32
      %add3A_355 = arith.addi %add3A_350, %add3A_354 : i32
      %add3A_356 = arith.addi %mul3A_4, %add3A_355 : i32
      %mul3A_357 = arith.constant 128 : i32
      %mul3A_358 = arith.muli %add3A_356, %mul3A_357 : i32
      %dma_wait3A_359 = tpu.memref_slice %arg3[%mul3A_358] : memref<640000xi32, #tpu.memory_space<hbm>> -> memref<128xi32, #tpu.memory_space<hbm>>
      %dma_wait3A_360 = tpu.memref_slice %arg3[%mul3A_358] : memref<640000xi32, #tpu.memory_space<hbm>> -> memref<128xi32, #tpu.memory_space<hbm>>
      tpu.wait_dma2 semaphore(%arg18 : memref<!tpu.dma_semaphore, #tpu.memory_space<semaphore_mem>>) src(%dma_wait3A_360 : memref<128xi32, #tpu.memory_space<hbm>>) dst(%arg6 : memref<128xi32, #tpu.memory_space<vmem>>)
      %add3A_361 = arith.constant 320000 : i32
      %add3A_362 = arith.addi %add3A_361, %mul3A_358 : i32
      %dma_wait3A_363 = tpu.memref_slice %arg3[%add3A_362] : memref<640000xi32, #tpu.memory_space<hbm>> -> memref<128xi32, #tpu.memory_space<hbm>>
      %dma_wait3A_364 = tpu.memref_slice %arg3[%add3A_362] : memref<640000xi32, #tpu.memory_space<hbm>> -> memref<128xi32, #tpu.memory_space<hbm>>
      tpu.wait_dma2 semaphore(%arg18 : memref<!tpu.dma_semaphore, #tpu.memory_space<semaphore_mem>>) src(%dma_wait3A_364 : memref<128xi32, #tpu.memory_space<hbm>>) dst(%arg10 : memref<128xi32, #tpu.memory_space<vmem>>)
      %dma_start3A_365 = arith.constant 0 : i32
      %dma_start3A_366 = arith.constant 0 : i32
      %dma_start3A_367 = tpu.memref_slice %arg2[%dma_start3A_365, %dma_start3A_366] : memref<10000x128xf32, #tpu.memory_space<hbm>> -> memref<10000x128xf32, #tpu.memory_space<hbm>>
      tpu.enqueue_indirect_dma source(%dma_start3A_367 : memref<10000x128xf32, #tpu.memory_space<hbm>>) target(%arg15 : memref<128x128xf32, #tpu.memory_space<vmem>>) offsets(%arg6 : memref<128xi32, #tpu.memory_space<vmem>>) semaphore(%arg23 : memref<!tpu.dma_semaphore, #tpu.memory_space<semaphore_mem>>)
      %add3A_368 = arith.constant 2 : i32
      %add3A_369 = arith.addi %add3A_350, %add3A_368 : i32
      %add3A_370 = arith.addi %mul3A_4, %add3A_369 : i32
      %mul3A_371 = arith.constant 128 : i32
      %mul3A_372 = arith.muli %add3A_370, %mul3A_371 : i32
      %dma_start3A_373 = tpu.memref_slice %arg3[%mul3A_372] : memref<640000xi32, #tpu.memory_space<hbm>> -> memref<128xi32, #tpu.memory_space<hbm>>
      %dma_start3A_374 = tpu.memref_slice %arg3[%mul3A_372] : memref<640000xi32, #tpu.memory_space<hbm>> -> memref<128xi32, #tpu.memory_space<hbm>>
      tpu.enqueue_dma source(%dma_start3A_374 : memref<128xi32, #tpu.memory_space<hbm>>) target(%arg7 : memref<128xi32, #tpu.memory_space<vmem>>) target_semaphore(%arg19 : memref<!tpu.dma_semaphore, #tpu.memory_space<semaphore_mem>>)
      %add3A_375 = arith.constant 320000 : i32
      %add3A_376 = arith.addi %add3A_375, %mul3A_372 : i32
      %dma_start3A_377 = tpu.memref_slice %arg3[%add3A_376] : memref<640000xi32, #tpu.memory_space<hbm>> -> memref<128xi32, #tpu.memory_space<hbm>>
      %dma_start3A_378 = tpu.memref_slice %arg3[%add3A_376] : memref<640000xi32, #tpu.memory_space<hbm>> -> memref<128xi32, #tpu.memory_space<hbm>>
      tpu.enqueue_dma source(%dma_start3A_378 : memref<128xi32, #tpu.memory_space<hbm>>) target(%arg11 : memref<128xi32, #tpu.memory_space<vmem>>) target_semaphore(%arg19 : memref<!tpu.dma_semaphore, #tpu.memory_space<semaphore_mem>>)
      %dma_wait3A_379 = arith.constant 0 : i32
      %dma_wait3A_380 = arith.constant 0 : i32
      %dma_wait3A_381 = tpu.memref_slice %arg2[%dma_wait3A_379, %dma_wait3A_380] : memref<10000x128xf32, #tpu.memory_space<hbm>> -> memref<10000x128xf32, #tpu.memory_space<hbm>>
      tpu.wait_indirect_dma semaphore(%arg22 : memref<!tpu.dma_semaphore, #tpu.memory_space<semaphore_mem>>) src(%dma_wait3A_381 : memref<10000x128xf32, #tpu.memory_space<hbm>>) dst(%arg14 : memref<128x128xf32, #tpu.memory_space<vmem>>)
      %dma_start3A_382 = arith.constant 0 : i32
      %dma_start3A_383 = arith.constant 0 : i32
      %dma_start3A_384 = tpu.memref_slice %arg16[%dma_start3A_382, %dma_start3A_383] : memref<10000x128xf32, #tpu.memory_space<vmem_shared>> -> memref<10000x128xf32, #tpu.memory_space<vmem_shared>>
      tpu.enqueue_indirect_dma source(%arg14 : memref<128x128xf32, #tpu.memory_space<vmem>>) target(%dma_start3A_384 : memref<10000x128xf32, #tpu.memory_space<vmem_shared>>) offsets(%arg9 : memref<128xi32, #tpu.memory_space<vmem>>) semaphore(%arg25 : memref<!tpu.dma_semaphore, #tpu.memory_space<semaphore_mem>>) {add = true}
      %add3A_385 = arith.constant 3 : i32
      %add3A_386 = arith.addi %add3A_276, %add3A_385 : i32
      %dma_wait3A_387 = arith.constant 0 : i32
      %dma_wait3A_388 = arith.constant 0 : i32
      %dma_wait3A_389 = tpu.memref_slice %arg16[%dma_wait3A_387, %dma_wait3A_388] : memref<10000x128xf32, #tpu.memory_space<vmem_shared>> -> memref<10000x128xf32, #tpu.memory_space<vmem_shared>>
      tpu.wait_indirect_dma semaphore(%arg24 : memref<!tpu.dma_semaphore, #tpu.memory_space<semaphore_mem>>) src(%arg13 : memref<128x128xf32, #tpu.memory_space<vmem>>) dst(%dma_wait3A_389 : memref<10000x128xf32, #tpu.memory_space<vmem_shared>>)
      %add3A_390 = arith.constant 1 : i32
      %add3A_391 = arith.addi %add3A_386, %add3A_390 : i32
      %add3A_392 = arith.addi %mul3A_4, %add3A_391 : i32
      %mul3A_393 = arith.constant 128 : i32
      %mul3A_394 = arith.muli %add3A_392, %mul3A_393 : i32
      %dma_wait3A_395 = tpu.memref_slice %arg3[%mul3A_394] : memref<640000xi32, #tpu.memory_space<hbm>> -> memref<128xi32, #tpu.memory_space<hbm>>
      %dma_wait3A_396 = tpu.memref_slice %arg3[%mul3A_394] : memref<640000xi32, #tpu.memory_space<hbm>> -> memref<128xi32, #tpu.memory_space<hbm>>
      tpu.wait_dma2 semaphore(%arg19 : memref<!tpu.dma_semaphore, #tpu.memory_space<semaphore_mem>>) src(%dma_wait3A_396 : memref<128xi32, #tpu.memory_space<hbm>>) dst(%arg7 : memref<128xi32, #tpu.memory_space<vmem>>)
      %add3A_397 = arith.constant 320000 : i32
      %add3A_398 = arith.addi %add3A_397, %mul3A_394 : i32
      %dma_wait3A_399 = tpu.memref_slice %arg3[%add3A_398] : memref<640000xi32, #tpu.memory_space<hbm>> -> memref<128xi32, #tpu.memory_space<hbm>>
      %dma_wait3A_400 = tpu.memref_slice %arg3[%add3A_398] : memref<640000xi32, #tpu.memory_space<hbm>> -> memref<128xi32, #tpu.memory_space<hbm>>
      tpu.wait_dma2 semaphore(%arg19 : memref<!tpu.dma_semaphore, #tpu.memory_space<semaphore_mem>>) src(%dma_wait3A_400 : memref<128xi32, #tpu.memory_space<hbm>>) dst(%arg11 : memref<128xi32, #tpu.memory_space<vmem>>)
      %dma_start3A_401 = arith.constant 0 : i32
      %dma_start3A_402 = arith.constant 0 : i32
      %dma_start3A_403 = tpu.memref_slice %arg2[%dma_start3A_401, %dma_start3A_402] : memref<10000x128xf32, #tpu.memory_space<hbm>> -> memref<10000x128xf32, #tpu.memory_space<hbm>>
      tpu.enqueue_indirect_dma source(%dma_start3A_403 : memref<10000x128xf32, #tpu.memory_space<hbm>>) target(%arg13 : memref<128x128xf32, #tpu.memory_space<vmem>>) offsets(%arg7 : memref<128xi32, #tpu.memory_space<vmem>>) semaphore(%arg21 : memref<!tpu.dma_semaphore, #tpu.memory_space<semaphore_mem>>)
      %add3A_404 = arith.constant 2 : i32
      %add3A_405 = arith.addi %add3A_386, %add3A_404 : i32
      %add3A_406 = arith.addi %mul3A_4, %add3A_405 : i32
      %mul3A_407 = arith.constant 128 : i32
      %mul3A_408 = arith.muli %add3A_406, %mul3A_407 : i32
      %dma_start3A_409 = tpu.memref_slice %arg3[%mul3A_408] : memref<640000xi32, #tpu.memory_space<hbm>> -> memref<128xi32, #tpu.memory_space<hbm>>
      %dma_start3A_410 = tpu.memref_slice %arg3[%mul3A_408] : memref<640000xi32, #tpu.memory_space<hbm>> -> memref<128xi32, #tpu.memory_space<hbm>>
      tpu.enqueue_dma source(%dma_start3A_410 : memref<128xi32, #tpu.memory_space<hbm>>) target(%arg8 : memref<128xi32, #tpu.memory_space<vmem>>) target_semaphore(%arg20 : memref<!tpu.dma_semaphore, #tpu.memory_space<semaphore_mem>>)
      %add3A_411 = arith.constant 320000 : i32
      %add3A_412 = arith.addi %add3A_411, %mul3A_408 : i32
      %dma_start3A_413 = tpu.memref_slice %arg3[%add3A_412] : memref<640000xi32, #tpu.memory_space<hbm>> -> memref<128xi32, #tpu.memory_space<hbm>>
      %dma_start3A_414 = tpu.memref_slice %arg3[%add3A_412] : memref<640000xi32, #tpu.memory_space<hbm>> -> memref<128xi32, #tpu.memory_space<hbm>>
      tpu.enqueue_dma source(%dma_start3A_414 : memref<128xi32, #tpu.memory_space<hbm>>) target(%arg12 : memref<128xi32, #tpu.memory_space<vmem>>) target_semaphore(%arg20 : memref<!tpu.dma_semaphore, #tpu.memory_space<semaphore_mem>>)
      %dma_wait3A_415 = arith.constant 0 : i32
      %dma_wait3A_416 = arith.constant 0 : i32
      %dma_wait3A_417 = tpu.memref_slice %arg2[%dma_wait3A_415, %dma_wait3A_416] : memref<10000x128xf32, #tpu.memory_space<hbm>> -> memref<10000x128xf32, #tpu.memory_space<hbm>>
      tpu.wait_indirect_dma semaphore(%arg23 : memref<!tpu.dma_semaphore, #tpu.memory_space<semaphore_mem>>) src(%dma_wait3A_417 : memref<10000x128xf32, #tpu.memory_space<hbm>>) dst(%arg15 : memref<128x128xf32, #tpu.memory_space<vmem>>)
      %dma_start3A_418 = arith.constant 0 : i32
      %dma_start3A_419 = arith.constant 0 : i32
      %dma_start3A_420 = tpu.memref_slice %arg16[%dma_start3A_418, %dma_start3A_419] : memref<10000x128xf32, #tpu.memory_space<vmem_shared>> -> memref<10000x128xf32, #tpu.memory_space<vmem_shared>>
      tpu.enqueue_indirect_dma source(%arg15 : memref<128x128xf32, #tpu.memory_space<vmem>>) target(%dma_start3A_420 : memref<10000x128xf32, #tpu.memory_space<vmem_shared>>) offsets(%arg10 : memref<128xi32, #tpu.memory_space<vmem>>) semaphore(%arg26 : memref<!tpu.dma_semaphore, #tpu.memory_space<semaphore_mem>>) {add = true}
      %add3A_421 = arith.constant 4 : i32
      %add3A_422 = arith.addi %add3A_276, %add3A_421 : i32
      %dma_wait3A_423 = arith.constant 0 : i32
      %dma_wait3A_424 = arith.constant 0 : i32
      %dma_wait3A_425 = tpu.memref_slice %arg16[%dma_wait3A_423, %dma_wait3A_424] : memref<10000x128xf32, #tpu.memory_space<vmem_shared>> -> memref<10000x128xf32, #tpu.memory_space<vmem_shared>>
      tpu.wait_indirect_dma semaphore(%arg25 : memref<!tpu.dma_semaphore, #tpu.memory_space<semaphore_mem>>) src(%arg14 : memref<128x128xf32, #tpu.memory_space<vmem>>) dst(%dma_wait3A_425 : memref<10000x128xf32, #tpu.memory_space<vmem_shared>>)
      %add3A_426 = arith.constant 1 : i32
      %add3A_427 = arith.addi %add3A_422, %add3A_426 : i32
      %add3A_428 = arith.addi %mul3A_4, %add3A_427 : i32
      %mul3A_429 = arith.constant 128 : i32
      %mul3A_430 = arith.muli %add3A_428, %mul3A_429 : i32
      %dma_wait3A_431 = tpu.memref_slice %arg3[%mul3A_430] : memref<640000xi32, #tpu.memory_space<hbm>> -> memref<128xi32, #tpu.memory_space<hbm>>
      %dma_wait3A_432 = tpu.memref_slice %arg3[%mul3A_430] : memref<640000xi32, #tpu.memory_space<hbm>> -> memref<128xi32, #tpu.memory_space<hbm>>
      tpu.wait_dma2 semaphore(%arg20 : memref<!tpu.dma_semaphore, #tpu.memory_space<semaphore_mem>>) src(%dma_wait3A_432 : memref<128xi32, #tpu.memory_space<hbm>>) dst(%arg8 : memref<128xi32, #tpu.memory_space<vmem>>)
      %add3A_433 = arith.constant 320000 : i32
      %add3A_434 = arith.addi %add3A_433, %mul3A_430 : i32
      %dma_wait3A_435 = tpu.memref_slice %arg3[%add3A_434] : memref<640000xi32, #tpu.memory_space<hbm>> -> memref<128xi32, #tpu.memory_space<hbm>>
      %dma_wait3A_436 = tpu.memref_slice %arg3[%add3A_434] : memref<640000xi32, #tpu.memory_space<hbm>> -> memref<128xi32, #tpu.memory_space<hbm>>
      tpu.wait_dma2 semaphore(%arg20 : memref<!tpu.dma_semaphore, #tpu.memory_space<semaphore_mem>>) src(%dma_wait3A_436 : memref<128xi32, #tpu.memory_space<hbm>>) dst(%arg12 : memref<128xi32, #tpu.memory_space<vmem>>)
      %dma_start3A_437 = arith.constant 0 : i32
      %dma_start3A_438 = arith.constant 0 : i32
      %dma_start3A_439 = tpu.memref_slice %arg2[%dma_start3A_437, %dma_start3A_438] : memref<10000x128xf32, #tpu.memory_space<hbm>> -> memref<10000x128xf32, #tpu.memory_space<hbm>>
      tpu.enqueue_indirect_dma source(%dma_start3A_439 : memref<10000x128xf32, #tpu.memory_space<hbm>>) target(%arg14 : memref<128x128xf32, #tpu.memory_space<vmem>>) offsets(%arg8 : memref<128xi32, #tpu.memory_space<vmem>>) semaphore(%arg22 : memref<!tpu.dma_semaphore, #tpu.memory_space<semaphore_mem>>)
      %add3A_440 = arith.constant 2 : i32
      %add3A_441 = arith.addi %add3A_422, %add3A_440 : i32
      %add3A_442 = arith.addi %mul3A_4, %add3A_441 : i32
      %mul3A_443 = arith.constant 128 : i32
      %mul3A_444 = arith.muli %add3A_442, %mul3A_443 : i32
      %dma_start3A_445 = tpu.memref_slice %arg3[%mul3A_444] : memref<640000xi32, #tpu.memory_space<hbm>> -> memref<128xi32, #tpu.memory_space<hbm>>
      %dma_start3A_446 = tpu.memref_slice %arg3[%mul3A_444] : memref<640000xi32, #tpu.memory_space<hbm>> -> memref<128xi32, #tpu.memory_space<hbm>>
      tpu.enqueue_dma source(%dma_start3A_446 : memref<128xi32, #tpu.memory_space<hbm>>) target(%arg5 : memref<128xi32, #tpu.memory_space<vmem>>) target_semaphore(%arg17 : memref<!tpu.dma_semaphore, #tpu.memory_space<semaphore_mem>>)
      %add3A_447 = arith.constant 320000 : i32
      %add3A_448 = arith.addi %add3A_447, %mul3A_444 : i32
      %dma_start3A_449 = tpu.memref_slice %arg3[%add3A_448] : memref<640000xi32, #tpu.memory_space<hbm>> -> memref<128xi32, #tpu.memory_space<hbm>>
      %dma_start3A_450 = tpu.memref_slice %arg3[%add3A_448] : memref<640000xi32, #tpu.memory_space<hbm>> -> memref<128xi32, #tpu.memory_space<hbm>>
      tpu.enqueue_dma source(%dma_start3A_450 : memref<128xi32, #tpu.memory_space<hbm>>) target(%arg9 : memref<128xi32, #tpu.memory_space<vmem>>) target_semaphore(%arg17 : memref<!tpu.dma_semaphore, #tpu.memory_space<semaphore_mem>>)
      %dma_wait3A_451 = arith.constant 0 : i32
      %dma_wait3A_452 = arith.constant 0 : i32
      %dma_wait3A_453 = tpu.memref_slice %arg2[%dma_wait3A_451, %dma_wait3A_452] : memref<10000x128xf32, #tpu.memory_space<hbm>> -> memref<10000x128xf32, #tpu.memory_space<hbm>>
      tpu.wait_indirect_dma semaphore(%arg21 : memref<!tpu.dma_semaphore, #tpu.memory_space<semaphore_mem>>) src(%dma_wait3A_453 : memref<10000x128xf32, #tpu.memory_space<hbm>>) dst(%arg13 : memref<128x128xf32, #tpu.memory_space<vmem>>)
      %dma_start3A_454 = arith.constant 0 : i32
      %dma_start3A_455 = arith.constant 0 : i32
      %dma_start3A_456 = tpu.memref_slice %arg16[%dma_start3A_454, %dma_start3A_455] : memref<10000x128xf32, #tpu.memory_space<vmem_shared>> -> memref<10000x128xf32, #tpu.memory_space<vmem_shared>>
      tpu.enqueue_indirect_dma source(%arg13 : memref<128x128xf32, #tpu.memory_space<vmem>>) target(%dma_start3A_456 : memref<10000x128xf32, #tpu.memory_space<vmem_shared>>) offsets(%arg11 : memref<128xi32, #tpu.memory_space<vmem>>) semaphore(%arg24 : memref<!tpu.dma_semaphore, #tpu.memory_space<semaphore_mem>>) {add = true}
      %add3A_457 = arith.constant 5 : i32
      %add3A_458 = arith.addi %add3A_276, %add3A_457 : i32
      %dma_wait3A_459 = arith.constant 0 : i32
      %dma_wait3A_460 = arith.constant 0 : i32
      %dma_wait3A_461 = tpu.memref_slice %arg16[%dma_wait3A_459, %dma_wait3A_460] : memref<10000x128xf32, #tpu.memory_space<vmem_shared>> -> memref<10000x128xf32, #tpu.memory_space<vmem_shared>>
      tpu.wait_indirect_dma semaphore(%arg26 : memref<!tpu.dma_semaphore, #tpu.memory_space<semaphore_mem>>) src(%arg15 : memref<128x128xf32, #tpu.memory_space<vmem>>) dst(%dma_wait3A_461 : memref<10000x128xf32, #tpu.memory_space<vmem_shared>>)
      %add3A_462 = arith.constant 1 : i32
      %add3A_463 = arith.addi %add3A_458, %add3A_462 : i32
      %add3A_464 = arith.addi %mul3A_4, %add3A_463 : i32
      %mul3A_465 = arith.constant 128 : i32
      %mul3A_466 = arith.muli %add3A_464, %mul3A_465 : i32
      %dma_wait3A_467 = tpu.memref_slice %arg3[%mul3A_466] : memref<640000xi32, #tpu.memory_space<hbm>> -> memref<128xi32, #tpu.memory_space<hbm>>
      %dma_wait3A_468 = tpu.memref_slice %arg3[%mul3A_466] : memref<640000xi32, #tpu.memory_space<hbm>> -> memref<128xi32, #tpu.memory_space<hbm>>
      tpu.wait_dma2 semaphore(%arg17 : memref<!tpu.dma_semaphore, #tpu.memory_space<semaphore_mem>>) src(%dma_wait3A_468 : memref<128xi32, #tpu.memory_space<hbm>>) dst(%arg5 : memref<128xi32, #tpu.memory_space<vmem>>)
      %add3A_469 = arith.constant 320000 : i32
      %add3A_470 = arith.addi %add3A_469, %mul3A_466 : i32
      %dma_wait3A_471 = tpu.memref_slice %arg3[%add3A_470] : memref<640000xi32, #tpu.memory_space<hbm>> -> memref<128xi32, #tpu.memory_space<hbm>>
      %dma_wait3A_472 = tpu.memref_slice %arg3[%add3A_470] : memref<640000xi32, #tpu.memory_space<hbm>> -> memref<128xi32, #tpu.memory_space<hbm>>
      tpu.wait_dma2 semaphore(%arg17 : memref<!tpu.dma_semaphore, #tpu.memory_space<semaphore_mem>>) src(%dma_wait3A_472 : memref<128xi32, #tpu.memory_space<hbm>>) dst(%arg9 : memref<128xi32, #tpu.memory_space<vmem>>)
      %dma_start3A_473 = arith.constant 0 : i32
      %dma_start3A_474 = arith.constant 0 : i32
      %dma_start3A_475 = tpu.memref_slice %arg2[%dma_start3A_473, %dma_start3A_474] : memref<10000x128xf32, #tpu.memory_space<hbm>> -> memref<10000x128xf32, #tpu.memory_space<hbm>>
      tpu.enqueue_indirect_dma source(%dma_start3A_475 : memref<10000x128xf32, #tpu.memory_space<hbm>>) target(%arg15 : memref<128x128xf32, #tpu.memory_space<vmem>>) offsets(%arg5 : memref<128xi32, #tpu.memory_space<vmem>>) semaphore(%arg23 : memref<!tpu.dma_semaphore, #tpu.memory_space<semaphore_mem>>)
      %add3A_476 = arith.constant 2 : i32
      %add3A_477 = arith.addi %add3A_458, %add3A_476 : i32
      %add3A_478 = arith.addi %mul3A_4, %add3A_477 : i32
      %mul3A_479 = arith.constant 128 : i32
      %mul3A_480 = arith.muli %add3A_478, %mul3A_479 : i32
      %dma_start3A_481 = tpu.memref_slice %arg3[%mul3A_480] : memref<640000xi32, #tpu.memory_space<hbm>> -> memref<128xi32, #tpu.memory_space<hbm>>
      %dma_start3A_482 = tpu.memref_slice %arg3[%mul3A_480] : memref<640000xi32, #tpu.memory_space<hbm>> -> memref<128xi32, #tpu.memory_space<hbm>>
      tpu.enqueue_dma source(%dma_start3A_482 : memref<128xi32, #tpu.memory_space<hbm>>) target(%arg6 : memref<128xi32, #tpu.memory_space<vmem>>) target_semaphore(%arg18 : memref<!tpu.dma_semaphore, #tpu.memory_space<semaphore_mem>>)
      %add3A_483 = arith.constant 320000 : i32
      %add3A_484 = arith.addi %add3A_483, %mul3A_480 : i32
      %dma_start3A_485 = tpu.memref_slice %arg3[%add3A_484] : memref<640000xi32, #tpu.memory_space<hbm>> -> memref<128xi32, #tpu.memory_space<hbm>>
      %dma_start3A_486 = tpu.memref_slice %arg3[%add3A_484] : memref<640000xi32, #tpu.memory_space<hbm>> -> memref<128xi32, #tpu.memory_space<hbm>>
      tpu.enqueue_dma source(%dma_start3A_486 : memref<128xi32, #tpu.memory_space<hbm>>) target(%arg10 : memref<128xi32, #tpu.memory_space<vmem>>) target_semaphore(%arg18 : memref<!tpu.dma_semaphore, #tpu.memory_space<semaphore_mem>>)
      %dma_wait3A_487 = arith.constant 0 : i32
      %dma_wait3A_488 = arith.constant 0 : i32
      %dma_wait3A_489 = tpu.memref_slice %arg2[%dma_wait3A_487, %dma_wait3A_488] : memref<10000x128xf32, #tpu.memory_space<hbm>> -> memref<10000x128xf32, #tpu.memory_space<hbm>>
      tpu.wait_indirect_dma semaphore(%arg22 : memref<!tpu.dma_semaphore, #tpu.memory_space<semaphore_mem>>) src(%dma_wait3A_489 : memref<10000x128xf32, #tpu.memory_space<hbm>>) dst(%arg14 : memref<128x128xf32, #tpu.memory_space<vmem>>)
      %dma_start3A_490 = arith.constant 0 : i32
      %dma_start3A_491 = arith.constant 0 : i32
      %dma_start3A_492 = tpu.memref_slice %arg16[%dma_start3A_490, %dma_start3A_491] : memref<10000x128xf32, #tpu.memory_space<vmem_shared>> -> memref<10000x128xf32, #tpu.memory_space<vmem_shared>>
      tpu.enqueue_indirect_dma source(%arg14 : memref<128x128xf32, #tpu.memory_space<vmem>>) target(%dma_start3A_492 : memref<10000x128xf32, #tpu.memory_space<vmem_shared>>) offsets(%arg12 : memref<128xi32, #tpu.memory_space<vmem>>) semaphore(%arg25 : memref<!tpu.dma_semaphore, #tpu.memory_space<semaphore_mem>>) {add = true}
      %add3A_493 = arith.constant 6 : i32
      %add3A_494 = arith.addi %add3A_276, %add3A_493 : i32
      %dma_wait3A_495 = arith.constant 0 : i32
      %dma_wait3A_496 = arith.constant 0 : i32
      %dma_wait3A_497 = tpu.memref_slice %arg16[%dma_wait3A_495, %dma_wait3A_496] : memref<10000x128xf32, #tpu.memory_space<vmem_shared>> -> memref<10000x128xf32, #tpu.memory_space<vmem_shared>>
      tpu.wait_indirect_dma semaphore(%arg24 : memref<!tpu.dma_semaphore, #tpu.memory_space<semaphore_mem>>) src(%arg13 : memref<128x128xf32, #tpu.memory_space<vmem>>) dst(%dma_wait3A_497 : memref<10000x128xf32, #tpu.memory_space<vmem_shared>>)
      %add3A_498 = arith.constant 1 : i32
      %add3A_499 = arith.addi %add3A_494, %add3A_498 : i32
      %add3A_500 = arith.addi %mul3A_4, %add3A_499 : i32
      %mul3A_501 = arith.constant 128 : i32
      %mul3A_502 = arith.muli %add3A_500, %mul3A_501 : i32
      %dma_wait3A_503 = tpu.memref_slice %arg3[%mul3A_502] : memref<640000xi32, #tpu.memory_space<hbm>> -> memref<128xi32, #tpu.memory_space<hbm>>
      %dma_wait3A_504 = tpu.memref_slice %arg3[%mul3A_502] : memref<640000xi32, #tpu.memory_space<hbm>> -> memref<128xi32, #tpu.memory_space<hbm>>
      tpu.wait_dma2 semaphore(%arg18 : memref<!tpu.dma_semaphore, #tpu.memory_space<semaphore_mem>>) src(%dma_wait3A_504 : memref<128xi32, #tpu.memory_space<hbm>>) dst(%arg6 : memref<128xi32, #tpu.memory_space<vmem>>)
      %add3A_505 = arith.constant 320000 : i32
      %add3A_506 = arith.addi %add3A_505, %mul3A_502 : i32
      %dma_wait3A_507 = tpu.memref_slice %arg3[%add3A_506] : memref<640000xi32, #tpu.memory_space<hbm>> -> memref<128xi32, #tpu.memory_space<hbm>>
      %dma_wait3A_508 = tpu.memref_slice %arg3[%add3A_506] : memref<640000xi32, #tpu.memory_space<hbm>> -> memref<128xi32, #tpu.memory_space<hbm>>
      tpu.wait_dma2 semaphore(%arg18 : memref<!tpu.dma_semaphore, #tpu.memory_space<semaphore_mem>>) src(%dma_wait3A_508 : memref<128xi32, #tpu.memory_space<hbm>>) dst(%arg10 : memref<128xi32, #tpu.memory_space<vmem>>)
      %dma_start3A_509 = arith.constant 0 : i32
      %dma_start3A_510 = arith.constant 0 : i32
      %dma_start3A_511 = tpu.memref_slice %arg2[%dma_start3A_509, %dma_start3A_510] : memref<10000x128xf32, #tpu.memory_space<hbm>> -> memref<10000x128xf32, #tpu.memory_space<hbm>>
      tpu.enqueue_indirect_dma source(%dma_start3A_511 : memref<10000x128xf32, #tpu.memory_space<hbm>>) target(%arg13 : memref<128x128xf32, #tpu.memory_space<vmem>>) offsets(%arg6 : memref<128xi32, #tpu.memory_space<vmem>>) semaphore(%arg21 : memref<!tpu.dma_semaphore, #tpu.memory_space<semaphore_mem>>)
      %add3A_512 = arith.constant 2 : i32
      %add3A_513 = arith.addi %add3A_494, %add3A_512 : i32
      %add3A_514 = arith.addi %mul3A_4, %add3A_513 : i32
      %mul3A_515 = arith.constant 128 : i32
      %mul3A_516 = arith.muli %add3A_514, %mul3A_515 : i32
      %dma_start3A_517 = tpu.memref_slice %arg3[%mul3A_516] : memref<640000xi32, #tpu.memory_space<hbm>> -> memref<128xi32, #tpu.memory_space<hbm>>
      %dma_start3A_518 = tpu.memref_slice %arg3[%mul3A_516] : memref<640000xi32, #tpu.memory_space<hbm>> -> memref<128xi32, #tpu.memory_space<hbm>>
      tpu.enqueue_dma source(%dma_start3A_518 : memref<128xi32, #tpu.memory_space<hbm>>) target(%arg7 : memref<128xi32, #tpu.memory_space<vmem>>) target_semaphore(%arg19 : memref<!tpu.dma_semaphore, #tpu.memory_space<semaphore_mem>>)
      %add3A_519 = arith.constant 320000 : i32
      %add3A_520 = arith.addi %add3A_519, %mul3A_516 : i32
      %dma_start3A_521 = tpu.memref_slice %arg3[%add3A_520] : memref<640000xi32, #tpu.memory_space<hbm>> -> memref<128xi32, #tpu.memory_space<hbm>>
      %dma_start3A_522 = tpu.memref_slice %arg3[%add3A_520] : memref<640000xi32, #tpu.memory_space<hbm>> -> memref<128xi32, #tpu.memory_space<hbm>>
      tpu.enqueue_dma source(%dma_start3A_522 : memref<128xi32, #tpu.memory_space<hbm>>) target(%arg11 : memref<128xi32, #tpu.memory_space<vmem>>) target_semaphore(%arg19 : memref<!tpu.dma_semaphore, #tpu.memory_space<semaphore_mem>>)
      %dma_wait3A_523 = arith.constant 0 : i32
      %dma_wait3A_524 = arith.constant 0 : i32
      %dma_wait3A_525 = tpu.memref_slice %arg2[%dma_wait3A_523, %dma_wait3A_524] : memref<10000x128xf32, #tpu.memory_space<hbm>> -> memref<10000x128xf32, #tpu.memory_space<hbm>>
      tpu.wait_indirect_dma semaphore(%arg23 : memref<!tpu.dma_semaphore, #tpu.memory_space<semaphore_mem>>) src(%dma_wait3A_525 : memref<10000x128xf32, #tpu.memory_space<hbm>>) dst(%arg15 : memref<128x128xf32, #tpu.memory_space<vmem>>)
      %dma_start3A_526 = arith.constant 0 : i32
      %dma_start3A_527 = arith.constant 0 : i32
      %dma_start3A_528 = tpu.memref_slice %arg16[%dma_start3A_526, %dma_start3A_527] : memref<10000x128xf32, #tpu.memory_space<vmem_shared>> -> memref<10000x128xf32, #tpu.memory_space<vmem_shared>>
      tpu.enqueue_indirect_dma source(%arg15 : memref<128x128xf32, #tpu.memory_space<vmem>>) target(%dma_start3A_528 : memref<10000x128xf32, #tpu.memory_space<vmem_shared>>) offsets(%arg9 : memref<128xi32, #tpu.memory_space<vmem>>) semaphore(%arg26 : memref<!tpu.dma_semaphore, #tpu.memory_space<semaphore_mem>>) {add = true}
      %add3A_529 = arith.constant 7 : i32
      %add3A_530 = arith.addi %add3A_276, %add3A_529 : i32
      %dma_wait3A_531 = arith.constant 0 : i32
      %dma_wait3A_532 = arith.constant 0 : i32
      %dma_wait3A_533 = tpu.memref_slice %arg16[%dma_wait3A_531, %dma_wait3A_532] : memref<10000x128xf32, #tpu.memory_space<vmem_shared>> -> memref<10000x128xf32, #tpu.memory_space<vmem_shared>>
      tpu.wait_indirect_dma semaphore(%arg25 : memref<!tpu.dma_semaphore, #tpu.memory_space<semaphore_mem>>) src(%arg14 : memref<128x128xf32, #tpu.memory_space<vmem>>) dst(%dma_wait3A_533 : memref<10000x128xf32, #tpu.memory_space<vmem_shared>>)
      %add3A_534 = arith.constant 1 : i32
      %add3A_535 = arith.addi %add3A_530, %add3A_534 : i32
      %add3A_536 = arith.addi %mul3A_4, %add3A_535 : i32
      %mul3A_537 = arith.constant 128 : i32
      %mul3A_538 = arith.muli %add3A_536, %mul3A_537 : i32
      %dma_wait3A_539 = tpu.memref_slice %arg3[%mul3A_538] : memref<640000xi32, #tpu.memory_space<hbm>> -> memref<128xi32, #tpu.memory_space<hbm>>
      %dma_wait3A_540 = tpu.memref_slice %arg3[%mul3A_538] : memref<640000xi32, #tpu.memory_space<hbm>> -> memref<128xi32, #tpu.memory_space<hbm>>
      tpu.wait_dma2 semaphore(%arg19 : memref<!tpu.dma_semaphore, #tpu.memory_space<semaphore_mem>>) src(%dma_wait3A_540 : memref<128xi32, #tpu.memory_space<hbm>>) dst(%arg7 : memref<128xi32, #tpu.memory_space<vmem>>)
      %add3A_541 = arith.constant 320000 : i32
      %add3A_542 = arith.addi %add3A_541, %mul3A_538 : i32
      %dma_wait3A_543 = tpu.memref_slice %arg3[%add3A_542] : memref<640000xi32, #tpu.memory_space<hbm>> -> memref<128xi32, #tpu.memory_space<hbm>>
      %dma_wait3A_544 = tpu.memref_slice %arg3[%add3A_542] : memref<640000xi32, #tpu.memory_space<hbm>> -> memref<128xi32, #tpu.memory_space<hbm>>
      tpu.wait_dma2 semaphore(%arg19 : memref<!tpu.dma_semaphore, #tpu.memory_space<semaphore_mem>>) src(%dma_wait3A_544 : memref<128xi32, #tpu.memory_space<hbm>>) dst(%arg11 : memref<128xi32, #tpu.memory_space<vmem>>)
      %dma_start3A_545 = arith.constant 0 : i32
      %dma_start3A_546 = arith.constant 0 : i32
      %dma_start3A_547 = tpu.memref_slice %arg2[%dma_start3A_545, %dma_start3A_546] : memref<10000x128xf32, #tpu.memory_space<hbm>> -> memref<10000x128xf32, #tpu.memory_space<hbm>>
      tpu.enqueue_indirect_dma source(%dma_start3A_547 : memref<10000x128xf32, #tpu.memory_space<hbm>>) target(%arg14 : memref<128x128xf32, #tpu.memory_space<vmem>>) offsets(%arg7 : memref<128xi32, #tpu.memory_space<vmem>>) semaphore(%arg22 : memref<!tpu.dma_semaphore, #tpu.memory_space<semaphore_mem>>)
      %add3A_548 = arith.constant 2 : i32
      %add3A_549 = arith.addi %add3A_530, %add3A_548 : i32
      %add3A_550 = arith.addi %mul3A_4, %add3A_549 : i32
      %mul3A_551 = arith.constant 128 : i32
      %mul3A_552 = arith.muli %add3A_550, %mul3A_551 : i32
      %dma_start3A_553 = tpu.memref_slice %arg3[%mul3A_552] : memref<640000xi32, #tpu.memory_space<hbm>> -> memref<128xi32, #tpu.memory_space<hbm>>
      %dma_start3A_554 = tpu.memref_slice %arg3[%mul3A_552] : memref<640000xi32, #tpu.memory_space<hbm>> -> memref<128xi32, #tpu.memory_space<hbm>>
      tpu.enqueue_dma source(%dma_start3A_554 : memref<128xi32, #tpu.memory_space<hbm>>) target(%arg8 : memref<128xi32, #tpu.memory_space<vmem>>) target_semaphore(%arg20 : memref<!tpu.dma_semaphore, #tpu.memory_space<semaphore_mem>>)
      %add3A_555 = arith.constant 320000 : i32
      %add3A_556 = arith.addi %add3A_555, %mul3A_552 : i32
      %dma_start3A_557 = tpu.memref_slice %arg3[%add3A_556] : memref<640000xi32, #tpu.memory_space<hbm>> -> memref<128xi32, #tpu.memory_space<hbm>>
      %dma_start3A_558 = tpu.memref_slice %arg3[%add3A_556] : memref<640000xi32, #tpu.memory_space<hbm>> -> memref<128xi32, #tpu.memory_space<hbm>>
      tpu.enqueue_dma source(%dma_start3A_558 : memref<128xi32, #tpu.memory_space<hbm>>) target(%arg12 : memref<128xi32, #tpu.memory_space<vmem>>) target_semaphore(%arg20 : memref<!tpu.dma_semaphore, #tpu.memory_space<semaphore_mem>>)
      %dma_wait3A_559 = arith.constant 0 : i32
      %dma_wait3A_560 = arith.constant 0 : i32
      %dma_wait3A_561 = tpu.memref_slice %arg2[%dma_wait3A_559, %dma_wait3A_560] : memref<10000x128xf32, #tpu.memory_space<hbm>> -> memref<10000x128xf32, #tpu.memory_space<hbm>>
      tpu.wait_indirect_dma semaphore(%arg21 : memref<!tpu.dma_semaphore, #tpu.memory_space<semaphore_mem>>) src(%dma_wait3A_561 : memref<10000x128xf32, #tpu.memory_space<hbm>>) dst(%arg13 : memref<128x128xf32, #tpu.memory_space<vmem>>)
      %dma_start3A_562 = arith.constant 0 : i32
      %dma_start3A_563 = arith.constant 0 : i32
      %dma_start3A_564 = tpu.memref_slice %arg16[%dma_start3A_562, %dma_start3A_563] : memref<10000x128xf32, #tpu.memory_space<vmem_shared>> -> memref<10000x128xf32, #tpu.memory_space<vmem_shared>>
      tpu.enqueue_indirect_dma source(%arg13 : memref<128x128xf32, #tpu.memory_space<vmem>>) target(%dma_start3A_564 : memref<10000x128xf32, #tpu.memory_space<vmem_shared>>) offsets(%arg10 : memref<128xi32, #tpu.memory_space<vmem>>) semaphore(%arg24 : memref<!tpu.dma_semaphore, #tpu.memory_space<semaphore_mem>>) {add = true}
      %add3A_565 = arith.constant 8 : i32
      %add3A_566 = arith.addi %add3A_276, %add3A_565 : i32
      %dma_wait3A_567 = arith.constant 0 : i32
      %dma_wait3A_568 = arith.constant 0 : i32
      %dma_wait3A_569 = tpu.memref_slice %arg16[%dma_wait3A_567, %dma_wait3A_568] : memref<10000x128xf32, #tpu.memory_space<vmem_shared>> -> memref<10000x128xf32, #tpu.memory_space<vmem_shared>>
      tpu.wait_indirect_dma semaphore(%arg26 : memref<!tpu.dma_semaphore, #tpu.memory_space<semaphore_mem>>) src(%arg15 : memref<128x128xf32, #tpu.memory_space<vmem>>) dst(%dma_wait3A_569 : memref<10000x128xf32, #tpu.memory_space<vmem_shared>>)
      %add3A_570 = arith.constant 1 : i32
      %add3A_571 = arith.addi %add3A_566, %add3A_570 : i32
      %add3A_572 = arith.addi %mul3A_4, %add3A_571 : i32
      %mul3A_573 = arith.constant 128 : i32
      %mul3A_574 = arith.muli %add3A_572, %mul3A_573 : i32
      %dma_wait3A_575 = tpu.memref_slice %arg3[%mul3A_574] : memref<640000xi32, #tpu.memory_space<hbm>> -> memref<128xi32, #tpu.memory_space<hbm>>
      %dma_wait3A_576 = tpu.memref_slice %arg3[%mul3A_574] : memref<640000xi32, #tpu.memory_space<hbm>> -> memref<128xi32, #tpu.memory_space<hbm>>
      tpu.wait_dma2 semaphore(%arg20 : memref<!tpu.dma_semaphore, #tpu.memory_space<semaphore_mem>>) src(%dma_wait3A_576 : memref<128xi32, #tpu.memory_space<hbm>>) dst(%arg8 : memref<128xi32, #tpu.memory_space<vmem>>)
      %add3A_577 = arith.constant 320000 : i32
      %add3A_578 = arith.addi %add3A_577, %mul3A_574 : i32
      %dma_wait3A_579 = tpu.memref_slice %arg3[%add3A_578] : memref<640000xi32, #tpu.memory_space<hbm>> -> memref<128xi32, #tpu.memory_space<hbm>>
      %dma_wait3A_580 = tpu.memref_slice %arg3[%add3A_578] : memref<640000xi32, #tpu.memory_space<hbm>> -> memref<128xi32, #tpu.memory_space<hbm>>
      tpu.wait_dma2 semaphore(%arg20 : memref<!tpu.dma_semaphore, #tpu.memory_space<semaphore_mem>>) src(%dma_wait3A_580 : memref<128xi32, #tpu.memory_space<hbm>>) dst(%arg12 : memref<128xi32, #tpu.memory_space<vmem>>)
      %dma_start3A_581 = arith.constant 0 : i32
      %dma_start3A_582 = arith.constant 0 : i32
      %dma_start3A_583 = tpu.memref_slice %arg2[%dma_start3A_581, %dma_start3A_582] : memref<10000x128xf32, #tpu.memory_space<hbm>> -> memref<10000x128xf32, #tpu.memory_space<hbm>>
      tpu.enqueue_indirect_dma source(%dma_start3A_583 : memref<10000x128xf32, #tpu.memory_space<hbm>>) target(%arg15 : memref<128x128xf32, #tpu.memory_space<vmem>>) offsets(%arg8 : memref<128xi32, #tpu.memory_space<vmem>>) semaphore(%arg23 : memref<!tpu.dma_semaphore, #tpu.memory_space<semaphore_mem>>)
      %add3A_584 = arith.constant 2 : i32
      %add3A_585 = arith.addi %add3A_566, %add3A_584 : i32
      %add3A_586 = arith.addi %mul3A_4, %add3A_585 : i32
      %mul3A_587 = arith.constant 128 : i32
      %mul3A_588 = arith.muli %add3A_586, %mul3A_587 : i32
      %dma_start3A_589 = tpu.memref_slice %arg3[%mul3A_588] : memref<640000xi32, #tpu.memory_space<hbm>> -> memref<128xi32, #tpu.memory_space<hbm>>
      %dma_start3A_590 = tpu.memref_slice %arg3[%mul3A_588] : memref<640000xi32, #tpu.memory_space<hbm>> -> memref<128xi32, #tpu.memory_space<hbm>>
      tpu.enqueue_dma source(%dma_start3A_590 : memref<128xi32, #tpu.memory_space<hbm>>) target(%arg5 : memref<128xi32, #tpu.memory_space<vmem>>) target_semaphore(%arg17 : memref<!tpu.dma_semaphore, #tpu.memory_space<semaphore_mem>>)
      %add3A_591 = arith.constant 320000 : i32
      %add3A_592 = arith.addi %add3A_591, %mul3A_588 : i32
      %dma_start3A_593 = tpu.memref_slice %arg3[%add3A_592] : memref<640000xi32, #tpu.memory_space<hbm>> -> memref<128xi32, #tpu.memory_space<hbm>>
      %dma_start3A_594 = tpu.memref_slice %arg3[%add3A_592] : memref<640000xi32, #tpu.memory_space<hbm>> -> memref<128xi32, #tpu.memory_space<hbm>>
      tpu.enqueue_dma source(%dma_start3A_594 : memref<128xi32, #tpu.memory_space<hbm>>) target(%arg9 : memref<128xi32, #tpu.memory_space<vmem>>) target_semaphore(%arg17 : memref<!tpu.dma_semaphore, #tpu.memory_space<semaphore_mem>>)
      %dma_wait3A_595 = arith.constant 0 : i32
      %dma_wait3A_596 = arith.constant 0 : i32
      %dma_wait3A_597 = tpu.memref_slice %arg2[%dma_wait3A_595, %dma_wait3A_596] : memref<10000x128xf32, #tpu.memory_space<hbm>> -> memref<10000x128xf32, #tpu.memory_space<hbm>>
      tpu.wait_indirect_dma semaphore(%arg22 : memref<!tpu.dma_semaphore, #tpu.memory_space<semaphore_mem>>) src(%dma_wait3A_597 : memref<10000x128xf32, #tpu.memory_space<hbm>>) dst(%arg14 : memref<128x128xf32, #tpu.memory_space<vmem>>)
      %dma_start3A_598 = arith.constant 0 : i32
      %dma_start3A_599 = arith.constant 0 : i32
      %dma_start3A_600 = tpu.memref_slice %arg16[%dma_start3A_598, %dma_start3A_599] : memref<10000x128xf32, #tpu.memory_space<vmem_shared>> -> memref<10000x128xf32, #tpu.memory_space<vmem_shared>>
      tpu.enqueue_indirect_dma source(%arg14 : memref<128x128xf32, #tpu.memory_space<vmem>>) target(%dma_start3A_600 : memref<10000x128xf32, #tpu.memory_space<vmem_shared>>) offsets(%arg11 : memref<128xi32, #tpu.memory_space<vmem>>) semaphore(%arg25 : memref<!tpu.dma_semaphore, #tpu.memory_space<semaphore_mem>>) {add = true}
      %add3A_601 = arith.constant 9 : i32
      %add3A_602 = arith.addi %add3A_276, %add3A_601 : i32
      %dma_wait3A_603 = arith.constant 0 : i32
      %dma_wait3A_604 = arith.constant 0 : i32
      %dma_wait3A_605 = tpu.memref_slice %arg16[%dma_wait3A_603, %dma_wait3A_604] : memref<10000x128xf32, #tpu.memory_space<vmem_shared>> -> memref<10000x128xf32, #tpu.memory_space<vmem_shared>>
      tpu.wait_indirect_dma semaphore(%arg24 : memref<!tpu.dma_semaphore, #tpu.memory_space<semaphore_mem>>) src(%arg13 : memref<128x128xf32, #tpu.memory_space<vmem>>) dst(%dma_wait3A_605 : memref<10000x128xf32, #tpu.memory_space<vmem_shared>>)
      %add3A_606 = arith.constant 1 : i32
      %add3A_607 = arith.addi %add3A_602, %add3A_606 : i32
      %add3A_608 = arith.addi %mul3A_4, %add3A_607 : i32
      %mul3A_609 = arith.constant 128 : i32
      %mul3A_610 = arith.muli %add3A_608, %mul3A_609 : i32
      %dma_wait3A_611 = tpu.memref_slice %arg3[%mul3A_610] : memref<640000xi32, #tpu.memory_space<hbm>> -> memref<128xi32, #tpu.memory_space<hbm>>
      %dma_wait3A_612 = tpu.memref_slice %arg3[%mul3A_610] : memref<640000xi32, #tpu.memory_space<hbm>> -> memref<128xi32, #tpu.memory_space<hbm>>
      tpu.wait_dma2 semaphore(%arg17 : memref<!tpu.dma_semaphore, #tpu.memory_space<semaphore_mem>>) src(%dma_wait3A_612 : memref<128xi32, #tpu.memory_space<hbm>>) dst(%arg5 : memref<128xi32, #tpu.memory_space<vmem>>)
      %add3A_613 = arith.constant 320000 : i32
      %add3A_614 = arith.addi %add3A_613, %mul3A_610 : i32
      %dma_wait3A_615 = tpu.memref_slice %arg3[%add3A_614] : memref<640000xi32, #tpu.memory_space<hbm>> -> memref<128xi32, #tpu.memory_space<hbm>>
      %dma_wait3A_616 = tpu.memref_slice %arg3[%add3A_614] : memref<640000xi32, #tpu.memory_space<hbm>> -> memref<128xi32, #tpu.memory_space<hbm>>
      tpu.wait_dma2 semaphore(%arg17 : memref<!tpu.dma_semaphore, #tpu.memory_space<semaphore_mem>>) src(%dma_wait3A_616 : memref<128xi32, #tpu.memory_space<hbm>>) dst(%arg9 : memref<128xi32, #tpu.memory_space<vmem>>)
      %dma_start3A_617 = arith.constant 0 : i32
      %dma_start3A_618 = arith.constant 0 : i32
      %dma_start3A_619 = tpu.memref_slice %arg2[%dma_start3A_617, %dma_start3A_618] : memref<10000x128xf32, #tpu.memory_space<hbm>> -> memref<10000x128xf32, #tpu.memory_space<hbm>>
      tpu.enqueue_indirect_dma source(%dma_start3A_619 : memref<10000x128xf32, #tpu.memory_space<hbm>>) target(%arg13 : memref<128x128xf32, #tpu.memory_space<vmem>>) offsets(%arg5 : memref<128xi32, #tpu.memory_space<vmem>>) semaphore(%arg21 : memref<!tpu.dma_semaphore, #tpu.memory_space<semaphore_mem>>)
      %add3A_620 = arith.constant 2 : i32
      %add3A_621 = arith.addi %add3A_602, %add3A_620 : i32
      %add3A_622 = arith.addi %mul3A_4, %add3A_621 : i32
      %mul3A_623 = arith.constant 128 : i32
      %mul3A_624 = arith.muli %add3A_622, %mul3A_623 : i32
      %dma_start3A_625 = tpu.memref_slice %arg3[%mul3A_624] : memref<640000xi32, #tpu.memory_space<hbm>> -> memref<128xi32, #tpu.memory_space<hbm>>
      %dma_start3A_626 = tpu.memref_slice %arg3[%mul3A_624] : memref<640000xi32, #tpu.memory_space<hbm>> -> memref<128xi32, #tpu.memory_space<hbm>>
      tpu.enqueue_dma source(%dma_start3A_626 : memref<128xi32, #tpu.memory_space<hbm>>) target(%arg6 : memref<128xi32, #tpu.memory_space<vmem>>) target_semaphore(%arg18 : memref<!tpu.dma_semaphore, #tpu.memory_space<semaphore_mem>>)
      %add3A_627 = arith.constant 320000 : i32
      %add3A_628 = arith.addi %add3A_627, %mul3A_624 : i32
      %dma_start3A_629 = tpu.memref_slice %arg3[%add3A_628] : memref<640000xi32, #tpu.memory_space<hbm>> -> memref<128xi32, #tpu.memory_space<hbm>>
      %dma_start3A_630 = tpu.memref_slice %arg3[%add3A_628] : memref<640000xi32, #tpu.memory_space<hbm>> -> memref<128xi32, #tpu.memory_space<hbm>>
      tpu.enqueue_dma source(%dma_start3A_630 : memref<128xi32, #tpu.memory_space<hbm>>) target(%arg10 : memref<128xi32, #tpu.memory_space<vmem>>) target_semaphore(%arg18 : memref<!tpu.dma_semaphore, #tpu.memory_space<semaphore_mem>>)
      %dma_wait3A_631 = arith.constant 0 : i32
      %dma_wait3A_632 = arith.constant 0 : i32
      %dma_wait3A_633 = tpu.memref_slice %arg2[%dma_wait3A_631, %dma_wait3A_632] : memref<10000x128xf32, #tpu.memory_space<hbm>> -> memref<10000x128xf32, #tpu.memory_space<hbm>>
      tpu.wait_indirect_dma semaphore(%arg23 : memref<!tpu.dma_semaphore, #tpu.memory_space<semaphore_mem>>) src(%dma_wait3A_633 : memref<10000x128xf32, #tpu.memory_space<hbm>>) dst(%arg15 : memref<128x128xf32, #tpu.memory_space<vmem>>)
      %dma_start3A_634 = arith.constant 0 : i32
      %dma_start3A_635 = arith.constant 0 : i32
      %dma_start3A_636 = tpu.memref_slice %arg16[%dma_start3A_634, %dma_start3A_635] : memref<10000x128xf32, #tpu.memory_space<vmem_shared>> -> memref<10000x128xf32, #tpu.memory_space<vmem_shared>>
      tpu.enqueue_indirect_dma source(%arg15 : memref<128x128xf32, #tpu.memory_space<vmem>>) target(%dma_start3A_636 : memref<10000x128xf32, #tpu.memory_space<vmem_shared>>) offsets(%arg12 : memref<128xi32, #tpu.memory_space<vmem>>) semaphore(%arg26 : memref<!tpu.dma_semaphore, #tpu.memory_space<semaphore_mem>>) {add = true}
      %add3A_637 = arith.constant 10 : i32
      %add3A_638 = arith.addi %add3A_276, %add3A_637 : i32
      %dma_wait3A_639 = arith.constant 0 : i32
      %dma_wait3A_640 = arith.constant 0 : i32
      %dma_wait3A_641 = tpu.memref_slice %arg16[%dma_wait3A_639, %dma_wait3A_640] : memref<10000x128xf32, #tpu.memory_space<vmem_shared>> -> memref<10000x128xf32, #tpu.memory_space<vmem_shared>>
      tpu.wait_indirect_dma semaphore(%arg25 : memref<!tpu.dma_semaphore, #tpu.memory_space<semaphore_mem>>) src(%arg14 : memref<128x128xf32, #tpu.memory_space<vmem>>) dst(%dma_wait3A_641 : memref<10000x128xf32, #tpu.memory_space<vmem_shared>>)
      %add3A_642 = arith.constant 1 : i32
      %add3A_643 = arith.addi %add3A_638, %add3A_642 : i32
      %add3A_644 = arith.addi %mul3A_4, %add3A_643 : i32
      %mul3A_645 = arith.constant 128 : i32
      %mul3A_646 = arith.muli %add3A_644, %mul3A_645 : i32
      %dma_wait3A_647 = tpu.memref_slice %arg3[%mul3A_646] : memref<640000xi32, #tpu.memory_space<hbm>> -> memref<128xi32, #tpu.memory_space<hbm>>
      %dma_wait3A_648 = tpu.memref_slice %arg3[%mul3A_646] : memref<640000xi32, #tpu.memory_space<hbm>> -> memref<128xi32, #tpu.memory_space<hbm>>
      tpu.wait_dma2 semaphore(%arg18 : memref<!tpu.dma_semaphore, #tpu.memory_space<semaphore_mem>>) src(%dma_wait3A_648 : memref<128xi32, #tpu.memory_space<hbm>>) dst(%arg6 : memref<128xi32, #tpu.memory_space<vmem>>)
      %add3A_649 = arith.constant 320000 : i32
      %add3A_650 = arith.addi %add3A_649, %mul3A_646 : i32
      %dma_wait3A_651 = tpu.memref_slice %arg3[%add3A_650] : memref<640000xi32, #tpu.memory_space<hbm>> -> memref<128xi32, #tpu.memory_space<hbm>>
      %dma_wait3A_652 = tpu.memref_slice %arg3[%add3A_650] : memref<640000xi32, #tpu.memory_space<hbm>> -> memref<128xi32, #tpu.memory_space<hbm>>
      tpu.wait_dma2 semaphore(%arg18 : memref<!tpu.dma_semaphore, #tpu.memory_space<semaphore_mem>>) src(%dma_wait3A_652 : memref<128xi32, #tpu.memory_space<hbm>>) dst(%arg10 : memref<128xi32, #tpu.memory_space<vmem>>)
      %dma_start3A_653 = arith.constant 0 : i32
      %dma_start3A_654 = arith.constant 0 : i32
      %dma_start3A_655 = tpu.memref_slice %arg2[%dma_start3A_653, %dma_start3A_654] : memref<10000x128xf32, #tpu.memory_space<hbm>> -> memref<10000x128xf32, #tpu.memory_space<hbm>>
      tpu.enqueue_indirect_dma source(%dma_start3A_655 : memref<10000x128xf32, #tpu.memory_space<hbm>>) target(%arg14 : memref<128x128xf32, #tpu.memory_space<vmem>>) offsets(%arg6 : memref<128xi32, #tpu.memory_space<vmem>>) semaphore(%arg22 : memref<!tpu.dma_semaphore, #tpu.memory_space<semaphore_mem>>)
      %add3A_656 = arith.constant 2 : i32
      %add3A_657 = arith.addi %add3A_638, %add3A_656 : i32
      %add3A_658 = arith.addi %mul3A_4, %add3A_657 : i32
      %mul3A_659 = arith.constant 128 : i32
      %mul3A_660 = arith.muli %add3A_658, %mul3A_659 : i32
      %dma_start3A_661 = tpu.memref_slice %arg3[%mul3A_660] : memref<640000xi32, #tpu.memory_space<hbm>> -> memref<128xi32, #tpu.memory_space<hbm>>
      %dma_start3A_662 = tpu.memref_slice %arg3[%mul3A_660] : memref<640000xi32, #tpu.memory_space<hbm>> -> memref<128xi32, #tpu.memory_space<hbm>>
      tpu.enqueue_dma source(%dma_start3A_662 : memref<128xi32, #tpu.memory_space<hbm>>) target(%arg7 : memref<128xi32, #tpu.memory_space<vmem>>) target_semaphore(%arg19 : memref<!tpu.dma_semaphore, #tpu.memory_space<semaphore_mem>>)
      %add3A_663 = arith.constant 320000 : i32
      %add3A_664 = arith.addi %add3A_663, %mul3A_660 : i32
      %dma_start3A_665 = tpu.memref_slice %arg3[%add3A_664] : memref<640000xi32, #tpu.memory_space<hbm>> -> memref<128xi32, #tpu.memory_space<hbm>>
      %dma_start3A_666 = tpu.memref_slice %arg3[%add3A_664] : memref<640000xi32, #tpu.memory_space<hbm>> -> memref<128xi32, #tpu.memory_space<hbm>>
      tpu.enqueue_dma source(%dma_start3A_666 : memref<128xi32, #tpu.memory_space<hbm>>) target(%arg11 : memref<128xi32, #tpu.memory_space<vmem>>) target_semaphore(%arg19 : memref<!tpu.dma_semaphore, #tpu.memory_space<semaphore_mem>>)
      %dma_wait3A_667 = arith.constant 0 : i32
      %dma_wait3A_668 = arith.constant 0 : i32
      %dma_wait3A_669 = tpu.memref_slice %arg2[%dma_wait3A_667, %dma_wait3A_668] : memref<10000x128xf32, #tpu.memory_space<hbm>> -> memref<10000x128xf32, #tpu.memory_space<hbm>>
      tpu.wait_indirect_dma semaphore(%arg21 : memref<!tpu.dma_semaphore, #tpu.memory_space<semaphore_mem>>) src(%dma_wait3A_669 : memref<10000x128xf32, #tpu.memory_space<hbm>>) dst(%arg13 : memref<128x128xf32, #tpu.memory_space<vmem>>)
      %dma_start3A_670 = arith.constant 0 : i32
      %dma_start3A_671 = arith.constant 0 : i32
      %dma_start3A_672 = tpu.memref_slice %arg16[%dma_start3A_670, %dma_start3A_671] : memref<10000x128xf32, #tpu.memory_space<vmem_shared>> -> memref<10000x128xf32, #tpu.memory_space<vmem_shared>>
      tpu.enqueue_indirect_dma source(%arg13 : memref<128x128xf32, #tpu.memory_space<vmem>>) target(%dma_start3A_672 : memref<10000x128xf32, #tpu.memory_space<vmem_shared>>) offsets(%arg9 : memref<128xi32, #tpu.memory_space<vmem>>) semaphore(%arg24 : memref<!tpu.dma_semaphore, #tpu.memory_space<semaphore_mem>>) {add = true}
      %add3A_673 = arith.constant 11 : i32
      %add3A_674 = arith.addi %add3A_276, %add3A_673 : i32
      %dma_wait3A_675 = arith.constant 0 : i32
      %dma_wait3A_676 = arith.constant 0 : i32
      %dma_wait3A_677 = tpu.memref_slice %arg16[%dma_wait3A_675, %dma_wait3A_676] : memref<10000x128xf32, #tpu.memory_space<vmem_shared>> -> memref<10000x128xf32, #tpu.memory_space<vmem_shared>>
      tpu.wait_indirect_dma semaphore(%arg26 : memref<!tpu.dma_semaphore, #tpu.memory_space<semaphore_mem>>) src(%arg15 : memref<128x128xf32, #tpu.memory_space<vmem>>) dst(%dma_wait3A_677 : memref<10000x128xf32, #tpu.memory_space<vmem_shared>>)
      %add3A_678 = arith.constant 1 : i32
      %add3A_679 = arith.addi %add3A_674, %add3A_678 : i32
      %add3A_680 = arith.addi %mul3A_4, %add3A_679 : i32
      %mul3A_681 = arith.constant 128 : i32
      %mul3A_682 = arith.muli %add3A_680, %mul3A_681 : i32
      %dma_wait3A_683 = tpu.memref_slice %arg3[%mul3A_682] : memref<640000xi32, #tpu.memory_space<hbm>> -> memref<128xi32, #tpu.memory_space<hbm>>
      %dma_wait3A_684 = tpu.memref_slice %arg3[%mul3A_682] : memref<640000xi32, #tpu.memory_space<hbm>> -> memref<128xi32, #tpu.memory_space<hbm>>
      tpu.wait_dma2 semaphore(%arg19 : memref<!tpu.dma_semaphore, #tpu.memory_space<semaphore_mem>>) src(%dma_wait3A_684 : memref<128xi32, #tpu.memory_space<hbm>>) dst(%arg7 : memref<128xi32, #tpu.memory_space<vmem>>)
      %add3A_685 = arith.constant 320000 : i32
      %add3A_686 = arith.addi %add3A_685, %mul3A_682 : i32
      %dma_wait3A_687 = tpu.memref_slice %arg3[%add3A_686] : memref<640000xi32, #tpu.memory_space<hbm>> -> memref<128xi32, #tpu.memory_space<hbm>>
      %dma_wait3A_688 = tpu.memref_slice %arg3[%add3A_686] : memref<640000xi32, #tpu.memory_space<hbm>> -> memref<128xi32, #tpu.memory_space<hbm>>
      tpu.wait_dma2 semaphore(%arg19 : memref<!tpu.dma_semaphore, #tpu.memory_space<semaphore_mem>>) src(%dma_wait3A_688 : memref<128xi32, #tpu.memory_space<hbm>>) dst(%arg11 : memref<128xi32, #tpu.memory_space<vmem>>)
      %dma_start3A_689 = arith.constant 0 : i32
      %dma_start3A_690 = arith.constant 0 : i32
      %dma_start3A_691 = tpu.memref_slice %arg2[%dma_start3A_689, %dma_start3A_690] : memref<10000x128xf32, #tpu.memory_space<hbm>> -> memref<10000x128xf32, #tpu.memory_space<hbm>>
      tpu.enqueue_indirect_dma source(%dma_start3A_691 : memref<10000x128xf32, #tpu.memory_space<hbm>>) target(%arg15 : memref<128x128xf32, #tpu.memory_space<vmem>>) offsets(%arg7 : memref<128xi32, #tpu.memory_space<vmem>>) semaphore(%arg23 : memref<!tpu.dma_semaphore, #tpu.memory_space<semaphore_mem>>)
      %add3A_692 = arith.constant 2 : i32
      %add3A_693 = arith.addi %add3A_674, %add3A_692 : i32
      %add3A_694 = arith.addi %mul3A_4, %add3A_693 : i32
      %mul3A_695 = arith.constant 128 : i32
      %mul3A_696 = arith.muli %add3A_694, %mul3A_695 : i32
      %dma_start3A_697 = tpu.memref_slice %arg3[%mul3A_696] : memref<640000xi32, #tpu.memory_space<hbm>> -> memref<128xi32, #tpu.memory_space<hbm>>
      %dma_start3A_698 = tpu.memref_slice %arg3[%mul3A_696] : memref<640000xi32, #tpu.memory_space<hbm>> -> memref<128xi32, #tpu.memory_space<hbm>>
      tpu.enqueue_dma source(%dma_start3A_698 : memref<128xi32, #tpu.memory_space<hbm>>) target(%arg8 : memref<128xi32, #tpu.memory_space<vmem>>) target_semaphore(%arg20 : memref<!tpu.dma_semaphore, #tpu.memory_space<semaphore_mem>>)
      %add3A_699 = arith.constant 320000 : i32
      %add3A_700 = arith.addi %add3A_699, %mul3A_696 : i32
      %dma_start3A_701 = tpu.memref_slice %arg3[%add3A_700] : memref<640000xi32, #tpu.memory_space<hbm>> -> memref<128xi32, #tpu.memory_space<hbm>>
      %dma_start3A_702 = tpu.memref_slice %arg3[%add3A_700] : memref<640000xi32, #tpu.memory_space<hbm>> -> memref<128xi32, #tpu.memory_space<hbm>>
      tpu.enqueue_dma source(%dma_start3A_702 : memref<128xi32, #tpu.memory_space<hbm>>) target(%arg12 : memref<128xi32, #tpu.memory_space<vmem>>) target_semaphore(%arg20 : memref<!tpu.dma_semaphore, #tpu.memory_space<semaphore_mem>>)
      %dma_wait3A_703 = arith.constant 0 : i32
      %dma_wait3A_704 = arith.constant 0 : i32
      %dma_wait3A_705 = tpu.memref_slice %arg2[%dma_wait3A_703, %dma_wait3A_704] : memref<10000x128xf32, #tpu.memory_space<hbm>> -> memref<10000x128xf32, #tpu.memory_space<hbm>>
      tpu.wait_indirect_dma semaphore(%arg22 : memref<!tpu.dma_semaphore, #tpu.memory_space<semaphore_mem>>) src(%dma_wait3A_705 : memref<10000x128xf32, #tpu.memory_space<hbm>>) dst(%arg14 : memref<128x128xf32, #tpu.memory_space<vmem>>)
      %dma_start3A_706 = arith.constant 0 : i32
      %dma_start3A_707 = arith.constant 0 : i32
      %dma_start3A_708 = tpu.memref_slice %arg16[%dma_start3A_706, %dma_start3A_707] : memref<10000x128xf32, #tpu.memory_space<vmem_shared>> -> memref<10000x128xf32, #tpu.memory_space<vmem_shared>>
      tpu.enqueue_indirect_dma source(%arg14 : memref<128x128xf32, #tpu.memory_space<vmem>>) target(%dma_start3A_708 : memref<10000x128xf32, #tpu.memory_space<vmem_shared>>) offsets(%arg10 : memref<128xi32, #tpu.memory_space<vmem>>) semaphore(%arg25 : memref<!tpu.dma_semaphore, #tpu.memory_space<semaphore_mem>>) {add = true}
    }
    %scan3A_108 = arith.constant 6 : i32
    %dma_wait3A_109 = arith.constant 0 : i32
    %dma_wait3A_110 = arith.constant 0 : i32
    %dma_wait3A_111 = tpu.memref_slice %arg16[%dma_wait3A_109, %dma_wait3A_110] : memref<10000x128xf32, #tpu.memory_space<vmem_shared>> -> memref<10000x128xf32, #tpu.memory_space<vmem_shared>>
    tpu.wait_indirect_dma semaphore(%arg24 : memref<!tpu.dma_semaphore, #tpu.memory_space<semaphore_mem>>) src(%arg13 : memref<128x128xf32, #tpu.memory_space<vmem>>) dst(%dma_wait3A_111 : memref<10000x128xf32, #tpu.memory_space<vmem_shared>>)
    %add3A_112 = arith.constant 75 : i32
    %add3A_113 = arith.addi %mul3A_4, %add3A_112 : i32
    %mul3A_114 = arith.constant 128 : i32
    %mul3A_115 = arith.muli %add3A_113, %mul3A_114 : i32
    %dma_wait3A_116 = tpu.memref_slice %arg3[%mul3A_115] : memref<640000xi32, #tpu.memory_space<hbm>> -> memref<128xi32, #tpu.memory_space<hbm>>
    %dma_wait3A_117 = tpu.memref_slice %arg3[%mul3A_115] : memref<640000xi32, #tpu.memory_space<hbm>> -> memref<128xi32, #tpu.memory_space<hbm>>
    tpu.wait_dma2 semaphore(%arg20 : memref<!tpu.dma_semaphore, #tpu.memory_space<semaphore_mem>>) src(%dma_wait3A_117 : memref<128xi32, #tpu.memory_space<hbm>>) dst(%arg8 : memref<128xi32, #tpu.memory_space<vmem>>)
    %add3A_118 = arith.constant 320000 : i32
    %add3A_119 = arith.addi %add3A_118, %mul3A_115 : i32
    %dma_wait3A_120 = tpu.memref_slice %arg3[%add3A_119] : memref<640000xi32, #tpu.memory_space<hbm>> -> memref<128xi32, #tpu.memory_space<hbm>>
    %dma_wait3A_121 = tpu.memref_slice %arg3[%add3A_119] : memref<640000xi32, #tpu.memory_space<hbm>> -> memref<128xi32, #tpu.memory_space<hbm>>
    tpu.wait_dma2 semaphore(%arg20 : memref<!tpu.dma_semaphore, #tpu.memory_space<semaphore_mem>>) src(%dma_wait3A_121 : memref<128xi32, #tpu.memory_space<hbm>>) dst(%arg12 : memref<128xi32, #tpu.memory_space<vmem>>)
    %dma_start3A_122 = arith.constant 0 : i32
    %dma_start3A_123 = arith.constant 0 : i32
    %dma_start3A_124 = tpu.memref_slice %arg2[%dma_start3A_122, %dma_start3A_123] : memref<10000x128xf32, #tpu.memory_space<hbm>> -> memref<10000x128xf32, #tpu.memory_space<hbm>>
    tpu.enqueue_indirect_dma source(%dma_start3A_124 : memref<10000x128xf32, #tpu.memory_space<hbm>>) target(%arg13 : memref<128x128xf32, #tpu.memory_space<vmem>>) offsets(%arg8 : memref<128xi32, #tpu.memory_space<vmem>>) semaphore(%arg21 : memref<!tpu.dma_semaphore, #tpu.memory_space<semaphore_mem>>)
    %add3A_125 = arith.constant 76 : i32
    %add3A_126 = arith.addi %mul3A_4, %add3A_125 : i32
    %mul3A_127 = arith.constant 128 : i32
    %mul3A_128 = arith.muli %add3A_126, %mul3A_127 : i32
    %dma_start3A_129 = tpu.memref_slice %arg3[%mul3A_128] : memref<640000xi32, #tpu.memory_space<hbm>> -> memref<128xi32, #tpu.memory_space<hbm>>
    %dma_start3A_130 = tpu.memref_slice %arg3[%mul3A_128] : memref<640000xi32, #tpu.memory_space<hbm>> -> memref<128xi32, #tpu.memory_space<hbm>>
    tpu.enqueue_dma source(%dma_start3A_130 : memref<128xi32, #tpu.memory_space<hbm>>) target(%arg5 : memref<128xi32, #tpu.memory_space<vmem>>) target_semaphore(%arg17 : memref<!tpu.dma_semaphore, #tpu.memory_space<semaphore_mem>>)
    %add3A_131 = arith.constant 320000 : i32
    %add3A_132 = arith.addi %add3A_131, %mul3A_128 : i32
    %dma_start3A_133 = tpu.memref_slice %arg3[%add3A_132] : memref<640000xi32, #tpu.memory_space<hbm>> -> memref<128xi32, #tpu.memory_space<hbm>>
    %dma_start3A_134 = tpu.memref_slice %arg3[%add3A_132] : memref<640000xi32, #tpu.memory_space<hbm>> -> memref<128xi32, #tpu.memory_space<hbm>>
    tpu.enqueue_dma source(%dma_start3A_134 : memref<128xi32, #tpu.memory_space<hbm>>) target(%arg9 : memref<128xi32, #tpu.memory_space<vmem>>) target_semaphore(%arg17 : memref<!tpu.dma_semaphore, #tpu.memory_space<semaphore_mem>>)
    %dma_wait3A_135 = arith.constant 0 : i32
    %dma_wait3A_136 = arith.constant 0 : i32
    %dma_wait3A_137 = tpu.memref_slice %arg2[%dma_wait3A_135, %dma_wait3A_136] : memref<10000x128xf32, #tpu.memory_space<hbm>> -> memref<10000x128xf32, #tpu.memory_space<hbm>>
    tpu.wait_indirect_dma semaphore(%arg23 : memref<!tpu.dma_semaphore, #tpu.memory_space<semaphore_mem>>) src(%dma_wait3A_137 : memref<10000x128xf32, #tpu.memory_space<hbm>>) dst(%arg15 : memref<128x128xf32, #tpu.memory_space<vmem>>)
    %dma_start3A_138 = arith.constant 0 : i32
    %dma_start3A_139 = arith.constant 0 : i32
    %dma_start3A_140 = tpu.memref_slice %arg16[%dma_start3A_138, %dma_start3A_139] : memref<10000x128xf32, #tpu.memory_space<vmem_shared>> -> memref<10000x128xf32, #tpu.memory_space<vmem_shared>>
    tpu.enqueue_indirect_dma source(%arg15 : memref<128x128xf32, #tpu.memory_space<vmem>>) target(%dma_start3A_140 : memref<10000x128xf32, #tpu.memory_space<vmem_shared>>) offsets(%arg11 : memref<128xi32, #tpu.memory_space<vmem>>) semaphore(%arg26 : memref<!tpu.dma_semaphore, #tpu.memory_space<semaphore_mem>>) {add = true}
    %dma_wait3A_141 = arith.constant 0 : i32
    %dma_wait3A_142 = arith.constant 0 : i32
    %dma_wait3A_143 = tpu.memref_slice %arg16[%dma_wait3A_141, %dma_wait3A_142] : memref<10000x128xf32, #tpu.memory_space<vmem_shared>> -> memref<10000x128xf32, #tpu.memory_space<vmem_shared>>
    tpu.wait_indirect_dma semaphore(%arg25 : memref<!tpu.dma_semaphore, #tpu.memory_space<semaphore_mem>>) src(%arg14 : memref<128x128xf32, #tpu.memory_space<vmem>>) dst(%dma_wait3A_143 : memref<10000x128xf32, #tpu.memory_space<vmem_shared>>)
    %add3A_144 = arith.constant 76 : i32
    %add3A_145 = arith.addi %mul3A_4, %add3A_144 : i32
    %mul3A_146 = arith.constant 128 : i32
    %mul3A_147 = arith.muli %add3A_145, %mul3A_146 : i32
    %dma_wait3A_148 = tpu.memref_slice %arg3[%mul3A_147] : memref<640000xi32, #tpu.memory_space<hbm>> -> memref<128xi32, #tpu.memory_space<hbm>>
    %dma_wait3A_149 = tpu.memref_slice %arg3[%mul3A_147] : memref<640000xi32, #tpu.memory_space<hbm>> -> memref<128xi32, #tpu.memory_space<hbm>>
    tpu.wait_dma2 semaphore(%arg17 : memref<!tpu.dma_semaphore, #tpu.memory_space<semaphore_mem>>) src(%dma_wait3A_149 : memref<128xi32, #tpu.memory_space<hbm>>) dst(%arg5 : memref<128xi32, #tpu.memory_space<vmem>>)
    %add3A_150 = arith.constant 320000 : i32
    %add3A_151 = arith.addi %add3A_150, %mul3A_147 : i32
    %dma_wait3A_152 = tpu.memref_slice %arg3[%add3A_151] : memref<640000xi32, #tpu.memory_space<hbm>> -> memref<128xi32, #tpu.memory_space<hbm>>
    %dma_wait3A_153 = tpu.memref_slice %arg3[%add3A_151] : memref<640000xi32, #tpu.memory_space<hbm>> -> memref<128xi32, #tpu.memory_space<hbm>>
    tpu.wait_dma2 semaphore(%arg17 : memref<!tpu.dma_semaphore, #tpu.memory_space<semaphore_mem>>) src(%dma_wait3A_153 : memref<128xi32, #tpu.memory_space<hbm>>) dst(%arg9 : memref<128xi32, #tpu.memory_space<vmem>>)
    %dma_start3A_154 = arith.constant 0 : i32
    %dma_start3A_155 = arith.constant 0 : i32
    %dma_start3A_156 = tpu.memref_slice %arg2[%dma_start3A_154, %dma_start3A_155] : memref<10000x128xf32, #tpu.memory_space<hbm>> -> memref<10000x128xf32, #tpu.memory_space<hbm>>
    tpu.enqueue_indirect_dma source(%dma_start3A_156 : memref<10000x128xf32, #tpu.memory_space<hbm>>) target(%arg14 : memref<128x128xf32, #tpu.memory_space<vmem>>) offsets(%arg5 : memref<128xi32, #tpu.memory_space<vmem>>) semaphore(%arg22 : memref<!tpu.dma_semaphore, #tpu.memory_space<semaphore_mem>>)
    %add3A_157 = arith.constant 77 : i32
    %add3A_158 = arith.addi %mul3A_4, %add3A_157 : i32
    %mul3A_159 = arith.constant 128 : i32
    %mul3A_160 = arith.muli %add3A_158, %mul3A_159 : i32
    %dma_start3A_161 = tpu.memref_slice %arg3[%mul3A_160] : memref<640000xi32, #tpu.memory_space<hbm>> -> memref<128xi32, #tpu.memory_space<hbm>>
    %dma_start3A_162 = tpu.memref_slice %arg3[%mul3A_160] : memref<640000xi32, #tpu.memory_space<hbm>> -> memref<128xi32, #tpu.memory_space<hbm>>
    tpu.enqueue_dma source(%dma_start3A_162 : memref<128xi32, #tpu.memory_space<hbm>>) target(%arg6 : memref<128xi32, #tpu.memory_space<vmem>>) target_semaphore(%arg18 : memref<!tpu.dma_semaphore, #tpu.memory_space<semaphore_mem>>)
    %add3A_163 = arith.constant 320000 : i32
    %add3A_164 = arith.addi %add3A_163, %mul3A_160 : i32
    %dma_start3A_165 = tpu.memref_slice %arg3[%add3A_164] : memref<640000xi32, #tpu.memory_space<hbm>> -> memref<128xi32, #tpu.memory_space<hbm>>
    %dma_start3A_166 = tpu.memref_slice %arg3[%add3A_164] : memref<640000xi32, #tpu.memory_space<hbm>> -> memref<128xi32, #tpu.memory_space<hbm>>
    tpu.enqueue_dma source(%dma_start3A_166 : memref<128xi32, #tpu.memory_space<hbm>>) target(%arg10 : memref<128xi32, #tpu.memory_space<vmem>>) target_semaphore(%arg18 : memref<!tpu.dma_semaphore, #tpu.memory_space<semaphore_mem>>)
    %dma_wait3A_167 = arith.constant 0 : i32
    %dma_wait3A_168 = arith.constant 0 : i32
    %dma_wait3A_169 = tpu.memref_slice %arg2[%dma_wait3A_167, %dma_wait3A_168] : memref<10000x128xf32, #tpu.memory_space<hbm>> -> memref<10000x128xf32, #tpu.memory_space<hbm>>
    tpu.wait_indirect_dma semaphore(%arg21 : memref<!tpu.dma_semaphore, #tpu.memory_space<semaphore_mem>>) src(%dma_wait3A_169 : memref<10000x128xf32, #tpu.memory_space<hbm>>) dst(%arg13 : memref<128x128xf32, #tpu.memory_space<vmem>>)
    %dma_start3A_170 = arith.constant 0 : i32
    %dma_start3A_171 = arith.constant 0 : i32
    %dma_start3A_172 = tpu.memref_slice %arg16[%dma_start3A_170, %dma_start3A_171] : memref<10000x128xf32, #tpu.memory_space<vmem_shared>> -> memref<10000x128xf32, #tpu.memory_space<vmem_shared>>
    tpu.enqueue_indirect_dma source(%arg13 : memref<128x128xf32, #tpu.memory_space<vmem>>) target(%dma_start3A_172 : memref<10000x128xf32, #tpu.memory_space<vmem_shared>>) offsets(%arg12 : memref<128xi32, #tpu.memory_space<vmem>>) semaphore(%arg24 : memref<!tpu.dma_semaphore, #tpu.memory_space<semaphore_mem>>) {add = true}
    %dma_wait3A_173 = arith.constant 0 : i32
    %dma_wait3A_174 = arith.constant 0 : i32
    %dma_wait3A_175 = tpu.memref_slice %arg16[%dma_wait3A_173, %dma_wait3A_174] : memref<10000x128xf32, #tpu.memory_space<vmem_shared>> -> memref<10000x128xf32, #tpu.memory_space<vmem_shared>>
    tpu.wait_indirect_dma semaphore(%arg26 : memref<!tpu.dma_semaphore, #tpu.memory_space<semaphore_mem>>) src(%arg15 : memref<128x128xf32, #tpu.memory_space<vmem>>) dst(%dma_wait3A_175 : memref<10000x128xf32, #tpu.memory_space<vmem_shared>>)
    %add3A_176 = arith.constant 77 : i32
    %add3A_177 = arith.addi %mul3A_4, %add3A_176 : i32
    %mul3A_178 = arith.constant 128 : i32
    %mul3A_179 = arith.muli %add3A_177, %mul3A_178 : i32
    %dma_wait3A_180 = tpu.memref_slice %arg3[%mul3A_179] : memref<640000xi32, #tpu.memory_space<hbm>> -> memref<128xi32, #tpu.memory_space<hbm>>
    %dma_wait3A_181 = tpu.memref_slice %arg3[%mul3A_179] : memref<640000xi32, #tpu.memory_space<hbm>> -> memref<128xi32, #tpu.memory_space<hbm>>
    tpu.wait_dma2 semaphore(%arg18 : memref<!tpu.dma_semaphore, #tpu.memory_space<semaphore_mem>>) src(%dma_wait3A_181 : memref<128xi32, #tpu.memory_space<hbm>>) dst(%arg6 : memref<128xi32, #tpu.memory_space<vmem>>)
    %add3A_182 = arith.constant 320000 : i32
    %add3A_183 = arith.addi %add3A_182, %mul3A_179 : i32
    %dma_wait3A_184 = tpu.memref_slice %arg3[%add3A_183] : memref<640000xi32, #tpu.memory_space<hbm>> -> memref<128xi32, #tpu.memory_space<hbm>>
    %dma_wait3A_185 = tpu.memref_slice %arg3[%add3A_183] : memref<640000xi32, #tpu.memory_space<hbm>> -> memref<128xi32, #tpu.memory_space<hbm>>
    tpu.wait_dma2 semaphore(%arg18 : memref<!tpu.dma_semaphore, #tpu.memory_space<semaphore_mem>>) src(%dma_wait3A_185 : memref<128xi32, #tpu.memory_space<hbm>>) dst(%arg10 : memref<128xi32, #tpu.memory_space<vmem>>)
    %dma_start3A_186 = arith.constant 0 : i32
    %dma_start3A_187 = arith.constant 0 : i32
    %dma_start3A_188 = tpu.memref_slice %arg2[%dma_start3A_186, %dma_start3A_187] : memref<10000x128xf32, #tpu.memory_space<hbm>> -> memref<10000x128xf32, #tpu.memory_space<hbm>>
    tpu.enqueue_indirect_dma source(%dma_start3A_188 : memref<10000x128xf32, #tpu.memory_space<hbm>>) target(%arg15 : memref<128x128xf32, #tpu.memory_space<vmem>>) offsets(%arg6 : memref<128xi32, #tpu.memory_space<vmem>>) semaphore(%arg23 : memref<!tpu.dma_semaphore, #tpu.memory_space<semaphore_mem>>)
    %add3A_189 = arith.constant 78 : i32
    %add3A_190 = arith.addi %mul3A_4, %add3A_189 : i32
    %mul3A_191 = arith.constant 128 : i32
    %mul3A_192 = arith.muli %add3A_190, %mul3A_191 : i32
    %dma_start3A_193 = tpu.memref_slice %arg3[%mul3A_192] : memref<640000xi32, #tpu.memory_space<hbm>> -> memref<128xi32, #tpu.memory_space<hbm>>
    %dma_start3A_194 = tpu.memref_slice %arg3[%mul3A_192] : memref<640000xi32, #tpu.memory_space<hbm>> -> memref<128xi32, #tpu.memory_space<hbm>>
    tpu.enqueue_dma source(%dma_start3A_194 : memref<128xi32, #tpu.memory_space<hbm>>) target(%arg7 : memref<128xi32, #tpu.memory_space<vmem>>) target_semaphore(%arg19 : memref<!tpu.dma_semaphore, #tpu.memory_space<semaphore_mem>>)
    %add3A_195 = arith.constant 320000 : i32
    %add3A_196 = arith.addi %add3A_195, %mul3A_192 : i32
    %dma_start3A_197 = tpu.memref_slice %arg3[%add3A_196] : memref<640000xi32, #tpu.memory_space<hbm>> -> memref<128xi32, #tpu.memory_space<hbm>>
    %dma_start3A_198 = tpu.memref_slice %arg3[%add3A_196] : memref<640000xi32, #tpu.memory_space<hbm>> -> memref<128xi32, #tpu.memory_space<hbm>>
    tpu.enqueue_dma source(%dma_start3A_198 : memref<128xi32, #tpu.memory_space<hbm>>) target(%arg11 : memref<128xi32, #tpu.memory_space<vmem>>) target_semaphore(%arg19 : memref<!tpu.dma_semaphore, #tpu.memory_space<semaphore_mem>>)
    %dma_wait3A_199 = arith.constant 0 : i32
    %dma_wait3A_200 = arith.constant 0 : i32
    %dma_wait3A_201 = tpu.memref_slice %arg2[%dma_wait3A_199, %dma_wait3A_200] : memref<10000x128xf32, #tpu.memory_space<hbm>> -> memref<10000x128xf32, #tpu.memory_space<hbm>>
    tpu.wait_indirect_dma semaphore(%arg22 : memref<!tpu.dma_semaphore, #tpu.memory_space<semaphore_mem>>) src(%dma_wait3A_201 : memref<10000x128xf32, #tpu.memory_space<hbm>>) dst(%arg14 : memref<128x128xf32, #tpu.memory_space<vmem>>)
    %dma_start3A_202 = arith.constant 0 : i32
    %dma_start3A_203 = arith.constant 0 : i32
    %dma_start3A_204 = tpu.memref_slice %arg16[%dma_start3A_202, %dma_start3A_203] : memref<10000x128xf32, #tpu.memory_space<vmem_shared>> -> memref<10000x128xf32, #tpu.memory_space<vmem_shared>>
    tpu.enqueue_indirect_dma source(%arg14 : memref<128x128xf32, #tpu.memory_space<vmem>>) target(%dma_start3A_204 : memref<10000x128xf32, #tpu.memory_space<vmem_shared>>) offsets(%arg9 : memref<128xi32, #tpu.memory_space<vmem>>) semaphore(%arg25 : memref<!tpu.dma_semaphore, #tpu.memory_space<semaphore_mem>>) {add = true}
    %dma_wait3A_205 = arith.constant 0 : i32
    %dma_wait3A_206 = arith.constant 0 : i32
    %dma_wait3A_207 = tpu.memref_slice %arg16[%dma_wait3A_205, %dma_wait3A_206] : memref<10000x128xf32, #tpu.memory_space<vmem_shared>> -> memref<10000x128xf32, #tpu.memory_space<vmem_shared>>
    tpu.wait_indirect_dma semaphore(%arg24 : memref<!tpu.dma_semaphore, #tpu.memory_space<semaphore_mem>>) src(%arg13 : memref<128x128xf32, #tpu.memory_space<vmem>>) dst(%dma_wait3A_207 : memref<10000x128xf32, #tpu.memory_space<vmem_shared>>)
    %add3A_208 = arith.constant 78 : i32
    %add3A_209 = arith.addi %mul3A_4, %add3A_208 : i32
    %mul3A_210 = arith.constant 128 : i32
    %mul3A_211 = arith.muli %add3A_209, %mul3A_210 : i32
    %dma_wait3A_212 = tpu.memref_slice %arg3[%mul3A_211] : memref<640000xi32, #tpu.memory_space<hbm>> -> memref<128xi32, #tpu.memory_space<hbm>>
    %dma_wait3A_213 = tpu.memref_slice %arg3[%mul3A_211] : memref<640000xi32, #tpu.memory_space<hbm>> -> memref<128xi32, #tpu.memory_space<hbm>>
    tpu.wait_dma2 semaphore(%arg19 : memref<!tpu.dma_semaphore, #tpu.memory_space<semaphore_mem>>) src(%dma_wait3A_213 : memref<128xi32, #tpu.memory_space<hbm>>) dst(%arg7 : memref<128xi32, #tpu.memory_space<vmem>>)
    %add3A_214 = arith.constant 320000 : i32
    %add3A_215 = arith.addi %add3A_214, %mul3A_211 : i32
    %dma_wait3A_216 = tpu.memref_slice %arg3[%add3A_215] : memref<640000xi32, #tpu.memory_space<hbm>> -> memref<128xi32, #tpu.memory_space<hbm>>
    %dma_wait3A_217 = tpu.memref_slice %arg3[%add3A_215] : memref<640000xi32, #tpu.memory_space<hbm>> -> memref<128xi32, #tpu.memory_space<hbm>>
    tpu.wait_dma2 semaphore(%arg19 : memref<!tpu.dma_semaphore, #tpu.memory_space<semaphore_mem>>) src(%dma_wait3A_217 : memref<128xi32, #tpu.memory_space<hbm>>) dst(%arg11 : memref<128xi32, #tpu.memory_space<vmem>>)
    %dma_start3A_218 = arith.constant 0 : i32
    %dma_start3A_219 = arith.constant 0 : i32
    %dma_start3A_220 = tpu.memref_slice %arg2[%dma_start3A_218, %dma_start3A_219] : memref<10000x128xf32, #tpu.memory_space<hbm>> -> memref<10000x128xf32, #tpu.memory_space<hbm>>
    tpu.enqueue_indirect_dma source(%dma_start3A_220 : memref<10000x128xf32, #tpu.memory_space<hbm>>) target(%arg13 : memref<128x128xf32, #tpu.memory_space<vmem>>) offsets(%arg7 : memref<128xi32, #tpu.memory_space<vmem>>) semaphore(%arg21 : memref<!tpu.dma_semaphore, #tpu.memory_space<semaphore_mem>>)
    %add3A_221 = arith.constant 79 : i32
    %add3A_222 = arith.addi %mul3A_4, %add3A_221 : i32
    %mul3A_223 = arith.constant 128 : i32
    %mul3A_224 = arith.muli %add3A_222, %mul3A_223 : i32
    %dma_start3A_225 = tpu.memref_slice %arg3[%mul3A_224] : memref<640000xi32, #tpu.memory_space<hbm>> -> memref<128xi32, #tpu.memory_space<hbm>>
    %dma_start3A_226 = tpu.memref_slice %arg3[%mul3A_224] : memref<640000xi32, #tpu.memory_space<hbm>> -> memref<128xi32, #tpu.memory_space<hbm>>
    tpu.enqueue_dma source(%dma_start3A_226 : memref<128xi32, #tpu.memory_space<hbm>>) target(%arg8 : memref<128xi32, #tpu.memory_space<vmem>>) target_semaphore(%arg20 : memref<!tpu.dma_semaphore, #tpu.memory_space<semaphore_mem>>)
    %add3A_227 = arith.constant 320000 : i32
    %add3A_228 = arith.addi %add3A_227, %mul3A_224 : i32
    %dma_start3A_229 = tpu.memref_slice %arg3[%add3A_228] : memref<640000xi32, #tpu.memory_space<hbm>> -> memref<128xi32, #tpu.memory_space<hbm>>
    %dma_start3A_230 = tpu.memref_slice %arg3[%add3A_228] : memref<640000xi32, #tpu.memory_space<hbm>> -> memref<128xi32, #tpu.memory_space<hbm>>
    tpu.enqueue_dma source(%dma_start3A_230 : memref<128xi32, #tpu.memory_space<hbm>>) target(%arg12 : memref<128xi32, #tpu.memory_space<vmem>>) target_semaphore(%arg20 : memref<!tpu.dma_semaphore, #tpu.memory_space<semaphore_mem>>)
    %dma_wait3A_231 = arith.constant 0 : i32
    %dma_wait3A_232 = arith.constant 0 : i32
    %dma_wait3A_233 = tpu.memref_slice %arg2[%dma_wait3A_231, %dma_wait3A_232] : memref<10000x128xf32, #tpu.memory_space<hbm>> -> memref<10000x128xf32, #tpu.memory_space<hbm>>
    tpu.wait_indirect_dma semaphore(%arg23 : memref<!tpu.dma_semaphore, #tpu.memory_space<semaphore_mem>>) src(%dma_wait3A_233 : memref<10000x128xf32, #tpu.memory_space<hbm>>) dst(%arg15 : memref<128x128xf32, #tpu.memory_space<vmem>>)
    %dma_start3A_234 = arith.constant 0 : i32
    %dma_start3A_235 = arith.constant 0 : i32
    %dma_start3A_236 = tpu.memref_slice %arg16[%dma_start3A_234, %dma_start3A_235] : memref<10000x128xf32, #tpu.memory_space<vmem_shared>> -> memref<10000x128xf32, #tpu.memory_space<vmem_shared>>
    tpu.enqueue_indirect_dma source(%arg15 : memref<128x128xf32, #tpu.memory_space<vmem>>) target(%dma_start3A_236 : memref<10000x128xf32, #tpu.memory_space<vmem_shared>>) offsets(%arg10 : memref<128xi32, #tpu.memory_space<vmem>>) semaphore(%arg26 : memref<!tpu.dma_semaphore, #tpu.memory_space<semaphore_mem>>) {add = true}
    %dma_wait3A_237 = arith.constant 0 : i32
    %dma_wait3A_238 = arith.constant 0 : i32
    %dma_wait3A_239 = tpu.memref_slice %arg16[%dma_wait3A_237, %dma_wait3A_238] : memref<10000x128xf32, #tpu.memory_space<vmem_shared>> -> memref<10000x128xf32, #tpu.memory_space<vmem_shared>>
    tpu.wait_indirect_dma semaphore(%arg25 : memref<!tpu.dma_semaphore, #tpu.memory_space<semaphore_mem>>) src(%arg14 : memref<128x128xf32, #tpu.memory_space<vmem>>) dst(%dma_wait3A_239 : memref<10000x128xf32, #tpu.memory_space<vmem_shared>>)
    %dma_wait3A_240 = arith.constant 0 : i32
    %dma_wait3A_241 = arith.constant 0 : i32
    %dma_wait3A_242 = tpu.memref_slice %arg16[%dma_wait3A_240, %dma_wait3A_241] : memref<10000x128xf32, #tpu.memory_space<vmem_shared>> -> memref<10000x128xf32, #tpu.memory_space<vmem_shared>>
    tpu.wait_indirect_dma semaphore(%arg26 : memref<!tpu.dma_semaphore, #tpu.memory_space<semaphore_mem>>) src(%arg15 : memref<128x128xf32, #tpu.memory_space<vmem>>) dst(%dma_wait3A_242 : memref<10000x128xf32, #tpu.memory_space<vmem_shared>>)
    %dma_wait3A_243 = arith.constant 0 : i32
    %dma_wait3A_244 = arith.constant 0 : i32
    %dma_wait3A_245 = tpu.memref_slice %arg2[%dma_wait3A_243, %dma_wait3A_244] : memref<10000x128xf32, #tpu.memory_space<hbm>> -> memref<10000x128xf32, #tpu.memory_space<hbm>>
    tpu.wait_indirect_dma semaphore(%arg21 : memref<!tpu.dma_semaphore, #tpu.memory_space<semaphore_mem>>) src(%dma_wait3A_245 : memref<10000x128xf32, #tpu.memory_space<hbm>>) dst(%arg13 : memref<128x128xf32, #tpu.memory_space<vmem>>)
    %add3A_246 = arith.constant 79 : i32
    %add3A_247 = arith.addi %mul3A_4, %add3A_246 : i32
    %mul3A_248 = arith.constant 128 : i32
    %mul3A_249 = arith.muli %add3A_247, %mul3A_248 : i32
    %dma_wait3A_250 = tpu.memref_slice %arg3[%mul3A_249] : memref<640000xi32, #tpu.memory_space<hbm>> -> memref<128xi32, #tpu.memory_space<hbm>>
    %dma_wait3A_251 = tpu.memref_slice %arg3[%mul3A_249] : memref<640000xi32, #tpu.memory_space<hbm>> -> memref<128xi32, #tpu.memory_space<hbm>>
    tpu.wait_dma2 semaphore(%arg20 : memref<!tpu.dma_semaphore, #tpu.memory_space<semaphore_mem>>) src(%dma_wait3A_251 : memref<128xi32, #tpu.memory_space<hbm>>) dst(%arg8 : memref<128xi32, #tpu.memory_space<vmem>>)
    %add3A_252 = arith.constant 320000 : i32
    %add3A_253 = arith.addi %add3A_252, %mul3A_249 : i32
    %dma_wait3A_254 = tpu.memref_slice %arg3[%add3A_253] : memref<640000xi32, #tpu.memory_space<hbm>> -> memref<128xi32, #tpu.memory_space<hbm>>
    %dma_wait3A_255 = tpu.memref_slice %arg3[%add3A_253] : memref<640000xi32, #tpu.memory_space<hbm>> -> memref<128xi32, #tpu.memory_space<hbm>>
    tpu.wait_dma2 semaphore(%arg20 : memref<!tpu.dma_semaphore, #tpu.memory_space<semaphore_mem>>) src(%dma_wait3A_255 : memref<128xi32, #tpu.memory_space<hbm>>) dst(%arg12 : memref<128xi32, #tpu.memory_space<vmem>>)
    %lt3A_256 = arith.constant 4 : i32
    %lt3A_257 = arith.cmpi slt, %add3A, %lt3A_256 : i32
    %convert_element_type3A_258 = arith.extui %lt3A_257 : i1 to i32
    %cond3A_259 = arith.constant 0 : i32
    %cond3A_260 = arith.cmpi ne, %convert_element_type3A_258, %cond3A_259 : i32
    scf.if %cond3A_260 {
      %add3A_272 = arith.constant 2496 : i32
      %add3A_273 = arith.addi %add3A_272, %add3A : i32
      %mul3A_274 = arith.constant 128 : i32
      %mul3A_275 = arith.muli %add3A_273, %mul3A_274 : i32
      "tpu.region"() ({
        %run_scoped3A = tpu.sem_alloc : memref<!tpu.dma_semaphore, #tpu.memory_space<semaphore_mem>>
        %dma_start3A_278 = tpu.memref_slice %arg3[%mul3A_275] : memref<640000xi32, #tpu.memory_space<hbm>> -> memref<128xi32, #tpu.memory_space<hbm>>
        %dma_start3A_279 = tpu.memref_slice %arg3[%mul3A_275] : memref<640000xi32, #tpu.memory_space<hbm>> -> memref<128xi32, #tpu.memory_space<hbm>>
        tpu.enqueue_dma source(%dma_start3A_279 : memref<128xi32, #tpu.memory_space<hbm>>) target(%arg5 : memref<128xi32, #tpu.memory_space<vmem>>) target_semaphore(%run_scoped3A : memref<!tpu.dma_semaphore, #tpu.memory_space<semaphore_mem>>)
        %dma_wait3A_280 = tpu.memref_slice %arg3[%mul3A_275] : memref<640000xi32, #tpu.memory_space<hbm>> -> memref<128xi32, #tpu.memory_space<hbm>>
        %dma_wait3A_281 = tpu.memref_slice %arg3[%mul3A_275] : memref<640000xi32, #tpu.memory_space<hbm>> -> memref<128xi32, #tpu.memory_space<hbm>>
        tpu.wait_dma2 semaphore(%run_scoped3A : memref<!tpu.dma_semaphore, #tpu.memory_space<semaphore_mem>>) src(%dma_wait3A_281 : memref<128xi32, #tpu.memory_space<hbm>>) dst(%arg5 : memref<128xi32, #tpu.memory_space<vmem>>)
        tpu.yield
      }) : () -> ()
      %add3A_276 = arith.constant 320000 : i32
      %add3A_277 = arith.addi %add3A_276, %mul3A_275 : i32
      "tpu.region"() ({
        %run_scoped3A = tpu.sem_alloc : memref<!tpu.dma_semaphore, #tpu.memory_space<semaphore_mem>>
        %dma_start3A_278 = tpu.memref_slice %arg3[%add3A_277] : memref<640000xi32, #tpu.memory_space<hbm>> -> memref<128xi32, #tpu.memory_space<hbm>>
        %dma_start3A_279 = tpu.memref_slice %arg3[%add3A_277] : memref<640000xi32, #tpu.memory_space<hbm>> -> memref<128xi32, #tpu.memory_space<hbm>>
        tpu.enqueue_dma source(%dma_start3A_279 : memref<128xi32, #tpu.memory_space<hbm>>) target(%arg9 : memref<128xi32, #tpu.memory_space<vmem>>) target_semaphore(%run_scoped3A : memref<!tpu.dma_semaphore, #tpu.memory_space<semaphore_mem>>)
        %dma_wait3A_280 = tpu.memref_slice %arg3[%add3A_277] : memref<640000xi32, #tpu.memory_space<hbm>> -> memref<128xi32, #tpu.memory_space<hbm>>
        %dma_wait3A_281 = tpu.memref_slice %arg3[%add3A_277] : memref<640000xi32, #tpu.memory_space<hbm>> -> memref<128xi32, #tpu.memory_space<hbm>>
        tpu.wait_dma2 semaphore(%run_scoped3A : memref<!tpu.dma_semaphore, #tpu.memory_space<semaphore_mem>>) src(%dma_wait3A_281 : memref<128xi32, #tpu.memory_space<hbm>>) dst(%arg9 : memref<128xi32, #tpu.memory_space<vmem>>)
        tpu.yield
      }) : () -> ()
      "tpu.region"() ({
        %run_scoped3A = tpu.sem_alloc : memref<!tpu.dma_semaphore, #tpu.memory_space<semaphore_mem>>
        %dma_start3A_278 = arith.constant 0 : i32
        %dma_start3A_279 = arith.constant 0 : i32
        %dma_start3A_280 = tpu.memref_slice %arg2[%dma_start3A_278, %dma_start3A_279] : memref<10000x128xf32, #tpu.memory_space<hbm>> -> memref<10000x128xf32, #tpu.memory_space<hbm>>
        tpu.enqueue_indirect_dma source(%dma_start3A_280 : memref<10000x128xf32, #tpu.memory_space<hbm>>) target(%arg13 : memref<128x128xf32, #tpu.memory_space<vmem>>) offsets(%arg5 : memref<128xi32, #tpu.memory_space<vmem>>) semaphore(%run_scoped3A : memref<!tpu.dma_semaphore, #tpu.memory_space<semaphore_mem>>)
        %dma_wait3A_281 = arith.constant 0 : i32
        %dma_wait3A_282 = arith.constant 0 : i32
        %dma_wait3A_283 = tpu.memref_slice %arg2[%dma_wait3A_281, %dma_wait3A_282] : memref<10000x128xf32, #tpu.memory_space<hbm>> -> memref<10000x128xf32, #tpu.memory_space<hbm>>
        tpu.wait_indirect_dma semaphore(%run_scoped3A : memref<!tpu.dma_semaphore, #tpu.memory_space<semaphore_mem>>) src(%dma_wait3A_283 : memref<10000x128xf32, #tpu.memory_space<hbm>>) dst(%arg13 : memref<128x128xf32, #tpu.memory_space<vmem>>)
        tpu.yield
      }) : () -> ()
      "tpu.region"() ({
        %run_scoped3A = tpu.sem_alloc : memref<!tpu.dma_semaphore, #tpu.memory_space<semaphore_mem>>
        %dma_start3A_278 = arith.constant 0 : i32
        %dma_start3A_279 = arith.constant 0 : i32
        %dma_start3A_280 = tpu.memref_slice %arg16[%dma_start3A_278, %dma_start3A_279] : memref<10000x128xf32, #tpu.memory_space<vmem_shared>> -> memref<10000x128xf32, #tpu.memory_space<vmem_shared>>
        tpu.enqueue_indirect_dma source(%arg13 : memref<128x128xf32, #tpu.memory_space<vmem>>) target(%dma_start3A_280 : memref<10000x128xf32, #tpu.memory_space<vmem_shared>>) offsets(%arg9 : memref<128xi32, #tpu.memory_space<vmem>>) semaphore(%run_scoped3A : memref<!tpu.dma_semaphore, #tpu.memory_space<semaphore_mem>>) {add = true}
        %dma_wait3A_281 = arith.constant 0 : i32
        %dma_wait3A_282 = arith.constant 0 : i32
        %dma_wait3A_283 = tpu.memref_slice %arg16[%dma_wait3A_281, %dma_wait3A_282] : memref<10000x128xf32, #tpu.memory_space<vmem_shared>> -> memref<10000x128xf32, #tpu.memory_space<vmem_shared>>
        tpu.wait_indirect_dma semaphore(%run_scoped3A : memref<!tpu.dma_semaphore, #tpu.memory_space<semaphore_mem>>) src(%arg13 : memref<128x128xf32, #tpu.memory_space<vmem>>) dst(%dma_wait3A_283 : memref<10000x128xf32, #tpu.memory_space<vmem_shared>>)
        tpu.yield
      }) : () -> ()
    } else {
    }
    %barrier3A_261 = arith.constant 0 : index
    tpu.barrier barrier_id(%barrier3A_261)
    %lt3A_262 = arith.constant 15 : i32
    %lt3A_263 = arith.cmpi slt, %arg1, %lt3A_262 : i32
    %convert_element_type3A_264 = arith.extui %lt3A_263 : i1 to i32
    %cond3A_265 = arith.constant 0 : i32
    %cond3A_266 = arith.cmpi ne, %convert_element_type3A_264, %cond3A_265 : i32
    scf.if %cond3A_266 {
      %mul3A_272 = arith.constant 10000 : i32
      %mul3A_273 = arith.muli %arg0, %mul3A_272 : i32
      %add3A_274 = arith.addi %mul3A_273, %mul3A_2 : i32
      "tpu.region"() ({
        %run_scoped3A = tpu.sem_alloc : memref<!tpu.dma_semaphore, #tpu.memory_space<semaphore_mem>>
        %dma_start3A_275 = arith.constant 0 : i32
        %dma_start3A_276 = tpu.memref_slice %arg4[%add3A_274, %dma_start3A_275] : memref<20000x128xf32, #tpu.memory_space<hbm>> -> memref<632x128xf32, #tpu.memory_space<hbm>>
        %dma_start3A_277 = arith.constant 0 : i32
        %dma_start3A_278 = tpu.memref_slice %arg16[%mul3A_2, %dma_start3A_277] : memref<10000x128xf32, #tpu.memory_space<vmem_shared>> -> memref<632x128xf32, #tpu.memory_space<vmem_shared>>
        tpu.enqueue_dma source(%dma_start3A_278 : memref<632x128xf32, #tpu.memory_space<vmem_shared>>) target(%dma_start3A_276 : memref<632x128xf32, #tpu.memory_space<hbm>>) target_semaphore(%run_scoped3A : memref<!tpu.dma_semaphore, #tpu.memory_space<semaphore_mem>>)
        %dma_wait3A_279 = arith.constant 0 : i32
        %dma_wait3A_280 = tpu.memref_slice %arg4[%add3A_274, %dma_wait3A_279] : memref<20000x128xf32, #tpu.memory_space<hbm>> -> memref<632x128xf32, #tpu.memory_space<hbm>>
        %dma_wait3A_281 = arith.constant 0 : i32
        %dma_wait3A_282 = tpu.memref_slice %arg16[%mul3A_2, %dma_wait3A_281] : memref<10000x128xf32, #tpu.memory_space<vmem_shared>> -> memref<632x128xf32, #tpu.memory_space<vmem_shared>>
        tpu.wait_dma2 semaphore(%run_scoped3A : memref<!tpu.dma_semaphore, #tpu.memory_space<semaphore_mem>>) src(%dma_wait3A_282 : memref<632x128xf32, #tpu.memory_space<vmem_shared>>) dst(%dma_wait3A_280 : memref<632x128xf32, #tpu.memory_space<hbm>>)
        tpu.yield
      }) : () -> ()
    } else {
    }
    %eq3A_267 = arith.constant 15 : i32
    %eq3A_268 = arith.cmpi eq, %arg1, %eq3A_267 : i32
    %convert_element_type3A_269 = arith.extui %eq3A_268 : i1 to i32
    %cond3A_270 = arith.constant 0 : i32
    %cond3A_271 = arith.cmpi ne, %convert_element_type3A_269, %cond3A_270 : i32
    scf.if %cond3A_271 {
      %mul3A_272 = arith.constant 10000 : i32
      %mul3A_273 = arith.muli %arg0, %mul3A_272 : i32
      %add3A_274 = arith.addi %mul3A_273, %mul3A_2 : i32
      "tpu.region"() ({
        %run_scoped3A = tpu.sem_alloc : memref<!tpu.dma_semaphore, #tpu.memory_space<semaphore_mem>>
        %dma_start3A_275 = arith.constant 0 : i32
        %dma_start3A_276 = tpu.memref_slice %arg4[%add3A_274, %dma_start3A_275] : memref<20000x128xf32, #tpu.memory_space<hbm>> -> memref<520x128xf32, #tpu.memory_space<hbm>>
        %dma_start3A_277 = arith.constant 0 : i32
        %dma_start3A_278 = tpu.memref_slice %arg16[%mul3A_2, %dma_start3A_277] : memref<10000x128xf32, #tpu.memory_space<vmem_shared>> -> memref<520x128xf32, #tpu.memory_space<vmem_shared>>
        tpu.enqueue_dma source(%dma_start3A_278 : memref<520x128xf32, #tpu.memory_space<vmem_shared>>) target(%dma_start3A_276 : memref<520x128xf32, #tpu.memory_space<hbm>>) target_semaphore(%run_scoped3A : memref<!tpu.dma_semaphore, #tpu.memory_space<semaphore_mem>>)
        %dma_wait3A_279 = arith.constant 0 : i32
        %dma_wait3A_280 = tpu.memref_slice %arg4[%add3A_274, %dma_wait3A_279] : memref<20000x128xf32, #tpu.memory_space<hbm>> -> memref<520x128xf32, #tpu.memory_space<hbm>>
        %dma_wait3A_281 = arith.constant 0 : i32
        %dma_wait3A_282 = tpu.memref_slice %arg16[%mul3A_2, %dma_wait3A_281] : memref<10000x128xf32, #tpu.memory_space<vmem_shared>> -> memref<520x128xf32, #tpu.memory_space<vmem_shared>>
        tpu.wait_dma2 semaphore(%run_scoped3A : memref<!tpu.dma_semaphore, #tpu.memory_space<semaphore_mem>>) src(%dma_wait3A_282 : memref<520x128xf32, #tpu.memory_space<vmem_shared>>) dst(%dma_wait3A_280 : memref<520x128xf32, #tpu.memory_space<hbm>>)
        tpu.yield
      }) : () -> ()
    } else {
    }
    return
  }
}

module attributes {stable_mosaic.version = 14 : i64} {
  func.func @body(%arg0: i32, %arg1: memref<2000x128xf32, #tpu.memory_space<vmem>>, %arg2: memref<2000x128xf32, #tpu.memory_space<vmem>>, %arg3: memref<2000x128xf32, #tpu.memory_space<vmem>>, %arg4: memref<128x128xf32, #tpu.memory_space<vmem>>, %arg5: memref<2000x128xf32, #tpu.memory_space<vmem>>) attributes {dimension_semantics = [#tpu.dimension_semantics<arbitrary>], iteration_bounds = array<i64: 5>, scalar_prefetch = 0 : i64, scratch_operands = 0 : i64, tpu.core_type = #tpu.core_type<tc>, window_params = [{transform_indices = @transform_0, window_bounds = array<i64: 2000, 128>}, {transform_indices = @transform_1, window_bounds = array<i64: 2000, 128>}, {transform_indices = @transform_2, window_bounds = array<i64: 2000, 128>}, {pipeline_mode = #tpu.pipeline_mode<synchronous>, transform_indices = @transform_3, window_bounds = array<i64: 128, 128>}, {transform_indices = @transform_4, window_bounds = array<i64: 2000, 128>}]} {
    %get3A = arith.constant 0 : index
    %get3A_0 = arith.constant 0 : index
    %get3A_1 = vector.load %arg2[%get3A, %get3A_0] : memref<2000x128xf32, #tpu.memory_space<vmem>>, vector<2000x128xf32>
    %get3A_2 = arith.constant 0 : index
    %get3A_3 = arith.constant 0 : index
    %get3A_4 = vector.load %arg3[%get3A_2, %get3A_3] : memref<2000x128xf32, #tpu.memory_space<vmem>>, vector<2000x128xf32>
    %add3A = arith.addf %get3A_1, %get3A_4 : vector<2000x128xf32>
    %get3A_5 = arith.constant 0 : index
    %get3A_6 = arith.constant 0 : index
    %get3A_7 = vector.load %arg4[%get3A_5, %get3A_6] : memref<128x128xf32, #tpu.memory_space<vmem>>, vector<128x128xf32>
    %dot_general3A = arith.constant dense<0.000000e+00> : vector<2000x128xf32>
    %dot_general3A_8 = tpu.matmul %add3A, %get3A_7, %dot_general3A {dimension_numbers = #tpu.dot_dimension_numbers<[1], [0], [0], [1], [0, 0, 1, 1], [], []>, transpose_lhs_hint = false} : vector<2000x128xf32>, vector<128x128xf32>, vector<2000x128xf32> -> vector<2000x128xf32>
    %get3A_9 = arith.constant 0 : index
    %get3A_10 = arith.constant 0 : index
    %get3A_11 = vector.load %arg1[%get3A_9, %get3A_10] : memref<2000x128xf32, #tpu.memory_space<vmem>>, vector<2000x128xf32>
    %add3A_12 = arith.addf %dot_general3A_8, %get3A_11 : vector<2000x128xf32>
    %max3A = arith.constant 0.000000e+00 : f32
    %max3A_13 = vector.broadcast %max3A : f32 to vector<2000x128xf32>
    %max3A_14 = arith.maximumf %add3A_12, %max3A_13 : vector<2000x128xf32>
    %swap3A = arith.constant 0 : index
    %swap3A_15 = arith.constant 0 : index
    %swap3A_16 = vector.load %arg5[%swap3A, %swap3A_15] : memref<2000x128xf32, #tpu.memory_space<vmem>>, vector<2000x128xf32>
    tpu.vector_store %arg5[%swap3A, %swap3A_15], %max3A_14 {strides = array<i32>} : memref<2000x128xf32, #tpu.memory_space<vmem>>, vector<2000x128xf32>,
    return
  }
  func.func @transform_0(%arg0: i32) -> (i32, i32) {
    %c0_i32 = arith.constant 0 : i32
    %c0_i32_0 = arith.constant 0 : i32
    return %arg0, %c0_i32 : i32, i32
  }
  func.func @transform_1(%arg0: i32) -> (i32, i32) {
    %c0_i32 = arith.constant 0 : i32
    %c0_i32_0 = arith.constant 0 : i32
    return %arg0, %c0_i32 : i32, i32
  }
  func.func @transform_2(%arg0: i32) -> (i32, i32) {
    %add3A = arith.constant 5 : i32
    %add3A_0 = arith.addi %arg0, %add3A : i32
    %c0_i32 = arith.constant 0 : i32
    %c0_i32_1 = arith.constant 0 : i32
    return %add3A_0, %c0_i32 : i32, i32
  }
  func.func @transform_3(%arg0: i32) -> (i32, i32) {
    %c0_i32 = arith.constant 0 : i32
    %c0_i32_0 = arith.constant 0 : i32
    %c0_i32_1 = arith.constant 0 : i32
    return %c0_i32, %c0_i32_0 : i32, i32
  }
  func.func @transform_4(%arg0: i32) -> (i32, i32) {
    %c0_i32 = arith.constant 0 : i32
    %c0_i32_0 = arith.constant 0 : i32
    return %arg0, %c0_i32 : i32, i32
  }
}

module attributes {stable_mosaic.version = 14 : i64} {
  func.func @body(%arg0: i32, %arg1: memref<2000x128xf32, #tpu.memory_space<vmem>>, %arg2: memref<2000x128xf32, #tpu.memory_space<vmem>>, %arg3: memref<2000x128xf32, #tpu.memory_space<vmem>>, %arg4: memref<128x128xf32, #tpu.memory_space<vmem>>, %arg5: memref<2000x128xf32, #tpu.memory_space<vmem>>) attributes {dimension_semantics = [#tpu.dimension_semantics<arbitrary>], iteration_bounds = array<i64: 5>, scalar_prefetch = 0 : i64, scratch_operands = 0 : i64, tpu.core_type = #tpu.core_type<tc>, window_params = [{transform_indices = @transform_0, window_bounds = array<i64: 2000, 128>}, {transform_indices = @transform_1, window_bounds = array<i64: 2000, 128>}, {transform_indices = @transform_2, window_bounds = array<i64: 2000, 128>}, {pipeline_mode = #tpu.pipeline_mode<synchronous>, transform_indices = @transform_3, window_bounds = array<i64: 128, 128>}, {transform_indices = @transform_4, window_bounds = array<i64: 2000, 128>}]} {
    %get3A = arith.constant 0 : index
    %get3A_0 = arith.constant 0 : index
    %get3A_1 = vector.load %arg2[%get3A, %get3A_0] : memref<2000x128xf32, #tpu.memory_space<vmem>>, vector<2000x128xf32>
    %get3A_2 = arith.constant 0 : index
    %get3A_3 = arith.constant 0 : index
    %get3A_4 = vector.load %arg3[%get3A_2, %get3A_3] : memref<2000x128xf32, #tpu.memory_space<vmem>>, vector<2000x128xf32>
    %add3A = arith.addf %get3A_1, %get3A_4 : vector<2000x128xf32>
    %get3A_5 = arith.constant 0 : index
    %get3A_6 = arith.constant 0 : index
    %get3A_7 = vector.load %arg4[%get3A_5, %get3A_6] : memref<128x128xf32, #tpu.memory_space<vmem>>, vector<128x128xf32>
    %dot_general3A = arith.constant dense<0.000000e+00> : vector<2000x128xf32>
    %dot_general3A_8 = tpu.matmul %add3A, %get3A_7, %dot_general3A {dimension_numbers = #tpu.dot_dimension_numbers<[1], [0], [0], [1], [0, 0, 1, 1], [], []>, transpose_lhs_hint = false} : vector<2000x128xf32>, vector<128x128xf32>, vector<2000x128xf32> -> vector<2000x128xf32>
    %get3A_9 = arith.constant 0 : index
    %get3A_10 = arith.constant 0 : index
    %get3A_11 = vector.load %arg1[%get3A_9, %get3A_10] : memref<2000x128xf32, #tpu.memory_space<vmem>>, vector<2000x128xf32>
    %add3A_12 = arith.addf %dot_general3A_8, %get3A_11 : vector<2000x128xf32>
    %reduce_max3A = arith.constant dense<0xFF800000> : vector<2000xf32>
    %reduce_max3A_13 = vector.multi_reduction <maximumf>, %add3A_12, %reduce_max3A [1] : vector<2000x128xf32> to vector<2000xf32>
    %broadcast_in_dim3A = vector.shape_cast %reduce_max3A_13 : vector<2000xf32> to vector<2000x1xf32>
    %sub3A = vector.broadcast %broadcast_in_dim3A : vector<2000x1xf32> to vector<2000x128xf32>
    %sub3A_14 = arith.subf %add3A_12, %sub3A : vector<2000x128xf32>
    %exp3A = math.exp %sub3A_14 : vector<2000x128xf32>
    %reduce_sum3A = arith.constant dense<0.000000e+00> : vector<2000xf32>
    %reduce_sum3A_15 = vector.multi_reduction <add>, %exp3A, %reduce_sum3A [1] : vector<2000x128xf32> to vector<2000xf32>
    %broadcast_in_dim3A_16 = vector.shape_cast %reduce_sum3A_15 : vector<2000xf32> to vector<2000x1xf32>
    %log3A = math.log %broadcast_in_dim3A_16 : vector<2000x1xf32>
    %sub3A_17 = vector.broadcast %log3A : vector<2000x1xf32> to vector<2000x128xf32>
    %sub3A_18 = arith.subf %sub3A_14, %sub3A_17 : vector<2000x128xf32>
    %swap3A = arith.constant 0 : index
    %swap3A_19 = arith.constant 0 : index
    %swap3A_20 = vector.load %arg5[%swap3A, %swap3A_19] : memref<2000x128xf32, #tpu.memory_space<vmem>>, vector<2000x128xf32>
    tpu.vector_store %arg5[%swap3A, %swap3A_19], %sub3A_18 {strides = array<i32>} : memref<2000x128xf32, #tpu.memory_space<vmem>>, vector<2000x128xf32>,
    return
  }
  func.func @transform_0(%arg0: i32) -> (i32, i32) {
    %c0_i32 = arith.constant 0 : i32
    %c0_i32_0 = arith.constant 0 : i32
    return %arg0, %c0_i32 : i32, i32
  }
  func.func @transform_1(%arg0: i32) -> (i32, i32) {
    %c0_i32 = arith.constant 0 : i32
    %c0_i32_0 = arith.constant 0 : i32
    return %arg0, %c0_i32 : i32, i32
  }
  func.func @transform_2(%arg0: i32) -> (i32, i32) {
    %add3A = arith.constant 5 : i32
    %add3A_0 = arith.addi %arg0, %add3A : i32
    %c0_i32 = arith.constant 0 : i32
    %c0_i32_1 = arith.constant 0 : i32
    return %add3A_0, %c0_i32 : i32, i32
  }
  func.func @transform_3(%arg0: i32) -> (i32, i32) {
    %c0_i32 = arith.constant 0 : i32
    %c0_i32_0 = arith.constant 0 : i32
    %c0_i32_1 = arith.constant 0 : i32
    return %c0_i32, %c0_i32_0 : i32, i32
  }
  func.func @transform_4(%arg0: i32) -> (i32, i32) {
    %c0_i32 = arith.constant 0 : i32
    %c0_i32_0 = arith.constant 0 : i32
    return %arg0, %c0_i32 : i32, i32
  }
}

module attributes {stable_mosaic.version = 14 : i64} {
  func.func @body(%arg0: i32, %arg1: memref<2000x128xf32, #tpu.memory_space<vmem>>, %arg2: memref<128x128xf32, #tpu.memory_space<vmem>>, %arg3: memref<1x128xf32, #tpu.memory_space<vmem>>, %arg4: memref<2000x128xf32, #tpu.memory_space<vmem>>) attributes {dimension_semantics = [#tpu.dimension_semantics<arbitrary>], iteration_bounds = array<i64: 5>, scalar_prefetch = 0 : i64, scratch_operands = 0 : i64, tpu.core_type = #tpu.core_type<tc>, window_params = [{transform_indices = @transform_0, window_bounds = array<i64: 2000, 128>}, {pipeline_mode = #tpu.pipeline_mode<synchronous>, transform_indices = @transform_1, window_bounds = array<i64: 128, 128>}, {pipeline_mode = #tpu.pipeline_mode<synchronous>, transform_indices = @transform_2, window_bounds = array<i64: 1, 128>}, {transform_indices = @transform_3, window_bounds = array<i64: 2000, 128>}]} {
    %get3A = arith.constant 0 : index
    %get3A_0 = arith.constant 0 : index
    %get3A_1 = vector.load %arg1[%get3A, %get3A_0] : memref<2000x128xf32, #tpu.memory_space<vmem>>, vector<2000x128xf32>
    %get3A_2 = arith.constant 0 : index
    %get3A_3 = arith.constant 0 : index
    %get3A_4 = vector.load %arg2[%get3A_2, %get3A_3] : memref<128x128xf32, #tpu.memory_space<vmem>>, vector<128x128xf32>
    %dot_general3A = arith.constant dense<0.000000e+00> : vector<2000x128xf32>
    %dot_general3A_5 = tpu.matmul %get3A_1, %get3A_4, %dot_general3A {dimension_numbers = #tpu.dot_dimension_numbers<[1], [0], [0], [1], [0, 0, 1, 1], [], []>, transpose_lhs_hint = false} : vector<2000x128xf32>, vector<128x128xf32>, vector<2000x128xf32> -> vector<2000x128xf32>
    %get3A_6 = arith.constant 0 : index
    %get3A_7 = arith.constant 0 : index
    %get3A_8 = vector.load %arg3[%get3A_6, %get3A_7] : memref<1x128xf32, #tpu.memory_space<vmem>>, vector<1x128xf32>
    %add3A = vector.broadcast %get3A_8 : vector<1x128xf32> to vector<2000x128xf32>
    %add3A_9 = arith.addf %dot_general3A_5, %add3A : vector<2000x128xf32>
    %swap3A = arith.constant 0 : index
    %swap3A_10 = arith.constant 0 : index
    %swap3A_11 = vector.load %arg4[%swap3A, %swap3A_10] : memref<2000x128xf32, #tpu.memory_space<vmem>>, vector<2000x128xf32>
    tpu.vector_store %arg4[%swap3A, %swap3A_10], %add3A_9 {strides = array<i32>} : memref<2000x128xf32, #tpu.memory_space<vmem>>, vector<2000x128xf32>,
    return
  }
  func.func @transform_0(%arg0: i32) -> (i32, i32) {
    %c0_i32 = arith.constant 0 : i32
    %c0_i32_0 = arith.constant 0 : i32
    return %arg0, %c0_i32 : i32, i32
  }
  func.func @transform_1(%arg0: i32) -> (i32, i32) {
    %c0_i32 = arith.constant 0 : i32
    %c0_i32_0 = arith.constant 0 : i32
    %c0_i32_1 = arith.constant 0 : i32
    return %c0_i32, %c0_i32_0 : i32, i32
  }
  func.func @transform_2(%arg0: i32) -> (i32, i32) {
    %c0_i32 = arith.constant 0 : i32
    %c0_i32_0 = arith.constant 0 : i32
    %c0_i32_1 = arith.constant 0 : i32
    return %c0_i32, %c0_i32_0 : i32, i32
  }
  func.func @transform_3(%arg0: i32) -> (i32, i32) {
    %c0_i32 = arith.constant 0 : i32
    %c0_i32_0 = arith.constant 0 : i32
    return %arg0, %c0_i32 : i32, i32
  }
}

</mosaic_0001>

<sc_bundles>
// kernel: kernel.11.cloned.1.call-start
scs
__scs_entry_jumppad:
0x0: {  	(pc) =	sbr.rel $0x88, $3  }
0x1: {  	(tag) =	ssettag $0x0;
	lr =	simm.s32 $0x1  }
0x2: {  	[smem:$0x3F9B] =	sst lr;
	_ =	strace $0xD0000000  }
0x3: {  	_ = 	snop  }
0x4: {  	_ = 	snop  }
0x5: {  	_ = 	snop  }
0x6: {  	_ = 	snop  }
0x7: {  	_ = 	snop  }
__scs_overlays_trampoline_lowered:
0x8: {  	[smem:$0x3FAA] =	sst s0  }
0x9: {  	[smem:$0x3FAB] =	sst s1  }
0xa: {  	[smem:$0x3FAC] =	sst s2  }
0xb: {  	[smem:$0x3FAD] =	sst s3  }
0xc: {  	[smem:$0x3FAE] =	sst s4  }
0xd: {  	[smem:$0x3FAF] =	sst s5  }
0xe: {  	[smem:$0x3FB0] =	sst s6  }
0xf: {  	[smem:$0x3FB1] =	sst s7  }
0x10: {  	[smem:$0x3FB2] =	sst s8  }
0x11: {  	[smem:$0x3FB3] =	sst s9;
	s0 =	simm.s32 @!p0 $0x0  }
0x12: {  	s1 =	sld [smem:$0x3F99];
	s0 =	simm.s32 @p0 $0x1  }
0x13: {  	[smem:$0x3FB4] =	sst s0;
	s0 =	simm.s32 @!p1 $0x0  }
0x14: {  	s2 =	sld [smem:$0x3F98];
	s0 =	simm.s32 @p1 $0x1  }
0x15: {  	[smem:$0x3FB5] =	sst s0;
	s0 =	simm.s32 @!p2 $0x0  }
0x16: {  	s3 =	sld [smem:$0x3FDB];
	s0 =	simm.s32 @p2 $0x1  }
0x17: {  	s4 =	simm.s32 $0x1BF5;
	[smem:$0x3FB7] =	sst s0  }
0x18: {  	s0 =	sld [smem:$0x3F9A];
	_ =	swait.ge [sflag:s4], $0x0  }
0x19: {  	s7 =	sld [smem:$0x3F9B]  }
0x1a: {  	s8 =	sadd.s32 $0xFFFFE003, lr  }
0x1b: {  	s9 =	sadd.s32 $0xFFFFFEF7, lr;
	s5 =	simm.s32 $0xFFFFFFFF;
	p2 =	slt.u32 s8, $0xFFFFF086  }
0x1c: {  	p1 =	slt.u32 s9, $0xF7A;
	s5 =	simm.s32 @!p2 $0x0  }
0x1d: {  	s5 =	simm.s32 @p1 $0x1;
	p0 =	seq.s32 s7, s2  }
0x1e: {  	s7 =	smul.u32 @!p0 $0xF7A, s2;
	p2 =	seq.s32 @!p0 s5, $0x0  }
0x1f: {  	s9 =	smul.u32 $0xF7A, s1;
	s8 =	simm.s32 @!p0 $0x1BF5;
	p2 =	por !p2, p0  }
0x20: {  	[sflag:s8] =	ssyncset.s32 @!p0 $0xFFFFF086;
	s6 =	sadd.s32 @!p0 s3, s7;
	s7 =	simm.s32 @!p0 $0x108  }
0x21: {  	s3 =	sadd.s32 s3, s9;
	s6 =	sadd.s32 @!p0 $0x88, s6;
	s7 =	simm.s32 @p2 $0x1082  }
0x22: {  	[simem:s7], [sflag:s8] =	dma.local @!p0 [hbm:s6], $0xF7A  }
0x23: {  	s9 =	sor.u32 $0xD0000000, s2;
	s6 =	simm.s32 $0x108;
	_ =	swait.ge @!p0 [sflag:s8], $0x0  }
0x24: {  	s3 =	sadd.s32 $0x88, s3;
	s6 =	simm.s32 @!p1 $0x1082;
	[sflag:s4] =	ssyncset.s32 $0xFFFFF086  }
0x25: {  	[simem:s6], [sflag:s4] =	dma.local [hbm:s3], $0xF7A  }
0x26: {  	[smem:$0x3F9B] =	sst s1;
	(tag) =	ssettag s2;
	_ =	strace s9  }
0x27: {  	s1 =	sld [smem:$0x3FAB]  }
0x28: {  	s2 =	sld [smem:$0x3FAC]  }
0x29: {  	s4 =	sld [smem:$0x3FAE]  }
0x2a: {  	p0 =	seq.s32 s5, $0x0;
	s5 =	sld [smem:$0x3FAF]  }
0x2b: {  	s6 =	sld [smem:$0x3FB0]  }
0x2c: {  	s7 =	sld [smem:$0x3FB1]  }
0x2d: {  	s3 =	simm.s32 $0x108;
	s8 =	sld [smem:$0x3FB2]  }
0x2e: {  	s3 =	simm.s32 @!p0 $0x1082;
	s9 =	sld [smem:$0x3FB3]  }
0x2f: {  	lr =	sadd.s32 s0, s3;
	s0 =	sld [smem:$0x3FAA]  }
0x30: {  	s3 =	sld [smem:$0x3FAD]  }
0x31: {  	[smem:$0x3FB6] =	sst s10  }
0x32: {  	s10 =	sld [smem:$0x3FB4];
	_ =	sdelay $0x3  }
0x33: {  	p0 =	seq.s32 s10, $0x1;
	s10 =	sld [smem:$0x3FB6];
	_ =	sdelay $0x3  }
0x34: {  	[smem:$0x3FB6] =	sst s10  }
0x35: {  	s10 =	sld [smem:$0x3FB5];
	_ =	sdelay $0x3  }
0x36: {  	p1 =	seq.s32 s10, $0x1;
	s10 =	sld [smem:$0x3FB6];
	_ =	sdelay $0x3  }
0x37: {  	[smem:$0x3FB6] =	sst s10  }
0x38: {  	s10 =	sld [smem:$0x3FB7]  }
0x39: {  	_ = 	snop;
	(pc) =	sbr.ind lr, $3  }
0x3a: {  	_ = 	snop  }
0x3b: {  	_ = 	snop  }
0x3c: {  	p2 =	seq.s32 s10, $0x1;
	s10 =	sld [smem:$0x3FB6]  }
0x3d: {  	_ =	shalt  }
0x3e: {  	_ =	shalt  }
0x3f: {  	_ =	shalt  }
0x40: {  	_ =	shalt  }
0x41: {  	_ =	shalt  }
0x42: {  	_ =	shalt  }
0x43: {  	_ =	shalt  }
0x44: {  	_ =	shalt  }
0x45: {  	_ =	shalt  }
0x46: {  	_ =	shalt  }
0x47: {  	_ =	shalt  }
0x48: {  	_ =	shalt  }
0x49: {  	_ =	shalt  }
0x4a: {  	_ =	shalt  }
0x4b: {  	_ =	shalt  }
0x4c: {  	_ =	shalt  }
0x4d: {  	_ =	shalt  }
0x4e: {  	_ =	shalt  }
0x4f: {  	_ =	shalt  }
0x50: {  	_ =	shalt  }
0x51: {  	_ =	shalt  }
0x52: {  	_ =	shalt  }
0x53: {  	_ =	shalt  }
0x54: {  	_ =	shalt  }
0x55: {  	_ =	shalt  }
0x56: {  	_ =	shalt  }
0x57: {  	_ =	shalt  }
0x58: {  	_ =	shalt  }
0x59: {  	_ =	shalt  }
0x5a: {  	_ =	shalt  }
0x5b: {  	_ =	shalt  }
0x5c: {  	_ =	shalt  }
0x5d: {  	_ =	shalt  }
0x5e: {  	_ =	shalt  }
0x5f: {  	_ =	shalt  }
0x60: {  	_ =	shalt  }
0x61: {  	_ =	shalt  }
0x62: {  	_ =	shalt  }
0x63: {  	_ =	shalt  }
0x64: {  	_ =	shalt  }
0x65: {  	_ =	shalt  }
0x66: {  	_ =	shalt  }
0x67: {  	_ =	shalt  }
0x68: {  	_ =	shalt  }
0x69: {  	_ =	shalt  }
0x6a: {  	_ =	shalt  }
0x6b: {  	_ =	shalt  }
0x6c: {  	_ =	shalt  }
0x6d: {  	_ =	shalt  }
0x6e: {  	_ =	shalt  }
0x6f: {  	_ =	shalt  }
0x70: {  	_ =	shalt  }
0x71: {  	_ =	shalt  }
0x72: {  	_ =	shalt  }
0x73: {  	_ =	shalt  }
0x74: {  	_ =	shalt  }
0x75: {  	_ =	shalt  }
0x76: {  	_ =	shalt  }
0x77: {  	_ =	shalt  }
0x78: {  	_ =	shalt  }
0x79: {  	_ =	shalt  }
0x7a: {  	_ =	shalt  }
0x7b: {  	_ =	shalt  }
0x7c: {  	_ =	shalt  }
0x7d: {  	_ =	shalt  }
0x7e: {  	_ =	shalt  }
0x7f: {  	_ =	shalt  }
0x80: {  	_ =	shalt  }
0x81: {  	_ =	shalt  }
0x82: {  	_ =	shalt  }
0x83: {  	_ =	shalt  }
0x84: {  	_ =	shalt  }
0x85: {  	_ =	shalt  }
0x86: {  	_ =	shalt  }
0x87: {  	_ =	shalt  }
.Lfunc_end0:
.L_simem_size_0:
called_computation.1_lowered:
.L_overlay_start_0:
0x88: {  	s2 =	sld [smem:$0x3FD9]  }
0x89: {  	s3 =	sld [smem:$0x3FFE];
	_ =	sdelay $0x1  }
0x8a: {  	s1 =	srdreg.scid  }
0x8b: {  	s0 =	sand.u32 $0x1, s1  }
0x8c: {  	s17 =	sshll.u32 s0, $0xA;
	s2 =	sadd.s32 s3, s2  }
0x8d: {  	s2 =	sadd.s32 s2, s17  }
0x8e: {  	[smem:$0x3FC2] =	sst s2  }
0x8f: {  	_ = 	snop  }
0x90: {  	s2 =	sld [smem:$0x3FD0];
	(tm) =	ssettm $0x1  }
0x91: {  	s18 =	sld [smem:$0x3FFB];
	_ =	sdelay $0x3  }
0x92: {  	_ =	strace s18  }
0x93: {  	s3 =	sld [smem:$0x3FFC];
	_ =	sdelay $0x3  }
0x94: {  	_ =	strace s3  }
0x95: {  	s3 =	sld [smem:$0x3FFD];
	_ =	sdelay $0x3  }
0x96: {  	_ =	strace s3  }
0x97: {  	_ =	strace $0x8FFFFFFF  }
0x98: {  	s19 =	sld [smem:$0x3FDB];
	_ =	sdelay $0x1  }
0x99: {  	s4 =	simm.s32 $_scs_section_size  }
0x9a: {  	s5 =	simm.s32 $_size__tile_overlayer_lowered;
	s6 =	simm.s32 $_tile_overlayer_lowered  }
0x9b: {  	s22 =	simm.s32 $0x1BFF;
	s21 =	sshll.u32 s6, $0x1;
	s3 =	sadd.s32 s4, s19  }
0x9c: {  	s7 =	simm.s32 $0x0;
	s20 =	sshll.u32 s5, $0x1;
	s5 =	sadd.s32 s21, s3  }
0x9d: {  	[timem:s7], [sflag:s22] =	dma.local [hbm:s5], s20  }
0x9e: {  	_ =	swait.ge [sflag:s22], s20  }
0x9f: {  	s4 =	ssub.s32 $0x0, s20;
	[sflag:s22] =	ssyncset.done $0x0  }
0xa0: {  	[sflag:s22] =	ssyncadd.s32 s4;
	_ =	sdelay $0x1  }
0xa1: {  	s23 =	simm.s32 $0x1B8B  }
0xa2: {  	_ =	swait.ge [sflag:s23], $0x1  }
0xa3: {  	[sflag:s23] =	ssyncset.done $0x0  }
0xa4: {  	s25 =	simm.s32 $0x1B8E;
	s24 =	sld [smem:$0x3FFE];
	[sflag:s23] =	ssyncadd.s32 $0xFFFFFFFF  }
0xa5: {  	s26 =	simm.s32 $execute0_lowered;
	[smem:$0x3FD2] =	sst s25  }
0xa6: {  	s5 =	sshll.u32 s26, $0x1;
	_ =	strace $0x80000049;
	[dreg:$0x1] =	wrdreg $0xFFFFFFFF  }
0xa7: {  	s28 =	simm.s32 $_size_execute0_lowered;
	s3 =	sadd.s32 s3, s5;
	[dreg:$0x0] =	wrdreg $0x0  }
0xa8: {  	s5 =	sshll.u32 s28, $0x1;
	[dreg:$0x2] =	wrdreg s3  }
0xa9: {  	[dreg:$0x3] =	wrdreg s5  }
0xaa: {  	[dreg:$0x4] =	wrdreg $0xC0  }
0xab: {  	_ =	task [dreg:s7], $0x5FFFF  }
0xac: {  	[dreg:$0x1] =	wrdreg $0xFFFFFFFF  }
0xad: {  	[dreg:$0x0] =	wrdreg $0x60  }
0xae: {  	[dreg:$0x2] =	wrdreg s2  }
0xaf: {  	[dreg:$0x3] =	wrdreg s24  }
0xb0: {  	[dreg:$0x4] =	wrdreg $0xC4000  }
0xb1: {  	[dreg:$0x5] =	wrdreg $0x9  }
0xb2: {  	_ =	task.clear_ibuf [dreg:s7], $0x6FFFF;
	_ =	strace $0x90000049  }
0xb3: {  	s29 =	simm.s32 $0x9;
	_ =	strace $0x8000004B  }
0xb4: {  	_ =	swait.ge [sflag:s29], $0x1  }
0xb5: {  	[sflag:s29] =	ssyncadd.s32 $0xFFFFFFFF  }
0xb6: {  	_ =	strace $0x9000004B  }
0xb7: {  	_ =	sfence  }
0xb8: {  	s30 =	sld [smem:$0x0];
	_ =	sdelay $0x2  }
0xb9: {  	s31 =	sshll.u32 s1, $0xD;
	s1 =	sshrl.u32 s1, $0x2  }
0xba: {  	s3 =	sand.u32 $0x4000, s31;
	s1 =	sadd.s32 s1, s30  }
0xbb: {  	s0 =	sor.u32 s3, s0;
	s1 =	sshll.u32 s1, $0x11  }
0xbc: {  	s0 =	sor.u32 s1, s0  }
0xbd: {  	s0 =	sadd.s32 $0x8F2B, s0  }
0xbe: {  	[sflag:s0] =	ssyncadd.remote.s32 $0x1  }
0xbf: {  	_ =	sfence.sel $0xFFFF  }
0xc0: {  	[dreg:$0x0] =	wrdreg $0xFFFFFFFF;
	(pc) =	sbr.abs _section_cstart, $3  }
0xc1: {  	[dreg:$0x1] =	wrdreg $0xFFFFFFFF  }
0xc2: {  	_ =	task.clear_ibuf [dreg:s7], $0x2FFFF;
	_ =	strace $0x9FFFFFFF  }
0xc3: {  	(tm) =	ssettm $0x7FFFFFFF  }
tec
execute0_lowered:
.L_overlay_start_1:
0x0: {  	(tag) =	ssettag $0x1  }
0x1: {  	s1 =	rddreg [dreg:$0x0]  }
0x2: {  	s6 =	rddreg [dreg:$0x1]  }
0x3: {  	s2 =	rddreg [dreg:$0x2];
	s0 =	srdreg.scid  }
0x4: {  	s4 =	simm.s32 $0x0;
	s16 =	stileid.u32;
	s7 =	sand.u32 $0x1, s0  }
0x5: {  	[smem:$0x7FF] =	sst s4;
	s9 =	sadd.s32 $0x2000, s6;
	s12 =	smul.u32 $0x4F000, s16  }
0x6: {  	s10 =	sadd.s32 $0x15A00, s6;
	s6 =	sadd.s32 $0x2010, s6;
	s21 =	smul.u32 $0x4E0, s16  }
0x7: {  	s14 =	sadd.s32 $0x138400, s2;
	s0 =	sshll.u32 s7, $0x4;
	s20 =	smul.u32 $0x4E00, s7  }
0x8: {  	_ =	strace $0x8000004A;
	s5 =	ssub.s32 $0x2, s7;
	s0 =	sor.u32 s16, s0  }
0x9: {  	[dreg:$0x16] =	wrdreg s14;
	s3 =	smul.u32 $0x2700, s0;
	s23 =	sadd.s32 s20, s9  }
0xa: {  	s8 =	sshrl.u32 s5, $0x1;
	s26 =	sshrl.u32 s12, $0x2;
	s12 =	sadd.s32 s21, s23  }
0xb: {  	s11 =	sshrl.u32 s3, $0x3;
	s3 =	ssub.s32 s5, s8;
	s8 =	sadd.s32 s26, s2  }
0xc: {  	[dreg:$0x4] =	wrdreg s12;
	s5 =	sadd.s32 s9, s11;
	s11 =	sadd.s32 s11, s6  }
0xd: {  	s17 =	sadd.s32 $0x10000, s8;
	[dreg:$0x13] =	wrdreg s11  }
0xe: {  	[dreg:$0x15] =	wrdreg s17  }
0xf: {  	s25 =	sadd.s32 $0x9C40, s5;
	[dreg:$0x11] =	wrdreg s5  }
0x10: {  	s15 =	sadd.s32 $0x9C50, s5;
	[dreg:$0x12] =	wrdreg s25  }
0x11: {  	s18 =	smul.u32 $0x4E, s16;
	s19 =	sadd.s32 $0x20, s5;
	[dreg:$0x14] =	wrdreg s15  }
0x12: {  	s29 =	smul.u32 $0x4E0, s7;
	s22 =	sadd.s32 $0x9C70, s5;
	[dreg:$0x17] =	wrdreg s19  }
0x13: {  	s26 =	sshll.u32 s16, $0x4;
	s24 =	sadd.s32 $0x4C0, s5;
	[dreg:$0x19] =	wrdreg s22  }
0x14: {  	s11 =	sadd.s32 s18, s29;
	s20 =	sadd.s32 $0xA100, s5;
	[dreg:$0x1a] =	wrdreg s24  }
0x15: {  	s12 =	sadd.s32 $0xA120, s5;
	s15 =	sadd.s32 $0x9C60, s5;
	[dreg:$0x1b] =	wrdreg s20  }
0x16: {  	s11 =	sshll.u32 s11, $0x4;
	[smem:$0x7EF] =	sst s12;
	s20 =	sadd.s32 $0x128400, s2  }
0x17: {  	[dreg:$0x18] =	wrdreg s15;
	s6 =	sadd.s32 s6, s11;
	s11 =	sadd.s32 s9, s11  }
0x18: {  	s9 =	sadd.s32 s26, s9;
	s26 =	sadd.s32 $0xA110, s5;
	[smem:$0x7F6] =	sst s20  }
0x19: {  	s25 =	sadd.s32 $0xE0, s6;
	[dreg:$0x1e] =	wrdreg s26  }
0x1a: {  	s29 =	sadd.s32 $0xE0, s11;
	[dreg:$0x5] =	wrdreg s25  }
0x1b: {  	s14 =	sadd.s32 $0xC0, s6;
	[dreg:$0x6] =	wrdreg s29  }
0x1c: {  	s17 =	sadd.s32 $0xC0, s11;
	[dreg:$0x7] =	wrdreg s14  }
0x1d: {  	s18 =	sadd.s32 $0xA0, s6;
	[dreg:$0x8] =	wrdreg s17  }
0x1e: {  	s28 =	simm.s32 $0x7;
	s19 =	sadd.s32 $0xA0, s11;
	[dreg:$0x9] =	wrdreg s18  }
0x1f: {  	s30 =	simm.s32 $0x9;
	s21 =	sadd.s32 $0x80, s6;
	[dreg:$0xa] =	wrdreg s19  }
0x20: {  	s31 =	simm.s32 $0xA;
	s22 =	sadd.s32 $0x80, s11;
	[dreg:$0xb] =	wrdreg s21  }
0x21: {  	s13 =	smul.u32 $0x2780, s16;
	s23 =	sadd.s32 $0x60, s6;
	[dreg:$0xc] =	wrdreg s22  }
0x22: {  	p1 =	seq.s32 s16, $0xF;
	s24 =	sadd.s32 $0x60, s11;
	[dreg:$0xd] =	wrdreg s23  }
0x23: {  	p0 =	sgt.u32 s0, $0x3;
	s6 =	sadd.s32 $0x40, s6;
	[dreg:$0xe] =	wrdreg s24  }
0x24: {  	s0 =	simm.s32 $0xB;
	s26 =	sadd.s32 $0x130400, s2;
	[dreg:$0xf] =	wrdreg s6  }
0x25: {  	s15 =	smul.u32 $0x27100, s7;
	s25 =	sadd.s32 $0x4D0, s5;
	[smem:$0x7FC] =	sst s26  }
0x26: {  	s29 =	sadd.s32 $0x40, s11;
	s11 =	sadd.s32 $0x4E0, s5;
	[dreg:$0x1d] =	wrdreg s25  }
0x27: {  	s16 =	simm.s32 $0x3;
	s14 =	sadd.s32 $0x9C00, s9;
	[dreg:$0x1f] =	wrdreg s11  }
0x28: {  	s13 =	sadd.s32 s13, s15;
	s15 =	sadd.s32 $0x13840, s9;
	[smem:$0x7F1] =	sst s14  }
0x29: {  	s12 =	simm.s32 $0x4400;
	s17 =	smax.u32 s3, $0x1;
	[smem:$0x7F2] =	sst s15  }
0x2a: {  	s7 =	smul.u32 $0x138800, s7;
	s18 =	sadd.s32 $0x4F0, s5;
	[smem:$0x7F3] =	sst s17  }
0x2b: {  	s20 =	simm.s32 $0x380;
	s19 =	sadd.s32 $0xA130, s5;
	[smem:$0x7F4] =	sst s18  }
0x2c: {  	s7 =	sshrl.u32 s7, $0x3;
	s21 =	sadd.s32 $0x4000, s8;
	[smem:$0x7F5] =	sst s19  }
0x2d: {  	s22 =	sadd.s32 $0x8000, s8;
	s23 =	sadd.s32 $0xC000, s8;
	[smem:$0x7F7] =	sst s21  }
0x2e: {  	s24 =	sadd.s32 $0x30, s5;
	s6 =	simm.s32 $0x80;
	[smem:$0x7F8] =	sst s22  }
0x2f: {  	s9 =	simm.s32 $0x1;
	s26 =	simm.s32 $0x4;
	[smem:$0x7F9] =	sst s23  }
0x30: {  	s7 =	sadd.s32 s10, s7;
	s10 =	sadd.s32 s10, s13;
	[smem:$0x7FA] =	sst s24  }
0x31: {  	[dreg:$0x10] =	wrdreg s29;
	s25 =	sadd.s32 $0x12C400, s2;
	s29 =	sadd.s32 $0x134400, s2  }
0x32: {  	s17 =	simm.s32 $0x200;
	s11 =	simm.s32 $0x2;
	s14 =	simm.s32 $0x300  }
.Ltmp0:
0x33: {  	s15 =	simm.s32 $0x5;
	s18 =	simm.s32 $0x8400;
	(pc) =	sbr.rel .LBB2_1-.Ltmp0, $4  }
0x34: {  	s19 =	simm.s32 $0x180;
	s21 =	simm.s32 $0x6;
	[dreg:$0x1c] =	wrdreg s10  }
0x35: {  	s22 =	simm.s32 $0x0;
	s13 =	sadd.s32 $0x25080, s7;
	[smem:$0x7FB] =	sst s25  }
0x36: {  	[smem:$0x7FD] =	sst s29;
	s7 =	simm.s32 $0x280;
	s10 =	simm.s32 $0x400  }
0x37: {  	v0 =	vimm.f32 $0.0e+00;
	s25 =	simm.s32 $0x8;
	[smem:$0x7F0] =	sst s13;
	s13 =	simm.s32 $0x100  }
.LBB2_9:
0x38: {  	s3 =	sld [smem:$0x7F6]  }
0x39: {  	s5 =	sld [smem:$0x7F0];
	_ =	sdelay $0x1  }
0x3a: {  	s23 =	simm.s32 $0x1FCB;
	s3 =	sshrl.u32 s3, $0x3  }
0x3b: {  	[hbm:s5], [sflag:s23] =	dma.local [spmem:s3], $0x2080  }
0x3c: {  	_ =	swait.ge [sflag:s0], $0x2080  }
0x3d: {  	[sflag:s0] =	ssyncset.done $0x0  }
0x3e: {  	[sflag:s0] =	ssyncadd.s32 $0xFFFFDF80  }
.LBB2_10:
0x3f: {  	s3 =	sld [smem:$0x7F3];
	_ =	sdelay $0x1  }
0x40: {  	s22 =	sadd.s32 $0x1, s22  }
0x41: {  	p2 =	sne.s32 s22, s3  }
.Ltmp1:
0x42: {  	_ = 	snop;
	(pc) =	sbr.rel @!p2 .LBB2_11-.Ltmp1, $1  }
0x43: {  	_ =	sdelay $0x3  }
.LBB2_1:
0x44: {  	s3 =	rddreg [dreg:$0x11]  }
0x45: {  	[tilespmem:s4], [sflag:$0x1] =	stream.linear.gather [hbm4b:s3+s4], $0x80, $0x38;
	[tilespmem:$0x1FC80] =	vst v63  }
0x46: {  	s23 =	rddreg [dreg:$0x12]  }
0x47: {  	[tilespmem:s17], [sflag:$0x1] =	stream.linear.gather [hbm4b:s23+s4], $0x80, $0x38;
	[tilespmem:$0x1FC80] =	vst v63  }
0x48: {  	s24 =	rddreg [dreg:$0x13]  }
0x49: {  	[tilespmem:s6], [sflag:$0x2] =	stream.linear.gather [hbm4b:s24+s4], $0x80, $0x38;
	[tilespmem:$0x1FC80] =	vst v63  }
0x4a: {  	s29 =	rddreg [dreg:$0x14];
	s3 =	simm.s32 $0x0;
	s23 =	simm.s32 $0x200  }
0x4b: {  	[tilespmem:s7], [sflag:$0x2] =	stream.linear.gather [hbm4b:s29+s4], $0x80, $0x38;
	[tilespmem:$0x1FC80] =	vst v63  }
.LBB2_2:
0x4c: {  	p2 =	sne.s32 s23, $0xFE00;
	[tilespmem:s3+$0x470] =	vst v0  }
0x4d: {  	[tilespmem:s3+$0x400] =	vst v0  }
0x4e: {  	[tilespmem:s3+$0x410] =	vst v0  }
.Ltmp2:
0x4f: {  	[tilespmem:s3+$0x420] =	vst v0;
	(pc) =	sbr.rel @p2 .LBB2_2-.Ltmp2, $4  }
0x50: {  	[tilespmem:s3+$0x430] =	vst v0  }
0x51: {  	[tilespmem:s3+$0x440] =	vst v0  }
0x52: {  	[tilespmem:s3+$0x450] =	vst v0  }
0x53: {  	[tilespmem:s3+$0x460] =	vst v0;
	s3 =	sshra.s32 s23, $0x2;
	s23 =	sadd.s32 $0x200, s23  }
0x54: {  	[tilespmem:s3+$0x470] =	vst v0  }
0x55: {  	[tilespmem:s3+$0x400] =	vst v0  }
0x56: {  	[tilespmem:s3+$0x410] =	vst v0  }
0x57: {  	[tilespmem:s3+$0x420] =	vst v0  }
0x58: {  	[tilespmem:s3+$0x430] =	vst v0  }
0x59: {  	[tilespmem:s3+$0x440] =	vst v0;
	s5 =	sld [smem:$0x7F6]  }
0x5a: {  	[tilespmem:s3+$0x450] =	vst v0  }
0x5b: {  	[tilespmem:s3+$0x460] =	vst v0;
	s3 =	simm.s32 @p1 $0x400  }
0x5c: {  	[spmem:s5] =	stream.linear.scatter @p1 [tilespmem:s3], [sflag:$0xA], $0x4000, $0x38;
	[tilespmem:$0x1FC80] =	vst v63  }
0x5d: {  	s5 =	sld [smem:$0x7FB];
	_ =	sdelay $0x2  }
0x5e: {  	[spmem:s5] =	stream.linear.scatter @p1 [tilespmem:s3], [sflag:$0xA], $0x4000, $0x38;
	[tilespmem:$0x1FC80] =	vst v63  }
0x5f: {  	s5 =	sld [smem:$0x7FC];
	_ =	sdelay $0x2  }
0x60: {  	[spmem:s5] =	stream.linear.scatter @p1 [tilespmem:s3], [sflag:$0xA], $0x4000, $0x38;
	[tilespmem:$0x1FC80] =	vst v63  }
0x61: {  	s5 =	sld [smem:$0x7FD];
	_ =	sdelay $0x2  }
0x62: {  	[spmem:s5] =	stream.linear.scatter @p1 [tilespmem:s3], [sflag:$0xA], $0x4000, $0x38;
	[tilespmem:$0x1FC80] =	vst v63  }
0x63: {  	s5 =	rddreg [dreg:$0x16]  }
0x64: {  	[spmem:s5] =	stream.linear.scatter @p1 [tilespmem:s3], [sflag:$0x9], $0x400, $0x38;
	[tilespmem:$0x1FC80] =	vst v63  }
0x65: {  	s3 =	simm.s32 @p1 $0xA  }
0x66: {  	_ =	swait.ge @p1 [sflag:s3], $0x4000  }
0x67: {  	[sflag:s3] =	ssyncset.done @p1 $0x0  }
0x68: {  	[sflag:s3] =	ssyncadd.s32 @p1 $0xFFFFC000  }
0x69: {  	_ =	swait.ge @p1 [sflag:s3], $0x4000  }
0x6a: {  	[sflag:s3] =	ssyncset.done @p1 $0x0  }
0x6b: {  	[sflag:s3] =	ssyncadd.s32 @p1 $0xFFFFC000  }
0x6c: {  	_ =	swait.ge @p1 [sflag:s3], $0x4000  }
0x6d: {  	[sflag:s3] =	ssyncset.done @p1 $0x0  }
0x6e: {  	[sflag:s3] =	ssyncadd.s32 @p1 $0xFFFFC000  }
0x6f: {  	_ =	swait.ge @p1 [sflag:s3], $0x4000  }
0x70: {  	[sflag:s3] =	ssyncset.done @p1 $0x0  }
0x71: {  	[sflag:s3] =	ssyncadd.s32 @p1 $0xFFFFC000;
	s3 =	simm.s32 @p1 $0x9  }
0x72: {  	_ =	swait.ge @p1 [sflag:s3], $0x400  }
0x73: {  	[sflag:s3] =	ssyncset.done @p1 $0x0  }
0x74: {  	s5 =	sld [smem:$0x7F7];
	[sflag:s3] =	ssyncadd.s32 @p1 $0xFFFFFC00;
	s3 =	simm.s32 @!p1 $0x400  }
0x75: {  	[spmem:s8] =	stream.linear.scatter @!p1 [tilespmem:s3], [sflag:$0xA], $0x4000, $0x38;
	[tilespmem:$0x1FC80] =	vst v63  }
0x76: {  	_ = 	snop  }
0x77: {  	[spmem:s5] =	stream.linear.scatter @!p1 [tilespmem:s3], [sflag:$0xA], $0x4000, $0x38;
	[tilespmem:$0x1FC80] =	vst v63  }
0x78: {  	s5 =	sld [smem:$0x7F8];
	_ =	sdelay $0x2  }
0x79: {  	[spmem:s5] =	stream.linear.scatter @!p1 [tilespmem:s3], [sflag:$0xA], $0x4000, $0x38;
	[tilespmem:$0x1FC80] =	vst v63  }
0x7a: {  	s5 =	sld [smem:$0x7F9];
	_ =	sdelay $0x2  }
0x7b: {  	[spmem:s5] =	stream.linear.scatter @!p1 [tilespmem:s3], [sflag:$0xA], $0x4000, $0x38;
	[tilespmem:$0x1FC80] =	vst v63  }
0x7c: {  	s5 =	rddreg [dreg:$0x15]  }
0x7d: {  	[spmem:s5] =	stream.linear.scatter @!p1 [tilespmem:s3], [sflag:$0x9], $0x3C00, $0x38;
	[tilespmem:$0x1FC80] =	vst v63  }
0x7e: {  	s3 =	simm.s32 @!p1 $0xA  }
0x7f: {  	_ =	swait.ge @!p1 [sflag:s3], $0x4000  }
0x80: {  	[sflag:s3] =	ssyncset.done @!p1 $0x0  }
0x81: {  	[sflag:s3] =	ssyncadd.s32 @!p1 $0xFFFFC000  }
0x82: {  	_ =	swait.ge @!p1 [sflag:s3], $0x4000  }
0x83: {  	[sflag:s3] =	ssyncset.done @!p1 $0x0  }
0x84: {  	[sflag:s3] =	ssyncadd.s32 @!p1 $0xFFFFC000  }
0x85: {  	_ =	swait.ge @!p1 [sflag:s3], $0x4000  }
0x86: {  	[sflag:s3] =	ssyncset.done @!p1 $0x0  }
0x87: {  	[sflag:s3] =	ssyncadd.s32 @!p1 $0xFFFFC000  }
0x88: {  	_ =	swait.ge @!p1 [sflag:s3], $0x4000  }
0x89: {  	[sflag:s3] =	ssyncset.done @!p1 $0x0  }
0x8a: {  	[sflag:s3] =	ssyncadd.s32 @!p1 $0xFFFFC000;
	s3 =	simm.s32 @!p1 $0x9  }
0x8b: {  	_ =	swait.ge @!p1 [sflag:s3], $0x3C00  }
0x8c: {  	[sflag:s3] =	ssyncset.done @!p1 $0x0  }
0x8d: {  	[sflag:s3] =	ssyncadd.s32 @!p1 $0xFFFFC400  }
0x8e: {  	_ =	swait.ge [sflag:s9], $0x80  }
0x8f: {  	[sflag:s9] =	ssyncset.done $0x0  }
0x90: {  	[sflag:s9] =	ssyncadd.s32 $0xFFFFFF80  }
0x91: {  	_ =	swait.ge [sflag:s9], $0x80  }
0x92: {  	[sflag:s9] =	ssyncset.done $0x0  }
0x93: {  	s3 =	simm.s32 $0x0;
	[sflag:s9] =	ssyncadd.s32 $0xFFFFFF80  }
0x94: {  	[tilespmem:s10], [sflag:$0x5] =	stream.indirect.gather [hbm4b:s1+s6], $0x80, s3, s6, $0xb8;
	[tilespmem:$0x1FC80] =	vst v63  }
0x95: {  	[bflag:$0x0] =	sbarrier.arrive $0xFFFF  }
0x96: {  	_ =	swait.ge [sflag:s11], $0x80  }
0x97: {  	[sflag:s11] =	ssyncset.done $0x0  }
0x98: {  	[sflag:s11] =	ssyncadd.s32 $0xFFFFFF80  }
0x99: {  	_ =	swait.ge [sflag:s11], $0x80  }
0x9a: {  	[sflag:s11] =	ssyncset.done $0x0  }
0x9b: {  	[sflag:s11] =	ssyncadd.s32 $0xFFFFFF80  }
0x9c: {  	[tilespmem:s12], [sflag:$0x6] =	stream.indirect.gather [hbm4b:s1+s6], $0x80, s6, s6, $0xb8;
	[tilespmem:$0x1FC80] =	vst v63  }
0x9d: {  	s24 =	rddreg [dreg:$0x17]  }
0x9e: {  	[tilespmem:s13], [sflag:$0x3] =	stream.linear.gather [hbm4b:s24+s3], $0x80, $0x38;
	[tilespmem:$0x1FC80] =	vst v63  }
0x9f: {  	s29 =	rddreg [dreg:$0x18]  }
0xa0: {  	[tilespmem:s14], [sflag:$0x3] =	stream.linear.gather [hbm4b:s29+s3], $0x80, $0x38;
	[tilespmem:$0x1FC80] =	vst v63  }
0xa1: {  	_ =	swait.ge [sflag:s15], $0x4000  }
0xa2: {  	[sflag:s15] =	ssyncset.done $0x0  }
0xa3: {  	[sflag:s15] =	ssyncadd.s32 $0xFFFFC000  }
0xa4: {  	[spmem:s2] =	stream.indirect.scatter.add.f32 [tilespmem:s10], [sflag:$0x8], $0x80, s17, s6, $0xb8;
	[tilespmem:$0x1FC80] =	vst v63  }
0xa5: {  	_ =	swait.ge [sflag:s16], $0x80  }
0xa6: {  	[sflag:s16] =	ssyncset.done $0x0  }
0xa7: {  	[sflag:s16] =	ssyncadd.s32 $0xFFFFFF80  }
0xa8: {  	_ =	swait.ge [sflag:s16], $0x80  }
0xa9: {  	[sflag:s16] =	ssyncset.done $0x0  }
0xaa: {  	s23 =	sld [smem:$0x7FA];
	[sflag:s16] =	ssyncadd.s32 $0xFFFFFF80  }
0xab: {  	[tilespmem:s18], [sflag:$0x7] =	stream.indirect.gather [hbm4b:s1+s6], $0x80, s13, s6, $0xb8;
	[tilespmem:$0x1FC80] =	vst v63  }
0xac: {  	_ = 	snop  }
0xad: {  	[tilespmem:s19], [sflag:$0x4] =	stream.linear.gather [hbm4b:s23+s3], $0x80, $0x38;
	[tilespmem:$0x1FC80] =	vst v63  }
0xae: {  	s24 =	rddreg [dreg:$0x19]  }
0xaf: {  	[tilespmem:s20], [sflag:$0x4] =	stream.linear.gather [hbm4b:s24+s3], $0x80, $0x38;
	[tilespmem:$0x1FC80] =	vst v63  }
0xb0: {  	_ =	swait.ge [sflag:s21], $0x4000  }
0xb1: {  	[sflag:s21] =	ssyncset.done $0x0  }
0xb2: {  	[sflag:s21] =	ssyncadd.s32 $0xFFFFC000  }
0xb3: {  	[spmem:s2] =	stream.indirect.scatter.add.f32 [tilespmem:s12], [sflag:$0x9], $0x80, s7, s6, $0xb8;
	[tilespmem:$0x1FC80] =	vst v63  }
0xb4: {  	_ =	swait.ge [sflag:s25], $0x4000  }
0xb5: {  	[sflag:s25] =	ssyncset.done $0x0  }
0xb6: {  	[sflag:s25] =	ssyncadd.s32 $0xFFFFC000  }
0xb7: {  	_ =	swait.ge [sflag:s26], $0x80  }
0xb8: {  	[sflag:s26] =	ssyncset.done $0x0  }
0xb9: {  	[sflag:s26] =	ssyncadd.s32 $0xFFFFFF80  }
0xba: {  	_ =	swait.ge [sflag:s26], $0x80  }
0xbb: {  	[sflag:s26] =	ssyncset.done $0x0  }
0xbc: {  	s29 =	rddreg [dreg:$0x10];
	[sflag:s26] =	ssyncadd.s32 $0xFFFFFF80  }
0xbd: {  	[tilespmem:s10], [sflag:$0x5] =	stream.indirect.gather [hbm4b:s1+s6], $0x80, s19, s6, $0xb8;
	[tilespmem:$0x1FC80] =	vst v63  }
0xbe: {  	s23 =	rddreg [dreg:$0x4];
	s3 =	sadd.s32 $0x0, s29  }
0xbf: {  	[tilespmem:s4], [sflag:$0x1] =	stream.linear.gather [hbm4b:s3+s4], $0x80, $0x38;
	[tilespmem:$0x1FC80] =	vst v63  }
0xc0: {  	s3 =	sadd.s32 $0x0, s23  }
0xc1: {  	s23 =	sadd.s32 $0x9C80, s3  }
0xc2: {  	[tilespmem:s17], [sflag:$0x1] =	stream.linear.gather [hbm4b:s23+s4], $0x80, $0x38;
	[tilespmem:$0x1FC80] =	vst v63  }
0xc3: {  	_ =	swait.ge [sflag:s28], $0x4000  }
0xc4: {  	[sflag:s28] =	ssyncset.done $0x0  }
0xc5: {  	[sflag:s28] =	ssyncadd.s32 $0xFFFFC000  }
0xc6: {  	[spmem:s2] =	stream.indirect.scatter.add.f32 [tilespmem:s18], [sflag:$0xA], $0x80, s14, s6, $0xb8;
	[tilespmem:$0x1FC80] =	vst v63  }
0xc7: {  	_ =	swait.ge [sflag:s30], $0x4000  }
0xc8: {  	[sflag:s30] =	ssyncset.done $0x0  }
0xc9: {  	[sflag:s30] =	ssyncadd.s32 $0xFFFFC000  }
0xca: {  	_ =	swait.ge [sflag:s9], $0x80  }
0xcb: {  	[sflag:s9] =	ssyncset.done $0x0  }
0xcc: {  	[sflag:s9] =	ssyncadd.s32 $0xFFFFFF80  }
0xcd: {  	_ =	swait.ge [sflag:s9], $0x80  }
0xce: {  	[sflag:s9] =	ssyncset.done $0x0  }
0xcf: {  	s5 =	rddreg [dreg:$0xf];
	[sflag:s9] =	ssyncadd.s32 $0xFFFFFF80  }
0xd0: {  	[tilespmem:s12], [sflag:$0x6] =	stream.indirect.gather [hbm4b:s1+s6], $0x80, s4, s6, $0xb8;
	[tilespmem:$0x1FC80] =	vst v63  }
0xd1: {  	s23 =	sadd.s32 $0x0, s5  }
0xd2: {  	[tilespmem:s6], [sflag:$0x2] =	stream.linear.gather [hbm4b:s23+s4], $0x80, $0x38;
	[tilespmem:$0x1FC80] =	vst v63  }
0xd3: {  	s24 =	sadd.s32 $0x9C90, s3  }
0xd4: {  	[tilespmem:s7], [sflag:$0x2] =	stream.linear.gather [hbm4b:s24+s4], $0x80, $0x38;
	[tilespmem:$0x1FC80] =	vst v63  }
0xd5: {  	_ =	swait.ge [sflag:s15], $0x4000  }
0xd6: {  	[sflag:s15] =	ssyncset.done $0x0  }
0xd7: {  	[sflag:s15] =	ssyncadd.s32 $0xFFFFC000  }
0xd8: {  	[spmem:s2] =	stream.indirect.scatter.add.f32 [tilespmem:s10], [sflag:$0x8], $0x80, s20, s6, $0xb8;
	[tilespmem:$0x1FC80] =	vst v63  }
0xd9: {  	_ =	swait.ge [sflag:s31], $0x4000  }
0xda: {  	[sflag:s31] =	ssyncset.done $0x0  }
0xdb: {  	[sflag:s31] =	ssyncadd.s32 $0xFFFFC000  }
0xdc: {  	_ =	swait.ge [sflag:s11], $0x80  }
0xdd: {  	[sflag:s11] =	ssyncset.done $0x0  }
0xde: {  	[sflag:s11] =	ssyncadd.s32 $0xFFFFFF80  }
0xdf: {  	_ =	swait.ge [sflag:s11], $0x80  }
0xe0: {  	[sflag:s11] =	ssyncset.done $0x0  }
0xe1: {  	s29 =	rddreg [dreg:$0xe];
	[sflag:s11] =	ssyncadd.s32 $0xFFFFFF80  }
0xe2: {  	[tilespmem:s18], [sflag:$0x7] =	stream.indirect.gather [hbm4b:s1+s6], $0x80, s6, s6, $0xb8;
	[tilespmem:$0x1FC80] =	vst v63  }
0xe3: {  	s23 =	sadd.s32 $0x0, s29  }
0xe4: {  	[tilespmem:s13], [sflag:$0x3] =	stream.linear.gather [hbm4b:s23+s4], $0x80, $0x38;
	[tilespmem:$0x1FC80] =	vst v63  }
0xe5: {  	s5 =	sadd.s32 $0x9CA0, s3  }
0xe6: {  	[tilespmem:s14], [sflag:$0x3] =	stream.linear.gather [hbm4b:s5+s4], $0x80, $0x38;
	[tilespmem:$0x1FC80] =	vst v63  }
0xe7: {  	_ =	swait.ge [sflag:s21], $0x4000  }
0xe8: {  	[sflag:s21] =	ssyncset.done $0x0  }
0xe9: {  	[sflag:s21] =	ssyncadd.s32 $0xFFFFC000  }
0xea: {  	[spmem:s2] =	stream.indirect.scatter.add.f32 [tilespmem:s12], [sflag:$0x9], $0x80, s17, s6, $0xb8;
	[tilespmem:$0x1FC80] =	vst v63  }
0xeb: {  	_ =	swait.ge [sflag:s25], $0x4000  }
0xec: {  	[sflag:s25] =	ssyncset.done $0x0  }
0xed: {  	[sflag:s25] =	ssyncadd.s32 $0xFFFFC000  }
0xee: {  	_ =	swait.ge [sflag:s16], $0x80  }
0xef: {  	[sflag:s16] =	ssyncset.done $0x0  }
0xf0: {  	[sflag:s16] =	ssyncadd.s32 $0xFFFFFF80  }
0xf1: {  	_ =	swait.ge [sflag:s16], $0x80  }
0xf2: {  	[sflag:s16] =	ssyncset.done $0x0  }
0xf3: {  	s24 =	rddreg [dreg:$0xd];
	[sflag:s16] =	ssyncadd.s32 $0xFFFFFF80  }
0xf4: {  	[tilespmem:s10], [sflag:$0x5] =	stream.indirect.gather [hbm4b:s1+s6], $0x80, s13, s6, $0xb8;
	[tilespmem:$0x1FC80] =	vst v63  }
0xf5: {  	s23 =	sadd.s32 $0x0, s24  }
0xf6: {  	[tilespmem:s19], [sflag:$0x4] =	stream.linear.gather [hbm4b:s23+s4], $0x80, $0x38;
	[tilespmem:$0x1FC80] =	vst v63  }
0xf7: {  	s29 =	sadd.s32 $0x9CB0, s3  }
0xf8: {  	[tilespmem:s20], [sflag:$0x4] =	stream.linear.gather [hbm4b:s29+s4], $0x80, $0x38;
	[tilespmem:$0x1FC80] =	vst v63  }
0xf9: {  	_ =	swait.ge [sflag:s28], $0x4000  }
0xfa: {  	[sflag:s28] =	ssyncset.done $0x0  }
0xfb: {  	[sflag:s28] =	ssyncadd.s32 $0xFFFFC000  }
0xfc: {  	[spmem:s2] =	stream.indirect.scatter.add.f32 [tilespmem:s18], [sflag:$0xA], $0x80, s7, s6, $0xb8;
	[tilespmem:$0x1FC80] =	vst v63  }
0xfd: {  	_ =	swait.ge [sflag:s30], $0x4000  }
0xfe: {  	[sflag:s30] =	ssyncset.done $0x0  }
0xff: {  	[sflag:s30] =	ssyncadd.s32 $0xFFFFC000  }
0x100: {  	_ =	swait.ge [sflag:s26], $0x80  }
0x101: {  	[sflag:s26] =	ssyncset.done $0x0  }
0x102: {  	[sflag:s26] =	ssyncadd.s32 $0xFFFFFF80  }
0x103: {  	_ =	swait.ge [sflag:s26], $0x80  }
0x104: {  	[sflag:s26] =	ssyncset.done $0x0  }
0x105: {  	s5 =	rddreg [dreg:$0xc];
	[sflag:s26] =	ssyncadd.s32 $0xFFFFFF80  }
0x106: {  	[tilespmem:s12], [sflag:$0x6] =	stream.indirect.gather [hbm4b:s1+s6], $0x80, s19, s6, $0xb8;
	[tilespmem:$0x1FC80] =	vst v63  }
0x107: {  	s23 =	sadd.s32 $0x0, s5  }
0x108: {  	[tilespmem:s4], [sflag:$0x1] =	stream.linear.gather [hbm4b:s23+s4], $0x80, $0x38;
	[tilespmem:$0x1FC80] =	vst v63  }
0x109: {  	s24 =	sadd.s32 $0x9CC0, s3  }
0x10a: {  	[tilespmem:s17], [sflag:$0x1] =	stream.linear.gather [hbm4b:s24+s4], $0x80, $0x38;
	[tilespmem:$0x1FC80] =	vst v63  }
0x10b: {  	_ =	swait.ge [sflag:s15], $0x4000  }
0x10c: {  	[sflag:s15] =	ssyncset.done $0x0  }
0x10d: {  	[sflag:s15] =	ssyncadd.s32 $0xFFFFC000  }
0x10e: {  	[spmem:s2] =	stream.indirect.scatter.add.f32 [tilespmem:s10], [sflag:$0x8], $0x80, s14, s6, $0xb8;
	[tilespmem:$0x1FC80] =	vst v63  }
0x10f: {  	_ =	swait.ge [sflag:s31], $0x4000  }
0x110: {  	[sflag:s31] =	ssyncset.done $0x0  }
0x111: {  	[sflag:s31] =	ssyncadd.s32 $0xFFFFC000  }
0x112: {  	_ =	swait.ge [sflag:s9], $0x80  }
0x113: {  	[sflag:s9] =	ssyncset.done $0x0  }
0x114: {  	[sflag:s9] =	ssyncadd.s32 $0xFFFFFF80  }
0x115: {  	_ =	swait.ge [sflag:s9], $0x80  }
0x116: {  	[sflag:s9] =	ssyncset.done $0x0  }
0x117: {  	s29 =	rddreg [dreg:$0xb];
	[sflag:s9] =	ssyncadd.s32 $0xFFFFFF80  }
0x118: {  	[tilespmem:s18], [sflag:$0x7] =	stream.indirect.gather [hbm4b:s1+s6], $0x80, s4, s6, $0xb8;
	[tilespmem:$0x1FC80] =	vst v63  }
0x119: {  	s23 =	sadd.s32 $0x0, s29  }
0x11a: {  	[tilespmem:s6], [sflag:$0x2] =	stream.linear.gather [hbm4b:s23+s4], $0x80, $0x38;
	[tilespmem:$0x1FC80] =	vst v63  }
0x11b: {  	s5 =	sadd.s32 $0x9CD0, s3  }
0x11c: {  	[tilespmem:s7], [sflag:$0x2] =	stream.linear.gather [hbm4b:s5+s4], $0x80, $0x38;
	[tilespmem:$0x1FC80] =	vst v63  }
0x11d: {  	_ =	swait.ge [sflag:s21], $0x4000  }
0x11e: {  	[sflag:s21] =	ssyncset.done $0x0  }
0x11f: {  	[sflag:s21] =	ssyncadd.s32 $0xFFFFC000  }
0x120: {  	[spmem:s2] =	stream.indirect.scatter.add.f32 [tilespmem:s12], [sflag:$0x9], $0x80, s20, s6, $0xb8;
	[tilespmem:$0x1FC80] =	vst v63  }
0x121: {  	_ =	swait.ge [sflag:s25], $0x4000  }
0x122: {  	[sflag:s25] =	ssyncset.done $0x0  }
0x123: {  	[sflag:s25] =	ssyncadd.s32 $0xFFFFC000  }
0x124: {  	_ =	swait.ge [sflag:s11], $0x80  }
0x125: {  	[sflag:s11] =	ssyncset.done $0x0  }
0x126: {  	[sflag:s11] =	ssyncadd.s32 $0xFFFFFF80  }
0x127: {  	_ =	swait.ge [sflag:s11], $0x80  }
0x128: {  	[sflag:s11] =	ssyncset.done $0x0  }
0x129: {  	s24 =	rddreg [dreg:$0xa];
	[sflag:s11] =	ssyncadd.s32 $0xFFFFFF80  }
0x12a: {  	[tilespmem:s10], [sflag:$0x5] =	stream.indirect.gather [hbm4b:s1+s6], $0x80, s6, s6, $0xb8;
	[tilespmem:$0x1FC80] =	vst v63  }
0x12b: {  	s23 =	sadd.s32 $0x0, s24  }
0x12c: {  	[tilespmem:s13], [sflag:$0x3] =	stream.linear.gather [hbm4b:s23+s4], $0x80, $0x38;
	[tilespmem:$0x1FC80] =	vst v63  }
0x12d: {  	s29 =	sadd.s32 $0x9CE0, s3  }
0x12e: {  	[tilespmem:s14], [sflag:$0x3] =	stream.linear.gather [hbm4b:s29+s4], $0x80, $0x38;
	[tilespmem:$0x1FC80] =	vst v63  }
0x12f: {  	_ =	swait.ge [sflag:s28], $0x4000  }
0x130: {  	[sflag:s28] =	ssyncset.done $0x0  }
0x131: {  	[sflag:s28] =	ssyncadd.s32 $0xFFFFC000  }
0x132: {  	[spmem:s2] =	stream.indirect.scatter.add.f32 [tilespmem:s18], [sflag:$0xA], $0x80, s17, s6, $0xb8;
	[tilespmem:$0x1FC80] =	vst v63  }
0x133: {  	_ =	swait.ge [sflag:s30], $0x4000  }
0x134: {  	[sflag:s30] =	ssyncset.done $0x0  }
0x135: {  	[sflag:s30] =	ssyncadd.s32 $0xFFFFC000  }
0x136: {  	_ =	swait.ge [sflag:s16], $0x80  }
0x137: {  	[sflag:s16] =	ssyncset.done $0x0  }
0x138: {  	[sflag:s16] =	ssyncadd.s32 $0xFFFFFF80  }
0x139: {  	_ =	swait.ge [sflag:s16], $0x80  }
0x13a: {  	[sflag:s16] =	ssyncset.done $0x0  }
0x13b: {  	s5 =	rddreg [dreg:$0x9];
	[sflag:s16] =	ssyncadd.s32 $0xFFFFFF80  }
0x13c: {  	[tilespmem:s12], [sflag:$0x6] =	stream.indirect.gather [hbm4b:s1+s6], $0x80, s13, s6, $0xb8;
	[tilespmem:$0x1FC80] =	vst v63  }
0x13d: {  	s23 =	sadd.s32 $0x0, s5  }
0x13e: {  	[tilespmem:s19], [sflag:$0x4] =	stream.linear.gather [hbm4b:s23+s4], $0x80, $0x38;
	[tilespmem:$0x1FC80] =	vst v63  }
0x13f: {  	s24 =	sadd.s32 $0x9CF0, s3  }
0x140: {  	[tilespmem:s20], [sflag:$0x4] =	stream.linear.gather [hbm4b:s24+s4], $0x80, $0x38;
	[tilespmem:$0x1FC80] =	vst v63  }
0x141: {  	_ =	swait.ge [sflag:s15], $0x4000  }
0x142: {  	[sflag:s15] =	ssyncset.done $0x0  }
0x143: {  	[sflag:s15] =	ssyncadd.s32 $0xFFFFC000  }
0x144: {  	[spmem:s2] =	stream.indirect.scatter.add.f32 [tilespmem:s10], [sflag:$0x8], $0x80, s7, s6, $0xb8;
	[tilespmem:$0x1FC80] =	vst v63  }
0x145: {  	_ =	swait.ge [sflag:s31], $0x4000  }
0x146: {  	[sflag:s31] =	ssyncset.done $0x0  }
0x147: {  	[sflag:s31] =	ssyncadd.s32 $0xFFFFC000  }
0x148: {  	_ =	swait.ge [sflag:s26], $0x80  }
0x149: {  	[sflag:s26] =	ssyncset.done $0x0  }
0x14a: {  	[sflag:s26] =	ssyncadd.s32 $0xFFFFFF80  }
0x14b: {  	_ =	swait.ge [sflag:s26], $0x80  }
0x14c: {  	[sflag:s26] =	ssyncset.done $0x0  }
0x14d: {  	s29 =	rddreg [dreg:$0x8];
	[sflag:s26] =	ssyncadd.s32 $0xFFFFFF80  }
0x14e: {  	[tilespmem:s18], [sflag:$0x7] =	stream.indirect.gather [hbm4b:s1+s6], $0x80, s19, s6, $0xb8;
	[tilespmem:$0x1FC80] =	vst v63  }
0x14f: {  	s23 =	sadd.s32 $0x0, s29  }
0x150: {  	[tilespmem:s4], [sflag:$0x1] =	stream.linear.gather [hbm4b:s23+s4], $0x80, $0x38;
	[tilespmem:$0x1FC80] =	vst v63  }
0x151: {  	s5 =	sadd.s32 $0x9D00, s3  }
0x152: {  	[tilespmem:s17], [sflag:$0x1] =	stream.linear.gather [hbm4b:s5+s4], $0x80, $0x38;
	[tilespmem:$0x1FC80] =	vst v63  }
0x153: {  	_ =	swait.ge [sflag:s21], $0x4000  }
0x154: {  	[sflag:s21] =	ssyncset.done $0x0  }
0x155: {  	[sflag:s21] =	ssyncadd.s32 $0xFFFFC000  }
0x156: {  	[spmem:s2] =	stream.indirect.scatter.add.f32 [tilespmem:s12], [sflag:$0x9], $0x80, s14, s6, $0xb8;
	[tilespmem:$0x1FC80] =	vst v63  }
0x157: {  	_ =	swait.ge [sflag:s25], $0x4000  }
0x158: {  	[sflag:s25] =	ssyncset.done $0x0  }
0x159: {  	[sflag:s25] =	ssyncadd.s32 $0xFFFFC000  }
0x15a: {  	_ =	swait.ge [sflag:s9], $0x80  }
0x15b: {  	[sflag:s9] =	ssyncset.done $0x0  }
0x15c: {  	[sflag:s9] =	ssyncadd.s32 $0xFFFFFF80  }
0x15d: {  	_ =	swait.ge [sflag:s9], $0x80  }
0x15e: {  	[sflag:s9] =	ssyncset.done $0x0  }
0x15f: {  	s24 =	rddreg [dreg:$0x7];
	[sflag:s9] =	ssyncadd.s32 $0xFFFFFF80  }
0x160: {  	[tilespmem:s10], [sflag:$0x5] =	stream.indirect.gather [hbm4b:s1+s6], $0x80, s4, s6, $0xb8;
	[tilespmem:$0x1FC80] =	vst v63  }
0x161: {  	s23 =	sadd.s32 $0x0, s24  }
0x162: {  	[tilespmem:s6], [sflag:$0x2] =	stream.linear.gather [hbm4b:s23+s4], $0x80, $0x38;
	[tilespmem:$0x1FC80] =	vst v63  }
0x163: {  	s29 =	sadd.s32 $0x9D10, s3  }
0x164: {  	[tilespmem:s7], [sflag:$0x2] =	stream.linear.gather [hbm4b:s29+s4], $0x80, $0x38;
	[tilespmem:$0x1FC80] =	vst v63  }
0x165: {  	_ =	swait.ge [sflag:s28], $0x4000  }
0x166: {  	[sflag:s28] =	ssyncset.done $0x0  }
0x167: {  	[sflag:s28] =	ssyncadd.s32 $0xFFFFC000  }
0x168: {  	[spmem:s2] =	stream.indirect.scatter.add.f32 [tilespmem:s18], [sflag:$0xA], $0x80, s20, s6, $0xb8;
	[tilespmem:$0x1FC80] =	vst v63  }
0x169: {  	_ =	swait.ge [sflag:s30], $0x4000  }
0x16a: {  	[sflag:s30] =	ssyncset.done $0x0  }
0x16b: {  	[sflag:s30] =	ssyncadd.s32 $0xFFFFC000  }
0x16c: {  	_ =	swait.ge [sflag:s11], $0x80  }
0x16d: {  	[sflag:s11] =	ssyncset.done $0x0  }
0x16e: {  	[sflag:s11] =	ssyncadd.s32 $0xFFFFFF80  }
0x16f: {  	_ =	swait.ge [sflag:s11], $0x80  }
0x170: {  	[sflag:s11] =	ssyncset.done $0x0  }
0x171: {  	s5 =	rddreg [dreg:$0x6];
	[sflag:s11] =	ssyncadd.s32 $0xFFFFFF80  }
0x172: {  	[tilespmem:s12], [sflag:$0x6] =	stream.indirect.gather [hbm4b:s1+s6], $0x80, s6, s6, $0xb8;
	[tilespmem:$0x1FC80] =	vst v63  }
0x173: {  	s23 =	sadd.s32 $0x0, s5  }
0x174: {  	[tilespmem:s13], [sflag:$0x3] =	stream.linear.gather [hbm4b:s23+s4], $0x80, $0x38;
	[tilespmem:$0x1FC80] =	vst v63  }
0x175: {  	s24 =	sadd.s32 $0x9D20, s3  }
0x176: {  	[tilespmem:s14], [sflag:$0x3] =	stream.linear.gather [hbm4b:s24+s4], $0x80, $0x38;
	[tilespmem:$0x1FC80] =	vst v63  }
0x177: {  	_ =	swait.ge [sflag:s15], $0x4000  }
0x178: {  	[sflag:s15] =	ssyncset.done $0x0  }
0x179: {  	[sflag:s15] =	ssyncadd.s32 $0xFFFFC000  }
0x17a: {  	[spmem:s2] =	stream.indirect.scatter.add.f32 [tilespmem:s10], [sflag:$0x8], $0x80, s17, s6, $0xb8;
	[tilespmem:$0x1FC80] =	vst v63  }
0x17b: {  	_ =	swait.ge [sflag:s31], $0x4000  }
0x17c: {  	[sflag:s31] =	ssyncset.done $0x0  }
0x17d: {  	[sflag:s31] =	ssyncadd.s32 $0xFFFFC000  }
0x17e: {  	_ =	swait.ge [sflag:s16], $0x80  }
0x17f: {  	[sflag:s16] =	ssyncset.done $0x0  }
0x180: {  	[sflag:s16] =	ssyncadd.s32 $0xFFFFFF80  }
0x181: {  	_ =	swait.ge [sflag:s16], $0x80  }
0x182: {  	[sflag:s16] =	ssyncset.done $0x0  }
0x183: {  	s29 =	rddreg [dreg:$0x5];
	[sflag:s16] =	ssyncadd.s32 $0xFFFFFF80  }
0x184: {  	[tilespmem:s18], [sflag:$0x7] =	stream.indirect.gather [hbm4b:s1+s6], $0x80, s13, s6, $0xb8;
	[tilespmem:$0x1FC80] =	vst v63  }
0x185: {  	s23 =	sadd.s32 $0x0, s29  }
0x186: {  	[tilespmem:s19], [sflag:$0x4] =	stream.linear.gather [hbm4b:s23+s4], $0x80, $0x38;
	[tilespmem:$0x1FC80] =	vst v63  }
0x187: {  	s3 =	sadd.s32 $0x9D30, s3  }
0x188: {  	[tilespmem:s20], [sflag:$0x4] =	stream.linear.gather [hbm4b:s3+s4], $0x80, $0x38;
	[tilespmem:$0x1FC80] =	vst v63  }
0x189: {  	_ =	swait.ge [sflag:s21], $0x4000  }
0x18a: {  	s3 =	simm.s32 $0xC0;
	[sflag:s21] =	ssyncset.done $0x0  }
.LBB2_4:
0x18b: {  	[sflag:s21] =	ssyncadd.s32 $0xFFFFC000  }
0x18c: {  	[spmem:s2] =	stream.indirect.scatter.add.f32 [tilespmem:s12], [sflag:$0x9], $0x80, s7, s6, $0xb8;
	[tilespmem:$0x1FC80] =	vst v63  }
0x18d: {  	_ =	swait.ge [sflag:s25], $0x4000  }
0x18e: {  	[sflag:s25] =	ssyncset.done $0x0  }
0x18f: {  	[sflag:s25] =	ssyncadd.s32 $0xFFFFC000  }
0x190: {  	_ =	swait.ge [sflag:s26], $0x80  }
0x191: {  	[sflag:s26] =	ssyncset.done $0x0  }
0x192: {  	[sflag:s26] =	ssyncadd.s32 $0xFFFFFF80  }
0x193: {  	_ =	swait.ge [sflag:s26], $0x80  }
0x194: {  	[sflag:s26] =	ssyncset.done $0x0  }
0x195: {  	s23 =	smov.u32 s3;
	s24 =	rddreg [dreg:$0x10];
	[sflag:s26] =	ssyncadd.s32 $0xFFFFFF80  }
0x196: {  	[tilespmem:s10], [sflag:$0x5] =	stream.indirect.gather [hbm4b:s1+s6], $0x80, s19, s6, $0xb8;
	[tilespmem:$0x1FC80] =	vst v63  }
0x197: {  	s29 =	rddreg [dreg:$0x4];
	s24 =	sadd.s32 s23, s24  }
0x198: {  	[tilespmem:s4], [sflag:$0x1] =	stream.linear.gather [hbm4b:s24+s4], $0x80, $0x38;
	[tilespmem:$0x1FC80] =	vst v63  }
0x199: {  	s24 =	sadd.s32 s23, s29  }
0x19a: {  	s29 =	sadd.s32 $0x9C80, s24  }
0x19b: {  	[tilespmem:s17], [sflag:$0x1] =	stream.linear.gather [hbm4b:s29+s4], $0x80, $0x38;
	[tilespmem:$0x1FC80] =	vst v63  }
0x19c: {  	_ =	swait.ge [sflag:s28], $0x4000  }
0x19d: {  	[sflag:s28] =	ssyncset.done $0x0  }
0x19e: {  	[sflag:s28] =	ssyncadd.s32 $0xFFFFC000  }
0x19f: {  	[spmem:s2] =	stream.indirect.scatter.add.f32 [tilespmem:s18], [sflag:$0xA], $0x80, s14, s6, $0xb8;
	[tilespmem:$0x1FC80] =	vst v63  }
0x1a0: {  	_ =	swait.ge [sflag:s30], $0x4000  }
0x1a1: {  	[sflag:s30] =	ssyncset.done $0x0  }
0x1a2: {  	[sflag:s30] =	ssyncadd.s32 $0xFFFFC000  }
0x1a3: {  	_ =	swait.ge [sflag:s9], $0x80  }
0x1a4: {  	[sflag:s9] =	ssyncset.done $0x0  }
0x1a5: {  	[sflag:s9] =	ssyncadd.s32 $0xFFFFFF80  }
0x1a6: {  	_ =	swait.ge [sflag:s9], $0x80  }
0x1a7: {  	[sflag:s9] =	ssyncset.done $0x0  }
0x1a8: {  	s5 =	rddreg [dreg:$0xf];
	[sflag:s9] =	ssyncadd.s32 $0xFFFFFF80  }
0x1a9: {  	[tilespmem:s12], [sflag:$0x6] =	stream.indirect.gather [hbm4b:s1+s6], $0x80, s4, s6, $0xb8;
	[tilespmem:$0x1FC80] =	vst v63  }
0x1aa: {  	s29 =	sadd.s32 s23, s5  }
0x1ab: {  	[tilespmem:s6], [sflag:$0x2] =	stream.linear.gather [hbm4b:s29+s4], $0x80, $0x38;
	[tilespmem:$0x1FC80] =	vst v63  }
0x1ac: {  	s5 =	sadd.s32 $0x9C90, s24  }
0x1ad: {  	[tilespmem:s7], [sflag:$0x2] =	stream.linear.gather [hbm4b:s5+s4], $0x80, $0x38;
	[tilespmem:$0x1FC80] =	vst v63  }
0x1ae: {  	_ =	swait.ge [sflag:s15], $0x4000  }
0x1af: {  	[sflag:s15] =	ssyncset.done $0x0  }
0x1b0: {  	[sflag:s15] =	ssyncadd.s32 $0xFFFFC000  }
0x1b1: {  	[spmem:s2] =	stream.indirect.scatter.add.f32 [tilespmem:s10], [sflag:$0x8], $0x80, s20, s6, $0xb8;
	[tilespmem:$0x1FC80] =	vst v63  }
0x1b2: {  	_ =	swait.ge [sflag:s31], $0x4000  }
0x1b3: {  	[sflag:s31] =	ssyncset.done $0x0  }
0x1b4: {  	[sflag:s31] =	ssyncadd.s32 $0xFFFFC000  }
0x1b5: {  	_ =	swait.ge [sflag:s11], $0x80  }
0x1b6: {  	[sflag:s11] =	ssyncset.done $0x0  }
0x1b7: {  	[sflag:s11] =	ssyncadd.s32 $0xFFFFFF80  }
0x1b8: {  	_ =	swait.ge [sflag:s11], $0x80  }
0x1b9: {  	[sflag:s11] =	ssyncset.done $0x0  }
0x1ba: {  	s29 =	rddreg [dreg:$0xe];
	[sflag:s11] =	ssyncadd.s32 $0xFFFFFF80  }
0x1bb: {  	[tilespmem:s18], [sflag:$0x7] =	stream.indirect.gather [hbm4b:s1+s6], $0x80, s6, s6, $0xb8;
	[tilespmem:$0x1FC80] =	vst v63  }
0x1bc: {  	s5 =	sadd.s32 s23, s29  }
0x1bd: {  	[tilespmem:s13], [sflag:$0x3] =	stream.linear.gather [hbm4b:s5+s4], $0x80, $0x38;
	[tilespmem:$0x1FC80] =	vst v63  }
0x1be: {  	s29 =	sadd.s32 $0x9CA0, s24  }
0x1bf: {  	[tilespmem:s14], [sflag:$0x3] =	stream.linear.gather [hbm4b:s29+s4], $0x80, $0x38;
	[tilespmem:$0x1FC80] =	vst v63  }
0x1c0: {  	_ =	swait.ge [sflag:s21], $0x4000  }
0x1c1: {  	[sflag:s21] =	ssyncset.done $0x0  }
0x1c2: {  	[sflag:s21] =	ssyncadd.s32 $0xFFFFC000  }
0x1c3: {  	[spmem:s2] =	stream.indirect.scatter.add.f32 [tilespmem:s12], [sflag:$0x9], $0x80, s17, s6, $0xb8;
	[tilespmem:$0x1FC80] =	vst v63  }
0x1c4: {  	_ =	swait.ge [sflag:s25], $0x4000  }
0x1c5: {  	[sflag:s25] =	ssyncset.done $0x0  }
0x1c6: {  	[sflag:s25] =	ssyncadd.s32 $0xFFFFC000  }
0x1c7: {  	_ =	swait.ge [sflag:s16], $0x80  }
0x1c8: {  	[sflag:s16] =	ssyncset.done $0x0  }
0x1c9: {  	[sflag:s16] =	ssyncadd.s32 $0xFFFFFF80  }
0x1ca: {  	_ =	swait.ge [sflag:s16], $0x80  }
0x1cb: {  	[sflag:s16] =	ssyncset.done $0x0  }
0x1cc: {  	s29 =	rddreg [dreg:$0xd];
	[sflag:s16] =	ssyncadd.s32 $0xFFFFFF80  }
0x1cd: {  	[tilespmem:s10], [sflag:$0x5] =	stream.indirect.gather [hbm4b:s1+s6], $0x80, s13, s6, $0xb8;
	[tilespmem:$0x1FC80] =	vst v63  }
0x1ce: {  	s5 =	sadd.s32 s23, s29  }
0x1cf: {  	[tilespmem:s19], [sflag:$0x4] =	stream.linear.gather [hbm4b:s5+s4], $0x80, $0x38;
	[tilespmem:$0x1FC80] =	vst v63  }
0x1d0: {  	s29 =	sadd.s32 $0x9CB0, s24  }
0x1d1: {  	[tilespmem:s20], [sflag:$0x4] =	stream.linear.gather [hbm4b:s29+s4], $0x80, $0x38;
	[tilespmem:$0x1FC80] =	vst v63  }
0x1d2: {  	_ =	swait.ge [sflag:s28], $0x4000  }
0x1d3: {  	[sflag:s28] =	ssyncset.done $0x0  }
0x1d4: {  	[sflag:s28] =	ssyncadd.s32 $0xFFFFC000  }
0x1d5: {  	[spmem:s2] =	stream.indirect.scatter.add.f32 [tilespmem:s18], [sflag:$0xA], $0x80, s7, s6, $0xb8;
	[tilespmem:$0x1FC80] =	vst v63  }
0x1d6: {  	_ =	swait.ge [sflag:s30], $0x4000  }
0x1d7: {  	[sflag:s30] =	ssyncset.done $0x0  }
0x1d8: {  	[sflag:s30] =	ssyncadd.s32 $0xFFFFC000  }
0x1d9: {  	_ =	swait.ge [sflag:s26], $0x80  }
0x1da: {  	[sflag:s26] =	ssyncset.done $0x0  }
0x1db: {  	[sflag:s26] =	ssyncadd.s32 $0xFFFFFF80  }
0x1dc: {  	_ =	swait.ge [sflag:s26], $0x80  }
0x1dd: {  	[sflag:s26] =	ssyncset.done $0x0  }
0x1de: {  	s29 =	rddreg [dreg:$0xc];
	[sflag:s26] =	ssyncadd.s32 $0xFFFFFF80  }
0x1df: {  	[tilespmem:s12], [sflag:$0x6] =	stream.indirect.gather [hbm4b:s1+s6], $0x80, s19, s6, $0xb8;
	[tilespmem:$0x1FC80] =	vst v63  }
0x1e0: {  	s5 =	sadd.s32 s23, s29  }
0x1e1: {  	[tilespmem:s4], [sflag:$0x1] =	stream.linear.gather [hbm4b:s5+s4], $0x80, $0x38;
	[tilespmem:$0x1FC80] =	vst v63  }
0x1e2: {  	s29 =	sadd.s32 $0x9CC0, s24  }
0x1e3: {  	[tilespmem:s17], [sflag:$0x1] =	stream.linear.gather [hbm4b:s29+s4], $0x80, $0x38;
	[tilespmem:$0x1FC80] =	vst v63  }
0x1e4: {  	_ =	swait.ge [sflag:s15], $0x4000  }
0x1e5: {  	[sflag:s15] =	ssyncset.done $0x0  }
0x1e6: {  	[sflag:s15] =	ssyncadd.s32 $0xFFFFC000  }
0x1e7: {  	[spmem:s2] =	stream.indirect.scatter.add.f32 [tilespmem:s10], [sflag:$0x8], $0x80, s14, s6, $0xb8;
	[tilespmem:$0x1FC80] =	vst v63  }
0x1e8: {  	_ =	swait.ge [sflag:s31], $0x4000  }
0x1e9: {  	[sflag:s31] =	ssyncset.done $0x0  }
0x1ea: {  	[sflag:s31] =	ssyncadd.s32 $0xFFFFC000  }
0x1eb: {  	_ =	swait.ge [sflag:s9], $0x80  }
0x1ec: {  	[sflag:s9] =	ssyncset.done $0x0  }
0x1ed: {  	[sflag:s9] =	ssyncadd.s32 $0xFFFFFF80  }
0x1ee: {  	_ =	swait.ge [sflag:s9], $0x80  }
0x1ef: {  	[sflag:s9] =	ssyncset.done $0x0  }
0x1f0: {  	s29 =	rddreg [dreg:$0xb];
	[sflag:s9] =	ssyncadd.s32 $0xFFFFFF80  }
0x1f1: {  	[tilespmem:s18], [sflag:$0x7] =	stream.indirect.gather [hbm4b:s1+s6], $0x80, s4, s6, $0xb8;
	[tilespmem:$0x1FC80] =	vst v63  }
0x1f2: {  	s5 =	sadd.s32 s23, s29  }
0x1f3: {  	[tilespmem:s6], [sflag:$0x2] =	stream.linear.gather [hbm4b:s5+s4], $0x80, $0x38;
	[tilespmem:$0x1FC80] =	vst v63  }
0x1f4: {  	s29 =	sadd.s32 $0x9CD0, s24  }
0x1f5: {  	[tilespmem:s7], [sflag:$0x2] =	stream.linear.gather [hbm4b:s29+s4], $0x80, $0x38;
	[tilespmem:$0x1FC80] =	vst v63  }
0x1f6: {  	_ =	swait.ge [sflag:s21], $0x4000  }
0x1f7: {  	[sflag:s21] =	ssyncset.done $0x0  }
0x1f8: {  	[sflag:s21] =	ssyncadd.s32 $0xFFFFC000  }
0x1f9: {  	[spmem:s2] =	stream.indirect.scatter.add.f32 [tilespmem:s12], [sflag:$0x9], $0x80, s20, s6, $0xb8;
	[tilespmem:$0x1FC80] =	vst v63  }
0x1fa: {  	_ =	swait.ge [sflag:s25], $0x4000  }
0x1fb: {  	[sflag:s25] =	ssyncset.done $0x0  }
0x1fc: {  	[sflag:s25] =	ssyncadd.s32 $0xFFFFC000  }
0x1fd: {  	_ =	swait.ge [sflag:s11], $0x80  }
0x1fe: {  	[sflag:s11] =	ssyncset.done $0x0  }
0x1ff: {  	[sflag:s11] =	ssyncadd.s32 $0xFFFFFF80  }
0x200: {  	_ =	swait.ge [sflag:s11], $0x80  }
0x201: {  	[sflag:s11] =	ssyncset.done $0x0  }
0x202: {  	s29 =	rddreg [dreg:$0xa];
	[sflag:s11] =	ssyncadd.s32 $0xFFFFFF80  }
0x203: {  	[tilespmem:s10], [sflag:$0x5] =	stream.indirect.gather [hbm4b:s1+s6], $0x80, s6, s6, $0xb8;
	[tilespmem:$0x1FC80] =	vst v63  }
0x204: {  	s5 =	sadd.s32 s23, s29  }
0x205: {  	[tilespmem:s13], [sflag:$0x3] =	stream.linear.gather [hbm4b:s5+s4], $0x80, $0x38;
	[tilespmem:$0x1FC80] =	vst v63  }
0x206: {  	s29 =	sadd.s32 $0x9CE0, s24  }
0x207: {  	[tilespmem:s14], [sflag:$0x3] =	stream.linear.gather [hbm4b:s29+s4], $0x80, $0x38;
	[tilespmem:$0x1FC80] =	vst v63  }
0x208: {  	_ =	swait.ge [sflag:s28], $0x4000  }
0x209: {  	[sflag:s28] =	ssyncset.done $0x0  }
0x20a: {  	[sflag:s28] =	ssyncadd.s32 $0xFFFFC000  }
0x20b: {  	[spmem:s2] =	stream.indirect.scatter.add.f32 [tilespmem:s18], [sflag:$0xA], $0x80, s17, s6, $0xb8;
	[tilespmem:$0x1FC80] =	vst v63  }
0x20c: {  	_ =	swait.ge [sflag:s30], $0x4000  }
0x20d: {  	[sflag:s30] =	ssyncset.done $0x0  }
0x20e: {  	[sflag:s30] =	ssyncadd.s32 $0xFFFFC000  }
0x20f: {  	_ =	swait.ge [sflag:s16], $0x80  }
0x210: {  	[sflag:s16] =	ssyncset.done $0x0  }
0x211: {  	[sflag:s16] =	ssyncadd.s32 $0xFFFFFF80  }
0x212: {  	_ =	swait.ge [sflag:s16], $0x80  }
0x213: {  	[sflag:s16] =	ssyncset.done $0x0  }
0x214: {  	s29 =	rddreg [dreg:$0x9];
	[sflag:s16] =	ssyncadd.s32 $0xFFFFFF80  }
0x215: {  	[tilespmem:s12], [sflag:$0x6] =	stream.indirect.gather [hbm4b:s1+s6], $0x80, s13, s6, $0xb8;
	[tilespmem:$0x1FC80] =	vst v63  }
0x216: {  	s5 =	sadd.s32 s23, s29  }
0x217: {  	[tilespmem:s19], [sflag:$0x4] =	stream.linear.gather [hbm4b:s5+s4], $0x80, $0x38;
	[tilespmem:$0x1FC80] =	vst v63  }
0x218: {  	s29 =	sadd.s32 $0x9CF0, s24  }
0x219: {  	[tilespmem:s20], [sflag:$0x4] =	stream.linear.gather [hbm4b:s29+s4], $0x80, $0x38;
	[tilespmem:$0x1FC80] =	vst v63  }
0x21a: {  	_ =	swait.ge [sflag:s15], $0x4000  }
0x21b: {  	[sflag:s15] =	ssyncset.done $0x0  }
0x21c: {  	[sflag:s15] =	ssyncadd.s32 $0xFFFFC000  }
0x21d: {  	[spmem:s2] =	stream.indirect.scatter.add.f32 [tilespmem:s10], [sflag:$0x8], $0x80, s7, s6, $0xb8;
	[tilespmem:$0x1FC80] =	vst v63  }
0x21e: {  	_ =	swait.ge [sflag:s31], $0x4000  }
0x21f: {  	[sflag:s31] =	ssyncset.done $0x0  }
0x220: {  	[sflag:s31] =	ssyncadd.s32 $0xFFFFC000  }
0x221: {  	_ =	swait.ge [sflag:s26], $0x80  }
0x222: {  	[sflag:s26] =	ssyncset.done $0x0  }
0x223: {  	[sflag:s26] =	ssyncadd.s32 $0xFFFFFF80  }
0x224: {  	_ =	swait.ge [sflag:s26], $0x80  }
0x225: {  	[sflag:s26] =	ssyncset.done $0x0  }
0x226: {  	s29 =	rddreg [dreg:$0x8];
	[sflag:s26] =	ssyncadd.s32 $0xFFFFFF80  }
0x227: {  	[tilespmem:s18], [sflag:$0x7] =	stream.indirect.gather [hbm4b:s1+s6], $0x80, s19, s6, $0xb8;
	[tilespmem:$0x1FC80] =	vst v63  }
0x228: {  	s5 =	sadd.s32 s23, s29  }
0x229: {  	[tilespmem:s4], [sflag:$0x1] =	stream.linear.gather [hbm4b:s5+s4], $0x80, $0x38;
	[tilespmem:$0x1FC80] =	vst v63  }
0x22a: {  	s29 =	sadd.s32 $0x9D00, s24  }
0x22b: {  	[tilespmem:s17], [sflag:$0x1] =	stream.linear.gather [hbm4b:s29+s4], $0x80, $0x38;
	[tilespmem:$0x1FC80] =	vst v63  }
0x22c: {  	_ =	swait.ge [sflag:s21], $0x4000  }
0x22d: {  	[sflag:s21] =	ssyncset.done $0x0  }
0x22e: {  	[sflag:s21] =	ssyncadd.s32 $0xFFFFC000  }
0x22f: {  	[spmem:s2] =	stream.indirect.scatter.add.f32 [tilespmem:s12], [sflag:$0x9], $0x80, s14, s6, $0xb8;
	[tilespmem:$0x1FC80] =	vst v63  }
0x230: {  	_ =	swait.ge [sflag:s25], $0x4000  }
0x231: {  	[sflag:s25] =	ssyncset.done $0x0  }
0x232: {  	[sflag:s25] =	ssyncadd.s32 $0xFFFFC000  }
0x233: {  	_ =	swait.ge [sflag:s9], $0x80  }
0x234: {  	[sflag:s9] =	ssyncset.done $0x0  }
0x235: {  	[sflag:s9] =	ssyncadd.s32 $0xFFFFFF80  }
0x236: {  	_ =	swait.ge [sflag:s9], $0x80  }
0x237: {  	[sflag:s9] =	ssyncset.done $0x0  }
0x238: {  	s29 =	rddreg [dreg:$0x7];
	[sflag:s9] =	ssyncadd.s32 $0xFFFFFF80  }
0x239: {  	[tilespmem:s10], [sflag:$0x5] =	stream.indirect.gather [hbm4b:s1+s6], $0x80, s4, s6, $0xb8;
	[tilespmem:$0x1FC80] =	vst v63  }
0x23a: {  	s5 =	sadd.s32 s23, s29  }
0x23b: {  	[tilespmem:s6], [sflag:$0x2] =	stream.linear.gather [hbm4b:s5+s4], $0x80, $0x38;
	[tilespmem:$0x1FC80] =	vst v63  }
0x23c: {  	s29 =	sadd.s32 $0x9D10, s24  }
0x23d: {  	[tilespmem:s7], [sflag:$0x2] =	stream.linear.gather [hbm4b:s29+s4], $0x80, $0x38;
	[tilespmem:$0x1FC80] =	vst v63  }
0x23e: {  	_ =	swait.ge [sflag:s28], $0x4000  }
0x23f: {  	[sflag:s28] =	ssyncset.done $0x0  }
0x240: {  	[sflag:s28] =	ssyncadd.s32 $0xFFFFC000  }
0x241: {  	[spmem:s2] =	stream.indirect.scatter.add.f32 [tilespmem:s18], [sflag:$0xA], $0x80, s20, s6, $0xb8;
	[tilespmem:$0x1FC80] =	vst v63  }
0x242: {  	_ =	swait.ge [sflag:s30], $0x4000  }
0x243: {  	[sflag:s30] =	ssyncset.done $0x0  }
0x244: {  	[sflag:s30] =	ssyncadd.s32 $0xFFFFC000  }
0x245: {  	_ =	swait.ge [sflag:s11], $0x80  }
0x246: {  	[sflag:s11] =	ssyncset.done $0x0  }
0x247: {  	[sflag:s11] =	ssyncadd.s32 $0xFFFFFF80  }
0x248: {  	_ =	swait.ge [sflag:s11], $0x80  }
0x249: {  	[sflag:s11] =	ssyncset.done $0x0  }
0x24a: {  	s29 =	rddreg [dreg:$0x6];
	[sflag:s11] =	ssyncadd.s32 $0xFFFFFF80  }
0x24b: {  	[tilespmem:s12], [sflag:$0x6] =	stream.indirect.gather [hbm4b:s1+s6], $0x80, s6, s6, $0xb8;
	[tilespmem:$0x1FC80] =	vst v63  }
0x24c: {  	s5 =	sadd.s32 s23, s29  }
0x24d: {  	[tilespmem:s13], [sflag:$0x3] =	stream.linear.gather [hbm4b:s5+s4], $0x80, $0x38;
	[tilespmem:$0x1FC80] =	vst v63  }
0x24e: {  	s29 =	sadd.s32 $0x9D20, s24  }
0x24f: {  	[tilespmem:s14], [sflag:$0x3] =	stream.linear.gather [hbm4b:s29+s4], $0x80, $0x38;
	[tilespmem:$0x1FC80] =	vst v63  }
0x250: {  	_ =	swait.ge [sflag:s15], $0x4000  }
0x251: {  	[sflag:s15] =	ssyncset.done $0x0  }
0x252: {  	[sflag:s15] =	ssyncadd.s32 $0xFFFFC000  }
0x253: {  	[spmem:s2] =	stream.indirect.scatter.add.f32 [tilespmem:s10], [sflag:$0x8], $0x80, s17, s6, $0xb8;
	[tilespmem:$0x1FC80] =	vst v63  }
0x254: {  	_ =	swait.ge [sflag:s31], $0x4000  }
0x255: {  	[sflag:s31] =	ssyncset.done $0x0  }
0x256: {  	[sflag:s31] =	ssyncadd.s32 $0xFFFFC000  }
0x257: {  	_ =	swait.ge [sflag:s16], $0x80  }
0x258: {  	[sflag:s16] =	ssyncset.done $0x0  }
0x259: {  	[sflag:s16] =	ssyncadd.s32 $0xFFFFFF80  }
0x25a: {  	_ =	swait.ge [sflag:s16], $0x80  }
0x25b: {  	[sflag:s16] =	ssyncset.done $0x0  }
0x25c: {  	s29 =	rddreg [dreg:$0x5];
	[sflag:s16] =	ssyncadd.s32 $0xFFFFFF80  }
0x25d: {  	[tilespmem:s18], [sflag:$0x7] =	stream.indirect.gather [hbm4b:s1+s6], $0x80, s13, s6, $0xb8;
	[tilespmem:$0x1FC80] =	vst v63  }
0x25e: {  	p2 =	sne.s32 s3, $0x3C0;
	s5 =	sadd.s32 s23, s29  }
0x25f: {  	[tilespmem:s19], [sflag:$0x4] =	stream.linear.gather [hbm4b:s5+s4], $0x80, $0x38;
	[tilespmem:$0x1FC80] =	vst v63  }
.Ltmp3:
0x260: {  	_ = 	snop;
	(pc) =	sbr.rel @p2 .LBB2_4-.Ltmp3, $4  }
0x261: {  	s29 =	sadd.s32 $0x9D30, s24  }
0x262: {  	[tilespmem:s20], [sflag:$0x4] =	stream.linear.gather [hbm4b:s29+s4], $0x80, $0x38;
	[tilespmem:$0x1FC80] =	vst v63  }
0x263: {  	_ =	swait.ge [sflag:s21], $0x4000  }
0x264: {  	s3 =	sadd.s32 $0xC0, s3;
	[sflag:s21] =	ssyncset.done $0x0  }
0x265: {  	[sflag:s21] =	ssyncadd.s32 $0xFFFFC000  }
0x266: {  	[spmem:s2] =	stream.indirect.scatter.add.f32 [tilespmem:s12], [sflag:$0x9], $0x80, s7, s6, $0xb8;
	[tilespmem:$0x1FC80] =	vst v63  }
0x267: {  	_ =	swait.ge [sflag:s25], $0x4000  }
0x268: {  	[sflag:s25] =	ssyncset.done $0x0  }
0x269: {  	[sflag:s25] =	ssyncadd.s32 $0xFFFFC000  }
0x26a: {  	_ =	swait.ge [sflag:s26], $0x80  }
0x26b: {  	[sflag:s26] =	ssyncset.done $0x0  }
0x26c: {  	[sflag:s26] =	ssyncadd.s32 $0xFFFFFF80  }
0x26d: {  	_ =	swait.ge [sflag:s26], $0x80  }
0x26e: {  	[sflag:s26] =	ssyncset.done $0x0  }
0x26f: {  	[sflag:s26] =	ssyncadd.s32 $0xFFFFFF80  }
0x270: {  	[tilespmem:s10], [sflag:$0x5] =	stream.indirect.gather [hbm4b:s1+s6], $0x80, s19, s6, $0xb8;
	[tilespmem:$0x1FC80] =	vst v63  }
0x271: {  	s3 =	rddreg [dreg:$0x1a]  }
0x272: {  	[tilespmem:s4], [sflag:$0x1] =	stream.linear.gather [hbm4b:s3+s4], $0x80, $0x38;
	[tilespmem:$0x1FC80] =	vst v63  }
0x273: {  	s23 =	rddreg [dreg:$0x1b]  }
0x274: {  	[tilespmem:s17], [sflag:$0x1] =	stream.linear.gather [hbm4b:s23+s4], $0x80, $0x38;
	[tilespmem:$0x1FC80] =	vst v63  }
0x275: {  	_ =	swait.ge [sflag:s28], $0x4000  }
0x276: {  	[sflag:s28] =	ssyncset.done $0x0  }
0x277: {  	[sflag:s28] =	ssyncadd.s32 $0xFFFFC000  }
0x278: {  	[spmem:s2] =	stream.indirect.scatter.add.f32 [tilespmem:s18], [sflag:$0xA], $0x80, s14, s6, $0xb8;
	[tilespmem:$0x1FC80] =	vst v63  }
0x279: {  	_ =	swait.ge [sflag:s30], $0x4000  }
0x27a: {  	[sflag:s30] =	ssyncset.done $0x0  }
0x27b: {  	[sflag:s30] =	ssyncadd.s32 $0xFFFFC000  }
0x27c: {  	_ =	swait.ge [sflag:s9], $0x80  }
0x27d: {  	[sflag:s9] =	ssyncset.done $0x0  }
0x27e: {  	[sflag:s9] =	ssyncadd.s32 $0xFFFFFF80  }
0x27f: {  	_ =	swait.ge [sflag:s9], $0x80  }
0x280: {  	[sflag:s9] =	ssyncset.done $0x0  }
0x281: {  	[sflag:s9] =	ssyncadd.s32 $0xFFFFFF80  }
0x282: {  	[tilespmem:s12], [sflag:$0x6] =	stream.indirect.gather [hbm4b:s1+s6], $0x80, s4, s6, $0xb8;
	[tilespmem:$0x1FC80] =	vst v63  }
0x283: {  	s24 =	rddreg [dreg:$0x1d]  }
0x284: {  	[tilespmem:s6], [sflag:$0x2] =	stream.linear.gather [hbm4b:s24+s4], $0x80, $0x38;
	[tilespmem:$0x1FC80] =	vst v63  }
0x285: {  	s29 =	rddreg [dreg:$0x1e]  }
0x286: {  	[tilespmem:s7], [sflag:$0x2] =	stream.linear.gather [hbm4b:s29+s4], $0x80, $0x38;
	[tilespmem:$0x1FC80] =	vst v63  }
0x287: {  	_ =	swait.ge [sflag:s15], $0x4000  }
0x288: {  	[sflag:s15] =	ssyncset.done $0x0  }
0x289: {  	[sflag:s15] =	ssyncadd.s32 $0xFFFFC000  }
0x28a: {  	[spmem:s2] =	stream.indirect.scatter.add.f32 [tilespmem:s10], [sflag:$0x8], $0x80, s20, s6, $0xb8;
	[tilespmem:$0x1FC80] =	vst v63  }
0x28b: {  	_ =	swait.ge [sflag:s31], $0x4000  }
0x28c: {  	[sflag:s31] =	ssyncset.done $0x0  }
0x28d: {  	[sflag:s31] =	ssyncadd.s32 $0xFFFFC000  }
0x28e: {  	_ =	swait.ge [sflag:s11], $0x80  }
0x28f: {  	[sflag:s11] =	ssyncset.done $0x0  }
0x290: {  	[sflag:s11] =	ssyncadd.s32 $0xFFFFFF80  }
0x291: {  	_ =	swait.ge [sflag:s11], $0x80  }
0x292: {  	[sflag:s11] =	ssyncset.done $0x0  }
0x293: {  	s5 =	rddreg [dreg:$0x1f];
	[sflag:s11] =	ssyncadd.s32 $0xFFFFFF80  }
0x294: {  	[tilespmem:s18], [sflag:$0x7] =	stream.indirect.gather [hbm4b:s1+s6], $0x80, s6, s6, $0xb8;
	[tilespmem:$0x1FC80] =	vst v63  }
0x295: {  	s23 =	sld [smem:$0x7EF]  }
0x296: {  	[tilespmem:s13], [sflag:$0x3] =	stream.linear.gather [hbm4b:s5+s4], $0x80, $0x38;
	[tilespmem:$0x1FC80] =	vst v63  }
0x297: {  	_ = 	snop  }
0x298: {  	[tilespmem:s14], [sflag:$0x3] =	stream.linear.gather [hbm4b:s23+s4], $0x80, $0x38;
	[tilespmem:$0x1FC80] =	vst v63  }
0x299: {  	_ =	swait.ge [sflag:s21], $0x4000  }
0x29a: {  	[sflag:s21] =	ssyncset.done $0x0  }
0x29b: {  	[sflag:s21] =	ssyncadd.s32 $0xFFFFC000  }
0x29c: {  	[spmem:s2] =	stream.indirect.scatter.add.f32 [tilespmem:s12], [sflag:$0x9], $0x80, s17, s6, $0xb8;
	[tilespmem:$0x1FC80] =	vst v63  }
0x29d: {  	_ =	swait.ge [sflag:s25], $0x4000  }
0x29e: {  	[sflag:s25] =	ssyncset.done $0x0  }
0x29f: {  	[sflag:s25] =	ssyncadd.s32 $0xFFFFC000  }
0x2a0: {  	_ =	swait.ge [sflag:s16], $0x80  }
0x2a1: {  	[sflag:s16] =	ssyncset.done $0x0  }
0x2a2: {  	[sflag:s16] =	ssyncadd.s32 $0xFFFFFF80  }
0x2a3: {  	_ =	swait.ge [sflag:s16], $0x80  }
0x2a4: {  	[sflag:s16] =	ssyncset.done $0x0  }
0x2a5: {  	s24 =	sld [smem:$0x7F4];
	[sflag:s16] =	ssyncadd.s32 $0xFFFFFF80  }
0x2a6: {  	[tilespmem:s10], [sflag:$0x5] =	stream.indirect.gather [hbm4b:s1+s6], $0x80, s13, s6, $0xb8;
	[tilespmem:$0x1FC80] =	vst v63  }
0x2a7: {  	s29 =	sld [smem:$0x7F5]  }
0x2a8: {  	[tilespmem:s19], [sflag:$0x4] =	stream.linear.gather [hbm4b:s24+s4], $0x80, $0x38;
	[tilespmem:$0x1FC80] =	vst v63  }
0x2a9: {  	_ = 	snop  }
0x2aa: {  	[tilespmem:s20], [sflag:$0x4] =	stream.linear.gather [hbm4b:s29+s4], $0x80, $0x38;
	[tilespmem:$0x1FC80] =	vst v63  }
0x2ab: {  	_ =	swait.ge [sflag:s28], $0x4000  }
0x2ac: {  	[sflag:s28] =	ssyncset.done $0x0  }
0x2ad: {  	[sflag:s28] =	ssyncadd.s32 $0xFFFFC000  }
0x2ae: {  	[spmem:s2] =	stream.indirect.scatter.add.f32 [tilespmem:s18], [sflag:$0xA], $0x80, s7, s6, $0xb8;
	[tilespmem:$0x1FC80] =	vst v63  }
0x2af: {  	_ =	swait.ge [sflag:s30], $0x4000  }
0x2b0: {  	[sflag:s30] =	ssyncset.done $0x0  }
0x2b1: {  	[sflag:s30] =	ssyncadd.s32 $0xFFFFC000  }
0x2b2: {  	_ =	swait.ge [sflag:s31], $0x4000  }
0x2b3: {  	[sflag:s31] =	ssyncset.done $0x0  }
0x2b4: {  	[sflag:s31] =	ssyncadd.s32 $0xFFFFC000  }
0x2b5: {  	_ =	swait.ge [sflag:s15], $0x4000  }
0x2b6: {  	[sflag:s15] =	ssyncset.done $0x0  }
0x2b7: {  	[sflag:s15] =	ssyncadd.s32 $0xFFFFC000  }
0x2b8: {  	_ =	swait.ge [sflag:s26], $0x80  }
.Ltmp4:
0x2b9: {  	[sflag:s26] =	ssyncset.done $0x0;
	(pc) =	sbr.rel @p0 .LBB2_7-.Ltmp4, $4  }
0x2ba: {  	[sflag:s26] =	ssyncadd.s32 $0xFFFFFF80  }
0x2bb: {  	_ =	swait.ge [sflag:s26], $0x80  }
0x2bc: {  	[sflag:s26] =	ssyncset.done $0x0  }
0x2bd: {  	[sflag:s26] =	ssyncadd.s32 $0xFFFFFF80  }
0x2be: {  	s3 =	sld [smem:$0x7F1];
	_ =	sdelay $0x2  }
0x2bf: {  	[tilespmem:s4], [sflag:$0xB] =	stream.linear.gather [hbm4b:s3+s4], $0x80, $0x38;
	[tilespmem:$0x1FC80] =	vst v63  }
0x2c0: {  	_ =	swait.ge [sflag:s0], $0x80  }
0x2c1: {  	s29 =	sld [smem:$0x7F2]  }
0x2c2: {  	[sflag:s0] =	ssyncset.done $0x0  }
0x2c3: {  	[sflag:s0] =	ssyncadd.s32 $0xFFFFFF80  }
0x2c4: {  	[tilespmem:s17], [sflag:$0xB] =	stream.linear.gather [hbm4b:s29+s4], $0x80, $0x38;
	[tilespmem:$0x1FC80] =	vst v63  }
0x2c5: {  	_ =	swait.ge [sflag:s0], $0x80  }
0x2c6: {  	[sflag:s0] =	ssyncset.done $0x0  }
0x2c7: {  	[sflag:s0] =	ssyncadd.s32 $0xFFFFFF80  }
0x2c8: {  	[tilespmem:s10], [sflag:$0xB] =	stream.indirect.gather [hbm4b:s1+s6], $0x80, s4, s6, $0xb8;
	[tilespmem:$0x1FC80] =	vst v63  }
0x2c9: {  	_ =	swait.ge [sflag:s0], $0x4000  }
0x2ca: {  	[sflag:s0] =	ssyncset.done $0x0  }
0x2cb: {  	[sflag:s0] =	ssyncadd.s32 $0xFFFFC000  }
0x2cc: {  	[spmem:s2] =	stream.indirect.scatter.add.f32 [tilespmem:s10], [sflag:$0xB], $0x80, s17, s6, $0xb8;
	[tilespmem:$0x1FC80] =	vst v63  }
.Ltmp5:
0x2cd: {  	_ =	swait.ge [sflag:s0], $0x4000;
	(pc) =	sbr.rel .LBB2_8-.Ltmp5, $3  }
0x2ce: {  	[sflag:s0] =	ssyncset.done $0x0  }
0x2cf: {  	[sflag:s0] =	ssyncadd.s32 $0xFFFFC000  }
0x2d0: {  	[bflag:$0x0] =	sbarrier.arrive $0xFFFF;
	_ =	sdelay $0x1  }
.LBB2_7:
.Ltmp6:
0x2d1: {  	(pc) =	sbr.rel @p1 .LBB2_9-.Ltmp6, $2  }
0x2d2: {  	_ =	sdelay $0x1  }
0x2d3: {  	[bflag:$0x0] =	sbarrier.arrive $0xFFFF;
	_ =	sdelay $0x1  }
.LBB2_8:
0x2d4: {  	s3 =	stileid.u32  }
0x2d5: {  	s5 =	sshrl.u32 s8, $0x3;
	s3 =	sshll.u32 s3, $0x6  }
.Ltmp7:
0x2d6: {  	s23 =	rddreg [dreg:$0x1c];
	s3 =	sor.u32 $0x1C0B, s3;
	(pc) =	sbr.rel .LBB2_10-.Ltmp7, $4  }
0x2d7: {  	[hbm:s23], [sflag:s3] =	dma.local [spmem:s5], $0x2780  }
0x2d8: {  	_ =	swait.ge [sflag:s0], $0x2780  }
0x2d9: {  	[sflag:s0] =	ssyncset.done $0x0  }
0x2da: {  	[sflag:s0] =	ssyncadd.s32 $0xFFFFD880  }
.LBB2_11:
0x2db: {  	_ =	sfence.sel $0x180000  }
0x2dc: {  	[bflag:$0x0] =	sbarrier.arrive $0xFFFF  }
0x2dd: {  	_ =	strace $0x9000004A  }
0x2de: {  	s0 =	stileid.u32;
	[bflag:$0x2] =	sbarrier.arrive $0xFFFF  }
0x2df: {  	p0 =	sne.s32 s0, $0x0;
	s0 =	rddreg [dreg:$0x3]  }
0x2e0: {  	s0 =	sadd.s32 @!p0 $0x100000, s0  }
0x2e1: {  	[sflag:s0] =	ssyncadd.tile.s32 @!p0 $0x1;
	_ =	shalt  }
.Lfunc_end2:
_tile_overlayer_lowered:
.L_overlay_start_2:
0x2e2: {  	(tag) =	ssettag $0x2  }
0x2e3: {  	s0 =	rddreg [dreg:$0x0];
	s2 =	stileid.u32  }
0x2e4: {  	s1 =	rddreg [dreg:$0x1];
	p0 =	sne.s32 s2, $0x0  }
0x2e5: {  	s3 =	rddreg [dreg:$0x2];
	[bflag:$0x3] =	sbarrier.arrive $0xFFFF;
	s2 =	simm.s32 @!p0 $0x1C0B  }
0x2e6: {  	[timem:s3], [sflag:s2] =	dma.local @!p0 [hbm:s0], s1  }
0x2e7: {  	s0 =	simm.s32 @!p0 $0xB  }
0x2e8: {  	_ =	swait.ge @!p0 [sflag:s0], s1  }
0x2e9: {  	s1 =	ssub.s32 @!p0 $0x0, s1;
	[sflag:s0] =	ssyncset.done @!p0 $0x0  }
0x2ea: {  	[sflag:s0] =	ssyncadd.s32 @!p0 s1  }
0x2eb: {  	[bflag:$0x3] =	sbarrier.arrive $0xFFFF  }
0x2ec: {  	_ =	shalt  }

// kernel: kernel.8.cloned.1.call-start
scs
__scs_entry_jumppad:
0x0: {  	(pc) =	sbr.rel $0x88, $3  }
0x1: {  	(tag) =	ssettag $0x0;
	lr =	simm.s32 $0x1  }
0x2: {  	[smem:$0x3F9B] =	sst lr;
	_ =	strace $0xD0000000  }
0x3: {  	_ = 	snop  }
0x4: {  	_ = 	snop  }
0x5: {  	_ = 	snop  }
0x6: {  	_ = 	snop  }
0x7: {  	_ = 	snop  }
__scs_overlays_trampoline_lowered:
0x8: {  	[smem:$0x3FAA] =	sst s0  }
0x9: {  	[smem:$0x3FAB] =	sst s1  }
0xa: {  	[smem:$0x3FAC] =	sst s2  }
0xb: {  	[smem:$0x3FAD] =	sst s3  }
0xc: {  	[smem:$0x3FAE] =	sst s4  }
0xd: {  	[smem:$0x3FAF] =	sst s5  }
0xe: {  	[smem:$0x3FB0] =	sst s6  }
0xf: {  	[smem:$0x3FB1] =	sst s7  }
0x10: {  	[smem:$0x3FB2] =	sst s8  }
0x11: {  	[smem:$0x3FB3] =	sst s9;
	s0 =	simm.s32 @!p0 $0x0  }
0x12: {  	s1 =	sld [smem:$0x3F99];
	s0 =	simm.s32 @p0 $0x1  }
0x13: {  	[smem:$0x3FB4] =	sst s0;
	s0 =	simm.s32 @!p1 $0x0  }
0x14: {  	s2 =	sld [smem:$0x3F98];
	s0 =	simm.s32 @p1 $0x1  }
0x15: {  	[smem:$0x3FB5] =	sst s0;
	s0 =	simm.s32 @!p2 $0x0  }
0x16: {  	s3 =	sld [smem:$0x3FDB];
	s0 =	simm.s32 @p2 $0x1  }
0x17: {  	s4 =	simm.s32 $0x1BF5;
	[smem:$0x3FB7] =	sst s0  }
0x18: {  	s0 =	sld [smem:$0x3F9A];
	_ =	swait.ge [sflag:s4], $0x0  }
0x19: {  	s7 =	sld [smem:$0x3F9B]  }
0x1a: {  	s8 =	sadd.s32 $0xFFFFE003, lr  }
0x1b: {  	s9 =	sadd.s32 $0xFFFFFEF7, lr;
	s5 =	simm.s32 $0xFFFFFFFF;
	p2 =	slt.u32 s8, $0xFFFFF086  }
0x1c: {  	p1 =	slt.u32 s9, $0xF7A;
	s5 =	simm.s32 @!p2 $0x0  }
0x1d: {  	s5 =	simm.s32 @p1 $0x1;
	p0 =	seq.s32 s7, s2  }
0x1e: {  	s7 =	smul.u32 @!p0 $0xF7A, s2;
	p2 =	seq.s32 @!p0 s5, $0x0  }
0x1f: {  	s9 =	smul.u32 $0xF7A, s1;
	s8 =	simm.s32 @!p0 $0x1BF5;
	p2 =	por !p2, p0  }
0x20: {  	[sflag:s8] =	ssyncset.s32 @!p0 $0xFFFFF086;
	s6 =	sadd.s32 @!p0 s3, s7;
	s7 =	simm.s32 @!p0 $0x108  }
0x21: {  	s3 =	sadd.s32 s3, s9;
	s6 =	sadd.s32 @!p0 $0x88, s6;
	s7 =	simm.s32 @p2 $0x1082  }
0x22: {  	[simem:s7], [sflag:s8] =	dma.local @!p0 [hbm:s6], $0xF7A  }
0x23: {  	s9 =	sor.u32 $0xD0000000, s2;
	s6 =	simm.s32 $0x108;
	_ =	swait.ge @!p0 [sflag:s8], $0x0  }
0x24: {  	s3 =	sadd.s32 $0x88, s3;
	s6 =	simm.s32 @!p1 $0x1082;
	[sflag:s4] =	ssyncset.s32 $0xFFFFF086  }
0x25: {  	[simem:s6], [sflag:s4] =	dma.local [hbm:s3], $0xF7A  }
0x26: {  	[smem:$0x3F9B] =	sst s1;
	(tag) =	ssettag s2;
	_ =	strace s9  }
0x27: {  	s1 =	sld [smem:$0x3FAB]  }
0x28: {  	s2 =	sld [smem:$0x3FAC]  }
0x29: {  	s4 =	sld [smem:$0x3FAE]  }
0x2a: {  	p0 =	seq.s32 s5, $0x0;
	s5 =	sld [smem:$0x3FAF]  }
0x2b: {  	s6 =	sld [smem:$0x3FB0]  }
0x2c: {  	s7 =	sld [smem:$0x3FB1]  }
0x2d: {  	s3 =	simm.s32 $0x108;
	s8 =	sld [smem:$0x3FB2]  }
0x2e: {  	s3 =	simm.s32 @!p0 $0x1082;
	s9 =	sld [smem:$0x3FB3]  }
0x2f: {  	lr =	sadd.s32 s0, s3;
	s0 =	sld [smem:$0x3FAA]  }
0x30: {  	s3 =	sld [smem:$0x3FAD]  }
0x31: {  	[smem:$0x3FB6] =	sst s10  }
0x32: {  	s10 =	sld [smem:$0x3FB4];
	_ =	sdelay $0x3  }
0x33: {  	p0 =	seq.s32 s10, $0x1;
	s10 =	sld [smem:$0x3FB6];
	_ =	sdelay $0x3  }
0x34: {  	[smem:$0x3FB6] =	sst s10  }
0x35: {  	s10 =	sld [smem:$0x3FB5];
	_ =	sdelay $0x3  }
0x36: {  	p1 =	seq.s32 s10, $0x1;
	s10 =	sld [smem:$0x3FB6];
	_ =	sdelay $0x3  }
0x37: {  	[smem:$0x3FB6] =	sst s10  }
0x38: {  	s10 =	sld [smem:$0x3FB7]  }
0x39: {  	_ = 	snop;
	(pc) =	sbr.ind lr, $3  }
0x3a: {  	_ = 	snop  }
0x3b: {  	_ = 	snop  }
0x3c: {  	p2 =	seq.s32 s10, $0x1;
	s10 =	sld [smem:$0x3FB6]  }
0x3d: {  	_ =	shalt  }
0x3e: {  	_ =	shalt  }
0x3f: {  	_ =	shalt  }
0x40: {  	_ =	shalt  }
0x41: {  	_ =	shalt  }
0x42: {  	_ =	shalt  }
0x43: {  	_ =	shalt  }
0x44: {  	_ =	shalt  }
0x45: {  	_ =	shalt  }
0x46: {  	_ =	shalt  }
0x47: {  	_ =	shalt  }
0x48: {  	_ =	shalt  }
0x49: {  	_ =	shalt  }
0x4a: {  	_ =	shalt  }
0x4b: {  	_ =	shalt  }
0x4c: {  	_ =	shalt  }
0x4d: {  	_ =	shalt  }
0x4e: {  	_ =	shalt  }
0x4f: {  	_ =	shalt  }
0x50: {  	_ =	shalt  }
0x51: {  	_ =	shalt  }
0x52: {  	_ =	shalt  }
0x53: {  	_ =	shalt  }
0x54: {  	_ =	shalt  }
0x55: {  	_ =	shalt  }
0x56: {  	_ =	shalt  }
0x57: {  	_ =	shalt  }
0x58: {  	_ =	shalt  }
0x59: {  	_ =	shalt  }
0x5a: {  	_ =	shalt  }
0x5b: {  	_ =	shalt  }
0x5c: {  	_ =	shalt  }
0x5d: {  	_ =	shalt  }
0x5e: {  	_ =	shalt  }
0x5f: {  	_ =	shalt  }
0x60: {  	_ =	shalt  }
0x61: {  	_ =	shalt  }
0x62: {  	_ =	shalt  }
0x63: {  	_ =	shalt  }
0x64: {  	_ =	shalt  }
0x65: {  	_ =	shalt  }
0x66: {  	_ =	shalt  }
0x67: {  	_ =	shalt  }
0x68: {  	_ =	shalt  }
0x69: {  	_ =	shalt  }
0x6a: {  	_ =	shalt  }
0x6b: {  	_ =	shalt  }
0x6c: {  	_ =	shalt  }
0x6d: {  	_ =	shalt  }
0x6e: {  	_ =	shalt  }
0x6f: {  	_ =	shalt  }
0x70: {  	_ =	shalt  }
0x71: {  	_ =	shalt  }
0x72: {  	_ =	shalt  }
0x73: {  	_ =	shalt  }
0x74: {  	_ =	shalt  }
0x75: {  	_ =	shalt  }
0x76: {  	_ =	shalt  }
0x77: {  	_ =	shalt  }
0x78: {  	_ =	shalt  }
0x79: {  	_ =	shalt  }
0x7a: {  	_ =	shalt  }
0x7b: {  	_ =	shalt  }
0x7c: {  	_ =	shalt  }
0x7d: {  	_ =	shalt  }
0x7e: {  	_ =	shalt  }
0x7f: {  	_ =	shalt  }
0x80: {  	_ =	shalt  }
0x81: {  	_ =	shalt  }
0x82: {  	_ =	shalt  }
0x83: {  	_ =	shalt  }
0x84: {  	_ =	shalt  }
0x85: {  	_ =	shalt  }
0x86: {  	_ =	shalt  }
0x87: {  	_ =	shalt  }
.Lfunc_end0:
.L_simem_size_0:
called_computation_lowered:
.L_overlay_start_0:
0x88: {  	s2 =	sld [smem:$0x3FD9]  }
0x89: {  	s3 =	sld [smem:$0x3FFE];
	_ =	sdelay $0x1  }
0x8a: {  	s1 =	srdreg.scid  }
0x8b: {  	s0 =	sand.u32 $0x1, s1  }
0x8c: {  	s17 =	sshll.u32 s0, $0xA;
	s2 =	sadd.s32 s3, s2  }
0x8d: {  	s2 =	sadd.s32 s2, s17  }
0x8e: {  	[smem:$0x3FC2] =	sst s2  }
0x8f: {  	_ = 	snop  }
0x90: {  	s2 =	sld [smem:$0x3FC9];
	(tm) =	ssettm $0x1  }
0x91: {  	s18 =	sld [smem:$0x3FFB];
	_ =	sdelay $0x3  }
0x92: {  	_ =	strace s18  }
0x93: {  	s3 =	sld [smem:$0x3FFC];
	_ =	sdelay $0x3  }
0x94: {  	_ =	strace s3  }
0x95: {  	s3 =	sld [smem:$0x3FFD];
	_ =	sdelay $0x3  }
0x96: {  	_ =	strace s3  }
0x97: {  	_ =	strace $0x8FFFFFFF  }
0x98: {  	s19 =	sld [smem:$0x3FDB];
	_ =	sdelay $0x1  }
0x99: {  	s4 =	simm.s32 $_scs_section_size  }
0x9a: {  	s5 =	simm.s32 $_size__tile_overlayer_lowered;
	s6 =	simm.s32 $_tile_overlayer_lowered  }
0x9b: {  	s22 =	simm.s32 $0x1BFF;
	s21 =	sshll.u32 s6, $0x1;
	s3 =	sadd.s32 s4, s19  }
0x9c: {  	s7 =	simm.s32 $0x0;
	s20 =	sshll.u32 s5, $0x1;
	s5 =	sadd.s32 s21, s3  }
0x9d: {  	[timem:s7], [sflag:s22] =	dma.local [hbm:s5], s20  }
0x9e: {  	_ =	swait.ge [sflag:s22], s20  }
0x9f: {  	s4 =	ssub.s32 $0x0, s20;
	[sflag:s22] =	ssyncset.done $0x0  }
0xa0: {  	[sflag:s22] =	ssyncadd.s32 s4;
	_ =	sdelay $0x1  }
0xa1: {  	s23 =	simm.s32 $0x1B8B  }
0xa2: {  	_ =	swait.ge [sflag:s23], $0x1  }
0xa3: {  	[sflag:s23] =	ssyncset.done $0x0  }
0xa4: {  	s25 =	simm.s32 $0x1B8E;
	s24 =	sld [smem:$0x3FFE];
	[sflag:s23] =	ssyncadd.s32 $0xFFFFFFFF  }
0xa5: {  	s26 =	simm.s32 $execute0_lowered;
	[smem:$0x3FD2] =	sst s25  }
0xa6: {  	s5 =	sshll.u32 s26, $0x1;
	_ =	strace $0x80000046;
	[dreg:$0x1] =	wrdreg $0xFFFFFFFF  }
0xa7: {  	s28 =	simm.s32 $_size_execute0_lowered;
	s3 =	sadd.s32 s3, s5;
	[dreg:$0x0] =	wrdreg $0x0  }
0xa8: {  	s5 =	sshll.u32 s28, $0x1;
	[dreg:$0x2] =	wrdreg s3  }
0xa9: {  	[dreg:$0x3] =	wrdreg s5  }
0xaa: {  	[dreg:$0x4] =	wrdreg $0xC0  }
0xab: {  	_ =	task [dreg:s7], $0x5FFFF  }
0xac: {  	[dreg:$0x1] =	wrdreg $0xFFFFFFFF  }
0xad: {  	[dreg:$0x0] =	wrdreg $0x60  }
0xae: {  	[dreg:$0x2] =	wrdreg s2  }
0xaf: {  	[dreg:$0x3] =	wrdreg s24  }
0xb0: {  	[dreg:$0x4] =	wrdreg $0xC4000  }
0xb1: {  	[dreg:$0x5] =	wrdreg $0x9  }
0xb2: {  	_ =	task.clear_ibuf [dreg:s7], $0x6FFFF;
	_ =	strace $0x90000046  }
0xb3: {  	s29 =	simm.s32 $0x9;
	_ =	strace $0x80000048  }
0xb4: {  	_ =	swait.ge [sflag:s29], $0x1  }
0xb5: {  	[sflag:s29] =	ssyncadd.s32 $0xFFFFFFFF  }
0xb6: {  	_ =	strace $0x90000048  }
0xb7: {  	_ =	sfence  }
0xb8: {  	s30 =	sld [smem:$0x0];
	_ =	sdelay $0x2  }
0xb9: {  	s31 =	sshll.u32 s1, $0xD;
	s1 =	sshrl.u32 s1, $0x2  }
0xba: {  	s3 =	sand.u32 $0x4000, s31;
	s1 =	sadd.s32 s1, s30  }
0xbb: {  	s0 =	sor.u32 s3, s0;
	s1 =	sshll.u32 s1, $0x11  }
0xbc: {  	s0 =	sor.u32 s1, s0  }
0xbd: {  	s0 =	sadd.s32 $0x8F2B, s0  }
0xbe: {  	[sflag:s0] =	ssyncadd.remote.s32 $0x1  }
0xbf: {  	_ =	sfence.sel $0xFFFF  }
0xc0: {  	[dreg:$0x0] =	wrdreg $0xFFFFFFFF;
	(pc) =	sbr.abs _section_cstart, $3  }
0xc1: {  	[dreg:$0x1] =	wrdreg $0xFFFFFFFF  }
0xc2: {  	_ =	task.clear_ibuf [dreg:s7], $0x2FFFF;
	_ =	strace $0x9FFFFFFF  }
0xc3: {  	(tm) =	ssettm $0x7FFFFFFF  }
tec
execute0_lowered:
.L_overlay_start_1:
0x0: {  	(tag) =	ssettag $0x1  }
0x1: {  	s1 =	rddreg [dreg:$0x0]  }
0x2: {  	s6 =	rddreg [dreg:$0x1]  }
0x3: {  	s2 =	rddreg [dreg:$0x2];
	s0 =	srdreg.scid  }
0x4: {  	s4 =	simm.s32 $0x0;
	s16 =	stileid.u32;
	s7 =	sand.u32 $0x1, s0  }
0x5: {  	[smem:$0x7FF] =	sst s4;
	s9 =	sadd.s32 $0x2000, s6;
	s12 =	smul.u32 $0x4F000, s16  }
0x6: {  	s10 =	sadd.s32 $0x15A00, s6;
	s6 =	sadd.s32 $0x2010, s6;
	s21 =	smul.u32 $0x4E0, s16  }
0x7: {  	s14 =	sadd.s32 $0x138400, s2;
	s0 =	sshll.u32 s7, $0x4;
	s20 =	smul.u32 $0x4E00, s7  }
0x8: {  	_ =	strace $0x80000047;
	s5 =	ssub.s32 $0x2, s7;
	s0 =	sor.u32 s16, s0  }
0x9: {  	[dreg:$0x16] =	wrdreg s14;
	s3 =	smul.u32 $0x2700, s0;
	s23 =	sadd.s32 s20, s9  }
0xa: {  	s8 =	sshrl.u32 s5, $0x1;
	s26 =	sshrl.u32 s12, $0x2;
	s12 =	sadd.s32 s21, s23  }
0xb: {  	s11 =	sshrl.u32 s3, $0x3;
	s3 =	ssub.s32 s5, s8;
	s8 =	sadd.s32 s26, s2  }
0xc: {  	[dreg:$0x4] =	wrdreg s12;
	s5 =	sadd.s32 s9, s11;
	s11 =	sadd.s32 s11, s6  }
0xd: {  	s17 =	sadd.s32 $0x10000, s8;
	[dreg:$0x13] =	wrdreg s11  }
0xe: {  	[dreg:$0x15] =	wrdreg s17  }
0xf: {  	s25 =	sadd.s32 $0x9C40, s5;
	[dreg:$0x11] =	wrdreg s5  }
0x10: {  	s15 =	sadd.s32 $0x9C50, s5;
	[dreg:$0x12] =	wrdreg s25  }
0x11: {  	s18 =	smul.u32 $0x4E, s16;
	s19 =	sadd.s32 $0x20, s5;
	[dreg:$0x14] =	wrdreg s15  }
0x12: {  	s29 =	smul.u32 $0x4E0, s7;
	s22 =	sadd.s32 $0x9C70, s5;
	[dreg:$0x17] =	wrdreg s19  }
0x13: {  	s26 =	sshll.u32 s16, $0x4;
	s24 =	sadd.s32 $0x4C0, s5;
	[dreg:$0x19] =	wrdreg s22  }
0x14: {  	s11 =	sadd.s32 s18, s29;
	s20 =	sadd.s32 $0xA100, s5;
	[dreg:$0x1a] =	wrdreg s24  }
0x15: {  	s12 =	sadd.s32 $0xA120, s5;
	s15 =	sadd.s32 $0x9C60, s5;
	[dreg:$0x1b] =	wrdreg s20  }
0x16: {  	s11 =	sshll.u32 s11, $0x4;
	[smem:$0x7EF] =	sst s12;
	s20 =	sadd.s32 $0x128400, s2  }
0x17: {  	[dreg:$0x18] =	wrdreg s15;
	s6 =	sadd.s32 s6, s11;
	s11 =	sadd.s32 s9, s11  }
0x18: {  	s9 =	sadd.s32 s26, s9;
	s26 =	sadd.s32 $0xA110, s5;
	[smem:$0x7F6] =	sst s20  }
0x19: {  	s25 =	sadd.s32 $0xE0, s6;
	[dreg:$0x1e] =	wrdreg s26  }
0x1a: {  	s29 =	sadd.s32 $0xE0, s11;
	[dreg:$0x5] =	wrdreg s25  }
0x1b: {  	s14 =	sadd.s32 $0xC0, s6;
	[dreg:$0x6] =	wrdreg s29  }
0x1c: {  	s17 =	sadd.s32 $0xC0, s11;
	[dreg:$0x7] =	wrdreg s14  }
0x1d: {  	s18 =	sadd.s32 $0xA0, s6;
	[dreg:$0x8] =	wrdreg s17  }
0x1e: {  	s28 =	simm.s32 $0x7;
	s19 =	sadd.s32 $0xA0, s11;
	[dreg:$0x9] =	wrdreg s18  }
0x1f: {  	s30 =	simm.s32 $0x9;
	s21 =	sadd.s32 $0x80, s6;
	[dreg:$0xa] =	wrdreg s19  }
0x20: {  	s31 =	simm.s32 $0xA;
	s22 =	sadd.s32 $0x80, s11;
	[dreg:$0xb] =	wrdreg s21  }
0x21: {  	s13 =	smul.u32 $0x2780, s16;
	s23 =	sadd.s32 $0x60, s6;
	[dreg:$0xc] =	wrdreg s22  }
0x22: {  	p1 =	seq.s32 s16, $0xF;
	s24 =	sadd.s32 $0x60, s11;
	[dreg:$0xd] =	wrdreg s23  }
0x23: {  	p0 =	sgt.u32 s0, $0x3;
	s6 =	sadd.s32 $0x40, s6;
	[dreg:$0xe] =	wrdreg s24  }
0x24: {  	s0 =	simm.s32 $0xB;
	s26 =	sadd.s32 $0x130400, s2;
	[dreg:$0xf] =	wrdreg s6  }
0x25: {  	s15 =	smul.u32 $0x27100, s7;
	s25 =	sadd.s32 $0x4D0, s5;
	[smem:$0x7FC] =	sst s26  }
0x26: {  	s29 =	sadd.s32 $0x40, s11;
	s11 =	sadd.s32 $0x4E0, s5;
	[dreg:$0x1d] =	wrdreg s25  }
0x27: {  	s16 =	simm.s32 $0x3;
	s14 =	sadd.s32 $0x9C00, s9;
	[dreg:$0x1f] =	wrdreg s11  }
0x28: {  	s13 =	sadd.s32 s13, s15;
	s15 =	sadd.s32 $0x13840, s9;
	[smem:$0x7F1] =	sst s14  }
0x29: {  	s12 =	simm.s32 $0x4400;
	s17 =	smax.u32 s3, $0x1;
	[smem:$0x7F2] =	sst s15  }
0x2a: {  	s7 =	smul.u32 $0x138800, s7;
	s18 =	sadd.s32 $0x4F0, s5;
	[smem:$0x7F3] =	sst s17  }
0x2b: {  	s20 =	simm.s32 $0x380;
	s19 =	sadd.s32 $0xA130, s5;
	[smem:$0x7F4] =	sst s18  }
0x2c: {  	s7 =	sshrl.u32 s7, $0x3;
	s21 =	sadd.s32 $0x4000, s8;
	[smem:$0x7F5] =	sst s19  }
0x2d: {  	s22 =	sadd.s32 $0x8000, s8;
	s23 =	sadd.s32 $0xC000, s8;
	[smem:$0x7F7] =	sst s21  }
0x2e: {  	s24 =	sadd.s32 $0x30, s5;
	s6 =	simm.s32 $0x80;
	[smem:$0x7F8] =	sst s22  }
0x2f: {  	s9 =	simm.s32 $0x1;
	s26 =	simm.s32 $0x4;
	[smem:$0x7F9] =	sst s23  }
0x30: {  	s7 =	sadd.s32 s10, s7;
	s10 =	sadd.s32 s10, s13;
	[smem:$0x7FA] =	sst s24  }
0x31: {  	[dreg:$0x10] =	wrdreg s29;
	s25 =	sadd.s32 $0x12C400, s2;
	s29 =	sadd.s32 $0x134400, s2  }
0x32: {  	s17 =	simm.s32 $0x200;
	s11 =	simm.s32 $0x2;
	s14 =	simm.s32 $0x300  }
.Ltmp0:
0x33: {  	s15 =	simm.s32 $0x5;
	s18 =	simm.s32 $0x8400;
	(pc) =	sbr.rel .LBB2_1-.Ltmp0, $4  }
0x34: {  	s19 =	simm.s32 $0x180;
	s21 =	simm.s32 $0x6;
	[dreg:$0x1c] =	wrdreg s10  }
0x35: {  	s22 =	simm.s32 $0x0;
	s13 =	sadd.s32 $0x25080, s7;
	[smem:$0x7FB] =	sst s25  }
0x36: {  	[smem:$0x7FD] =	sst s29;
	s7 =	simm.s32 $0x280;
	s10 =	simm.s32 $0x400  }
0x37: {  	v0 =	vimm.f32 $0.0e+00;
	s25 =	simm.s32 $0x8;
	[smem:$0x7F0] =	sst s13;
	s13 =	simm.s32 $0x100  }
.LBB2_9:
0x38: {  	s3 =	sld [smem:$0x7F6]  }
0x39: {  	s5 =	sld [smem:$0x7F0];
	_ =	sdelay $0x1  }
0x3a: {  	s23 =	simm.s32 $0x1FCB;
	s3 =	sshrl.u32 s3, $0x3  }
0x3b: {  	[hbm:s5], [sflag:s23] =	dma.local [spmem:s3], $0x2080  }
0x3c: {  	_ =	swait.ge [sflag:s0], $0x2080  }
0x3d: {  	[sflag:s0] =	ssyncset.done $0x0  }
0x3e: {  	[sflag:s0] =	ssyncadd.s32 $0xFFFFDF80  }
.LBB2_10:
0x3f: {  	s3 =	sld [smem:$0x7F3];
	_ =	sdelay $0x1  }
0x40: {  	s22 =	sadd.s32 $0x1, s22  }
0x41: {  	p2 =	sne.s32 s22, s3  }
.Ltmp1:
0x42: {  	_ = 	snop;
	(pc) =	sbr.rel @!p2 .LBB2_11-.Ltmp1, $1  }
0x43: {  	_ =	sdelay $0x3  }
.LBB2_1:
0x44: {  	s3 =	rddreg [dreg:$0x11]  }
0x45: {  	[tilespmem:s4], [sflag:$0x1] =	stream.linear.gather [hbm4b:s3+s4], $0x80, $0x38;
	[tilespmem:$0x1FC80] =	vst v63  }
0x46: {  	s23 =	rddreg [dreg:$0x12]  }
0x47: {  	[tilespmem:s17], [sflag:$0x1] =	stream.linear.gather [hbm4b:s23+s4], $0x80, $0x38;
	[tilespmem:$0x1FC80] =	vst v63  }
0x48: {  	s24 =	rddreg [dreg:$0x13]  }
0x49: {  	[tilespmem:s6], [sflag:$0x2] =	stream.linear.gather [hbm4b:s24+s4], $0x80, $0x38;
	[tilespmem:$0x1FC80] =	vst v63  }
0x4a: {  	s29 =	rddreg [dreg:$0x14];
	s3 =	simm.s32 $0x0;
	s23 =	simm.s32 $0x200  }
0x4b: {  	[tilespmem:s7], [sflag:$0x2] =	stream.linear.gather [hbm4b:s29+s4], $0x80, $0x38;
	[tilespmem:$0x1FC80] =	vst v63  }
.LBB2_2:
0x4c: {  	p2 =	sne.s32 s23, $0xFE00;
	[tilespmem:s3+$0x470] =	vst v0  }
0x4d: {  	[tilespmem:s3+$0x400] =	vst v0  }
0x4e: {  	[tilespmem:s3+$0x410] =	vst v0  }
.Ltmp2:
0x4f: {  	[tilespmem:s3+$0x420] =	vst v0;
	(pc) =	sbr.rel @p2 .LBB2_2-.Ltmp2, $4  }
0x50: {  	[tilespmem:s3+$0x430] =	vst v0  }
0x51: {  	[tilespmem:s3+$0x440] =	vst v0  }
0x52: {  	[tilespmem:s3+$0x450] =	vst v0  }
0x53: {  	[tilespmem:s3+$0x460] =	vst v0;
	s3 =	sshra.s32 s23, $0x2;
	s23 =	sadd.s32 $0x200, s23  }
0x54: {  	[tilespmem:s3+$0x470] =	vst v0  }
0x55: {  	[tilespmem:s3+$0x400] =	vst v0  }
0x56: {  	[tilespmem:s3+$0x410] =	vst v0  }
0x57: {  	[tilespmem:s3+$0x420] =	vst v0  }
0x58: {  	[tilespmem:s3+$0x430] =	vst v0  }
0x59: {  	[tilespmem:s3+$0x440] =	vst v0;
	s5 =	sld [smem:$0x7F6]  }
0x5a: {  	[tilespmem:s3+$0x450] =	vst v0  }
0x5b: {  	[tilespmem:s3+$0x460] =	vst v0;
	s3 =	simm.s32 @p1 $0x400  }
0x5c: {  	[spmem:s5] =	stream.linear.scatter @p1 [tilespmem:s3], [sflag:$0xA], $0x4000, $0x38;
	[tilespmem:$0x1FC80] =	vst v63  }
0x5d: {  	s5 =	sld [smem:$0x7FB];
	_ =	sdelay $0x2  }
0x5e: {  	[spmem:s5] =	stream.linear.scatter @p1 [tilespmem:s3], [sflag:$0xA], $0x4000, $0x38;
	[tilespmem:$0x1FC80] =	vst v63  }
0x5f: {  	s5 =	sld [smem:$0x7FC];
	_ =	sdelay $0x2  }
0x60: {  	[spmem:s5] =	stream.linear.scatter @p1 [tilespmem:s3], [sflag:$0xA], $0x4000, $0x38;
	[tilespmem:$0x1FC80] =	vst v63  }
0x61: {  	s5 =	sld [smem:$0x7FD];
	_ =	sdelay $0x2  }
0x62: {  	[spmem:s5] =	stream.linear.scatter @p1 [tilespmem:s3], [sflag:$0xA], $0x4000, $0x38;
	[tilespmem:$0x1FC80] =	vst v63  }
0x63: {  	s5 =	rddreg [dreg:$0x16]  }
0x64: {  	[spmem:s5] =	stream.linear.scatter @p1 [tilespmem:s3], [sflag:$0x9], $0x400, $0x38;
	[tilespmem:$0x1FC80] =	vst v63  }
0x65: {  	s3 =	simm.s32 @p1 $0xA  }
0x66: {  	_ =	swait.ge @p1 [sflag:s3], $0x4000  }
0x67: {  	[sflag:s3] =	ssyncset.done @p1 $0x0  }
0x68: {  	[sflag:s3] =	ssyncadd.s32 @p1 $0xFFFFC000  }
0x69: {  	_ =	swait.ge @p1 [sflag:s3], $0x4000  }
0x6a: {  	[sflag:s3] =	ssyncset.done @p1 $0x0  }
0x6b: {  	[sflag:s3] =	ssyncadd.s32 @p1 $0xFFFFC000  }
0x6c: {  	_ =	swait.ge @p1 [sflag:s3], $0x4000  }
0x6d: {  	[sflag:s3] =	ssyncset.done @p1 $0x0  }
0x6e: {  	[sflag:s3] =	ssyncadd.s32 @p1 $0xFFFFC000  }
0x6f: {  	_ =	swait.ge @p1 [sflag:s3], $0x4000  }
0x70: {  	[sflag:s3] =	ssyncset.done @p1 $0x0  }
0x71: {  	[sflag:s3] =	ssyncadd.s32 @p1 $0xFFFFC000;
	s3 =	simm.s32 @p1 $0x9  }
0x72: {  	_ =	swait.ge @p1 [sflag:s3], $0x400  }
0x73: {  	[sflag:s3] =	ssyncset.done @p1 $0x0  }
0x74: {  	s5 =	sld [smem:$0x7F7];
	[sflag:s3] =	ssyncadd.s32 @p1 $0xFFFFFC00;
	s3 =	simm.s32 @!p1 $0x400  }
0x75: {  	[spmem:s8] =	stream.linear.scatter @!p1 [tilespmem:s3], [sflag:$0xA], $0x4000, $0x38;
	[tilespmem:$0x1FC80] =	vst v63  }
0x76: {  	_ = 	snop  }
0x77: {  	[spmem:s5] =	stream.linear.scatter @!p1 [tilespmem:s3], [sflag:$0xA], $0x4000, $0x38;
	[tilespmem:$0x1FC80] =	vst v63  }
0x78: {  	s5 =	sld [smem:$0x7F8];
	_ =	sdelay $0x2  }
0x79: {  	[spmem:s5] =	stream.linear.scatter @!p1 [tilespmem:s3], [sflag:$0xA], $0x4000, $0x38;
	[tilespmem:$0x1FC80] =	vst v63  }
0x7a: {  	s5 =	sld [smem:$0x7F9];
	_ =	sdelay $0x2  }
0x7b: {  	[spmem:s5] =	stream.linear.scatter @!p1 [tilespmem:s3], [sflag:$0xA], $0x4000, $0x38;
	[tilespmem:$0x1FC80] =	vst v63  }
0x7c: {  	s5 =	rddreg [dreg:$0x15]  }
0x7d: {  	[spmem:s5] =	stream.linear.scatter @!p1 [tilespmem:s3], [sflag:$0x9], $0x3C00, $0x38;
	[tilespmem:$0x1FC80] =	vst v63  }
0x7e: {  	s3 =	simm.s32 @!p1 $0xA  }
0x7f: {  	_ =	swait.ge @!p1 [sflag:s3], $0x4000  }
0x80: {  	[sflag:s3] =	ssyncset.done @!p1 $0x0  }
0x81: {  	[sflag:s3] =	ssyncadd.s32 @!p1 $0xFFFFC000  }
0x82: {  	_ =	swait.ge @!p1 [sflag:s3], $0x4000  }
0x83: {  	[sflag:s3] =	ssyncset.done @!p1 $0x0  }
0x84: {  	[sflag:s3] =	ssyncadd.s32 @!p1 $0xFFFFC000  }
0x85: {  	_ =	swait.ge @!p1 [sflag:s3], $0x4000  }
0x86: {  	[sflag:s3] =	ssyncset.done @!p1 $0x0  }
0x87: {  	[sflag:s3] =	ssyncadd.s32 @!p1 $0xFFFFC000  }
0x88: {  	_ =	swait.ge @!p1 [sflag:s3], $0x4000  }
0x89: {  	[sflag:s3] =	ssyncset.done @!p1 $0x0  }
0x8a: {  	[sflag:s3] =	ssyncadd.s32 @!p1 $0xFFFFC000;
	s3 =	simm.s32 @!p1 $0x9  }
0x8b: {  	_ =	swait.ge @!p1 [sflag:s3], $0x3C00  }
0x8c: {  	[sflag:s3] =	ssyncset.done @!p1 $0x0  }
0x8d: {  	[sflag:s3] =	ssyncadd.s32 @!p1 $0xFFFFC400  }
0x8e: {  	_ =	swait.ge [sflag:s9], $0x80  }
0x8f: {  	[sflag:s9] =	ssyncset.done $0x0  }
0x90: {  	[sflag:s9] =	ssyncadd.s32 $0xFFFFFF80  }
0x91: {  	_ =	swait.ge [sflag:s9], $0x80  }
0x92: {  	[sflag:s9] =	ssyncset.done $0x0  }
0x93: {  	s3 =	simm.s32 $0x0;
	[sflag:s9] =	ssyncadd.s32 $0xFFFFFF80  }
0x94: {  	[tilespmem:s10], [sflag:$0x5] =	stream.indirect.gather [hbm4b:s1+s6], $0x80, s3, s6, $0xb8;
	[tilespmem:$0x1FC80] =	vst v63  }
0x95: {  	[bflag:$0x0] =	sbarrier.arrive $0xFFFF  }
0x96: {  	_ =	swait.ge [sflag:s11], $0x80  }
0x97: {  	[sflag:s11] =	ssyncset.done $0x0  }
0x98: {  	[sflag:s11] =	ssyncadd.s32 $0xFFFFFF80  }
0x99: {  	_ =	swait.ge [sflag:s11], $0x80  }
0x9a: {  	[sflag:s11] =	ssyncset.done $0x0  }
0x9b: {  	[sflag:s11] =	ssyncadd.s32 $0xFFFFFF80  }
0x9c: {  	[tilespmem:s12], [sflag:$0x6] =	stream.indirect.gather [hbm4b:s1+s6], $0x80, s6, s6, $0xb8;
	[tilespmem:$0x1FC80] =	vst v63  }
0x9d: {  	s24 =	rddreg [dreg:$0x17]  }
0x9e: {  	[tilespmem:s13], [sflag:$0x3] =	stream.linear.gather [hbm4b:s24+s3], $0x80, $0x38;
	[tilespmem:$0x1FC80] =	vst v63  }
0x9f: {  	s29 =	rddreg [dreg:$0x18]  }
0xa0: {  	[tilespmem:s14], [sflag:$0x3] =	stream.linear.gather [hbm4b:s29+s3], $0x80, $0x38;
	[tilespmem:$0x1FC80] =	vst v63  }
0xa1: {  	_ =	swait.ge [sflag:s15], $0x4000  }
0xa2: {  	[sflag:s15] =	ssyncset.done $0x0  }
0xa3: {  	[sflag:s15] =	ssyncadd.s32 $0xFFFFC000  }
0xa4: {  	[spmem:s2] =	stream.indirect.scatter.add.f32 [tilespmem:s10], [sflag:$0x8], $0x80, s17, s6, $0xb8;
	[tilespmem:$0x1FC80] =	vst v63  }
0xa5: {  	_ =	swait.ge [sflag:s16], $0x80  }
0xa6: {  	[sflag:s16] =	ssyncset.done $0x0  }
0xa7: {  	[sflag:s16] =	ssyncadd.s32 $0xFFFFFF80  }
0xa8: {  	_ =	swait.ge [sflag:s16], $0x80  }
0xa9: {  	[sflag:s16] =	ssyncset.done $0x0  }
0xaa: {  	s23 =	sld [smem:$0x7FA];
	[sflag:s16] =	ssyncadd.s32 $0xFFFFFF80  }
0xab: {  	[tilespmem:s18], [sflag:$0x7] =	stream.indirect.gather [hbm4b:s1+s6], $0x80, s13, s6, $0xb8;
	[tilespmem:$0x1FC80] =	vst v63  }
0xac: {  	_ = 	snop  }
0xad: {  	[tilespmem:s19], [sflag:$0x4] =	stream.linear.gather [hbm4b:s23+s3], $0x80, $0x38;
	[tilespmem:$0x1FC80] =	vst v63  }
0xae: {  	s24 =	rddreg [dreg:$0x19]  }
0xaf: {  	[tilespmem:s20], [sflag:$0x4] =	stream.linear.gather [hbm4b:s24+s3], $0x80, $0x38;
	[tilespmem:$0x1FC80] =	vst v63  }
0xb0: {  	_ =	swait.ge [sflag:s21], $0x4000  }
0xb1: {  	[sflag:s21] =	ssyncset.done $0x0  }
0xb2: {  	[sflag:s21] =	ssyncadd.s32 $0xFFFFC000  }
0xb3: {  	[spmem:s2] =	stream.indirect.scatter.add.f32 [tilespmem:s12], [sflag:$0x9], $0x80, s7, s6, $0xb8;
	[tilespmem:$0x1FC80] =	vst v63  }
0xb4: {  	_ =	swait.ge [sflag:s25], $0x4000  }
0xb5: {  	[sflag:s25] =	ssyncset.done $0x0  }
0xb6: {  	[sflag:s25] =	ssyncadd.s32 $0xFFFFC000  }
0xb7: {  	_ =	swait.ge [sflag:s26], $0x80  }
0xb8: {  	[sflag:s26] =	ssyncset.done $0x0  }
0xb9: {  	[sflag:s26] =	ssyncadd.s32 $0xFFFFFF80  }
0xba: {  	_ =	swait.ge [sflag:s26], $0x80  }
0xbb: {  	[sflag:s26] =	ssyncset.done $0x0  }
0xbc: {  	s29 =	rddreg [dreg:$0x10];
	[sflag:s26] =	ssyncadd.s32 $0xFFFFFF80  }
0xbd: {  	[tilespmem:s10], [sflag:$0x5] =	stream.indirect.gather [hbm4b:s1+s6], $0x80, s19, s6, $0xb8;
	[tilespmem:$0x1FC80] =	vst v63  }
0xbe: {  	s23 =	rddreg [dreg:$0x4];
	s3 =	sadd.s32 $0x0, s29  }
0xbf: {  	[tilespmem:s4], [sflag:$0x1] =	stream.linear.gather [hbm4b:s3+s4], $0x80, $0x38;
	[tilespmem:$0x1FC80] =	vst v63  }
0xc0: {  	s3 =	sadd.s32 $0x0, s23  }
0xc1: {  	s23 =	sadd.s32 $0x9C80, s3  }
0xc2: {  	[tilespmem:s17], [sflag:$0x1] =	stream.linear.gather [hbm4b:s23+s4], $0x80, $0x38;
	[tilespmem:$0x1FC80] =	vst v63  }
0xc3: {  	_ =	swait.ge [sflag:s28], $0x4000  }
0xc4: {  	[sflag:s28] =	ssyncset.done $0x0  }
0xc5: {  	[sflag:s28] =	ssyncadd.s32 $0xFFFFC000  }
0xc6: {  	[spmem:s2] =	stream.indirect.scatter.add.f32 [tilespmem:s18], [sflag:$0xA], $0x80, s14, s6, $0xb8;
	[tilespmem:$0x1FC80] =	vst v63  }
0xc7: {  	_ =	swait.ge [sflag:s30], $0x4000  }
0xc8: {  	[sflag:s30] =	ssyncset.done $0x0  }
0xc9: {  	[sflag:s30] =	ssyncadd.s32 $0xFFFFC000  }
0xca: {  	_ =	swait.ge [sflag:s9], $0x80  }
0xcb: {  	[sflag:s9] =	ssyncset.done $0x0  }
0xcc: {  	[sflag:s9] =	ssyncadd.s32 $0xFFFFFF80  }
0xcd: {  	_ =	swait.ge [sflag:s9], $0x80  }
0xce: {  	[sflag:s9] =	ssyncset.done $0x0  }
0xcf: {  	s5 =	rddreg [dreg:$0xf];
	[sflag:s9] =	ssyncadd.s32 $0xFFFFFF80  }
0xd0: {  	[tilespmem:s12], [sflag:$0x6] =	stream.indirect.gather [hbm4b:s1+s6], $0x80, s4, s6, $0xb8;
	[tilespmem:$0x1FC80] =	vst v63  }
0xd1: {  	s23 =	sadd.s32 $0x0, s5  }
0xd2: {  	[tilespmem:s6], [sflag:$0x2] =	stream.linear.gather [hbm4b:s23+s4], $0x80, $0x38;
	[tilespmem:$0x1FC80] =	vst v63  }
0xd3: {  	s24 =	sadd.s32 $0x9C90, s3  }
0xd4: {  	[tilespmem:s7], [sflag:$0x2] =	stream.linear.gather [hbm4b:s24+s4], $0x80, $0x38;
	[tilespmem:$0x1FC80] =	vst v63  }
0xd5: {  	_ =	swait.ge [sflag:s15], $0x4000  }
0xd6: {  	[sflag:s15] =	ssyncset.done $0x0  }
0xd7: {  	[sflag:s15] =	ssyncadd.s32 $0xFFFFC000  }
0xd8: {  	[spmem:s2] =	stream.indirect.scatter.add.f32 [tilespmem:s10], [sflag:$0x8], $0x80, s20, s6, $0xb8;
	[tilespmem:$0x1FC80] =	vst v63  }
0xd9: {  	_ =	swait.ge [sflag:s31], $0x4000  }
0xda: {  	[sflag:s31] =	ssyncset.done $0x0  }
0xdb: {  	[sflag:s31] =	ssyncadd.s32 $0xFFFFC000  }
0xdc: {  	_ =	swait.ge [sflag:s11], $0x80  }
0xdd: {  	[sflag:s11] =	ssyncset.done $0x0  }
0xde: {  	[sflag:s11] =	ssyncadd.s32 $0xFFFFFF80  }
0xdf: {  	_ =	swait.ge [sflag:s11], $0x80  }
0xe0: {  	[sflag:s11] =	ssyncset.done $0x0  }
0xe1: {  	s29 =	rddreg [dreg:$0xe];
	[sflag:s11] =	ssyncadd.s32 $0xFFFFFF80  }
0xe2: {  	[tilespmem:s18], [sflag:$0x7] =	stream.indirect.gather [hbm4b:s1+s6], $0x80, s6, s6, $0xb8;
	[tilespmem:$0x1FC80] =	vst v63  }
0xe3: {  	s23 =	sadd.s32 $0x0, s29  }
0xe4: {  	[tilespmem:s13], [sflag:$0x3] =	stream.linear.gather [hbm4b:s23+s4], $0x80, $0x38;
	[tilespmem:$0x1FC80] =	vst v63  }
0xe5: {  	s5 =	sadd.s32 $0x9CA0, s3  }
0xe6: {  	[tilespmem:s14], [sflag:$0x3] =	stream.linear.gather [hbm4b:s5+s4], $0x80, $0x38;
	[tilespmem:$0x1FC80] =	vst v63  }
0xe7: {  	_ =	swait.ge [sflag:s21], $0x4000  }
0xe8: {  	[sflag:s21] =	ssyncset.done $0x0  }
0xe9: {  	[sflag:s21] =	ssyncadd.s32 $0xFFFFC000  }
0xea: {  	[spmem:s2] =	stream.indirect.scatter.add.f32 [tilespmem:s12], [sflag:$0x9], $0x80, s17, s6, $0xb8;
	[tilespmem:$0x1FC80] =	vst v63  }
0xeb: {  	_ =	swait.ge [sflag:s25], $0x4000  }
0xec: {  	[sflag:s25] =	ssyncset.done $0x0  }
0xed: {  	[sflag:s25] =	ssyncadd.s32 $0xFFFFC000  }
0xee: {  	_ =	swait.ge [sflag:s16], $0x80  }
0xef: {  	[sflag:s16] =	ssyncset.done $0x0  }
0xf0: {  	[sflag:s16] =	ssyncadd.s32 $0xFFFFFF80  }
0xf1: {  	_ =	swait.ge [sflag:s16], $0x80  }
0xf2: {  	[sflag:s16] =	ssyncset.done $0x0  }
0xf3: {  	s24 =	rddreg [dreg:$0xd];
	[sflag:s16] =	ssyncadd.s32 $0xFFFFFF80  }
0xf4: {  	[tilespmem:s10], [sflag:$0x5] =	stream.indirect.gather [hbm4b:s1+s6], $0x80, s13, s6, $0xb8;
	[tilespmem:$0x1FC80] =	vst v63  }
0xf5: {  	s23 =	sadd.s32 $0x0, s24  }
0xf6: {  	[tilespmem:s19], [sflag:$0x4] =	stream.linear.gather [hbm4b:s23+s4], $0x80, $0x38;
	[tilespmem:$0x1FC80] =	vst v63  }
0xf7: {  	s29 =	sadd.s32 $0x9CB0, s3  }
0xf8: {  	[tilespmem:s20], [sflag:$0x4] =	stream.linear.gather [hbm4b:s29+s4], $0x80, $0x38;
	[tilespmem:$0x1FC80] =	vst v63  }
0xf9: {  	_ =	swait.ge [sflag:s28], $0x4000  }
0xfa: {  	[sflag:s28] =	ssyncset.done $0x0  }
0xfb: {  	[sflag:s28] =	ssyncadd.s32 $0xFFFFC000  }
0xfc: {  	[spmem:s2] =	stream.indirect.scatter.add.f32 [tilespmem:s18], [sflag:$0xA], $0x80, s7, s6, $0xb8;
	[tilespmem:$0x1FC80] =	vst v63  }
0xfd: {  	_ =	swait.ge [sflag:s30], $0x4000  }
0xfe: {  	[sflag:s30] =	ssyncset.done $0x0  }
0xff: {  	[sflag:s30] =	ssyncadd.s32 $0xFFFFC000  }
0x100: {  	_ =	swait.ge [sflag:s26], $0x80  }
0x101: {  	[sflag:s26] =	ssyncset.done $0x0  }
0x102: {  	[sflag:s26] =	ssyncadd.s32 $0xFFFFFF80  }
0x103: {  	_ =	swait.ge [sflag:s26], $0x80  }
0x104: {  	[sflag:s26] =	ssyncset.done $0x0  }
0x105: {  	s5 =	rddreg [dreg:$0xc];
	[sflag:s26] =	ssyncadd.s32 $0xFFFFFF80  }
0x106: {  	[tilespmem:s12], [sflag:$0x6] =	stream.indirect.gather [hbm4b:s1+s6], $0x80, s19, s6, $0xb8;
	[tilespmem:$0x1FC80] =	vst v63  }
0x107: {  	s23 =	sadd.s32 $0x0, s5  }
0x108: {  	[tilespmem:s4], [sflag:$0x1] =	stream.linear.gather [hbm4b:s23+s4], $0x80, $0x38;
	[tilespmem:$0x1FC80] =	vst v63  }
0x109: {  	s24 =	sadd.s32 $0x9CC0, s3  }
0x10a: {  	[tilespmem:s17], [sflag:$0x1] =	stream.linear.gather [hbm4b:s24+s4], $0x80, $0x38;
	[tilespmem:$0x1FC80] =	vst v63  }
0x10b: {  	_ =	swait.ge [sflag:s15], $0x4000  }
0x10c: {  	[sflag:s15] =	ssyncset.done $0x0  }
0x10d: {  	[sflag:s15] =	ssyncadd.s32 $0xFFFFC000  }
0x10e: {  	[spmem:s2] =	stream.indirect.scatter.add.f32 [tilespmem:s10], [sflag:$0x8], $0x80, s14, s6, $0xb8;
	[tilespmem:$0x1FC80] =	vst v63  }
0x10f: {  	_ =	swait.ge [sflag:s31], $0x4000  }
0x110: {  	[sflag:s31] =	ssyncset.done $0x0  }
0x111: {  	[sflag:s31] =	ssyncadd.s32 $0xFFFFC000  }
0x112: {  	_ =	swait.ge [sflag:s9], $0x80  }
0x113: {  	[sflag:s9] =	ssyncset.done $0x0  }
0x114: {  	[sflag:s9] =	ssyncadd.s32 $0xFFFFFF80  }
0x115: {  	_ =	swait.ge [sflag:s9], $0x80  }
0x116: {  	[sflag:s9] =	ssyncset.done $0x0  }
0x117: {  	s29 =	rddreg [dreg:$0xb];
	[sflag:s9] =	ssyncadd.s32 $0xFFFFFF80  }
0x118: {  	[tilespmem:s18], [sflag:$0x7] =	stream.indirect.gather [hbm4b:s1+s6], $0x80, s4, s6, $0xb8;
	[tilespmem:$0x1FC80] =	vst v63  }
0x119: {  	s23 =	sadd.s32 $0x0, s29  }
0x11a: {  	[tilespmem:s6], [sflag:$0x2] =	stream.linear.gather [hbm4b:s23+s4], $0x80, $0x38;
	[tilespmem:$0x1FC80] =	vst v63  }
0x11b: {  	s5 =	sadd.s32 $0x9CD0, s3  }
0x11c: {  	[tilespmem:s7], [sflag:$0x2] =	stream.linear.gather [hbm4b:s5+s4], $0x80, $0x38;
	[tilespmem:$0x1FC80] =	vst v63  }
0x11d: {  	_ =	swait.ge [sflag:s21], $0x4000  }
0x11e: {  	[sflag:s21] =	ssyncset.done $0x0  }
0x11f: {  	[sflag:s21] =	ssyncadd.s32 $0xFFFFC000  }
0x120: {  	[spmem:s2] =	stream.indirect.scatter.add.f32 [tilespmem:s12], [sflag:$0x9], $0x80, s20, s6, $0xb8;
	[tilespmem:$0x1FC80] =	vst v63  }
0x121: {  	_ =	swait.ge [sflag:s25], $0x4000  }
0x122: {  	[sflag:s25] =	ssyncset.done $0x0  }
0x123: {  	[sflag:s25] =	ssyncadd.s32 $0xFFFFC000  }
0x124: {  	_ =	swait.ge [sflag:s11], $0x80  }
0x125: {  	[sflag:s11] =	ssyncset.done $0x0  }
0x126: {  	[sflag:s11] =	ssyncadd.s32 $0xFFFFFF80  }
0x127: {  	_ =	swait.ge [sflag:s11], $0x80  }
0x128: {  	[sflag:s11] =	ssyncset.done $0x0  }
0x129: {  	s24 =	rddreg [dreg:$0xa];
	[sflag:s11] =	ssyncadd.s32 $0xFFFFFF80  }
0x12a: {  	[tilespmem:s10], [sflag:$0x5] =	stream.indirect.gather [hbm4b:s1+s6], $0x80, s6, s6, $0xb8;
	[tilespmem:$0x1FC80] =	vst v63  }
0x12b: {  	s23 =	sadd.s32 $0x0, s24  }
0x12c: {  	[tilespmem:s13], [sflag:$0x3] =	stream.linear.gather [hbm4b:s23+s4], $0x80, $0x38;
	[tilespmem:$0x1FC80] =	vst v63  }
0x12d: {  	s29 =	sadd.s32 $0x9CE0, s3  }
0x12e: {  	[tilespmem:s14], [sflag:$0x3] =	stream.linear.gather [hbm4b:s29+s4], $0x80, $0x38;
	[tilespmem:$0x1FC80] =	vst v63  }
0x12f: {  	_ =	swait.ge [sflag:s28], $0x4000  }
0x130: {  	[sflag:s28] =	ssyncset.done $0x0  }
0x131: {  	[sflag:s28] =	ssyncadd.s32 $0xFFFFC000  }
0x132: {  	[spmem:s2] =	stream.indirect.scatter.add.f32 [tilespmem:s18], [sflag:$0xA], $0x80, s17, s6, $0xb8;
	[tilespmem:$0x1FC80] =	vst v63  }
0x133: {  	_ =	swait.ge [sflag:s30], $0x4000  }
0x134: {  	[sflag:s30] =	ssyncset.done $0x0  }
0x135: {  	[sflag:s30] =	ssyncadd.s32 $0xFFFFC000  }
0x136: {  	_ =	swait.ge [sflag:s16], $0x80  }
0x137: {  	[sflag:s16] =	ssyncset.done $0x0  }
0x138: {  	[sflag:s16] =	ssyncadd.s32 $0xFFFFFF80  }
0x139: {  	_ =	swait.ge [sflag:s16], $0x80  }
0x13a: {  	[sflag:s16] =	ssyncset.done $0x0  }
0x13b: {  	s5 =	rddreg [dreg:$0x9];
	[sflag:s16] =	ssyncadd.s32 $0xFFFFFF80  }
0x13c: {  	[tilespmem:s12], [sflag:$0x6] =	stream.indirect.gather [hbm4b:s1+s6], $0x80, s13, s6, $0xb8;
	[tilespmem:$0x1FC80] =	vst v63  }
0x13d: {  	s23 =	sadd.s32 $0x0, s5  }
0x13e: {  	[tilespmem:s19], [sflag:$0x4] =	stream.linear.gather [hbm4b:s23+s4], $0x80, $0x38;
	[tilespmem:$0x1FC80] =	vst v63  }
0x13f: {  	s24 =	sadd.s32 $0x9CF0, s3  }
0x140: {  	[tilespmem:s20], [sflag:$0x4] =	stream.linear.gather [hbm4b:s24+s4], $0x80, $0x38;
	[tilespmem:$0x1FC80] =	vst v63  }
0x141: {  	_ =	swait.ge [sflag:s15], $0x4000  }
0x142: {  	[sflag:s15] =	ssyncset.done $0x0  }
0x143: {  	[sflag:s15] =	ssyncadd.s32 $0xFFFFC000  }
0x144: {  	[spmem:s2] =	stream.indirect.scatter.add.f32 [tilespmem:s10], [sflag:$0x8], $0x80, s7, s6, $0xb8;
	[tilespmem:$0x1FC80] =	vst v63  }
0x145: {  	_ =	swait.ge [sflag:s31], $0x4000  }
0x146: {  	[sflag:s31] =	ssyncset.done $0x0  }
0x147: {  	[sflag:s31] =	ssyncadd.s32 $0xFFFFC000  }
0x148: {  	_ =	swait.ge [sflag:s26], $0x80  }
0x149: {  	[sflag:s26] =	ssyncset.done $0x0  }
0x14a: {  	[sflag:s26] =	ssyncadd.s32 $0xFFFFFF80  }
0x14b: {  	_ =	swait.ge [sflag:s26], $0x80  }
0x14c: {  	[sflag:s26] =	ssyncset.done $0x0  }
0x14d: {  	s29 =	rddreg [dreg:$0x8];
	[sflag:s26] =	ssyncadd.s32 $0xFFFFFF80  }
0x14e: {  	[tilespmem:s18], [sflag:$0x7] =	stream.indirect.gather [hbm4b:s1+s6], $0x80, s19, s6, $0xb8;
	[tilespmem:$0x1FC80] =	vst v63  }
0x14f: {  	s23 =	sadd.s32 $0x0, s29  }
0x150: {  	[tilespmem:s4], [sflag:$0x1] =	stream.linear.gather [hbm4b:s23+s4], $0x80, $0x38;
	[tilespmem:$0x1FC80] =	vst v63  }
0x151: {  	s5 =	sadd.s32 $0x9D00, s3  }
0x152: {  	[tilespmem:s17], [sflag:$0x1] =	stream.linear.gather [hbm4b:s5+s4], $0x80, $0x38;
	[tilespmem:$0x1FC80] =	vst v63  }
0x153: {  	_ =	swait.ge [sflag:s21], $0x4000  }
0x154: {  	[sflag:s21] =	ssyncset.done $0x0  }
0x155: {  	[sflag:s21] =	ssyncadd.s32 $0xFFFFC000  }
0x156: {  	[spmem:s2] =	stream.indirect.scatter.add.f32 [tilespmem:s12], [sflag:$0x9], $0x80, s14, s6, $0xb8;
	[tilespmem:$0x1FC80] =	vst v63  }
0x157: {  	_ =	swait.ge [sflag:s25], $0x4000  }
0x158: {  	[sflag:s25] =	ssyncset.done $0x0  }
0x159: {  	[sflag:s25] =	ssyncadd.s32 $0xFFFFC000  }
0x15a: {  	_ =	swait.ge [sflag:s9], $0x80  }
0x15b: {  	[sflag:s9] =	ssyncset.done $0x0  }
0x15c: {  	[sflag:s9] =	ssyncadd.s32 $0xFFFFFF80  }
0x15d: {  	_ =	swait.ge [sflag:s9], $0x80  }
0x15e: {  	[sflag:s9] =	ssyncset.done $0x0  }
0x15f: {  	s24 =	rddreg [dreg:$0x7];
	[sflag:s9] =	ssyncadd.s32 $0xFFFFFF80  }
0x160: {  	[tilespmem:s10], [sflag:$0x5] =	stream.indirect.gather [hbm4b:s1+s6], $0x80, s4, s6, $0xb8;
	[tilespmem:$0x1FC80] =	vst v63  }
0x161: {  	s23 =	sadd.s32 $0x0, s24  }
0x162: {  	[tilespmem:s6], [sflag:$0x2] =	stream.linear.gather [hbm4b:s23+s4], $0x80, $0x38;
	[tilespmem:$0x1FC80] =	vst v63  }
0x163: {  	s29 =	sadd.s32 $0x9D10, s3  }
0x164: {  	[tilespmem:s7], [sflag:$0x2] =	stream.linear.gather [hbm4b:s29+s4], $0x80, $0x38;
	[tilespmem:$0x1FC80] =	vst v63  }
0x165: {  	_ =	swait.ge [sflag:s28], $0x4000  }
0x166: {  	[sflag:s28] =	ssyncset.done $0x0  }
0x167: {  	[sflag:s28] =	ssyncadd.s32 $0xFFFFC000  }
0x168: {  	[spmem:s2] =	stream.indirect.scatter.add.f32 [tilespmem:s18], [sflag:$0xA], $0x80, s20, s6, $0xb8;
	[tilespmem:$0x1FC80] =	vst v63  }
0x169: {  	_ =	swait.ge [sflag:s30], $0x4000  }
0x16a: {  	[sflag:s30] =	ssyncset.done $0x0  }
0x16b: {  	[sflag:s30] =	ssyncadd.s32 $0xFFFFC000  }
0x16c: {  	_ =	swait.ge [sflag:s11], $0x80  }
0x16d: {  	[sflag:s11] =	ssyncset.done $0x0  }
0x16e: {  	[sflag:s11] =	ssyncadd.s32 $0xFFFFFF80  }
0x16f: {  	_ =	swait.ge [sflag:s11], $0x80  }
0x170: {  	[sflag:s11] =	ssyncset.done $0x0  }
0x171: {  	s5 =	rddreg [dreg:$0x6];
	[sflag:s11] =	ssyncadd.s32 $0xFFFFFF80  }
0x172: {  	[tilespmem:s12], [sflag:$0x6] =	stream.indirect.gather [hbm4b:s1+s6], $0x80, s6, s6, $0xb8;
	[tilespmem:$0x1FC80] =	vst v63  }
0x173: {  	s23 =	sadd.s32 $0x0, s5  }
0x174: {  	[tilespmem:s13], [sflag:$0x3] =	stream.linear.gather [hbm4b:s23+s4], $0x80, $0x38;
	[tilespmem:$0x1FC80] =	vst v63  }
0x175: {  	s24 =	sadd.s32 $0x9D20, s3  }
0x176: {  	[tilespmem:s14], [sflag:$0x3] =	stream.linear.gather [hbm4b:s24+s4], $0x80, $0x38;
	[tilespmem:$0x1FC80] =	vst v63  }
0x177: {  	_ =	swait.ge [sflag:s15], $0x4000  }
0x178: {  	[sflag:s15] =	ssyncset.done $0x0  }
0x179: {  	[sflag:s15] =	ssyncadd.s32 $0xFFFFC000  }
0x17a: {  	[spmem:s2] =	stream.indirect.scatter.add.f32 [tilespmem:s10], [sflag:$0x8], $0x80, s17, s6, $0xb8;
	[tilespmem:$0x1FC80] =	vst v63  }
0x17b: {  	_ =	swait.ge [sflag:s31], $0x4000  }
0x17c: {  	[sflag:s31] =	ssyncset.done $0x0  }
0x17d: {  	[sflag:s31] =	ssyncadd.s32 $0xFFFFC000  }
0x17e: {  	_ =	swait.ge [sflag:s16], $0x80  }
0x17f: {  	[sflag:s16] =	ssyncset.done $0x0  }
0x180: {  	[sflag:s16] =	ssyncadd.s32 $0xFFFFFF80  }
0x181: {  	_ =	swait.ge [sflag:s16], $0x80  }
0x182: {  	[sflag:s16] =	ssyncset.done $0x0  }
0x183: {  	s29 =	rddreg [dreg:$0x5];
	[sflag:s16] =	ssyncadd.s32 $0xFFFFFF80  }
0x184: {  	[tilespmem:s18], [sflag:$0x7] =	stream.indirect.gather [hbm4b:s1+s6], $0x80, s13, s6, $0xb8;
	[tilespmem:$0x1FC80] =	vst v63  }
0x185: {  	s23 =	sadd.s32 $0x0, s29  }
0x186: {  	[tilespmem:s19], [sflag:$0x4] =	stream.linear.gather [hbm4b:s23+s4], $0x80, $0x38;
	[tilespmem:$0x1FC80] =	vst v63  }
0x187: {  	s3 =	sadd.s32 $0x9D30, s3  }
0x188: {  	[tilespmem:s20], [sflag:$0x4] =	stream.linear.gather [hbm4b:s3+s4], $0x80, $0x38;
	[tilespmem:$0x1FC80] =	vst v63  }
0x189: {  	_ =	swait.ge [sflag:s21], $0x4000  }
0x18a: {  	s3 =	simm.s32 $0xC0;
	[sflag:s21] =	ssyncset.done $0x0  }
.LBB2_4:
0x18b: {  	[sflag:s21] =	ssyncadd.s32 $0xFFFFC000  }
0x18c: {  	[spmem:s2] =	stream.indirect.scatter.add.f32 [tilespmem:s12], [sflag:$0x9], $0x80, s7, s6, $0xb8;
	[tilespmem:$0x1FC80] =	vst v63  }
0x18d: {  	_ =	swait.ge [sflag:s25], $0x4000  }
0x18e: {  	[sflag:s25] =	ssyncset.done $0x0  }
0x18f: {  	[sflag:s25] =	ssyncadd.s32 $0xFFFFC000  }
0x190: {  	_ =	swait.ge [sflag:s26], $0x80  }
0x191: {  	[sflag:s26] =	ssyncset.done $0x0  }
0x192: {  	[sflag:s26] =	ssyncadd.s32 $0xFFFFFF80  }
0x193: {  	_ =	swait.ge [sflag:s26], $0x80  }
0x194: {  	[sflag:s26] =	ssyncset.done $0x0  }
0x195: {  	s23 =	smov.u32 s3;
	s24 =	rddreg [dreg:$0x10];
	[sflag:s26] =	ssyncadd.s32 $0xFFFFFF80  }
0x196: {  	[tilespmem:s10], [sflag:$0x5] =	stream.indirect.gather [hbm4b:s1+s6], $0x80, s19, s6, $0xb8;
	[tilespmem:$0x1FC80] =	vst v63  }
0x197: {  	s29 =	rddreg [dreg:$0x4];
	s24 =	sadd.s32 s23, s24  }
0x198: {  	[tilespmem:s4], [sflag:$0x1] =	stream.linear.gather [hbm4b:s24+s4], $0x80, $0x38;
	[tilespmem:$0x1FC80] =	vst v63  }
0x199: {  	s24 =	sadd.s32 s23, s29  }
0x19a: {  	s29 =	sadd.s32 $0x9C80, s24  }
0x19b: {  	[tilespmem:s17], [sflag:$0x1] =	stream.linear.gather [hbm4b:s29+s4], $0x80, $0x38;
	[tilespmem:$0x1FC80] =	vst v63  }
0x19c: {  	_ =	swait.ge [sflag:s28], $0x4000  }
0x19d: {  	[sflag:s28] =	ssyncset.done $0x0  }
0x19e: {  	[sflag:s28] =	ssyncadd.s32 $0xFFFFC000  }
0x19f: {  	[spmem:s2] =	stream.indirect.scatter.add.f32 [tilespmem:s18], [sflag:$0xA], $0x80, s14, s6, $0xb8;
	[tilespmem:$0x1FC80] =	vst v63  }
0x1a0: {  	_ =	swait.ge [sflag:s30], $0x4000  }
0x1a1: {  	[sflag:s30] =	ssyncset.done $0x0  }
0x1a2: {  	[sflag:s30] =	ssyncadd.s32 $0xFFFFC000  }
0x1a3: {  	_ =	swait.ge [sflag:s9], $0x80  }
0x1a4: {  	[sflag:s9] =	ssyncset.done $0x0  }
0x1a5: {  	[sflag:s9] =	ssyncadd.s32 $0xFFFFFF80  }
0x1a6: {  	_ =	swait.ge [sflag:s9], $0x80  }
0x1a7: {  	[sflag:s9] =	ssyncset.done $0x0  }
0x1a8: {  	s5 =	rddreg [dreg:$0xf];
	[sflag:s9] =	ssyncadd.s32 $0xFFFFFF80  }
0x1a9: {  	[tilespmem:s12], [sflag:$0x6] =	stream.indirect.gather [hbm4b:s1+s6], $0x80, s4, s6, $0xb8;
	[tilespmem:$0x1FC80] =	vst v63  }
0x1aa: {  	s29 =	sadd.s32 s23, s5  }
0x1ab: {  	[tilespmem:s6], [sflag:$0x2] =	stream.linear.gather [hbm4b:s29+s4], $0x80, $0x38;
	[tilespmem:$0x1FC80] =	vst v63  }
0x1ac: {  	s5 =	sadd.s32 $0x9C90, s24  }
0x1ad: {  	[tilespmem:s7], [sflag:$0x2] =	stream.linear.gather [hbm4b:s5+s4], $0x80, $0x38;
	[tilespmem:$0x1FC80] =	vst v63  }
0x1ae: {  	_ =	swait.ge [sflag:s15], $0x4000  }
0x1af: {  	[sflag:s15] =	ssyncset.done $0x0  }
0x1b0: {  	[sflag:s15] =	ssyncadd.s32 $0xFFFFC000  }
0x1b1: {  	[spmem:s2] =	stream.indirect.scatter.add.f32 [tilespmem:s10], [sflag:$0x8], $0x80, s20, s6, $0xb8;
	[tilespmem:$0x1FC80] =	vst v63  }
0x1b2: {  	_ =	swait.ge [sflag:s31], $0x4000  }
0x1b3: {  	[sflag:s31] =	ssyncset.done $0x0  }
0x1b4: {  	[sflag:s31] =	ssyncadd.s32 $0xFFFFC000  }
0x1b5: {  	_ =	swait.ge [sflag:s11], $0x80  }
0x1b6: {  	[sflag:s11] =	ssyncset.done $0x0  }
0x1b7: {  	[sflag:s11] =	ssyncadd.s32 $0xFFFFFF80  }
0x1b8: {  	_ =	swait.ge [sflag:s11], $0x80  }
0x1b9: {  	[sflag:s11] =	ssyncset.done $0x0  }
0x1ba: {  	s29 =	rddreg [dreg:$0xe];
	[sflag:s11] =	ssyncadd.s32 $0xFFFFFF80  }
0x1bb: {  	[tilespmem:s18], [sflag:$0x7] =	stream.indirect.gather [hbm4b:s1+s6], $0x80, s6, s6, $0xb8;
	[tilespmem:$0x1FC80] =	vst v63  }
0x1bc: {  	s5 =	sadd.s32 s23, s29  }
0x1bd: {  	[tilespmem:s13], [sflag:$0x3] =	stream.linear.gather [hbm4b:s5+s4], $0x80, $0x38;
	[tilespmem:$0x1FC80] =	vst v63  }
0x1be: {  	s29 =	sadd.s32 $0x9CA0, s24  }
0x1bf: {  	[tilespmem:s14], [sflag:$0x3] =	stream.linear.gather [hbm4b:s29+s4], $0x80, $0x38;
	[tilespmem:$0x1FC80] =	vst v63  }
0x1c0: {  	_ =	swait.ge [sflag:s21], $0x4000  }
0x1c1: {  	[sflag:s21] =	ssyncset.done $0x0  }
0x1c2: {  	[sflag:s21] =	ssyncadd.s32 $0xFFFFC000  }
0x1c3: {  	[spmem:s2] =	stream.indirect.scatter.add.f32 [tilespmem:s12], [sflag:$0x9], $0x80, s17, s6, $0xb8;
	[tilespmem:$0x1FC80] =	vst v63  }
0x1c4: {  	_ =	swait.ge [sflag:s25], $0x4000  }
0x1c5: {  	[sflag:s25] =	ssyncset.done $0x0  }
0x1c6: {  	[sflag:s25] =	ssyncadd.s32 $0xFFFFC000  }
0x1c7: {  	_ =	swait.ge [sflag:s16], $0x80  }
0x1c8: {  	[sflag:s16] =	ssyncset.done $0x0  }
0x1c9: {  	[sflag:s16] =	ssyncadd.s32 $0xFFFFFF80  }
0x1ca: {  	_ =	swait.ge [sflag:s16], $0x80  }
0x1cb: {  	[sflag:s16] =	ssyncset.done $0x0  }
0x1cc: {  	s29 =	rddreg [dreg:$0xd];
	[sflag:s16] =	ssyncadd.s32 $0xFFFFFF80  }
0x1cd: {  	[tilespmem:s10], [sflag:$0x5] =	stream.indirect.gather [hbm4b:s1+s6], $0x80, s13, s6, $0xb8;
	[tilespmem:$0x1FC80] =	vst v63  }
0x1ce: {  	s5 =	sadd.s32 s23, s29  }
0x1cf: {  	[tilespmem:s19], [sflag:$0x4] =	stream.linear.gather [hbm4b:s5+s4], $0x80, $0x38;
	[tilespmem:$0x1FC80] =	vst v63  }
0x1d0: {  	s29 =	sadd.s32 $0x9CB0, s24  }
0x1d1: {  	[tilespmem:s20], [sflag:$0x4] =	stream.linear.gather [hbm4b:s29+s4], $0x80, $0x38;
	[tilespmem:$0x1FC80] =	vst v63  }
0x1d2: {  	_ =	swait.ge [sflag:s28], $0x4000  }
0x1d3: {  	[sflag:s28] =	ssyncset.done $0x0  }
0x1d4: {  	[sflag:s28] =	ssyncadd.s32 $0xFFFFC000  }
0x1d5: {  	[spmem:s2] =	stream.indirect.scatter.add.f32 [tilespmem:s18], [sflag:$0xA], $0x80, s7, s6, $0xb8;
	[tilespmem:$0x1FC80] =	vst v63  }
0x1d6: {  	_ =	swait.ge [sflag:s30], $0x4000  }
0x1d7: {  	[sflag:s30] =	ssyncset.done $0x0  }
0x1d8: {  	[sflag:s30] =	ssyncadd.s32 $0xFFFFC000  }
0x1d9: {  	_ =	swait.ge [sflag:s26], $0x80  }
0x1da: {  	[sflag:s26] =	ssyncset.done $0x0  }
0x1db: {  	[sflag:s26] =	ssyncadd.s32 $0xFFFFFF80  }
0x1dc: {  	_ =	swait.ge [sflag:s26], $0x80  }
0x1dd: {  	[sflag:s26] =	ssyncset.done $0x0  }
0x1de: {  	s29 =	rddreg [dreg:$0xc];
	[sflag:s26] =	ssyncadd.s32 $0xFFFFFF80  }
0x1df: {  	[tilespmem:s12], [sflag:$0x6] =	stream.indirect.gather [hbm4b:s1+s6], $0x80, s19, s6, $0xb8;
	[tilespmem:$0x1FC80] =	vst v63  }
0x1e0: {  	s5 =	sadd.s32 s23, s29  }
0x1e1: {  	[tilespmem:s4], [sflag:$0x1] =	stream.linear.gather [hbm4b:s5+s4], $0x80, $0x38;
	[tilespmem:$0x1FC80] =	vst v63  }
0x1e2: {  	s29 =	sadd.s32 $0x9CC0, s24  }
0x1e3: {  	[tilespmem:s17], [sflag:$0x1] =	stream.linear.gather [hbm4b:s29+s4], $0x80, $0x38;
	[tilespmem:$0x1FC80] =	vst v63  }
0x1e4: {  	_ =	swait.ge [sflag:s15], $0x4000  }
0x1e5: {  	[sflag:s15] =	ssyncset.done $0x0  }
0x1e6: {  	[sflag:s15] =	ssyncadd.s32 $0xFFFFC000  }
0x1e7: {  	[spmem:s2] =	stream.indirect.scatter.add.f32 [tilespmem:s10], [sflag:$0x8], $0x80, s14, s6, $0xb8;
	[tilespmem:$0x1FC80] =	vst v63  }
0x1e8: {  	_ =	swait.ge [sflag:s31], $0x4000  }
0x1e9: {  	[sflag:s31] =	ssyncset.done $0x0  }
0x1ea: {  	[sflag:s31] =	ssyncadd.s32 $0xFFFFC000  }
0x1eb: {  	_ =	swait.ge [sflag:s9], $0x80  }
0x1ec: {  	[sflag:s9] =	ssyncset.done $0x0  }
0x1ed: {  	[sflag:s9] =	ssyncadd.s32 $0xFFFFFF80  }
0x1ee: {  	_ =	swait.ge [sflag:s9], $0x80  }
0x1ef: {  	[sflag:s9] =	ssyncset.done $0x0  }
0x1f0: {  	s29 =	rddreg [dreg:$0xb];
	[sflag:s9] =	ssyncadd.s32 $0xFFFFFF80  }
0x1f1: {  	[tilespmem:s18], [sflag:$0x7] =	stream.indirect.gather [hbm4b:s1+s6], $0x80, s4, s6, $0xb8;
	[tilespmem:$0x1FC80] =	vst v63  }
0x1f2: {  	s5 =	sadd.s32 s23, s29  }
0x1f3: {  	[tilespmem:s6], [sflag:$0x2] =	stream.linear.gather [hbm4b:s5+s4], $0x80, $0x38;
	[tilespmem:$0x1FC80] =	vst v63  }
0x1f4: {  	s29 =	sadd.s32 $0x9CD0, s24  }
0x1f5: {  	[tilespmem:s7], [sflag:$0x2] =	stream.linear.gather [hbm4b:s29+s4], $0x80, $0x38;
	[tilespmem:$0x1FC80] =	vst v63  }
0x1f6: {  	_ =	swait.ge [sflag:s21], $0x4000  }
0x1f7: {  	[sflag:s21] =	ssyncset.done $0x0  }
0x1f8: {  	[sflag:s21] =	ssyncadd.s32 $0xFFFFC000  }
0x1f9: {  	[spmem:s2] =	stream.indirect.scatter.add.f32 [tilespmem:s12], [sflag:$0x9], $0x80, s20, s6, $0xb8;
	[tilespmem:$0x1FC80] =	vst v63  }
0x1fa: {  	_ =	swait.ge [sflag:s25], $0x4000  }
0x1fb: {  	[sflag:s25] =	ssyncset.done $0x0  }
0x1fc: {  	[sflag:s25] =	ssyncadd.s32 $0xFFFFC000  }
0x1fd: {  	_ =	swait.ge [sflag:s11], $0x80  }
0x1fe: {  	[sflag:s11] =	ssyncset.done $0x0  }
0x1ff: {  	[sflag:s11] =	ssyncadd.s32 $0xFFFFFF80  }
0x200: {  	_ =	swait.ge [sflag:s11], $0x80  }
0x201: {  	[sflag:s11] =	ssyncset.done $0x0  }
0x202: {  	s29 =	rddreg [dreg:$0xa];
	[sflag:s11] =	ssyncadd.s32 $0xFFFFFF80  }
0x203: {  	[tilespmem:s10], [sflag:$0x5] =	stream.indirect.gather [hbm4b:s1+s6], $0x80, s6, s6, $0xb8;
	[tilespmem:$0x1FC80] =	vst v63  }
0x204: {  	s5 =	sadd.s32 s23, s29  }
0x205: {  	[tilespmem:s13], [sflag:$0x3] =	stream.linear.gather [hbm4b:s5+s4], $0x80, $0x38;
	[tilespmem:$0x1FC80] =	vst v63  }
0x206: {  	s29 =	sadd.s32 $0x9CE0, s24  }
0x207: {  	[tilespmem:s14], [sflag:$0x3] =	stream.linear.gather [hbm4b:s29+s4], $0x80, $0x38;
	[tilespmem:$0x1FC80] =	vst v63  }
0x208: {  	_ =	swait.ge [sflag:s28], $0x4000  }
0x209: {  	[sflag:s28] =	ssyncset.done $0x0  }
0x20a: {  	[sflag:s28] =	ssyncadd.s32 $0xFFFFC000  }
0x20b: {  	[spmem:s2] =	stream.indirect.scatter.add.f32 [tilespmem:s18], [sflag:$0xA], $0x80, s17, s6, $0xb8;
	[tilespmem:$0x1FC80] =	vst v63  }
0x20c: {  	_ =	swait.ge [sflag:s30], $0x4000  }
0x20d: {  	[sflag:s30] =	ssyncset.done $0x0  }
0x20e: {  	[sflag:s30] =	ssyncadd.s32 $0xFFFFC000  }
0x20f: {  	_ =	swait.ge [sflag:s16], $0x80  }
0x210: {  	[sflag:s16] =	ssyncset.done $0x0  }
0x211: {  	[sflag:s16] =	ssyncadd.s32 $0xFFFFFF80  }
0x212: {  	_ =	swait.ge [sflag:s16], $0x80  }
0x213: {  	[sflag:s16] =	ssyncset.done $0x0  }
0x214: {  	s29 =	rddreg [dreg:$0x9];
	[sflag:s16] =	ssyncadd.s32 $0xFFFFFF80  }
0x215: {  	[tilespmem:s12], [sflag:$0x6] =	stream.indirect.gather [hbm4b:s1+s6], $0x80, s13, s6, $0xb8;
	[tilespmem:$0x1FC80] =	vst v63  }
0x216: {  	s5 =	sadd.s32 s23, s29  }
0x217: {  	[tilespmem:s19], [sflag:$0x4] =	stream.linear.gather [hbm4b:s5+s4], $0x80, $0x38;
	[tilespmem:$0x1FC80] =	vst v63  }
0x218: {  	s29 =	sadd.s32 $0x9CF0, s24  }
0x219: {  	[tilespmem:s20], [sflag:$0x4] =	stream.linear.gather [hbm4b:s29+s4], $0x80, $0x38;
	[tilespmem:$0x1FC80] =	vst v63  }
0x21a: {  	_ =	swait.ge [sflag:s15], $0x4000  }
0x21b: {  	[sflag:s15] =	ssyncset.done $0x0  }
0x21c: {  	[sflag:s15] =	ssyncadd.s32 $0xFFFFC000  }
0x21d: {  	[spmem:s2] =	stream.indirect.scatter.add.f32 [tilespmem:s10], [sflag:$0x8], $0x80, s7, s6, $0xb8;
	[tilespmem:$0x1FC80] =	vst v63  }
0x21e: {  	_ =	swait.ge [sflag:s31], $0x4000  }
0x21f: {  	[sflag:s31] =	ssyncset.done $0x0  }
0x220: {  	[sflag:s31] =	ssyncadd.s32 $0xFFFFC000  }
0x221: {  	_ =	swait.ge [sflag:s26], $0x80  }
0x222: {  	[sflag:s26] =	ssyncset.done $0x0  }
0x223: {  	[sflag:s26] =	ssyncadd.s32 $0xFFFFFF80  }
0x224: {  	_ =	swait.ge [sflag:s26], $0x80  }
0x225: {  	[sflag:s26] =	ssyncset.done $0x0  }
0x226: {  	s29 =	rddreg [dreg:$0x8];
	[sflag:s26] =	ssyncadd.s32 $0xFFFFFF80  }
0x227: {  	[tilespmem:s18], [sflag:$0x7] =	stream.indirect.gather [hbm4b:s1+s6], $0x80, s19, s6, $0xb8;
	[tilespmem:$0x1FC80] =	vst v63  }
0x228: {  	s5 =	sadd.s32 s23, s29  }
0x229: {  	[tilespmem:s4], [sflag:$0x1] =	stream.linear.gather [hbm4b:s5+s4], $0x80, $0x38;
	[tilespmem:$0x1FC80] =	vst v63  }
0x22a: {  	s29 =	sadd.s32 $0x9D00, s24  }
0x22b: {  	[tilespmem:s17], [sflag:$0x1] =	stream.linear.gather [hbm4b:s29+s4], $0x80, $0x38;
	[tilespmem:$0x1FC80] =	vst v63  }
0x22c: {  	_ =	swait.ge [sflag:s21], $0x4000  }
0x22d: {  	[sflag:s21] =	ssyncset.done $0x0  }
0x22e: {  	[sflag:s21] =	ssyncadd.s32 $0xFFFFC000  }
0x22f: {  	[spmem:s2] =	stream.indirect.scatter.add.f32 [tilespmem:s12], [sflag:$0x9], $0x80, s14, s6, $0xb8;
	[tilespmem:$0x1FC80] =	vst v63  }
0x230: {  	_ =	swait.ge [sflag:s25], $0x4000  }
0x231: {  	[sflag:s25] =	ssyncset.done $0x0  }
0x232: {  	[sflag:s25] =	ssyncadd.s32 $0xFFFFC000  }
0x233: {  	_ =	swait.ge [sflag:s9], $0x80  }
0x234: {  	[sflag:s9] =	ssyncset.done $0x0  }
0x235: {  	[sflag:s9] =	ssyncadd.s32 $0xFFFFFF80  }
0x236: {  	_ =	swait.ge [sflag:s9], $0x80  }
0x237: {  	[sflag:s9] =	ssyncset.done $0x0  }
0x238: {  	s29 =	rddreg [dreg:$0x7];
	[sflag:s9] =	ssyncadd.s32 $0xFFFFFF80  }
0x239: {  	[tilespmem:s10], [sflag:$0x5] =	stream.indirect.gather [hbm4b:s1+s6], $0x80, s4, s6, $0xb8;
	[tilespmem:$0x1FC80] =	vst v63  }
0x23a: {  	s5 =	sadd.s32 s23, s29  }
0x23b: {  	[tilespmem:s6], [sflag:$0x2] =	stream.linear.gather [hbm4b:s5+s4], $0x80, $0x38;
	[tilespmem:$0x1FC80] =	vst v63  }
0x23c: {  	s29 =	sadd.s32 $0x9D10, s24  }
0x23d: {  	[tilespmem:s7], [sflag:$0x2] =	stream.linear.gather [hbm4b:s29+s4], $0x80, $0x38;
	[tilespmem:$0x1FC80] =	vst v63  }
0x23e: {  	_ =	swait.ge [sflag:s28], $0x4000  }
0x23f: {  	[sflag:s28] =	ssyncset.done $0x0  }
0x240: {  	[sflag:s28] =	ssyncadd.s32 $0xFFFFC000  }
0x241: {  	[spmem:s2] =	stream.indirect.scatter.add.f32 [tilespmem:s18], [sflag:$0xA], $0x80, s20, s6, $0xb8;
	[tilespmem:$0x1FC80] =	vst v63  }
0x242: {  	_ =	swait.ge [sflag:s30], $0x4000  }
0x243: {  	[sflag:s30] =	ssyncset.done $0x0  }
0x244: {  	[sflag:s30] =	ssyncadd.s32 $0xFFFFC000  }
0x245: {  	_ =	swait.ge [sflag:s11], $0x80  }
0x246: {  	[sflag:s11] =	ssyncset.done $0x0  }
0x247: {  	[sflag:s11] =	ssyncadd.s32 $0xFFFFFF80  }
0x248: {  	_ =	swait.ge [sflag:s11], $0x80  }
0x249: {  	[sflag:s11] =	ssyncset.done $0x0  }
0x24a: {  	s29 =	rddreg [dreg:$0x6];
	[sflag:s11] =	ssyncadd.s32 $0xFFFFFF80  }
0x24b: {  	[tilespmem:s12], [sflag:$0x6] =	stream.indirect.gather [hbm4b:s1+s6], $0x80, s6, s6, $0xb8;
	[tilespmem:$0x1FC80] =	vst v63  }
0x24c: {  	s5 =	sadd.s32 s23, s29  }
0x24d: {  	[tilespmem:s13], [sflag:$0x3] =	stream.linear.gather [hbm4b:s5+s4], $0x80, $0x38;
	[tilespmem:$0x1FC80] =	vst v63  }
0x24e: {  	s29 =	sadd.s32 $0x9D20, s24  }
0x24f: {  	[tilespmem:s14], [sflag:$0x3] =	stream.linear.gather [hbm4b:s29+s4], $0x80, $0x38;
	[tilespmem:$0x1FC80] =	vst v63  }
0x250: {  	_ =	swait.ge [sflag:s15], $0x4000  }
0x251: {  	[sflag:s15] =	ssyncset.done $0x0  }
0x252: {  	[sflag:s15] =	ssyncadd.s32 $0xFFFFC000  }
0x253: {  	[spmem:s2] =	stream.indirect.scatter.add.f32 [tilespmem:s10], [sflag:$0x8], $0x80, s17, s6, $0xb8;
	[tilespmem:$0x1FC80] =	vst v63  }
0x254: {  	_ =	swait.ge [sflag:s31], $0x4000  }
0x255: {  	[sflag:s31] =	ssyncset.done $0x0  }
0x256: {  	[sflag:s31] =	ssyncadd.s32 $0xFFFFC000  }
0x257: {  	_ =	swait.ge [sflag:s16], $0x80  }
0x258: {  	[sflag:s16] =	ssyncset.done $0x0  }
0x259: {  	[sflag:s16] =	ssyncadd.s32 $0xFFFFFF80  }
0x25a: {  	_ =	swait.ge [sflag:s16], $0x80  }
0x25b: {  	[sflag:s16] =	ssyncset.done $0x0  }
0x25c: {  	s29 =	rddreg [dreg:$0x5];
	[sflag:s16] =	ssyncadd.s32 $0xFFFFFF80  }
0x25d: {  	[tilespmem:s18], [sflag:$0x7] =	stream.indirect.gather [hbm4b:s1+s6], $0x80, s13, s6, $0xb8;
	[tilespmem:$0x1FC80] =	vst v63  }
0x25e: {  	p2 =	sne.s32 s3, $0x3C0;
	s5 =	sadd.s32 s23, s29  }
0x25f: {  	[tilespmem:s19], [sflag:$0x4] =	stream.linear.gather [hbm4b:s5+s4], $0x80, $0x38;
	[tilespmem:$0x1FC80] =	vst v63  }
.Ltmp3:
0x260: {  	_ = 	snop;
	(pc) =	sbr.rel @p2 .LBB2_4-.Ltmp3, $4  }
0x261: {  	s29 =	sadd.s32 $0x9D30, s24  }
0x262: {  	[tilespmem:s20], [sflag:$0x4] =	stream.linear.gather [hbm4b:s29+s4], $0x80, $0x38;
	[tilespmem:$0x1FC80] =	vst v63  }
0x263: {  	_ =	swait.ge [sflag:s21], $0x4000  }
0x264: {  	s3 =	sadd.s32 $0xC0, s3;
	[sflag:s21] =	ssyncset.done $0x0  }
0x265: {  	[sflag:s21] =	ssyncadd.s32 $0xFFFFC000  }
0x266: {  	[spmem:s2] =	stream.indirect.scatter.add.f32 [tilespmem:s12], [sflag:$0x9], $0x80, s7, s6, $0xb8;
	[tilespmem:$0x1FC80] =	vst v63  }
0x267: {  	_ =	swait.ge [sflag:s25], $0x4000  }
0x268: {  	[sflag:s25] =	ssyncset.done $0x0  }
0x269: {  	[sflag:s25] =	ssyncadd.s32 $0xFFFFC000  }
0x26a: {  	_ =	swait.ge [sflag:s26], $0x80  }
0x26b: {  	[sflag:s26] =	ssyncset.done $0x0  }
0x26c: {  	[sflag:s26] =	ssyncadd.s32 $0xFFFFFF80  }
0x26d: {  	_ =	swait.ge [sflag:s26], $0x80  }
0x26e: {  	[sflag:s26] =	ssyncset.done $0x0  }
0x26f: {  	[sflag:s26] =	ssyncadd.s32 $0xFFFFFF80  }
0x270: {  	[tilespmem:s10], [sflag:$0x5] =	stream.indirect.gather [hbm4b:s1+s6], $0x80, s19, s6, $0xb8;
	[tilespmem:$0x1FC80] =	vst v63  }
0x271: {  	s3 =	rddreg [dreg:$0x1a]  }
0x272: {  	[tilespmem:s4], [sflag:$0x1] =	stream.linear.gather [hbm4b:s3+s4], $0x80, $0x38;
	[tilespmem:$0x1FC80] =	vst v63  }
0x273: {  	s23 =	rddreg [dreg:$0x1b]  }
0x274: {  	[tilespmem:s17], [sflag:$0x1] =	stream.linear.gather [hbm4b:s23+s4], $0x80, $0x38;
	[tilespmem:$0x1FC80] =	vst v63  }
0x275: {  	_ =	swait.ge [sflag:s28], $0x4000  }
0x276: {  	[sflag:s28] =	ssyncset.done $0x0  }
0x277: {  	[sflag:s28] =	ssyncadd.s32 $0xFFFFC000  }
0x278: {  	[spmem:s2] =	stream.indirect.scatter.add.f32 [tilespmem:s18], [sflag:$0xA], $0x80, s14, s6, $0xb8;
	[tilespmem:$0x1FC80] =	vst v63  }
0x279: {  	_ =	swait.ge [sflag:s30], $0x4000  }
0x27a: {  	[sflag:s30] =	ssyncset.done $0x0  }
0x27b: {  	[sflag:s30] =	ssyncadd.s32 $0xFFFFC000  }
0x27c: {  	_ =	swait.ge [sflag:s9], $0x80  }
0x27d: {  	[sflag:s9] =	ssyncset.done $0x0  }
0x27e: {  	[sflag:s9] =	ssyncadd.s32 $0xFFFFFF80  }
0x27f: {  	_ =	swait.ge [sflag:s9], $0x80  }
0x280: {  	[sflag:s9] =	ssyncset.done $0x0  }
0x281: {  	[sflag:s9] =	ssyncadd.s32 $0xFFFFFF80  }
0x282: {  	[tilespmem:s12], [sflag:$0x6] =	stream.indirect.gather [hbm4b:s1+s6], $0x80, s4, s6, $0xb8;
	[tilespmem:$0x1FC80] =	vst v63  }
0x283: {  	s24 =	rddreg [dreg:$0x1d]  }
0x284: {  	[tilespmem:s6], [sflag:$0x2] =	stream.linear.gather [hbm4b:s24+s4], $0x80, $0x38;
	[tilespmem:$0x1FC80] =	vst v63  }
0x285: {  	s29 =	rddreg [dreg:$0x1e]  }
0x286: {  	[tilespmem:s7], [sflag:$0x2] =	stream.linear.gather [hbm4b:s29+s4], $0x80, $0x38;
	[tilespmem:$0x1FC80] =	vst v63  }
0x287: {  	_ =	swait.ge [sflag:s15], $0x4000  }
0x288: {  	[sflag:s15] =	ssyncset.done $0x0  }
0x289: {  	[sflag:s15] =	ssyncadd.s32 $0xFFFFC000  }
0x28a: {  	[spmem:s2] =	stream.indirect.scatter.add.f32 [tilespmem:s10], [sflag:$0x8], $0x80, s20, s6, $0xb8;
	[tilespmem:$0x1FC80] =	vst v63  }
0x28b: {  	_ =	swait.ge [sflag:s31], $0x4000  }
0x28c: {  	[sflag:s31] =	ssyncset.done $0x0  }
0x28d: {  	[sflag:s31] =	ssyncadd.s32 $0xFFFFC000  }
0x28e: {  	_ =	swait.ge [sflag:s11], $0x80  }
0x28f: {  	[sflag:s11] =	ssyncset.done $0x0  }
0x290: {  	[sflag:s11] =	ssyncadd.s32 $0xFFFFFF80  }
0x291: {  	_ =	swait.ge [sflag:s11], $0x80  }
0x292: {  	[sflag:s11] =	ssyncset.done $0x0  }
0x293: {  	s5 =	rddreg [dreg:$0x1f];
	[sflag:s11] =	ssyncadd.s32 $0xFFFFFF80  }
0x294: {  	[tilespmem:s18], [sflag:$0x7] =	stream.indirect.gather [hbm4b:s1+s6], $0x80, s6, s6, $0xb8;
	[tilespmem:$0x1FC80] =	vst v63  }
0x295: {  	s23 =	sld [smem:$0x7EF]  }
0x296: {  	[tilespmem:s13], [sflag:$0x3] =	stream.linear.gather [hbm4b:s5+s4], $0x80, $0x38;
	[tilespmem:$0x1FC80] =	vst v63  }
0x297: {  	_ = 	snop  }
0x298: {  	[tilespmem:s14], [sflag:$0x3] =	stream.linear.gather [hbm4b:s23+s4], $0x80, $0x38;
	[tilespmem:$0x1FC80] =	vst v63  }
0x299: {  	_ =	swait.ge [sflag:s21], $0x4000  }
0x29a: {  	[sflag:s21] =	ssyncset.done $0x0  }
0x29b: {  	[sflag:s21] =	ssyncadd.s32 $0xFFFFC000  }
0x29c: {  	[spmem:s2] =	stream.indirect.scatter.add.f32 [tilespmem:s12], [sflag:$0x9], $0x80, s17, s6, $0xb8;
	[tilespmem:$0x1FC80] =	vst v63  }
0x29d: {  	_ =	swait.ge [sflag:s25], $0x4000  }
0x29e: {  	[sflag:s25] =	ssyncset.done $0x0  }
0x29f: {  	[sflag:s25] =	ssyncadd.s32 $0xFFFFC000  }
0x2a0: {  	_ =	swait.ge [sflag:s16], $0x80  }
0x2a1: {  	[sflag:s16] =	ssyncset.done $0x0  }
0x2a2: {  	[sflag:s16] =	ssyncadd.s32 $0xFFFFFF80  }
0x2a3: {  	_ =	swait.ge [sflag:s16], $0x80  }
0x2a4: {  	[sflag:s16] =	ssyncset.done $0x0  }
0x2a5: {  	s24 =	sld [smem:$0x7F4];
	[sflag:s16] =	ssyncadd.s32 $0xFFFFFF80  }
0x2a6: {  	[tilespmem:s10], [sflag:$0x5] =	stream.indirect.gather [hbm4b:s1+s6], $0x80, s13, s6, $0xb8;
	[tilespmem:$0x1FC80] =	vst v63  }
0x2a7: {  	s29 =	sld [smem:$0x7F5]  }
0x2a8: {  	[tilespmem:s19], [sflag:$0x4] =	stream.linear.gather [hbm4b:s24+s4], $0x80, $0x38;
	[tilespmem:$0x1FC80] =	vst v63  }
0x2a9: {  	_ = 	snop  }
0x2aa: {  	[tilespmem:s20], [sflag:$0x4] =	stream.linear.gather [hbm4b:s29+s4], $0x80, $0x38;
	[tilespmem:$0x1FC80] =	vst v63  }
0x2ab: {  	_ =	swait.ge [sflag:s28], $0x4000  }
0x2ac: {  	[sflag:s28] =	ssyncset.done $0x0  }
0x2ad: {  	[sflag:s28] =	ssyncadd.s32 $0xFFFFC000  }
0x2ae: {  	[spmem:s2] =	stream.indirect.scatter.add.f32 [tilespmem:s18], [sflag:$0xA], $0x80, s7, s6, $0xb8;
	[tilespmem:$0x1FC80] =	vst v63  }
0x2af: {  	_ =	swait.ge [sflag:s30], $0x4000  }
0x2b0: {  	[sflag:s30] =	ssyncset.done $0x0  }
0x2b1: {  	[sflag:s30] =	ssyncadd.s32 $0xFFFFC000  }
0x2b2: {  	_ =	swait.ge [sflag:s31], $0x4000  }
0x2b3: {  	[sflag:s31] =	ssyncset.done $0x0  }
0x2b4: {  	[sflag:s31] =	ssyncadd.s32 $0xFFFFC000  }
0x2b5: {  	_ =	swait.ge [sflag:s15], $0x4000  }
0x2b6: {  	[sflag:s15] =	ssyncset.done $0x0  }
0x2b7: {  	[sflag:s15] =	ssyncadd.s32 $0xFFFFC000  }
0x2b8: {  	_ =	swait.ge [sflag:s26], $0x80  }
.Ltmp4:
0x2b9: {  	[sflag:s26] =	ssyncset.done $0x0;
	(pc) =	sbr.rel @p0 .LBB2_7-.Ltmp4, $4  }
0x2ba: {  	[sflag:s26] =	ssyncadd.s32 $0xFFFFFF80  }
0x2bb: {  	_ =	swait.ge [sflag:s26], $0x80  }
0x2bc: {  	[sflag:s26] =	ssyncset.done $0x0  }
0x2bd: {  	[sflag:s26] =	ssyncadd.s32 $0xFFFFFF80  }
0x2be: {  	s3 =	sld [smem:$0x7F1];
	_ =	sdelay $0x2  }
0x2bf: {  	[tilespmem:s4], [sflag:$0xB] =	stream.linear.gather [hbm4b:s3+s4], $0x80, $0x38;
	[tilespmem:$0x1FC80] =	vst v63  }
0x2c0: {  	_ =	swait.ge [sflag:s0], $0x80  }
0x2c1: {  	s29 =	sld [smem:$0x7F2]  }
0x2c2: {  	[sflag:s0] =	ssyncset.done $0x0  }
0x2c3: {  	[sflag:s0] =	ssyncadd.s32 $0xFFFFFF80  }
0x2c4: {  	[tilespmem:s17], [sflag:$0xB] =	stream.linear.gather [hbm4b:s29+s4], $0x80, $0x38;
	[tilespmem:$0x1FC80] =	vst v63  }
0x2c5: {  	_ =	swait.ge [sflag:s0], $0x80  }
0x2c6: {  	[sflag:s0] =	ssyncset.done $0x0  }
0x2c7: {  	[sflag:s0] =	ssyncadd.s32 $0xFFFFFF80  }
0x2c8: {  	[tilespmem:s10], [sflag:$0xB] =	stream.indirect.gather [hbm4b:s1+s6], $0x80, s4, s6, $0xb8;
	[tilespmem:$0x1FC80] =	vst v63  }
0x2c9: {  	_ =	swait.ge [sflag:s0], $0x4000  }
0x2ca: {  	[sflag:s0] =	ssyncset.done $0x0  }
0x2cb: {  	[sflag:s0] =	ssyncadd.s32 $0xFFFFC000  }
0x2cc: {  	[spmem:s2] =	stream.indirect.scatter.add.f32 [tilespmem:s10], [sflag:$0xB], $0x80, s17, s6, $0xb8;
	[tilespmem:$0x1FC80] =	vst v63  }
.Ltmp5:
0x2cd: {  	_ =	swait.ge [sflag:s0], $0x4000;
	(pc) =	sbr.rel .LBB2_8-.Ltmp5, $3  }
0x2ce: {  	[sflag:s0] =	ssyncset.done $0x0  }
0x2cf: {  	[sflag:s0] =	ssyncadd.s32 $0xFFFFC000  }
0x2d0: {  	[bflag:$0x0] =	sbarrier.arrive $0xFFFF;
	_ =	sdelay $0x1  }
.LBB2_7:
.Ltmp6:
0x2d1: {  	(pc) =	sbr.rel @p1 .LBB2_9-.Ltmp6, $2  }
0x2d2: {  	_ =	sdelay $0x1  }
0x2d3: {  	[bflag:$0x0] =	sbarrier.arrive $0xFFFF;
	_ =	sdelay $0x1  }
.LBB2_8:
0x2d4: {  	s3 =	stileid.u32  }
0x2d5: {  	s5 =	sshrl.u32 s8, $0x3;
	s3 =	sshll.u32 s3, $0x6  }
.Ltmp7:
0x2d6: {  	s23 =	rddreg [dreg:$0x1c];
	s3 =	sor.u32 $0x1C0B, s3;
	(pc) =	sbr.rel .LBB2_10-.Ltmp7, $4  }
0x2d7: {  	[hbm:s23], [sflag:s3] =	dma.local [spmem:s5], $0x2780  }
0x2d8: {  	_ =	swait.ge [sflag:s0], $0x2780  }
0x2d9: {  	[sflag:s0] =	ssyncset.done $0x0  }
0x2da: {  	[sflag:s0] =	ssyncadd.s32 $0xFFFFD880  }
.LBB2_11:
0x2db: {  	_ =	sfence.sel $0x180000  }
0x2dc: {  	[bflag:$0x0] =	sbarrier.arrive $0xFFFF  }
0x2dd: {  	_ =	strace $0x90000047  }
0x2de: {  	s0 =	stileid.u32;
	[bflag:$0x2] =	sbarrier.arrive $0xFFFF  }
0x2df: {  	p0 =	sne.s32 s0, $0x0;
	s0 =	rddreg [dreg:$0x3]  }
0x2e0: {  	s0 =	sadd.s32 @!p0 $0x100000, s0  }
0x2e1: {  	[sflag:s0] =	ssyncadd.tile.s32 @!p0 $0x1;
	_ =	shalt  }
.Lfunc_end2:
_tile_overlayer_lowered:
.L_overlay_start_2:
0x2e2: {  	(tag) =	ssettag $0x2  }
0x2e3: {  	s0 =	rddreg [dreg:$0x0];
	s2 =	stileid.u32  }
0x2e4: {  	s1 =	rddreg [dreg:$0x1];
	p0 =	sne.s32 s2, $0x0  }
0x2e5: {  	s3 =	rddreg [dreg:$0x2];
	[bflag:$0x3] =	sbarrier.arrive $0xFFFF;
	s2 =	simm.s32 @!p0 $0x1C0B  }
0x2e6: {  	[timem:s3], [sflag:s2] =	dma.local @!p0 [hbm:s0], s1  }
0x2e7: {  	s0 =	simm.s32 @!p0 $0xB  }
0x2e8: {  	_ =	swait.ge @!p0 [sflag:s0], s1  }
0x2e9: {  	s1 =	ssub.s32 @!p0 $0x0, s1;
	[sflag:s0] =	ssyncset.done @!p0 $0x0  }
0x2ea: {  	[sflag:s0] =	ssyncadd.s32 @!p0 s1  }
0x2eb: {  	[bflag:$0x3] =	sbarrier.arrive $0xFFFF  }
0x2ec: {  	_ =	shalt  }

</sc_bundles>
